<compile_context>
chip_gen: v7x
topology: tpu7x:2x2x1
jax: 0.10.2.dev20260603
libtpu: 0.0.44.dev20260713+nightly
codegen_flags: <defaults>
</compile_context>

<pallas_src>
import functools

import jax
import jax.numpy as jnp
from jax import lax
from jax.experimental import pallas as pl
from jax.experimental.pallas import tpu as pltpu
from jax.experimental.pallas import tpu_sc as plsc

_N = 50000
_E = 800000
_B = 50
_NPG = 1000
_K1 = 800
_K2 = 640
_NHID = 128
_NSC = 2
_NTILES = 16
_CHUNK = 128
_NPAD = 50048
_RPT = _NPAD // _NTILES
_ESC = _E // _NSC
_NCH = _ESC // _CHUNK


def _sc_mesh():
    return plsc.VectorSubcoreMesh(core_axis_name="c", subcore_axis_name="s")


def _zero_vmem(ref, nrows, ncol16):
    z = jnp.zeros((16,), jnp.float32)

    def body(i, carry):
        for j in range(ncol16):
            ref[i, pl.ds(j * 16, 16)] = z
        return carry

    lax.fori_loop(0, nrows, body, 0)


def _seg_accumulate(tab_hbm, src_hbm, dst_hbm, out_hbm, sc, tile,
                    src_v, dst_v, rows_v, zbuf_v, acc_sh, sem):
    r0 = tile * _RPT
    pltpu.sync_copy(zbuf_v, acc_sh.at[pl.ds(r0, _RPT), :])
    plsc.subcore_barrier()
    nmine = (_NCH - tile + _NTILES - 1) // _NTILES
    ebase = sc * _ESC

    def body(ki, carry):
        off = ebase + (tile + ki * _NTILES) * _CHUNK
        pltpu.sync_copy(src_hbm.at[pl.ds(off, _CHUNK)], src_v)
        pltpu.sync_copy(dst_hbm.at[pl.ds(off, _CHUNK)], dst_v)
        pltpu.async_copy(tab_hbm.at[src_v], rows_v, sem).wait()
        pltpu.sync_copy(rows_v, acc_sh.at[dst_v], add=True)
        return carry

    lax.fori_loop(0, nmine, body, 0)
    plsc.subcore_barrier()
    pltpu.sync_copy(acc_sh.at[pl.ds(r0, _RPT), :],
                    out_hbm.at[sc, pl.ds(r0, _RPT), :])
    plsc.subcore_barrier()


def _seg16_body(x16, src, dst, out, src_v, dst_v, rows_v, zbuf_v, acc_sh, sem):
    sc = lax.axis_index("c")
    tile = lax.axis_index("s")
    _zero_vmem(zbuf_v, _RPT, 1)
    _seg_accumulate(x16, src, dst, out, sc, tile,
                    src_v, dst_v, rows_v, zbuf_v, acc_sh, sem)


def _seg16(x16, src, dst):
    return pl.kernel(
        _seg16_body,
        out_type=jax.ShapeDtypeStruct((_NSC, _NPAD, 16), jnp.float32),
        mesh=_sc_mesh(),
        compiler_params=pltpu.CompilerParams(use_tc_tiling_on_sc=False),
        scratch_types=[
            pltpu.VMEM((_CHUNK,), jnp.int32),
            pltpu.VMEM((_CHUNK,), jnp.int32),
            pltpu.VMEM((_CHUNK, 16), jnp.float32),
            pltpu.VMEM((_RPT, 16), jnp.float32),
            pltpu.VMEM_SHARED((_NPAD, 16), jnp.float32),
            pltpu.SemaphoreType.DMA,
        ],
    )(x16, src, dst)


def _seg32_body(c0, c1, c2, c3, c4, c5, c6, c7, src, dst,
                o0, o1, o2, o3, o4, o5, o6, o7,
                src_v, dst_v, rows_v, zbuf_v, acc_sh, sem):
    sc = lax.axis_index("c")
    tile = lax.axis_index("s")
    _zero_vmem(zbuf_v, _RPT, 1)
    for tab, out in ((c0, o0), (c1, o1), (c2, o2), (c3, o3),
                     (c4, o4), (c5, o5), (c6, o6), (c7, o7)):
        _seg_accumulate(tab, src, dst, out, sc, tile,
                        src_v, dst_v, rows_v, zbuf_v, acc_sh, sem)


def _seg32(cs, src, dst):
    shp = jax.ShapeDtypeStruct((_NSC, _NPAD, 16), jnp.float32)
    return pl.kernel(
        _seg32_body,
        out_type=(shp,) * 8,
        mesh=_sc_mesh(),
        compiler_params=pltpu.CompilerParams(use_tc_tiling_on_sc=False),
        scratch_types=[
            pltpu.VMEM((_CHUNK,), jnp.int32),
            pltpu.VMEM((_CHUNK,), jnp.int32),
            pltpu.VMEM((_CHUNK, 16), jnp.float32),
            pltpu.VMEM((_RPT, 16), jnp.float32),
            pltpu.VMEM_SHARED((_NPAD, 16), jnp.float32),
            pltpu.SemaphoreType.DMA,
        ],
    )(*cs, src, dst)



def _t1_body(aggp_ref, x_ref, wr_ref, wo_ref, b_ref, p_ref, h_ref, s_ref):
    agg = aggp_ref[0] + aggp_ref[1]
    h = jnp.dot(agg, wr_ref[...], preferred_element_type=jnp.float32)
    h += jnp.dot(x_ref[...], wo_ref[...], preferred_element_type=jnp.float32)
    h = jnp.maximum(h + b_ref[...], 0.0)
    h_ref[...] = h
    p = p_ref[...]
    rnorm = lax.rsqrt(jnp.sum(p * p))
    s_ref[...] = jnp.dot(h, p, preferred_element_type=jnp.float32) * rnorm


def _t1(aggp, x16, wr, wo, b, p):
    nb = 1000
    return pl.pallas_call(
        _t1_body,
        grid=(_N // nb,),
        in_specs=[
            pl.BlockSpec((_NSC, nb, 16), lambda i: (0, i, 0)),
            pl.BlockSpec((nb, 16), lambda i: (i, 0)),
            pl.BlockSpec((16, _NHID), lambda i: (0, 0)),
            pl.BlockSpec((16, _NHID), lambda i: (0, 0)),
            pl.BlockSpec((1, _NHID), lambda i: (0, 0)),
            pl.BlockSpec((_NHID, 1), lambda i: (0, 0)),
        ],
        out_specs=[
            pl.BlockSpec((nb, _NHID), lambda i: (i, 0)),
            pl.BlockSpec((nb, 1), lambda i: (i, 0)),
        ],
        out_shape=[
            jax.ShapeDtypeStruct((_N, _NHID), jnp.float32),
            jax.ShapeDtypeStruct((_N, 1), jnp.float32),
        ],
    )(aggp, x16, wr, wo, b, p)


def _topk_body(K, s_ref, tsc_ref, m_ref):
    s = s_ref[...]
    b = lax.bitcast_convert_type(s, jnp.uint32)
    u = jnp.where(b >= jnp.uint32(0x80000000), ~b, b | jnp.uint32(0x80000000))
    t = jnp.zeros((_B, 1), jnp.uint32)
    for bit in range(31, -1, -1):
        cand = t | jnp.uint32(1 << bit)
        cnt = jnp.sum((u >= cand).astype(jnp.int32), axis=1, keepdims=True)
        t = jnp.where(cnt >= K, cand, t)
    gt = u > t
    cnt_gt = jnp.sum(gt.astype(jnp.int32), axis=1, keepdims=True)
    need = K - cnt_gt
    eq = u == t
    iota = lax.broadcasted_iota(jnp.int32, (_B, _NPG), 1)
    lo = jnp.zeros((_B, 1), jnp.int32)
    hi = jnp.full((_B, 1), _NPG, jnp.int32)
    for _ in range(11):
        mid = (lo + hi) // 2
        ce = jnp.sum((eq & (iota < mid)).astype(jnp.int32), axis=1,
                     keepdims=True)
        ok = ce >= need
        hi = jnp.where(ok, mid, hi)
        lo = jnp.where(ok, lo, mid + 1)
    mask = gt | (eq & (iota < hi))
    tsc_ref[...] = jnp.where(mask, jnp.tanh(s), 0.0)
    m_ref[...] = mask.astype(jnp.float32)


def _topk(s2d, K):
    return pl.pallas_call(
        functools.partial(_topk_body, K),
        out_shape=[
            jax.ShapeDtypeStruct((_B, _NPG), jnp.float32),
            jax.ShapeDtypeStruct((_B, _NPG), jnp.float32),
        ],
    )(s2d)


def _t3_body(h_ref, tsc_ref, m_ref, *orefs):
    cb = h_ref[...] * tsc_ref[...]
    for f in range(8):
        orefs[f][...] = cb[:, f * 16:(f + 1) * 16]
    mean = jnp.sum(cb, axis=0, keepdims=True) * (1.0 / _K1)
    neg = jnp.float32(-jnp.inf)
    mx = jnp.max(jnp.where(m_ref[...] > 0.5, cb, neg), axis=0, keepdims=True)
    orefs[8][...] = jnp.concatenate([mean, mx], axis=1)[None]


def _t3(h, tsc_col, m_col):
    nb = 1000
    cshp = jax.ShapeDtypeStruct((_N, 16), jnp.float32)
    cspec = pl.BlockSpec((nb, 16), lambda i: (i, 0))
    return pl.pallas_call(
        _t3_body,
        grid=(_N // nb,),
        in_specs=[
            pl.BlockSpec((nb, _NHID), lambda i: (i, 0)),
            pl.BlockSpec((nb, 1), lambda i: (i, 0)),
            pl.BlockSpec((nb, 1), lambda i: (i, 0)),
        ],
        out_specs=[cspec] * 8 + [pl.BlockSpec((1, 1, 2 * _NHID),
                                              lambda i: (i, 0, 0))],
        out_shape=[cshp] * 8 + [jax.ShapeDtypeStruct((_B, 1, 2 * _NHID),
                                                     jnp.float32)],
    )(h, tsc_col, m_col)


def _t4_body(*refs):
    accs = refs[0:8]
    cs = refs[8:16]
    wr_ref, wo_ref, b_ref, p_ref, m_ref, g_ref, s_ref = refs[16:]
    agg = jnp.concatenate([a[0] + a[1] for a in accs], axis=1)
    cc = jnp.concatenate([c[...] for c in cs], axis=1)
    g = jnp.dot(agg, wr_ref[...], preferred_element_type=jnp.float32)
    g += jnp.dot(cc, wo_ref[...], preferred_element_type=jnp.float32)
    g = jnp.maximum(g + b_ref[...], 0.0)
    g_ref[...] = g
    p = p_ref[...]
    rnorm = lax.rsqrt(jnp.sum(p * p))
    s2 = jnp.dot(g, p, preferred_element_type=jnp.float32) * rnorm
    s_ref[...] = jnp.where(m_ref[...] > 0.5, s2, jnp.float32(-jnp.inf))


def _t4(accs, cs, wr, wo, b, p, m_col):
    nb = 1000
    aspec = pl.BlockSpec((_NSC, nb, 16), lambda i: (0, i, 0))
    cspec = pl.BlockSpec((nb, 16), lambda i: (i, 0))
    return pl.pallas_call(
        _t4_body,
        grid=(_N // nb,),
        in_specs=[aspec] * 8 + [cspec] * 8 + [
                  pl.BlockSpec((_NHID, _NHID), lambda i: (0, 0)),
                  pl.BlockSpec((_NHID, _NHID), lambda i: (0, 0)),
                  pl.BlockSpec((1, _NHID), lambda i: (0, 0)),
                  pl.BlockSpec((_NHID, 1), lambda i: (0, 0)),
                  pl.BlockSpec((nb, 1), lambda i: (i, 0))],
        out_specs=[pl.BlockSpec((nb, _NHID), lambda i: (i, 0)),
                   pl.BlockSpec((nb, 1), lambda i: (i, 0))],
        out_shape=[jax.ShapeDtypeStruct((_N, _NHID), jnp.float32),
                   jax.ShapeDtypeStruct((_N, 1), jnp.float32)],
    )(*accs, *cs, wr, wo, b, p, m_col)


def _t6_body(g_ref, tsc_ref, m_ref, x2_ref):
    gb = g_ref[...] * tsc_ref[...]
    mean = jnp.sum(gb, axis=0, keepdims=True) * (1.0 / _K2)
    neg = jnp.float32(-jnp.inf)
    mx = jnp.max(jnp.where(m_ref[...] > 0.5, gb, neg), axis=0, keepdims=True)
    x2_ref[...] = jnp.concatenate([mean, mx], axis=1)[None]


def _t6(g, tsc_col, m_col):
    nb = 1000
    return pl.pallas_call(
        _t6_body,
        grid=(_N // nb,),
        in_specs=[
            pl.BlockSpec((nb, _NHID), lambda i: (i, 0)),
            pl.BlockSpec((nb, 1), lambda i: (i, 0)),
            pl.BlockSpec((nb, 1), lambda i: (i, 0)),
        ],
        out_specs=pl.BlockSpec((1, 1, 2 * _NHID), lambda i: (i, 0, 0)),
        out_shape=jax.ShapeDtypeStruct((_B, 1, 2 * _NHID), jnp.float32),
    )(g, tsc_col, m_col)


def _t7_body(x1_ref, x2_ref, w1_ref, b1_ref, w2_ref, b2_ref, w3_ref, b3_ref,
             o_ref):
    z = x1_ref[...] + x2_ref[...]
    z = jnp.maximum(
        jnp.dot(z, w1_ref[...], preferred_element_type=jnp.float32)
        + b1_ref[...], 0.0)
    z = jnp.maximum(
        jnp.dot(z, w2_ref[...], preferred_element_type=jnp.float32)
        + b2_ref[...], 0.0)
    z = jnp.dot(z, w3_ref[...], preferred_element_type=jnp.float32) + b3_ref[...]
    m = jnp.max(z, axis=1, keepdims=True)
    lse = m + jnp.log(jnp.sum(jnp.exp(z - m), axis=1, keepdims=True))
    o_ref[...] = z - lse


def _t7(x1, x2, w1, b1, w2, b2, w3, b3):
    return pl.pallas_call(
        _t7_body,
        out_shape=jax.ShapeDtypeStruct((_B, 2), jnp.float32),
    )(x1, x2, w1, b1, w2, b2, w3, b3)


def kernel(x, edge_index, batch, W1_rel, W1_root, b1, p1, W2_rel, W2_root,
           b2, p2, W_l1, b_l1, W_l2, b_l2, W_l3, b_l3):
    src = edge_index[0]
    dst = edge_index[1]
    x16 = jnp.pad(x, ((0, 0), (0, 2)))
    w1r = jnp.pad(W1_rel, ((0, 2), (0, 0)))
    w1o = jnp.pad(W1_root, ((0, 2), (0, 0)))

    aggp = _seg16(x16, src, dst)
    h, s_col = _t1(aggp, x16, w1r, w1o, b1.reshape(1, -1), p1.reshape(-1, 1))
    tsc1, m1 = _topk(s_col.reshape(_B, _NPG), _K1)
    tsc1c = tsc1.reshape(_N, 1)
    m1c = m1.reshape(_N, 1)
    *cs, x1 = _t3(h, tsc1c, m1c)
    accs = _seg32(cs, src, dst)
    g, s2_col = _t4(accs, cs, W2_rel, W2_root,
                    b2.reshape(1, -1), p2.reshape(-1, 1), m1c)
    tsc2, m2 = _topk(s2_col.reshape(_B, _NPG), _K2)
    x2 = _t6(g, tsc2.reshape(_N, 1), m2.reshape(_N, 1))
    return _t7(x1.reshape(_B, -1), x2.reshape(_B, -1),
               W_l1, b_l1.reshape(1, -1), W_l2, b_l2.reshape(1, -1),
               W_l3, b_l3.reshape(1, -1))

# --- scband reference (transcript-rebuilt; emitter-appended) ---
"""Pipeline reference for scband-net3-16587163698029 (READ-ONLY COPY).

The authoritative reference and input builder live on the scoring server;
editing this copy changes nothing except your own understanding.
"""

import jax, jax.numpy as jnp
import numpy as np

N = 50000
E = 800000
B = 50
NPG = 1000
K1 = 800
K2 = 640
NHID = 128
NFEAT = 14


def setup_inputs(seed: int = 0) -> dict:
    key = jax.random.key(seed)
    ks = jax.random.split(key, 20)
    s = 0.1
    inp = {}
    inp['x'] = jax.random.normal(ks[0], (N, NFEAT), dtype=jnp.float32)
    inp['edge_index'] = jax.random.randint(ks[1], (2, E), 0, N, dtype=jnp.int32)
    inp['batch'] = (jnp.arange(N, dtype=jnp.int32) // NPG)
    inp['W1_rel'] = jax.random.normal(ks[2], (NFEAT, NHID), dtype=jnp.float32) * s
    inp['W1_root'] = jax.random.normal(ks[3], (NFEAT, NHID), dtype=jnp.float32) * s
    inp['b1'] = jnp.zeros((NHID,), dtype=jnp.float32)
    inp['p1'] = jax.random.normal(ks[4], (NHID,), dtype=jnp.float32) * s
    inp['W2_rel'] = jax.random.normal(ks[5], (NHID, NHID), dtype=jnp.float32) * s
    inp['W2_root'] = jax.random.normal(ks[6], (NHID, NHID), dtype=jnp.float32) * s
    inp['b2'] = jnp.zeros((NHID,), dtype=jnp.float32)
    inp['p2'] = jax.random.normal(ks[7], (NHID,), dtype=jnp.float32) * s
    inp['W_l1'] = jax.random.normal(ks[8], (NHID * 2, NHID), dtype=jnp.float32) * s
    inp['b_l1'] = jnp.zeros((NHID,), dtype=jnp.float32)
    inp['W_l2'] = jax.random.normal(ks[9], (NHID, 32), dtype=jnp.float32) * s
    inp['b_l2'] = jnp.zeros((32,), dtype=jnp.float32)
    inp['W_l3'] = jax.random.normal(ks[10], (32, 2), dtype=jnp.float32) * s
    inp['b_l3'] = jnp.zeros((2,), dtype=jnp.float32)
    return inp


def reference(x, edge_index, batch, W1_rel, W1_root, b1, p1, W2_rel, W2_root, b2, p2, W_l1, b_l1, W_l2, b_l2, W_l3, b_l3):
    src, dst = edge_index[0], edge_index[1]
    # GraphConv1: out = lin_rel(sum_{j->i} x_j) + lin_root(x_i)
    agg = jax.ops.segment_sum(x[src], dst, num_segments=N)
    h = jax.nn.relu(agg @ W1_rel + x @ W1_root + b1)
    # TopKPooling1 (ratio=0.8), equal-size contiguous graphs
    score = (h @ p1) / jnp.linalg.norm(p1)
    idx = jax.lax.top_k(score.reshape(B, NPG), K1)[1]
    perm1 = (idx + jnp.arange(B, dtype=idx.dtype)[:, None] * NPG).reshape(-1)
    h1 = h[perm1] * jnp.tanh(score[perm1])[:, None]
    NK1 = B * K1
    # readout 1: global mean + max pool
    hb = h1.reshape(B, K1, NHID)
    x1 = jnp.concatenate([hb.mean(axis=1), hb.max(axis=1)], axis=1)
    # relabel edges to pooled node ids; dropped nodes map to dummy id NK1
    nmap = jnp.full((N,), NK1, dtype=jnp.int32).at[perm1].set(jnp.arange(NK1, dtype=jnp.int32))
    src2 = nmap[src]
    dst2 = nmap[dst]
    h1p = jnp.concatenate([h1, jnp.zeros((1, NHID), dtype=h1.dtype)], axis=0)
    # GraphConv2 on pooled graph (dummy row collects dropped-dst messages; zero row yields no msg from dropped src)
    agg2 = jax.ops.segment_sum(h1p[src2], dst2, num_segments=NK1 + 1)[:NK1]
    g = jax.nn.relu(agg2 @ W2_rel + h1 @ W2_root + b2)
    # TopKPooling2
    score2 = (g @ p2) / jnp.linalg.norm(p2)
    idx2 = jax.lax.top_k(score2.reshape(B, K1), K2)[1]
    perm2 = (idx2 + jnp.arange(B, dtype=idx2.dtype)[:, None] * K1).reshape(-1)
    g2 = g[perm2] * jnp.tanh(score2[perm2])[:, None]
    gb = g2.reshape(B, K2, NHID)
    x2 = jnp.concatenate([gb.mean(axis=1), gb.max(axis=1)], axis=1)
    z = x1 + x2
    z = jax.nn.relu(z @ W_l1 + b_l1)
    # dropout is identity in eval mode
    z = jax.nn.relu(z @ W_l2 + b_l2)
    z = z @ W_l3 + b_l3
    return jax.nn.log_softmax(z, axis=-1)

if __name__ == "__main__":
    import jax
    _d = setup_inputs()
    print(jax.jit(kernel)(*tuple(_d.values())))

</pallas_src>

<mosaic_0001>
#map = affine_map<(d0, d1) -> (0, 0)>
#map1 = affine_map<(d0, d1) -> (0)>
#map2 = affine_map<(d0, d1) -> (0, 0, 0)>
module attributes {stable_mosaic.version = 14 : i64} {
  func.func @_seg32_body(%arg0: i32, %arg1: i32, %arg2: memref<50000x16xf32, #tpu.memory_space<hbm>>, %arg3: memref<50000x16xf32, #tpu.memory_space<hbm>>, %arg4: memref<50000x16xf32, #tpu.memory_space<hbm>>, %arg5: memref<50000x16xf32, #tpu.memory_space<hbm>>, %arg6: memref<50000x16xf32, #tpu.memory_space<hbm>>, %arg7: memref<50000x16xf32, #tpu.memory_space<hbm>>, %arg8: memref<50000x16xf32, #tpu.memory_space<hbm>>, %arg9: memref<50000x16xf32, #tpu.memory_space<hbm>>, %arg10: memref<800000xi32, #tpu.memory_space<hbm>>, %arg11: memref<800000xi32, #tpu.memory_space<hbm>>, %arg12: memref<2x50048x16xf32, #tpu.memory_space<hbm>>, %arg13: memref<2x50048x16xf32, #tpu.memory_space<hbm>>, %arg14: memref<2x50048x16xf32, #tpu.memory_space<hbm>>, %arg15: memref<2x50048x16xf32, #tpu.memory_space<hbm>>, %arg16: memref<2x50048x16xf32, #tpu.memory_space<hbm>>, %arg17: memref<2x50048x16xf32, #tpu.memory_space<hbm>>, %arg18: memref<2x50048x16xf32, #tpu.memory_space<hbm>>, %arg19: memref<2x50048x16xf32, #tpu.memory_space<hbm>>, %arg20: memref<128xi32, #tpu.memory_space<vmem>>, %arg21: memref<128xi32, #tpu.memory_space<vmem>>, %arg22: memref<128x16xf32, #tpu.memory_space<vmem>>, %arg23: memref<3128x16xf32, #tpu.memory_space<vmem>>, %arg24: memref<50048x16xf32, #tpu.memory_space<vmem_shared>>, %arg25: memref<!tpu.dma_semaphore, #tpu.memory_space<semaphore_mem>>) attributes {dimension_semantics = [#tpu.dimension_semantics<core_parallel>, #tpu.dimension_semantics<subcore_parallel>], iteration_bounds = array<i64: 2, 16>, scalar_prefetch = 0 : i64, scratch_operands = 6 : i64, tpu.core_type = #tpu.core_type<sc_vector_subcore>, window_params = [{transform_indices = #map}, {transform_indices = #map}, {transform_indices = #map}, {transform_indices = #map}, {transform_indices = #map}, {transform_indices = #map}, {transform_indices = #map}, {transform_indices = #map}, {transform_indices = #map1}, {transform_indices = #map1}, {transform_indices = #map2}, {transform_indices = #map2}, {transform_indices = #map2}, {transform_indices = #map2}, {transform_indices = #map2}, {transform_indices = #map2}, {transform_indices = #map2}, {transform_indices = #map2}]} {
    %broadcast_in_dim3A = arith.constant 0.000000e+00 : f32
    %broadcast_in_dim3A_0 = vector.broadcast %broadcast_in_dim3A : f32 to vector<16xf32>
    %scan3A = arith.constant 0 : i32
    %scan3A_1 = arith.constant 0 : i32
    %scan3A_2 = arith.constant 3128 : i32
    %scan3A_3 = arith.addi %scan3A_1, %scan3A_2 : i32
    %scan3A_4 = arith.constant 1 : i32
    scf.for %scan3A_370 = %scan3A_1 to %scan3A_3 step %scan3A_4  : i32 {
      %swap3A = arith.index_cast %scan3A_370 : i32 to index
      %swap3A_371 = arith.constant 0 : index
      %swap3A_372 = tpu.vector_load %arg23[%swap3A, %swap3A_371] {strides = array<i32>} : memref<3128x16xf32, #tpu.memory_space<vmem>>, vector<1x16xf32>,
      %swap3A_373 = vector.shape_cast %swap3A_372 : vector<1x16xf32> to vector<16xf32>
      %swap3A_374 = vector.shape_cast %broadcast_in_dim3A_0 : vector<16xf32> to vector<1x16xf32>
      tpu.vector_store %arg23[%swap3A, %swap3A_371], %swap3A_374 {strides = array<i32>} : memref<3128x16xf32, #tpu.memory_space<vmem>>, vector<1x16xf32>,
    }
    %scan3A_5 = arith.constant 3128 : i32
    %mul3A = arith.constant 3128 : i32
    %mul3A_6 = arith.muli %arg1, %mul3A : i32
    "tpu.region"() ({
      %run_scoped3A = tpu.sem_alloc : memref<!tpu.dma_semaphore, #tpu.memory_space<semaphore_mem>>
      %dma_start3A = arith.constant 0 : i32
      %dma_start3A_370 = tpu.memref_slice %arg24[%mul3A_6, %dma_start3A] : memref<50048x16xf32, #tpu.memory_space<vmem_shared>> -> memref<3128x16xf32, #tpu.memory_space<vmem_shared>>
      %dma_start3A_371 = arith.constant 0 : i32
      %dma_start3A_372 = tpu.memref_slice %arg24[%mul3A_6, %dma_start3A_371] : memref<50048x16xf32, #tpu.memory_space<vmem_shared>> -> memref<3128x16xf32, #tpu.memory_space<vmem_shared>>
      tpu.enqueue_dma source(%arg23 : memref<3128x16xf32, #tpu.memory_space<vmem>>) target(%dma_start3A_372 : memref<3128x16xf32, #tpu.memory_space<vmem_shared>>) target_semaphore(%run_scoped3A : memref<!tpu.dma_semaphore, #tpu.memory_space<semaphore_mem>>)
      %dma_wait3A = arith.constant 0 : i32
      %dma_wait3A_373 = tpu.memref_slice %arg24[%mul3A_6, %dma_wait3A] : memref<50048x16xf32, #tpu.memory_space<vmem_shared>> -> memref<3128x16xf32, #tpu.memory_space<vmem_shared>>
      %dma_wait3A_374 = arith.constant 0 : i32
      %dma_wait3A_375 = tpu.memref_slice %arg24[%mul3A_6, %dma_wait3A_374] : memref<50048x16xf32, #tpu.memory_space<vmem_shared>> -> memref<3128x16xf32, #tpu.memory_space<vmem_shared>>
      tpu.wait_dma2 semaphore(%run_scoped3A : memref<!tpu.dma_semaphore, #tpu.memory_space<semaphore_mem>>) src(%arg23 : memref<3128x16xf32, #tpu.memory_space<vmem>>) dst(%dma_wait3A_375 : memref<3128x16xf32, #tpu.memory_space<vmem_shared>>)
      tpu.yield
    }) : () -> ()
    %barrier3A = arith.constant 0 : index
    tpu.barrier barrier_id(%barrier3A)
    %sub3A = arith.constant 3125 : i32
    %sub3A_7 = arith.subi %sub3A, %arg1 : i32
    %add3A = arith.constant 16 : i32
    %add3A_8 = arith.addi %sub3A_7, %add3A : i32
    %sub3A_9 = arith.constant 1 : i32
    %sub3A_10 = arith.subi %add3A_8, %sub3A_9 : i32
    %jit3A = arith.constant 16 : i32
    %div3A = arith.divsi %sub3A_10, %jit3A : i32
    %sign3A = arith.constant 0 : i32
    %sign3A_11 = arith.cmpi sgt, %sub3A_10, %sign3A : i32
    %sign3A_12 = arith.extui %sign3A_11 : i1 to i32
    %sign3A_13 = arith.constant 0 : i32
    %sign3A_14 = arith.cmpi slt, %sub3A_10, %sign3A_13 : i32
    %sign3A_15 = arith.extui %sign3A_14 : i1 to i32
    %sign3A_16 = arith.subi %sign3A_12, %sign3A_15 : i32
    %sign3A_17 = arith.constant 0 : i32
    %sign3A_18 = arith.cmpi sgt, %jit3A, %sign3A_17 : i32
    %sign3A_19 = arith.extui %sign3A_18 : i1 to i32
    %sign3A_20 = arith.constant 0 : i32
    %sign3A_21 = arith.cmpi slt, %jit3A, %sign3A_20 : i32
    %sign3A_22 = arith.extui %sign3A_21 : i1 to i32
    %sign3A_23 = arith.subi %sign3A_19, %sign3A_22 : i32
    %ne3A = arith.cmpi ne, %sign3A_16, %sign3A_23 : i32
    %rem3A = arith.remsi %sub3A_10, %jit3A : i32
    %ne3A_24 = arith.constant 0 : i32
    %ne3A_25 = arith.cmpi ne, %rem3A, %ne3A_24 : i32
    %and3A = arith.andi %ne3A, %ne3A_25 : i1
    %sub3A_26 = arith.constant 1 : i32
    %sub3A_27 = arith.subi %div3A, %sub3A_26 : i32
    %select_n3A = arith.select %and3A, %sub3A_27, %div3A : i32
    %mul3A_28 = arith.constant 400000 : i32
    %mul3A_29 = arith.muli %arg0, %mul3A_28 : i32
    %while3A = arith.constant 0 : i32
    %while3A_30 = arith.constant 0 : i32
    %while3A_31 = arith.subi %select_n3A, %while3A_30 : i32
    %while3A_32 = arith.addi %while3A_30, %while3A_31 : i32
    %while3A_33 = arith.constant 1 : i32
    %while3A_34 = arith.divsi %while3A_31, %while3A_33 : i32
    %while3A_35 = arith.muli %while3A_34, %while3A_33 : i32
    %while3A_36 = arith.addi %while3A_30, %while3A_35 : i32
    %while3A_37 = arith.constant 1 : i32
    scf.for %while3A_370 = %while3A_30 to %while3A_36 step %while3A_37  : i32 {
      %mul3A_371 = arith.constant 16 : i32
      %mul3A_372 = arith.muli %while3A_370, %mul3A_371 : i32
      %add3A_373 = arith.addi %arg1, %mul3A_372 : i32
      %mul3A_374 = arith.constant 128 : i32
      %mul3A_375 = arith.muli %add3A_373, %mul3A_374 : i32
      %add3A_376 = arith.addi %mul3A_29, %mul3A_375 : i32
      "tpu.region"() ({
        %run_scoped3A = tpu.sem_alloc : memref<!tpu.dma_semaphore, #tpu.memory_space<semaphore_mem>>
        %dma_start3A_381 = tpu.memref_slice %arg10[%add3A_376] : memref<800000xi32, #tpu.memory_space<hbm>> -> memref<128xi32, #tpu.memory_space<hbm>>
        %dma_start3A_382 = tpu.memref_slice %arg10[%add3A_376] : memref<800000xi32, #tpu.memory_space<hbm>> -> memref<128xi32, #tpu.memory_space<hbm>>
        tpu.enqueue_dma source(%dma_start3A_382 : memref<128xi32, #tpu.memory_space<hbm>>) target(%arg20 : memref<128xi32, #tpu.memory_space<vmem>>) target_semaphore(%run_scoped3A : memref<!tpu.dma_semaphore, #tpu.memory_space<semaphore_mem>>)
        %dma_wait3A_383 = tpu.memref_slice %arg10[%add3A_376] : memref<800000xi32, #tpu.memory_space<hbm>> -> memref<128xi32, #tpu.memory_space<hbm>>
        %dma_wait3A_384 = tpu.memref_slice %arg10[%add3A_376] : memref<800000xi32, #tpu.memory_space<hbm>> -> memref<128xi32, #tpu.memory_space<hbm>>
        tpu.wait_dma2 semaphore(%run_scoped3A : memref<!tpu.dma_semaphore, #tpu.memory_space<semaphore_mem>>) src(%dma_wait3A_384 : memref<128xi32, #tpu.memory_space<hbm>>) dst(%arg20 : memref<128xi32, #tpu.memory_space<vmem>>)
        tpu.yield
      }) : () -> ()
      "tpu.region"() ({
        %run_scoped3A = tpu.sem_alloc : memref<!tpu.dma_semaphore, #tpu.memory_space<semaphore_mem>>
        %dma_start3A_381 = tpu.memref_slice %arg11[%add3A_376] : memref<800000xi32, #tpu.memory_space<hbm>> -> memref<128xi32, #tpu.memory_space<hbm>>
        %dma_start3A_382 = tpu.memref_slice %arg11[%add3A_376] : memref<800000xi32, #tpu.memory_space<hbm>> -> memref<128xi32, #tpu.memory_space<hbm>>
        tpu.enqueue_dma source(%dma_start3A_382 : memref<128xi32, #tpu.memory_space<hbm>>) target(%arg21 : memref<128xi32, #tpu.memory_space<vmem>>) target_semaphore(%run_scoped3A : memref<!tpu.dma_semaphore, #tpu.memory_space<semaphore_mem>>)
        %dma_wait3A_383 = tpu.memref_slice %arg11[%add3A_376] : memref<800000xi32, #tpu.memory_space<hbm>> -> memref<128xi32, #tpu.memory_space<hbm>>
        %dma_wait3A_384 = tpu.memref_slice %arg11[%add3A_376] : memref<800000xi32, #tpu.memory_space<hbm>> -> memref<128xi32, #tpu.memory_space<hbm>>
        tpu.wait_dma2 semaphore(%run_scoped3A : memref<!tpu.dma_semaphore, #tpu.memory_space<semaphore_mem>>) src(%dma_wait3A_384 : memref<128xi32, #tpu.memory_space<hbm>>) dst(%arg21 : memref<128xi32, #tpu.memory_space<vmem>>)
        tpu.yield
      }) : () -> ()
      %dma_start3A = arith.constant 0 : i32
      %dma_start3A_377 = arith.constant 0 : i32
      %dma_start3A_378 = tpu.memref_slice %arg2[%dma_start3A, %dma_start3A_377] : memref<50000x16xf32, #tpu.memory_space<hbm>> -> memref<50000x16xf32, #tpu.memory_space<hbm>>
      tpu.enqueue_indirect_dma source(%dma_start3A_378 : memref<50000x16xf32, #tpu.memory_space<hbm>>) target(%arg22 : memref<128x16xf32, #tpu.memory_space<vmem>>) offsets(%arg20 : memref<128xi32, #tpu.memory_space<vmem>>) semaphore(%arg25 : memref<!tpu.dma_semaphore, #tpu.memory_space<semaphore_mem>>)
      %dma_wait3A = arith.constant 0 : i32
      %dma_wait3A_379 = arith.constant 0 : i32
      %dma_wait3A_380 = tpu.memref_slice %arg2[%dma_wait3A, %dma_wait3A_379] : memref<50000x16xf32, #tpu.memory_space<hbm>> -> memref<50000x16xf32, #tpu.memory_space<hbm>>
      tpu.wait_indirect_dma semaphore(%arg25 : memref<!tpu.dma_semaphore, #tpu.memory_space<semaphore_mem>>) src(%dma_wait3A_380 : memref<50000x16xf32, #tpu.memory_space<hbm>>) dst(%arg22 : memref<128x16xf32, #tpu.memory_space<vmem>>)
      "tpu.region"() ({
        %run_scoped3A = tpu.sem_alloc : memref<!tpu.dma_semaphore, #tpu.memory_space<semaphore_mem>>
        %dma_start3A_381 = arith.constant 0 : i32
        %dma_start3A_382 = arith.constant 0 : i32
        %dma_start3A_383 = tpu.memref_slice %arg24[%dma_start3A_381, %dma_start3A_382] : memref<50048x16xf32, #tpu.memory_space<vmem_shared>> -> memref<50048x16xf32, #tpu.memory_space<vmem_shared>>
        tpu.enqueue_indirect_dma source(%arg22 : memref<128x16xf32, #tpu.memory_space<vmem>>) target(%dma_start3A_383 : memref<50048x16xf32, #tpu.memory_space<vmem_shared>>) offsets(%arg21 : memref<128xi32, #tpu.memory_space<vmem>>) semaphore(%run_scoped3A : memref<!tpu.dma_semaphore, #tpu.memory_space<semaphore_mem>>) {add = true}
        %dma_wait3A_384 = arith.constant 0 : i32
        %dma_wait3A_385 = arith.constant 0 : i32
        %dma_wait3A_386 = tpu.memref_slice %arg24[%dma_wait3A_384, %dma_wait3A_385] : memref<50048x16xf32, #tpu.memory_space<vmem_shared>> -> memref<50048x16xf32, #tpu.memory_space<vmem_shared>>
        tpu.wait_indirect_dma semaphore(%run_scoped3A : memref<!tpu.dma_semaphore, #tpu.memory_space<semaphore_mem>>) src(%arg22 : memref<128x16xf32, #tpu.memory_space<vmem>>) dst(%dma_wait3A_386 : memref<50048x16xf32, #tpu.memory_space<vmem_shared>>)
        tpu.yield
      }) : () -> ()
    }
    %while3A_38 = arith.constant 1 : i32
    scf.for %while3A_370 = %while3A_36 to %while3A_32 step %while3A_38  : i32 {
      %mul3A_371 = arith.constant 16 : i32
      %mul3A_372 = arith.muli %while3A_370, %mul3A_371 : i32
      %add3A_373 = arith.addi %arg1, %mul3A_372 : i32
      %mul3A_374 = arith.constant 128 : i32
      %mul3A_375 = arith.muli %add3A_373, %mul3A_374 : i32
      %add3A_376 = arith.addi %mul3A_29, %mul3A_375 : i32
      "tpu.region"() ({
        %run_scoped3A = tpu.sem_alloc : memref<!tpu.dma_semaphore, #tpu.memory_space<semaphore_mem>>
        %dma_start3A_381 = tpu.memref_slice %arg10[%add3A_376] : memref<800000xi32, #tpu.memory_space<hbm>> -> memref<128xi32, #tpu.memory_space<hbm>>
        %dma_start3A_382 = tpu.memref_slice %arg10[%add3A_376] : memref<800000xi32, #tpu.memory_space<hbm>> -> memref<128xi32, #tpu.memory_space<hbm>>
        tpu.enqueue_dma source(%dma_start3A_382 : memref<128xi32, #tpu.memory_space<hbm>>) target(%arg20 : memref<128xi32, #tpu.memory_space<vmem>>) target_semaphore(%run_scoped3A : memref<!tpu.dma_semaphore, #tpu.memory_space<semaphore_mem>>)
        %dma_wait3A_383 = tpu.memref_slice %arg10[%add3A_376] : memref<800000xi32, #tpu.memory_space<hbm>> -> memref<128xi32, #tpu.memory_space<hbm>>
        %dma_wait3A_384 = tpu.memref_slice %arg10[%add3A_376] : memref<800000xi32, #tpu.memory_space<hbm>> -> memref<128xi32, #tpu.memory_space<hbm>>
        tpu.wait_dma2 semaphore(%run_scoped3A : memref<!tpu.dma_semaphore, #tpu.memory_space<semaphore_mem>>) src(%dma_wait3A_384 : memref<128xi32, #tpu.memory_space<hbm>>) dst(%arg20 : memref<128xi32, #tpu.memory_space<vmem>>)
        tpu.yield
      }) : () -> ()
      "tpu.region"() ({
        %run_scoped3A = tpu.sem_alloc : memref<!tpu.dma_semaphore, #tpu.memory_space<semaphore_mem>>
        %dma_start3A_381 = tpu.memref_slice %arg11[%add3A_376] : memref<800000xi32, #tpu.memory_space<hbm>> -> memref<128xi32, #tpu.memory_space<hbm>>
        %dma_start3A_382 = tpu.memref_slice %arg11[%add3A_376] : memref<800000xi32, #tpu.memory_space<hbm>> -> memref<128xi32, #tpu.memory_space<hbm>>
        tpu.enqueue_dma source(%dma_start3A_382 : memref<128xi32, #tpu.memory_space<hbm>>) target(%arg21 : memref<128xi32, #tpu.memory_space<vmem>>) target_semaphore(%run_scoped3A : memref<!tpu.dma_semaphore, #tpu.memory_space<semaphore_mem>>)
        %dma_wait3A_383 = tpu.memref_slice %arg11[%add3A_376] : memref<800000xi32, #tpu.memory_space<hbm>> -> memref<128xi32, #tpu.memory_space<hbm>>
        %dma_wait3A_384 = tpu.memref_slice %arg11[%add3A_376] : memref<800000xi32, #tpu.memory_space<hbm>> -> memref<128xi32, #tpu.memory_space<hbm>>
        tpu.wait_dma2 semaphore(%run_scoped3A : memref<!tpu.dma_semaphore, #tpu.memory_space<semaphore_mem>>) src(%dma_wait3A_384 : memref<128xi32, #tpu.memory_space<hbm>>) dst(%arg21 : memref<128xi32, #tpu.memory_space<vmem>>)
        tpu.yield
      }) : () -> ()
      %dma_start3A = arith.constant 0 : i32
      %dma_start3A_377 = arith.constant 0 : i32
      %dma_start3A_378 = tpu.memref_slice %arg2[%dma_start3A, %dma_start3A_377] : memref<50000x16xf32, #tpu.memory_space<hbm>> -> memref<50000x16xf32, #tpu.memory_space<hbm>>
      tpu.enqueue_indirect_dma source(%dma_start3A_378 : memref<50000x16xf32, #tpu.memory_space<hbm>>) target(%arg22 : memref<128x16xf32, #tpu.memory_space<vmem>>) offsets(%arg20 : memref<128xi32, #tpu.memory_space<vmem>>) semaphore(%arg25 : memref<!tpu.dma_semaphore, #tpu.memory_space<semaphore_mem>>)
      %dma_wait3A = arith.constant 0 : i32
      %dma_wait3A_379 = arith.constant 0 : i32
      %dma_wait3A_380 = tpu.memref_slice %arg2[%dma_wait3A, %dma_wait3A_379] : memref<50000x16xf32, #tpu.memory_space<hbm>> -> memref<50000x16xf32, #tpu.memory_space<hbm>>
      tpu.wait_indirect_dma semaphore(%arg25 : memref<!tpu.dma_semaphore, #tpu.memory_space<semaphore_mem>>) src(%dma_wait3A_380 : memref<50000x16xf32, #tpu.memory_space<hbm>>) dst(%arg22 : memref<128x16xf32, #tpu.memory_space<vmem>>)
      "tpu.region"() ({
        %run_scoped3A = tpu.sem_alloc : memref<!tpu.dma_semaphore, #tpu.memory_space<semaphore_mem>>
        %dma_start3A_381 = arith.constant 0 : i32
        %dma_start3A_382 = arith.constant 0 : i32
        %dma_start3A_383 = tpu.memref_slice %arg24[%dma_start3A_381, %dma_start3A_382] : memref<50048x16xf32, #tpu.memory_space<vmem_shared>> -> memref<50048x16xf32, #tpu.memory_space<vmem_shared>>
        tpu.enqueue_indirect_dma source(%arg22 : memref<128x16xf32, #tpu.memory_space<vmem>>) target(%dma_start3A_383 : memref<50048x16xf32, #tpu.memory_space<vmem_shared>>) offsets(%arg21 : memref<128xi32, #tpu.memory_space<vmem>>) semaphore(%run_scoped3A : memref<!tpu.dma_semaphore, #tpu.memory_space<semaphore_mem>>) {add = true}
        %dma_wait3A_384 = arith.constant 0 : i32
        %dma_wait3A_385 = arith.constant 0 : i32
        %dma_wait3A_386 = tpu.memref_slice %arg24[%dma_wait3A_384, %dma_wait3A_385] : memref<50048x16xf32, #tpu.memory_space<vmem_shared>> -> memref<50048x16xf32, #tpu.memory_space<vmem_shared>>
        tpu.wait_indirect_dma semaphore(%run_scoped3A : memref<!tpu.dma_semaphore, #tpu.memory_space<semaphore_mem>>) src(%arg22 : memref<128x16xf32, #tpu.memory_space<vmem>>) dst(%dma_wait3A_386 : memref<50048x16xf32, #tpu.memory_space<vmem_shared>>)
        tpu.yield
      }) : () -> ()
    }
    %barrier3A_39 = arith.constant 0 : index
    tpu.barrier barrier_id(%barrier3A_39)
    "tpu.region"() ({
      %run_scoped3A = tpu.sem_alloc : memref<!tpu.dma_semaphore, #tpu.memory_space<semaphore_mem>>
      %dma_start3A = arith.constant 0 : i32
      %dma_start3A_370 = tpu.memref_slice %arg12[%arg0, %mul3A_6, %dma_start3A] : memref<2x50048x16xf32, #tpu.memory_space<hbm>> -> memref<1x3128x16xf32, #tpu.memory_space<hbm>>
      %dma_start3A_371 = tpu.memref_squeeze %dma_start3A_370 : memref<1x3128x16xf32, #tpu.memory_space<hbm>> -> memref<3128x16xf32, #tpu.memory_space<hbm>>
      %dma_start3A_372 = arith.constant 0 : i32
      %dma_start3A_373 = tpu.memref_slice %arg24[%mul3A_6, %dma_start3A_372] : memref<50048x16xf32, #tpu.memory_space<vmem_shared>> -> memref<3128x16xf32, #tpu.memory_space<vmem_shared>>
      tpu.enqueue_dma source(%dma_start3A_373 : memref<3128x16xf32, #tpu.memory_space<vmem_shared>>) target(%dma_start3A_371 : memref<3128x16xf32, #tpu.memory_space<hbm>>) target_semaphore(%run_scoped3A : memref<!tpu.dma_semaphore, #tpu.memory_space<semaphore_mem>>)
      %dma_wait3A = arith.constant 0 : i32
      %dma_wait3A_374 = tpu.memref_slice %arg12[%arg0, %mul3A_6, %dma_wait3A] : memref<2x50048x16xf32, #tpu.memory_space<hbm>> -> memref<1x3128x16xf32, #tpu.memory_space<hbm>>
      %dma_wait3A_375 = tpu.memref_squeeze %dma_wait3A_374 : memref<1x3128x16xf32, #tpu.memory_space<hbm>> -> memref<3128x16xf32, #tpu.memory_space<hbm>>
      %dma_wait3A_376 = arith.constant 0 : i32
      %dma_wait3A_377 = tpu.memref_slice %arg24[%mul3A_6, %dma_wait3A_376] : memref<50048x16xf32, #tpu.memory_space<vmem_shared>> -> memref<3128x16xf32, #tpu.memory_space<vmem_shared>>
      tpu.wait_dma2 semaphore(%run_scoped3A : memref<!tpu.dma_semaphore, #tpu.memory_space<semaphore_mem>>) src(%dma_wait3A_377 : memref<3128x16xf32, #tpu.memory_space<vmem_shared>>) dst(%dma_wait3A_375 : memref<3128x16xf32, #tpu.memory_space<hbm>>)
      tpu.yield
    }) : () -> ()
    %barrier3A_40 = arith.constant 0 : index
    tpu.barrier barrier_id(%barrier3A_40)
    %mul3A_41 = arith.constant 3128 : i32
    %mul3A_42 = arith.muli %arg1, %mul3A_41 : i32
    "tpu.region"() ({
      %run_scoped3A = tpu.sem_alloc : memref<!tpu.dma_semaphore, #tpu.memory_space<semaphore_mem>>
      %dma_start3A = arith.constant 0 : i32
      %dma_start3A_370 = tpu.memref_slice %arg24[%mul3A_42, %dma_start3A] : memref<50048x16xf32, #tpu.memory_space<vmem_shared>> -> memref<3128x16xf32, #tpu.memory_space<vmem_shared>>
      %dma_start3A_371 = arith.constant 0 : i32
      %dma_start3A_372 = tpu.memref_slice %arg24[%mul3A_42, %dma_start3A_371] : memref<50048x16xf32, #tpu.memory_space<vmem_shared>> -> memref<3128x16xf32, #tpu.memory_space<vmem_shared>>
      tpu.enqueue_dma source(%arg23 : memref<3128x16xf32, #tpu.memory_space<vmem>>) target(%dma_start3A_372 : memref<3128x16xf32, #tpu.memory_space<vmem_shared>>) target_semaphore(%run_scoped3A : memref<!tpu.dma_semaphore, #tpu.memory_space<semaphore_mem>>)
      %dma_wait3A = arith.constant 0 : i32
      %dma_wait3A_373 = tpu.memref_slice %arg24[%mul3A_42, %dma_wait3A] : memref<50048x16xf32, #tpu.memory_space<vmem_shared>> -> memref<3128x16xf32, #tpu.memory_space<vmem_shared>>
      %dma_wait3A_374 = arith.constant 0 : i32
      %dma_wait3A_375 = tpu.memref_slice %arg24[%mul3A_42, %dma_wait3A_374] : memref<50048x16xf32, #tpu.memory_space<vmem_shared>> -> memref<3128x16xf32, #tpu.memory_space<vmem_shared>>
      tpu.wait_dma2 semaphore(%run_scoped3A : memref<!tpu.dma_semaphore, #tpu.memory_space<semaphore_mem>>) src(%arg23 : memref<3128x16xf32, #tpu.memory_space<vmem>>) dst(%dma_wait3A_375 : memref<3128x16xf32, #tpu.memory_space<vmem_shared>>)
      tpu.yield
    }) : () -> ()
    %barrier3A_43 = arith.constant 0 : index
    tpu.barrier barrier_id(%barrier3A_43)
    %sub3A_44 = arith.constant 3125 : i32
    %sub3A_45 = arith.subi %sub3A_44, %arg1 : i32
    %add3A_46 = arith.constant 16 : i32
    %add3A_47 = arith.addi %sub3A_45, %add3A_46 : i32
    %sub3A_48 = arith.constant 1 : i32
    %sub3A_49 = arith.subi %add3A_47, %sub3A_48 : i32
    %jit3A_50 = arith.constant 16 : i32
    %div3A_51 = arith.divsi %sub3A_49, %jit3A_50 : i32
    %sign3A_52 = arith.constant 0 : i32
    %sign3A_53 = arith.cmpi sgt, %sub3A_49, %sign3A_52 : i32
    %sign3A_54 = arith.extui %sign3A_53 : i1 to i32
    %sign3A_55 = arith.constant 0 : i32
    %sign3A_56 = arith.cmpi slt, %sub3A_49, %sign3A_55 : i32
    %sign3A_57 = arith.extui %sign3A_56 : i1 to i32
    %sign3A_58 = arith.subi %sign3A_54, %sign3A_57 : i32
    %sign3A_59 = arith.constant 0 : i32
    %sign3A_60 = arith.cmpi sgt, %jit3A_50, %sign3A_59 : i32
    %sign3A_61 = arith.extui %sign3A_60 : i1 to i32
    %sign3A_62 = arith.constant 0 : i32
    %sign3A_63 = arith.cmpi slt, %jit3A_50, %sign3A_62 : i32
    %sign3A_64 = arith.extui %sign3A_63 : i1 to i32
    %sign3A_65 = arith.subi %sign3A_61, %sign3A_64 : i32
    %ne3A_66 = arith.cmpi ne, %sign3A_58, %sign3A_65 : i32
    %rem3A_67 = arith.remsi %sub3A_49, %jit3A_50 : i32
    %ne3A_68 = arith.constant 0 : i32
    %ne3A_69 = arith.cmpi ne, %rem3A_67, %ne3A_68 : i32
    %and3A_70 = arith.andi %ne3A_66, %ne3A_69 : i1
    %sub3A_71 = arith.constant 1 : i32
    %sub3A_72 = arith.subi %div3A_51, %sub3A_71 : i32
    %select_n3A_73 = arith.select %and3A_70, %sub3A_72, %div3A_51 : i32
    %mul3A_74 = arith.constant 400000 : i32
    %mul3A_75 = arith.muli %arg0, %mul3A_74 : i32
    %while3A_76 = arith.constant 0 : i32
    %while3A_77 = arith.constant 0 : i32
    %while3A_78 = arith.subi %select_n3A_73, %while3A_77 : i32
    %while3A_79 = arith.addi %while3A_77, %while3A_78 : i32
    %while3A_80 = arith.constant 1 : i32
    %while3A_81 = arith.divsi %while3A_78, %while3A_80 : i32
    %while3A_82 = arith.muli %while3A_81, %while3A_80 : i32
    %while3A_83 = arith.addi %while3A_77, %while3A_82 : i32
    %while3A_84 = arith.constant 1 : i32
    scf.for %while3A_370 = %while3A_77 to %while3A_83 step %while3A_84  : i32 {
      %mul3A_371 = arith.constant 16 : i32
      %mul3A_372 = arith.muli %while3A_370, %mul3A_371 : i32
      %add3A_373 = arith.addi %arg1, %mul3A_372 : i32
      %mul3A_374 = arith.constant 128 : i32
      %mul3A_375 = arith.muli %add3A_373, %mul3A_374 : i32
      %add3A_376 = arith.addi %mul3A_75, %mul3A_375 : i32
      "tpu.region"() ({
        %run_scoped3A = tpu.sem_alloc : memref<!tpu.dma_semaphore, #tpu.memory_space<semaphore_mem>>
        %dma_start3A_381 = tpu.memref_slice %arg10[%add3A_376] : memref<800000xi32, #tpu.memory_space<hbm>> -> memref<128xi32, #tpu.memory_space<hbm>>
        %dma_start3A_382 = tpu.memref_slice %arg10[%add3A_376] : memref<800000xi32, #tpu.memory_space<hbm>> -> memref<128xi32, #tpu.memory_space<hbm>>
        tpu.enqueue_dma source(%dma_start3A_382 : memref<128xi32, #tpu.memory_space<hbm>>) target(%arg20 : memref<128xi32, #tpu.memory_space<vmem>>) target_semaphore(%run_scoped3A : memref<!tpu.dma_semaphore, #tpu.memory_space<semaphore_mem>>)
        %dma_wait3A_383 = tpu.memref_slice %arg10[%add3A_376] : memref<800000xi32, #tpu.memory_space<hbm>> -> memref<128xi32, #tpu.memory_space<hbm>>
        %dma_wait3A_384 = tpu.memref_slice %arg10[%add3A_376] : memref<800000xi32, #tpu.memory_space<hbm>> -> memref<128xi32, #tpu.memory_space<hbm>>
        tpu.wait_dma2 semaphore(%run_scoped3A : memref<!tpu.dma_semaphore, #tpu.memory_space<semaphore_mem>>) src(%dma_wait3A_384 : memref<128xi32, #tpu.memory_space<hbm>>) dst(%arg20 : memref<128xi32, #tpu.memory_space<vmem>>)
        tpu.yield
      }) : () -> ()
      "tpu.region"() ({
        %run_scoped3A = tpu.sem_alloc : memref<!tpu.dma_semaphore, #tpu.memory_space<semaphore_mem>>
        %dma_start3A_381 = tpu.memref_slice %arg11[%add3A_376] : memref<800000xi32, #tpu.memory_space<hbm>> -> memref<128xi32, #tpu.memory_space<hbm>>
        %dma_start3A_382 = tpu.memref_slice %arg11[%add3A_376] : memref<800000xi32, #tpu.memory_space<hbm>> -> memref<128xi32, #tpu.memory_space<hbm>>
        tpu.enqueue_dma source(%dma_start3A_382 : memref<128xi32, #tpu.memory_space<hbm>>) target(%arg21 : memref<128xi32, #tpu.memory_space<vmem>>) target_semaphore(%run_scoped3A : memref<!tpu.dma_semaphore, #tpu.memory_space<semaphore_mem>>)
        %dma_wait3A_383 = tpu.memref_slice %arg11[%add3A_376] : memref<800000xi32, #tpu.memory_space<hbm>> -> memref<128xi32, #tpu.memory_space<hbm>>
        %dma_wait3A_384 = tpu.memref_slice %arg11[%add3A_376] : memref<800000xi32, #tpu.memory_space<hbm>> -> memref<128xi32, #tpu.memory_space<hbm>>
        tpu.wait_dma2 semaphore(%run_scoped3A : memref<!tpu.dma_semaphore, #tpu.memory_space<semaphore_mem>>) src(%dma_wait3A_384 : memref<128xi32, #tpu.memory_space<hbm>>) dst(%arg21 : memref<128xi32, #tpu.memory_space<vmem>>)
        tpu.yield
      }) : () -> ()
      %dma_start3A = arith.constant 0 : i32
      %dma_start3A_377 = arith.constant 0 : i32
      %dma_start3A_378 = tpu.memref_slice %arg3[%dma_start3A, %dma_start3A_377] : memref<50000x16xf32, #tpu.memory_space<hbm>> -> memref<50000x16xf32, #tpu.memory_space<hbm>>
      tpu.enqueue_indirect_dma source(%dma_start3A_378 : memref<50000x16xf32, #tpu.memory_space<hbm>>) target(%arg22 : memref<128x16xf32, #tpu.memory_space<vmem>>) offsets(%arg20 : memref<128xi32, #tpu.memory_space<vmem>>) semaphore(%arg25 : memref<!tpu.dma_semaphore, #tpu.memory_space<semaphore_mem>>)
      %dma_wait3A = arith.constant 0 : i32
      %dma_wait3A_379 = arith.constant 0 : i32
      %dma_wait3A_380 = tpu.memref_slice %arg3[%dma_wait3A, %dma_wait3A_379] : memref<50000x16xf32, #tpu.memory_space<hbm>> -> memref<50000x16xf32, #tpu.memory_space<hbm>>
      tpu.wait_indirect_dma semaphore(%arg25 : memref<!tpu.dma_semaphore, #tpu.memory_space<semaphore_mem>>) src(%dma_wait3A_380 : memref<50000x16xf32, #tpu.memory_space<hbm>>) dst(%arg22 : memref<128x16xf32, #tpu.memory_space<vmem>>)
      "tpu.region"() ({
        %run_scoped3A = tpu.sem_alloc : memref<!tpu.dma_semaphore, #tpu.memory_space<semaphore_mem>>
        %dma_start3A_381 = arith.constant 0 : i32
        %dma_start3A_382 = arith.constant 0 : i32
        %dma_start3A_383 = tpu.memref_slice %arg24[%dma_start3A_381, %dma_start3A_382] : memref<50048x16xf32, #tpu.memory_space<vmem_shared>> -> memref<50048x16xf32, #tpu.memory_space<vmem_shared>>
        tpu.enqueue_indirect_dma source(%arg22 : memref<128x16xf32, #tpu.memory_space<vmem>>) target(%dma_start3A_383 : memref<50048x16xf32, #tpu.memory_space<vmem_shared>>) offsets(%arg21 : memref<128xi32, #tpu.memory_space<vmem>>) semaphore(%run_scoped3A : memref<!tpu.dma_semaphore, #tpu.memory_space<semaphore_mem>>) {add = true}
        %dma_wait3A_384 = arith.constant 0 : i32
        %dma_wait3A_385 = arith.constant 0 : i32
        %dma_wait3A_386 = tpu.memref_slice %arg24[%dma_wait3A_384, %dma_wait3A_385] : memref<50048x16xf32, #tpu.memory_space<vmem_shared>> -> memref<50048x16xf32, #tpu.memory_space<vmem_shared>>
        tpu.wait_indirect_dma semaphore(%run_scoped3A : memref<!tpu.dma_semaphore, #tpu.memory_space<semaphore_mem>>) src(%arg22 : memref<128x16xf32, #tpu.memory_space<vmem>>) dst(%dma_wait3A_386 : memref<50048x16xf32, #tpu.memory_space<vmem_shared>>)
        tpu.yield
      }) : () -> ()
    }
    %while3A_85 = arith.constant 1 : i32
    scf.for %while3A_370 = %while3A_83 to %while3A_79 step %while3A_85  : i32 {
      %mul3A_371 = arith.constant 16 : i32
      %mul3A_372 = arith.muli %while3A_370, %mul3A_371 : i32
      %add3A_373 = arith.addi %arg1, %mul3A_372 : i32
      %mul3A_374 = arith.constant 128 : i32
      %mul3A_375 = arith.muli %add3A_373, %mul3A_374 : i32
      %add3A_376 = arith.addi %mul3A_75, %mul3A_375 : i32
      "tpu.region"() ({
        %run_scoped3A = tpu.sem_alloc : memref<!tpu.dma_semaphore, #tpu.memory_space<semaphore_mem>>
        %dma_start3A_381 = tpu.memref_slice %arg10[%add3A_376] : memref<800000xi32, #tpu.memory_space<hbm>> -> memref<128xi32, #tpu.memory_space<hbm>>
        %dma_start3A_382 = tpu.memref_slice %arg10[%add3A_376] : memref<800000xi32, #tpu.memory_space<hbm>> -> memref<128xi32, #tpu.memory_space<hbm>>
        tpu.enqueue_dma source(%dma_start3A_382 : memref<128xi32, #tpu.memory_space<hbm>>) target(%arg20 : memref<128xi32, #tpu.memory_space<vmem>>) target_semaphore(%run_scoped3A : memref<!tpu.dma_semaphore, #tpu.memory_space<semaphore_mem>>)
        %dma_wait3A_383 = tpu.memref_slice %arg10[%add3A_376] : memref<800000xi32, #tpu.memory_space<hbm>> -> memref<128xi32, #tpu.memory_space<hbm>>
        %dma_wait3A_384 = tpu.memref_slice %arg10[%add3A_376] : memref<800000xi32, #tpu.memory_space<hbm>> -> memref<128xi32, #tpu.memory_space<hbm>>
        tpu.wait_dma2 semaphore(%run_scoped3A : memref<!tpu.dma_semaphore, #tpu.memory_space<semaphore_mem>>) src(%dma_wait3A_384 : memref<128xi32, #tpu.memory_space<hbm>>) dst(%arg20 : memref<128xi32, #tpu.memory_space<vmem>>)
        tpu.yield
      }) : () -> ()
      "tpu.region"() ({
        %run_scoped3A = tpu.sem_alloc : memref<!tpu.dma_semaphore, #tpu.memory_space<semaphore_mem>>
        %dma_start3A_381 = tpu.memref_slice %arg11[%add3A_376] : memref<800000xi32, #tpu.memory_space<hbm>> -> memref<128xi32, #tpu.memory_space<hbm>>
        %dma_start3A_382 = tpu.memref_slice %arg11[%add3A_376] : memref<800000xi32, #tpu.memory_space<hbm>> -> memref<128xi32, #tpu.memory_space<hbm>>
        tpu.enqueue_dma source(%dma_start3A_382 : memref<128xi32, #tpu.memory_space<hbm>>) target(%arg21 : memref<128xi32, #tpu.memory_space<vmem>>) target_semaphore(%run_scoped3A : memref<!tpu.dma_semaphore, #tpu.memory_space<semaphore_mem>>)
        %dma_wait3A_383 = tpu.memref_slice %arg11[%add3A_376] : memref<800000xi32, #tpu.memory_space<hbm>> -> memref<128xi32, #tpu.memory_space<hbm>>
        %dma_wait3A_384 = tpu.memref_slice %arg11[%add3A_376] : memref<800000xi32, #tpu.memory_space<hbm>> -> memref<128xi32, #tpu.memory_space<hbm>>
        tpu.wait_dma2 semaphore(%run_scoped3A : memref<!tpu.dma_semaphore, #tpu.memory_space<semaphore_mem>>) src(%dma_wait3A_384 : memref<128xi32, #tpu.memory_space<hbm>>) dst(%arg21 : memref<128xi32, #tpu.memory_space<vmem>>)
        tpu.yield
      }) : () -> ()
      %dma_start3A = arith.constant 0 : i32
      %dma_start3A_377 = arith.constant 0 : i32
      %dma_start3A_378 = tpu.memref_slice %arg3[%dma_start3A, %dma_start3A_377] : memref<50000x16xf32, #tpu.memory_space<hbm>> -> memref<50000x16xf32, #tpu.memory_space<hbm>>
      tpu.enqueue_indirect_dma source(%dma_start3A_378 : memref<50000x16xf32, #tpu.memory_space<hbm>>) target(%arg22 : memref<128x16xf32, #tpu.memory_space<vmem>>) offsets(%arg20 : memref<128xi32, #tpu.memory_space<vmem>>) semaphore(%arg25 : memref<!tpu.dma_semaphore, #tpu.memory_space<semaphore_mem>>)
      %dma_wait3A = arith.constant 0 : i32
      %dma_wait3A_379 = arith.constant 0 : i32
      %dma_wait3A_380 = tpu.memref_slice %arg3[%dma_wait3A, %dma_wait3A_379] : memref<50000x16xf32, #tpu.memory_space<hbm>> -> memref<50000x16xf32, #tpu.memory_space<hbm>>
      tpu.wait_indirect_dma semaphore(%arg25 : memref<!tpu.dma_semaphore, #tpu.memory_space<semaphore_mem>>) src(%dma_wait3A_380 : memref<50000x16xf32, #tpu.memory_space<hbm>>) dst(%arg22 : memref<128x16xf32, #tpu.memory_space<vmem>>)
      "tpu.region"() ({
        %run_scoped3A = tpu.sem_alloc : memref<!tpu.dma_semaphore, #tpu.memory_space<semaphore_mem>>
        %dma_start3A_381 = arith.constant 0 : i32
        %dma_start3A_382 = arith.constant 0 : i32
        %dma_start3A_383 = tpu.memref_slice %arg24[%dma_start3A_381, %dma_start3A_382] : memref<50048x16xf32, #tpu.memory_space<vmem_shared>> -> memref<50048x16xf32, #tpu.memory_space<vmem_shared>>
        tpu.enqueue_indirect_dma source(%arg22 : memref<128x16xf32, #tpu.memory_space<vmem>>) target(%dma_start3A_383 : memref<50048x16xf32, #tpu.memory_space<vmem_shared>>) offsets(%arg21 : memref<128xi32, #tpu.memory_space<vmem>>) semaphore(%run_scoped3A : memref<!tpu.dma_semaphore, #tpu.memory_space<semaphore_mem>>) {add = true}
        %dma_wait3A_384 = arith.constant 0 : i32
        %dma_wait3A_385 = arith.constant 0 : i32
        %dma_wait3A_386 = tpu.memref_slice %arg24[%dma_wait3A_384, %dma_wait3A_385] : memref<50048x16xf32, #tpu.memory_space<vmem_shared>> -> memref<50048x16xf32, #tpu.memory_space<vmem_shared>>
        tpu.wait_indirect_dma semaphore(%run_scoped3A : memref<!tpu.dma_semaphore, #tpu.memory_space<semaphore_mem>>) src(%arg22 : memref<128x16xf32, #tpu.memory_space<vmem>>) dst(%dma_wait3A_386 : memref<50048x16xf32, #tpu.memory_space<vmem_shared>>)
        tpu.yield
      }) : () -> ()
    }
    %barrier3A_86 = arith.constant 0 : index
    tpu.barrier barrier_id(%barrier3A_86)
    "tpu.region"() ({
      %run_scoped3A = tpu.sem_alloc : memref<!tpu.dma_semaphore, #tpu.memory_space<semaphore_mem>>
      %dma_start3A = arith.constant 0 : i32
      %dma_start3A_370 = tpu.memref_slice %arg13[%arg0, %mul3A_42, %dma_start3A] : memref<2x50048x16xf32, #tpu.memory_space<hbm>> -> memref<1x3128x16xf32, #tpu.memory_space<hbm>>
      %dma_start3A_371 = tpu.memref_squeeze %dma_start3A_370 : memref<1x3128x16xf32, #tpu.memory_space<hbm>> -> memref<3128x16xf32, #tpu.memory_space<hbm>>
      %dma_start3A_372 = arith.constant 0 : i32
      %dma_start3A_373 = tpu.memref_slice %arg24[%mul3A_42, %dma_start3A_372] : memref<50048x16xf32, #tpu.memory_space<vmem_shared>> -> memref<3128x16xf32, #tpu.memory_space<vmem_shared>>
      tpu.enqueue_dma source(%dma_start3A_373 : memref<3128x16xf32, #tpu.memory_space<vmem_shared>>) target(%dma_start3A_371 : memref<3128x16xf32, #tpu.memory_space<hbm>>) target_semaphore(%run_scoped3A : memref<!tpu.dma_semaphore, #tpu.memory_space<semaphore_mem>>)
      %dma_wait3A = arith.constant 0 : i32
      %dma_wait3A_374 = tpu.memref_slice %arg13[%arg0, %mul3A_42, %dma_wait3A] : memref<2x50048x16xf32, #tpu.memory_space<hbm>> -> memref<1x3128x16xf32, #tpu.memory_space<hbm>>
      %dma_wait3A_375 = tpu.memref_squeeze %dma_wait3A_374 : memref<1x3128x16xf32, #tpu.memory_space<hbm>> -> memref<3128x16xf32, #tpu.memory_space<hbm>>
      %dma_wait3A_376 = arith.constant 0 : i32
      %dma_wait3A_377 = tpu.memref_slice %arg24[%mul3A_42, %dma_wait3A_376] : memref<50048x16xf32, #tpu.memory_space<vmem_shared>> -> memref<3128x16xf32, #tpu.memory_space<vmem_shared>>
      tpu.wait_dma2 semaphore(%run_scoped3A : memref<!tpu.dma_semaphore, #tpu.memory_space<semaphore_mem>>) src(%dma_wait3A_377 : memref<3128x16xf32, #tpu.memory_space<vmem_shared>>) dst(%dma_wait3A_375 : memref<3128x16xf32, #tpu.memory_space<hbm>>)
      tpu.yield
    }) : () -> ()
    %barrier3A_87 = arith.constant 0 : index
    tpu.barrier barrier_id(%barrier3A_87)
    %mul3A_88 = arith.constant 3128 : i32
    %mul3A_89 = arith.muli %arg1, %mul3A_88 : i32
    "tpu.region"() ({
      %run_scoped3A = tpu.sem_alloc : memref<!tpu.dma_semaphore, #tpu.memory_space<semaphore_mem>>
      %dma_start3A = arith.constant 0 : i32
      %dma_start3A_370 = tpu.memref_slice %arg24[%mul3A_89, %dma_start3A] : memref<50048x16xf32, #tpu.memory_space<vmem_shared>> -> memref<3128x16xf32, #tpu.memory_space<vmem_shared>>
      %dma_start3A_371 = arith.constant 0 : i32
      %dma_start3A_372 = tpu.memref_slice %arg24[%mul3A_89, %dma_start3A_371] : memref<50048x16xf32, #tpu.memory_space<vmem_shared>> -> memref<3128x16xf32, #tpu.memory_space<vmem_shared>>
      tpu.enqueue_dma source(%arg23 : memref<3128x16xf32, #tpu.memory_space<vmem>>) target(%dma_start3A_372 : memref<3128x16xf32, #tpu.memory_space<vmem_shared>>) target_semaphore(%run_scoped3A : memref<!tpu.dma_semaphore, #tpu.memory_space<semaphore_mem>>)
      %dma_wait3A = arith.constant 0 : i32
      %dma_wait3A_373 = tpu.memref_slice %arg24[%mul3A_89, %dma_wait3A] : memref<50048x16xf32, #tpu.memory_space<vmem_shared>> -> memref<3128x16xf32, #tpu.memory_space<vmem_shared>>
      %dma_wait3A_374 = arith.constant 0 : i32
      %dma_wait3A_375 = tpu.memref_slice %arg24[%mul3A_89, %dma_wait3A_374] : memref<50048x16xf32, #tpu.memory_space<vmem_shared>> -> memref<3128x16xf32, #tpu.memory_space<vmem_shared>>
      tpu.wait_dma2 semaphore(%run_scoped3A : memref<!tpu.dma_semaphore, #tpu.memory_space<semaphore_mem>>) src(%arg23 : memref<3128x16xf32, #tpu.memory_space<vmem>>) dst(%dma_wait3A_375 : memref<3128x16xf32, #tpu.memory_space<vmem_shared>>)
      tpu.yield
    }) : () -> ()
    %barrier3A_90 = arith.constant 0 : index
    tpu.barrier barrier_id(%barrier3A_90)
    %sub3A_91 = arith.constant 3125 : i32
    %sub3A_92 = arith.subi %sub3A_91, %arg1 : i32
    %add3A_93 = arith.constant 16 : i32
    %add3A_94 = arith.addi %sub3A_92, %add3A_93 : i32
    %sub3A_95 = arith.constant 1 : i32
    %sub3A_96 = arith.subi %add3A_94, %sub3A_95 : i32
    %jit3A_97 = arith.constant 16 : i32
    %div3A_98 = arith.divsi %sub3A_96, %jit3A_97 : i32
    %sign3A_99 = arith.constant 0 : i32
    %sign3A_100 = arith.cmpi sgt, %sub3A_96, %sign3A_99 : i32
    %sign3A_101 = arith.extui %sign3A_100 : i1 to i32
    %sign3A_102 = arith.constant 0 : i32
    %sign3A_103 = arith.cmpi slt, %sub3A_96, %sign3A_102 : i32
    %sign3A_104 = arith.extui %sign3A_103 : i1 to i32
    %sign3A_105 = arith.subi %sign3A_101, %sign3A_104 : i32
    %sign3A_106 = arith.constant 0 : i32
    %sign3A_107 = arith.cmpi sgt, %jit3A_97, %sign3A_106 : i32
    %sign3A_108 = arith.extui %sign3A_107 : i1 to i32
    %sign3A_109 = arith.constant 0 : i32
    %sign3A_110 = arith.cmpi slt, %jit3A_97, %sign3A_109 : i32
    %sign3A_111 = arith.extui %sign3A_110 : i1 to i32
    %sign3A_112 = arith.subi %sign3A_108, %sign3A_111 : i32
    %ne3A_113 = arith.cmpi ne, %sign3A_105, %sign3A_112 : i32
    %rem3A_114 = arith.remsi %sub3A_96, %jit3A_97 : i32
    %ne3A_115 = arith.constant 0 : i32
    %ne3A_116 = arith.cmpi ne, %rem3A_114, %ne3A_115 : i32
    %and3A_117 = arith.andi %ne3A_113, %ne3A_116 : i1
    %sub3A_118 = arith.constant 1 : i32
    %sub3A_119 = arith.subi %div3A_98, %sub3A_118 : i32
    %select_n3A_120 = arith.select %and3A_117, %sub3A_119, %div3A_98 : i32
    %mul3A_121 = arith.constant 400000 : i32
    %mul3A_122 = arith.muli %arg0, %mul3A_121 : i32
    %while3A_123 = arith.constant 0 : i32
    %while3A_124 = arith.constant 0 : i32
    %while3A_125 = arith.subi %select_n3A_120, %while3A_124 : i32
    %while3A_126 = arith.addi %while3A_124, %while3A_125 : i32
    %while3A_127 = arith.constant 1 : i32
    %while3A_128 = arith.divsi %while3A_125, %while3A_127 : i32
    %while3A_129 = arith.muli %while3A_128, %while3A_127 : i32
    %while3A_130 = arith.addi %while3A_124, %while3A_129 : i32
    %while3A_131 = arith.constant 1 : i32
    scf.for %while3A_370 = %while3A_124 to %while3A_130 step %while3A_131  : i32 {
      %mul3A_371 = arith.constant 16 : i32
      %mul3A_372 = arith.muli %while3A_370, %mul3A_371 : i32
      %add3A_373 = arith.addi %arg1, %mul3A_372 : i32
      %mul3A_374 = arith.constant 128 : i32
      %mul3A_375 = arith.muli %add3A_373, %mul3A_374 : i32
      %add3A_376 = arith.addi %mul3A_122, %mul3A_375 : i32
      "tpu.region"() ({
        %run_scoped3A = tpu.sem_alloc : memref<!tpu.dma_semaphore, #tpu.memory_space<semaphore_mem>>
        %dma_start3A_381 = tpu.memref_slice %arg10[%add3A_376] : memref<800000xi32, #tpu.memory_space<hbm>> -> memref<128xi32, #tpu.memory_space<hbm>>
        %dma_start3A_382 = tpu.memref_slice %arg10[%add3A_376] : memref<800000xi32, #tpu.memory_space<hbm>> -> memref<128xi32, #tpu.memory_space<hbm>>
        tpu.enqueue_dma source(%dma_start3A_382 : memref<128xi32, #tpu.memory_space<hbm>>) target(%arg20 : memref<128xi32, #tpu.memory_space<vmem>>) target_semaphore(%run_scoped3A : memref<!tpu.dma_semaphore, #tpu.memory_space<semaphore_mem>>)
        %dma_wait3A_383 = tpu.memref_slice %arg10[%add3A_376] : memref<800000xi32, #tpu.memory_space<hbm>> -> memref<128xi32, #tpu.memory_space<hbm>>
        %dma_wait3A_384 = tpu.memref_slice %arg10[%add3A_376] : memref<800000xi32, #tpu.memory_space<hbm>> -> memref<128xi32, #tpu.memory_space<hbm>>
        tpu.wait_dma2 semaphore(%run_scoped3A : memref<!tpu.dma_semaphore, #tpu.memory_space<semaphore_mem>>) src(%dma_wait3A_384 : memref<128xi32, #tpu.memory_space<hbm>>) dst(%arg20 : memref<128xi32, #tpu.memory_space<vmem>>)
        tpu.yield
      }) : () -> ()
      "tpu.region"() ({
        %run_scoped3A = tpu.sem_alloc : memref<!tpu.dma_semaphore, #tpu.memory_space<semaphore_mem>>
        %dma_start3A_381 = tpu.memref_slice %arg11[%add3A_376] : memref<800000xi32, #tpu.memory_space<hbm>> -> memref<128xi32, #tpu.memory_space<hbm>>
        %dma_start3A_382 = tpu.memref_slice %arg11[%add3A_376] : memref<800000xi32, #tpu.memory_space<hbm>> -> memref<128xi32, #tpu.memory_space<hbm>>
        tpu.enqueue_dma source(%dma_start3A_382 : memref<128xi32, #tpu.memory_space<hbm>>) target(%arg21 : memref<128xi32, #tpu.memory_space<vmem>>) target_semaphore(%run_scoped3A : memref<!tpu.dma_semaphore, #tpu.memory_space<semaphore_mem>>)
        %dma_wait3A_383 = tpu.memref_slice %arg11[%add3A_376] : memref<800000xi32, #tpu.memory_space<hbm>> -> memref<128xi32, #tpu.memory_space<hbm>>
        %dma_wait3A_384 = tpu.memref_slice %arg11[%add3A_376] : memref<800000xi32, #tpu.memory_space<hbm>> -> memref<128xi32, #tpu.memory_space<hbm>>
        tpu.wait_dma2 semaphore(%run_scoped3A : memref<!tpu.dma_semaphore, #tpu.memory_space<semaphore_mem>>) src(%dma_wait3A_384 : memref<128xi32, #tpu.memory_space<hbm>>) dst(%arg21 : memref<128xi32, #tpu.memory_space<vmem>>)
        tpu.yield
      }) : () -> ()
      %dma_start3A = arith.constant 0 : i32
      %dma_start3A_377 = arith.constant 0 : i32
      %dma_start3A_378 = tpu.memref_slice %arg4[%dma_start3A, %dma_start3A_377] : memref<50000x16xf32, #tpu.memory_space<hbm>> -> memref<50000x16xf32, #tpu.memory_space<hbm>>
      tpu.enqueue_indirect_dma source(%dma_start3A_378 : memref<50000x16xf32, #tpu.memory_space<hbm>>) target(%arg22 : memref<128x16xf32, #tpu.memory_space<vmem>>) offsets(%arg20 : memref<128xi32, #tpu.memory_space<vmem>>) semaphore(%arg25 : memref<!tpu.dma_semaphore, #tpu.memory_space<semaphore_mem>>)
      %dma_wait3A = arith.constant 0 : i32
      %dma_wait3A_379 = arith.constant 0 : i32
      %dma_wait3A_380 = tpu.memref_slice %arg4[%dma_wait3A, %dma_wait3A_379] : memref<50000x16xf32, #tpu.memory_space<hbm>> -> memref<50000x16xf32, #tpu.memory_space<hbm>>
      tpu.wait_indirect_dma semaphore(%arg25 : memref<!tpu.dma_semaphore, #tpu.memory_space<semaphore_mem>>) src(%dma_wait3A_380 : memref<50000x16xf32, #tpu.memory_space<hbm>>) dst(%arg22 : memref<128x16xf32, #tpu.memory_space<vmem>>)
      "tpu.region"() ({
        %run_scoped3A = tpu.sem_alloc : memref<!tpu.dma_semaphore, #tpu.memory_space<semaphore_mem>>
        %dma_start3A_381 = arith.constant 0 : i32
        %dma_start3A_382 = arith.constant 0 : i32
        %dma_start3A_383 = tpu.memref_slice %arg24[%dma_start3A_381, %dma_start3A_382] : memref<50048x16xf32, #tpu.memory_space<vmem_shared>> -> memref<50048x16xf32, #tpu.memory_space<vmem_shared>>
        tpu.enqueue_indirect_dma source(%arg22 : memref<128x16xf32, #tpu.memory_space<vmem>>) target(%dma_start3A_383 : memref<50048x16xf32, #tpu.memory_space<vmem_shared>>) offsets(%arg21 : memref<128xi32, #tpu.memory_space<vmem>>) semaphore(%run_scoped3A : memref<!tpu.dma_semaphore, #tpu.memory_space<semaphore_mem>>) {add = true}
        %dma_wait3A_384 = arith.constant 0 : i32
        %dma_wait3A_385 = arith.constant 0 : i32
        %dma_wait3A_386 = tpu.memref_slice %arg24[%dma_wait3A_384, %dma_wait3A_385] : memref<50048x16xf32, #tpu.memory_space<vmem_shared>> -> memref<50048x16xf32, #tpu.memory_space<vmem_shared>>
        tpu.wait_indirect_dma semaphore(%run_scoped3A : memref<!tpu.dma_semaphore, #tpu.memory_space<semaphore_mem>>) src(%arg22 : memref<128x16xf32, #tpu.memory_space<vmem>>) dst(%dma_wait3A_386 : memref<50048x16xf32, #tpu.memory_space<vmem_shared>>)
        tpu.yield
      }) : () -> ()
    }
    %while3A_132 = arith.constant 1 : i32
    scf.for %while3A_370 = %while3A_130 to %while3A_126 step %while3A_132  : i32 {
      %mul3A_371 = arith.constant 16 : i32
      %mul3A_372 = arith.muli %while3A_370, %mul3A_371 : i32
      %add3A_373 = arith.addi %arg1, %mul3A_372 : i32
      %mul3A_374 = arith.constant 128 : i32
      %mul3A_375 = arith.muli %add3A_373, %mul3A_374 : i32
      %add3A_376 = arith.addi %mul3A_122, %mul3A_375 : i32
      "tpu.region"() ({
        %run_scoped3A = tpu.sem_alloc : memref<!tpu.dma_semaphore, #tpu.memory_space<semaphore_mem>>
        %dma_start3A_381 = tpu.memref_slice %arg10[%add3A_376] : memref<800000xi32, #tpu.memory_space<hbm>> -> memref<128xi32, #tpu.memory_space<hbm>>
        %dma_start3A_382 = tpu.memref_slice %arg10[%add3A_376] : memref<800000xi32, #tpu.memory_space<hbm>> -> memref<128xi32, #tpu.memory_space<hbm>>
        tpu.enqueue_dma source(%dma_start3A_382 : memref<128xi32, #tpu.memory_space<hbm>>) target(%arg20 : memref<128xi32, #tpu.memory_space<vmem>>) target_semaphore(%run_scoped3A : memref<!tpu.dma_semaphore, #tpu.memory_space<semaphore_mem>>)
        %dma_wait3A_383 = tpu.memref_slice %arg10[%add3A_376] : memref<800000xi32, #tpu.memory_space<hbm>> -> memref<128xi32, #tpu.memory_space<hbm>>
        %dma_wait3A_384 = tpu.memref_slice %arg10[%add3A_376] : memref<800000xi32, #tpu.memory_space<hbm>> -> memref<128xi32, #tpu.memory_space<hbm>>
        tpu.wait_dma2 semaphore(%run_scoped3A : memref<!tpu.dma_semaphore, #tpu.memory_space<semaphore_mem>>) src(%dma_wait3A_384 : memref<128xi32, #tpu.memory_space<hbm>>) dst(%arg20 : memref<128xi32, #tpu.memory_space<vmem>>)
        tpu.yield
      }) : () -> ()
      "tpu.region"() ({
        %run_scoped3A = tpu.sem_alloc : memref<!tpu.dma_semaphore, #tpu.memory_space<semaphore_mem>>
        %dma_start3A_381 = tpu.memref_slice %arg11[%add3A_376] : memref<800000xi32, #tpu.memory_space<hbm>> -> memref<128xi32, #tpu.memory_space<hbm>>
        %dma_start3A_382 = tpu.memref_slice %arg11[%add3A_376] : memref<800000xi32, #tpu.memory_space<hbm>> -> memref<128xi32, #tpu.memory_space<hbm>>
        tpu.enqueue_dma source(%dma_start3A_382 : memref<128xi32, #tpu.memory_space<hbm>>) target(%arg21 : memref<128xi32, #tpu.memory_space<vmem>>) target_semaphore(%run_scoped3A : memref<!tpu.dma_semaphore, #tpu.memory_space<semaphore_mem>>)
        %dma_wait3A_383 = tpu.memref_slice %arg11[%add3A_376] : memref<800000xi32, #tpu.memory_space<hbm>> -> memref<128xi32, #tpu.memory_space<hbm>>
        %dma_wait3A_384 = tpu.memref_slice %arg11[%add3A_376] : memref<800000xi32, #tpu.memory_space<hbm>> -> memref<128xi32, #tpu.memory_space<hbm>>
        tpu.wait_dma2 semaphore(%run_scoped3A : memref<!tpu.dma_semaphore, #tpu.memory_space<semaphore_mem>>) src(%dma_wait3A_384 : memref<128xi32, #tpu.memory_space<hbm>>) dst(%arg21 : memref<128xi32, #tpu.memory_space<vmem>>)
        tpu.yield
      }) : () -> ()
      %dma_start3A = arith.constant 0 : i32
      %dma_start3A_377 = arith.constant 0 : i32
      %dma_start3A_378 = tpu.memref_slice %arg4[%dma_start3A, %dma_start3A_377] : memref<50000x16xf32, #tpu.memory_space<hbm>> -> memref<50000x16xf32, #tpu.memory_space<hbm>>
      tpu.enqueue_indirect_dma source(%dma_start3A_378 : memref<50000x16xf32, #tpu.memory_space<hbm>>) target(%arg22 : memref<128x16xf32, #tpu.memory_space<vmem>>) offsets(%arg20 : memref<128xi32, #tpu.memory_space<vmem>>) semaphore(%arg25 : memref<!tpu.dma_semaphore, #tpu.memory_space<semaphore_mem>>)
      %dma_wait3A = arith.constant 0 : i32
      %dma_wait3A_379 = arith.constant 0 : i32
      %dma_wait3A_380 = tpu.memref_slice %arg4[%dma_wait3A, %dma_wait3A_379] : memref<50000x16xf32, #tpu.memory_space<hbm>> -> memref<50000x16xf32, #tpu.memory_space<hbm>>
      tpu.wait_indirect_dma semaphore(%arg25 : memref<!tpu.dma_semaphore, #tpu.memory_space<semaphore_mem>>) src(%dma_wait3A_380 : memref<50000x16xf32, #tpu.memory_space<hbm>>) dst(%arg22 : memref<128x16xf32, #tpu.memory_space<vmem>>)
      "tpu.region"() ({
        %run_scoped3A = tpu.sem_alloc : memref<!tpu.dma_semaphore, #tpu.memory_space<semaphore_mem>>
        %dma_start3A_381 = arith.constant 0 : i32
        %dma_start3A_382 = arith.constant 0 : i32
        %dma_start3A_383 = tpu.memref_slice %arg24[%dma_start3A_381, %dma_start3A_382] : memref<50048x16xf32, #tpu.memory_space<vmem_shared>> -> memref<50048x16xf32, #tpu.memory_space<vmem_shared>>
        tpu.enqueue_indirect_dma source(%arg22 : memref<128x16xf32, #tpu.memory_space<vmem>>) target(%dma_start3A_383 : memref<50048x16xf32, #tpu.memory_space<vmem_shared>>) offsets(%arg21 : memref<128xi32, #tpu.memory_space<vmem>>) semaphore(%run_scoped3A : memref<!tpu.dma_semaphore, #tpu.memory_space<semaphore_mem>>) {add = true}
        %dma_wait3A_384 = arith.constant 0 : i32
        %dma_wait3A_385 = arith.constant 0 : i32
        %dma_wait3A_386 = tpu.memref_slice %arg24[%dma_wait3A_384, %dma_wait3A_385] : memref<50048x16xf32, #tpu.memory_space<vmem_shared>> -> memref<50048x16xf32, #tpu.memory_space<vmem_shared>>
        tpu.wait_indirect_dma semaphore(%run_scoped3A : memref<!tpu.dma_semaphore, #tpu.memory_space<semaphore_mem>>) src(%arg22 : memref<128x16xf32, #tpu.memory_space<vmem>>) dst(%dma_wait3A_386 : memref<50048x16xf32, #tpu.memory_space<vmem_shared>>)
        tpu.yield
      }) : () -> ()
    }
    %barrier3A_133 = arith.constant 0 : index
    tpu.barrier barrier_id(%barrier3A_133)
    "tpu.region"() ({
      %run_scoped3A = tpu.sem_alloc : memref<!tpu.dma_semaphore, #tpu.memory_space<semaphore_mem>>
      %dma_start3A = arith.constant 0 : i32
      %dma_start3A_370 = tpu.memref_slice %arg14[%arg0, %mul3A_89, %dma_start3A] : memref<2x50048x16xf32, #tpu.memory_space<hbm>> -> memref<1x3128x16xf32, #tpu.memory_space<hbm>>
      %dma_start3A_371 = tpu.memref_squeeze %dma_start3A_370 : memref<1x3128x16xf32, #tpu.memory_space<hbm>> -> memref<3128x16xf32, #tpu.memory_space<hbm>>
      %dma_start3A_372 = arith.constant 0 : i32
      %dma_start3A_373 = tpu.memref_slice %arg24[%mul3A_89, %dma_start3A_372] : memref<50048x16xf32, #tpu.memory_space<vmem_shared>> -> memref<3128x16xf32, #tpu.memory_space<vmem_shared>>
      tpu.enqueue_dma source(%dma_start3A_373 : memref<3128x16xf32, #tpu.memory_space<vmem_shared>>) target(%dma_start3A_371 : memref<3128x16xf32, #tpu.memory_space<hbm>>) target_semaphore(%run_scoped3A : memref<!tpu.dma_semaphore, #tpu.memory_space<semaphore_mem>>)
      %dma_wait3A = arith.constant 0 : i32
      %dma_wait3A_374 = tpu.memref_slice %arg14[%arg0, %mul3A_89, %dma_wait3A] : memref<2x50048x16xf32, #tpu.memory_space<hbm>> -> memref<1x3128x16xf32, #tpu.memory_space<hbm>>
      %dma_wait3A_375 = tpu.memref_squeeze %dma_wait3A_374 : memref<1x3128x16xf32, #tpu.memory_space<hbm>> -> memref<3128x16xf32, #tpu.memory_space<hbm>>
      %dma_wait3A_376 = arith.constant 0 : i32
      %dma_wait3A_377 = tpu.memref_slice %arg24[%mul3A_89, %dma_wait3A_376] : memref<50048x16xf32, #tpu.memory_space<vmem_shared>> -> memref<3128x16xf32, #tpu.memory_space<vmem_shared>>
      tpu.wait_dma2 semaphore(%run_scoped3A : memref<!tpu.dma_semaphore, #tpu.memory_space<semaphore_mem>>) src(%dma_wait3A_377 : memref<3128x16xf32, #tpu.memory_space<vmem_shared>>) dst(%dma_wait3A_375 : memref<3128x16xf32, #tpu.memory_space<hbm>>)
      tpu.yield
    }) : () -> ()
    %barrier3A_134 = arith.constant 0 : index
    tpu.barrier barrier_id(%barrier3A_134)
    %mul3A_135 = arith.constant 3128 : i32
    %mul3A_136 = arith.muli %arg1, %mul3A_135 : i32
    "tpu.region"() ({
      %run_scoped3A = tpu.sem_alloc : memref<!tpu.dma_semaphore, #tpu.memory_space<semaphore_mem>>
      %dma_start3A = arith.constant 0 : i32
      %dma_start3A_370 = tpu.memref_slice %arg24[%mul3A_136, %dma_start3A] : memref<50048x16xf32, #tpu.memory_space<vmem_shared>> -> memref<3128x16xf32, #tpu.memory_space<vmem_shared>>
      %dma_start3A_371 = arith.constant 0 : i32
      %dma_start3A_372 = tpu.memref_slice %arg24[%mul3A_136, %dma_start3A_371] : memref<50048x16xf32, #tpu.memory_space<vmem_shared>> -> memref<3128x16xf32, #tpu.memory_space<vmem_shared>>
      tpu.enqueue_dma source(%arg23 : memref<3128x16xf32, #tpu.memory_space<vmem>>) target(%dma_start3A_372 : memref<3128x16xf32, #tpu.memory_space<vmem_shared>>) target_semaphore(%run_scoped3A : memref<!tpu.dma_semaphore, #tpu.memory_space<semaphore_mem>>)
      %dma_wait3A = arith.constant 0 : i32
      %dma_wait3A_373 = tpu.memref_slice %arg24[%mul3A_136, %dma_wait3A] : memref<50048x16xf32, #tpu.memory_space<vmem_shared>> -> memref<3128x16xf32, #tpu.memory_space<vmem_shared>>
      %dma_wait3A_374 = arith.constant 0 : i32
      %dma_wait3A_375 = tpu.memref_slice %arg24[%mul3A_136, %dma_wait3A_374] : memref<50048x16xf32, #tpu.memory_space<vmem_shared>> -> memref<3128x16xf32, #tpu.memory_space<vmem_shared>>
      tpu.wait_dma2 semaphore(%run_scoped3A : memref<!tpu.dma_semaphore, #tpu.memory_space<semaphore_mem>>) src(%arg23 : memref<3128x16xf32, #tpu.memory_space<vmem>>) dst(%dma_wait3A_375 : memref<3128x16xf32, #tpu.memory_space<vmem_shared>>)
      tpu.yield
    }) : () -> ()
    %barrier3A_137 = arith.constant 0 : index
    tpu.barrier barrier_id(%barrier3A_137)
    %sub3A_138 = arith.constant 3125 : i32
    %sub3A_139 = arith.subi %sub3A_138, %arg1 : i32
    %add3A_140 = arith.constant 16 : i32
    %add3A_141 = arith.addi %sub3A_139, %add3A_140 : i32
    %sub3A_142 = arith.constant 1 : i32
    %sub3A_143 = arith.subi %add3A_141, %sub3A_142 : i32
    %jit3A_144 = arith.constant 16 : i32
    %div3A_145 = arith.divsi %sub3A_143, %jit3A_144 : i32
    %sign3A_146 = arith.constant 0 : i32
    %sign3A_147 = arith.cmpi sgt, %sub3A_143, %sign3A_146 : i32
    %sign3A_148 = arith.extui %sign3A_147 : i1 to i32
    %sign3A_149 = arith.constant 0 : i32
    %sign3A_150 = arith.cmpi slt, %sub3A_143, %sign3A_149 : i32
    %sign3A_151 = arith.extui %sign3A_150 : i1 to i32
    %sign3A_152 = arith.subi %sign3A_148, %sign3A_151 : i32
    %sign3A_153 = arith.constant 0 : i32
    %sign3A_154 = arith.cmpi sgt, %jit3A_144, %sign3A_153 : i32
    %sign3A_155 = arith.extui %sign3A_154 : i1 to i32
    %sign3A_156 = arith.constant 0 : i32
    %sign3A_157 = arith.cmpi slt, %jit3A_144, %sign3A_156 : i32
    %sign3A_158 = arith.extui %sign3A_157 : i1 to i32
    %sign3A_159 = arith.subi %sign3A_155, %sign3A_158 : i32
    %ne3A_160 = arith.cmpi ne, %sign3A_152, %sign3A_159 : i32
    %rem3A_161 = arith.remsi %sub3A_143, %jit3A_144 : i32
    %ne3A_162 = arith.constant 0 : i32
    %ne3A_163 = arith.cmpi ne, %rem3A_161, %ne3A_162 : i32
    %and3A_164 = arith.andi %ne3A_160, %ne3A_163 : i1
    %sub3A_165 = arith.constant 1 : i32
    %sub3A_166 = arith.subi %div3A_145, %sub3A_165 : i32
    %select_n3A_167 = arith.select %and3A_164, %sub3A_166, %div3A_145 : i32
    %mul3A_168 = arith.constant 400000 : i32
    %mul3A_169 = arith.muli %arg0, %mul3A_168 : i32
    %while3A_170 = arith.constant 0 : i32
    %while3A_171 = arith.constant 0 : i32
    %while3A_172 = arith.subi %select_n3A_167, %while3A_171 : i32
    %while3A_173 = arith.addi %while3A_171, %while3A_172 : i32
    %while3A_174 = arith.constant 1 : i32
    %while3A_175 = arith.divsi %while3A_172, %while3A_174 : i32
    %while3A_176 = arith.muli %while3A_175, %while3A_174 : i32
    %while3A_177 = arith.addi %while3A_171, %while3A_176 : i32
    %while3A_178 = arith.constant 1 : i32
    scf.for %while3A_370 = %while3A_171 to %while3A_177 step %while3A_178  : i32 {
      %mul3A_371 = arith.constant 16 : i32
      %mul3A_372 = arith.muli %while3A_370, %mul3A_371 : i32
      %add3A_373 = arith.addi %arg1, %mul3A_372 : i32
      %mul3A_374 = arith.constant 128 : i32
      %mul3A_375 = arith.muli %add3A_373, %mul3A_374 : i32
      %add3A_376 = arith.addi %mul3A_169, %mul3A_375 : i32
      "tpu.region"() ({
        %run_scoped3A = tpu.sem_alloc : memref<!tpu.dma_semaphore, #tpu.memory_space<semaphore_mem>>
        %dma_start3A_381 = tpu.memref_slice %arg10[%add3A_376] : memref<800000xi32, #tpu.memory_space<hbm>> -> memref<128xi32, #tpu.memory_space<hbm>>
        %dma_start3A_382 = tpu.memref_slice %arg10[%add3A_376] : memref<800000xi32, #tpu.memory_space<hbm>> -> memref<128xi32, #tpu.memory_space<hbm>>
        tpu.enqueue_dma source(%dma_start3A_382 : memref<128xi32, #tpu.memory_space<hbm>>) target(%arg20 : memref<128xi32, #tpu.memory_space<vmem>>) target_semaphore(%run_scoped3A : memref<!tpu.dma_semaphore, #tpu.memory_space<semaphore_mem>>)
        %dma_wait3A_383 = tpu.memref_slice %arg10[%add3A_376] : memref<800000xi32, #tpu.memory_space<hbm>> -> memref<128xi32, #tpu.memory_space<hbm>>
        %dma_wait3A_384 = tpu.memref_slice %arg10[%add3A_376] : memref<800000xi32, #tpu.memory_space<hbm>> -> memref<128xi32, #tpu.memory_space<hbm>>
        tpu.wait_dma2 semaphore(%run_scoped3A : memref<!tpu.dma_semaphore, #tpu.memory_space<semaphore_mem>>) src(%dma_wait3A_384 : memref<128xi32, #tpu.memory_space<hbm>>) dst(%arg20 : memref<128xi32, #tpu.memory_space<vmem>>)
        tpu.yield
      }) : () -> ()
      "tpu.region"() ({
        %run_scoped3A = tpu.sem_alloc : memref<!tpu.dma_semaphore, #tpu.memory_space<semaphore_mem>>
        %dma_start3A_381 = tpu.memref_slice %arg11[%add3A_376] : memref<800000xi32, #tpu.memory_space<hbm>> -> memref<128xi32, #tpu.memory_space<hbm>>
        %dma_start3A_382 = tpu.memref_slice %arg11[%add3A_376] : memref<800000xi32, #tpu.memory_space<hbm>> -> memref<128xi32, #tpu.memory_space<hbm>>
        tpu.enqueue_dma source(%dma_start3A_382 : memref<128xi32, #tpu.memory_space<hbm>>) target(%arg21 : memref<128xi32, #tpu.memory_space<vmem>>) target_semaphore(%run_scoped3A : memref<!tpu.dma_semaphore, #tpu.memory_space<semaphore_mem>>)
        %dma_wait3A_383 = tpu.memref_slice %arg11[%add3A_376] : memref<800000xi32, #tpu.memory_space<hbm>> -> memref<128xi32, #tpu.memory_space<hbm>>
        %dma_wait3A_384 = tpu.memref_slice %arg11[%add3A_376] : memref<800000xi32, #tpu.memory_space<hbm>> -> memref<128xi32, #tpu.memory_space<hbm>>
        tpu.wait_dma2 semaphore(%run_scoped3A : memref<!tpu.dma_semaphore, #tpu.memory_space<semaphore_mem>>) src(%dma_wait3A_384 : memref<128xi32, #tpu.memory_space<hbm>>) dst(%arg21 : memref<128xi32, #tpu.memory_space<vmem>>)
        tpu.yield
      }) : () -> ()
      %dma_start3A = arith.constant 0 : i32
      %dma_start3A_377 = arith.constant 0 : i32
      %dma_start3A_378 = tpu.memref_slice %arg5[%dma_start3A, %dma_start3A_377] : memref<50000x16xf32, #tpu.memory_space<hbm>> -> memref<50000x16xf32, #tpu.memory_space<hbm>>
      tpu.enqueue_indirect_dma source(%dma_start3A_378 : memref<50000x16xf32, #tpu.memory_space<hbm>>) target(%arg22 : memref<128x16xf32, #tpu.memory_space<vmem>>) offsets(%arg20 : memref<128xi32, #tpu.memory_space<vmem>>) semaphore(%arg25 : memref<!tpu.dma_semaphore, #tpu.memory_space<semaphore_mem>>)
      %dma_wait3A = arith.constant 0 : i32
      %dma_wait3A_379 = arith.constant 0 : i32
      %dma_wait3A_380 = tpu.memref_slice %arg5[%dma_wait3A, %dma_wait3A_379] : memref<50000x16xf32, #tpu.memory_space<hbm>> -> memref<50000x16xf32, #tpu.memory_space<hbm>>
      tpu.wait_indirect_dma semaphore(%arg25 : memref<!tpu.dma_semaphore, #tpu.memory_space<semaphore_mem>>) src(%dma_wait3A_380 : memref<50000x16xf32, #tpu.memory_space<hbm>>) dst(%arg22 : memref<128x16xf32, #tpu.memory_space<vmem>>)
      "tpu.region"() ({
        %run_scoped3A = tpu.sem_alloc : memref<!tpu.dma_semaphore, #tpu.memory_space<semaphore_mem>>
        %dma_start3A_381 = arith.constant 0 : i32
        %dma_start3A_382 = arith.constant 0 : i32
        %dma_start3A_383 = tpu.memref_slice %arg24[%dma_start3A_381, %dma_start3A_382] : memref<50048x16xf32, #tpu.memory_space<vmem_shared>> -> memref<50048x16xf32, #tpu.memory_space<vmem_shared>>
        tpu.enqueue_indirect_dma source(%arg22 : memref<128x16xf32, #tpu.memory_space<vmem>>) target(%dma_start3A_383 : memref<50048x16xf32, #tpu.memory_space<vmem_shared>>) offsets(%arg21 : memref<128xi32, #tpu.memory_space<vmem>>) semaphore(%run_scoped3A : memref<!tpu.dma_semaphore, #tpu.memory_space<semaphore_mem>>) {add = true}
        %dma_wait3A_384 = arith.constant 0 : i32
        %dma_wait3A_385 = arith.constant 0 : i32
        %dma_wait3A_386 = tpu.memref_slice %arg24[%dma_wait3A_384, %dma_wait3A_385] : memref<50048x16xf32, #tpu.memory_space<vmem_shared>> -> memref<50048x16xf32, #tpu.memory_space<vmem_shared>>
        tpu.wait_indirect_dma semaphore(%run_scoped3A : memref<!tpu.dma_semaphore, #tpu.memory_space<semaphore_mem>>) src(%arg22 : memref<128x16xf32, #tpu.memory_space<vmem>>) dst(%dma_wait3A_386 : memref<50048x16xf32, #tpu.memory_space<vmem_shared>>)
        tpu.yield
      }) : () -> ()
    }
    %while3A_179 = arith.constant 1 : i32
    scf.for %while3A_370 = %while3A_177 to %while3A_173 step %while3A_179  : i32 {
      %mul3A_371 = arith.constant 16 : i32
      %mul3A_372 = arith.muli %while3A_370, %mul3A_371 : i32
      %add3A_373 = arith.addi %arg1, %mul3A_372 : i32
      %mul3A_374 = arith.constant 128 : i32
      %mul3A_375 = arith.muli %add3A_373, %mul3A_374 : i32
      %add3A_376 = arith.addi %mul3A_169, %mul3A_375 : i32
      "tpu.region"() ({
        %run_scoped3A = tpu.sem_alloc : memref<!tpu.dma_semaphore, #tpu.memory_space<semaphore_mem>>
        %dma_start3A_381 = tpu.memref_slice %arg10[%add3A_376] : memref<800000xi32, #tpu.memory_space<hbm>> -> memref<128xi32, #tpu.memory_space<hbm>>
        %dma_start3A_382 = tpu.memref_slice %arg10[%add3A_376] : memref<800000xi32, #tpu.memory_space<hbm>> -> memref<128xi32, #tpu.memory_space<hbm>>
        tpu.enqueue_dma source(%dma_start3A_382 : memref<128xi32, #tpu.memory_space<hbm>>) target(%arg20 : memref<128xi32, #tpu.memory_space<vmem>>) target_semaphore(%run_scoped3A : memref<!tpu.dma_semaphore, #tpu.memory_space<semaphore_mem>>)
        %dma_wait3A_383 = tpu.memref_slice %arg10[%add3A_376] : memref<800000xi32, #tpu.memory_space<hbm>> -> memref<128xi32, #tpu.memory_space<hbm>>
        %dma_wait3A_384 = tpu.memref_slice %arg10[%add3A_376] : memref<800000xi32, #tpu.memory_space<hbm>> -> memref<128xi32, #tpu.memory_space<hbm>>
        tpu.wait_dma2 semaphore(%run_scoped3A : memref<!tpu.dma_semaphore, #tpu.memory_space<semaphore_mem>>) src(%dma_wait3A_384 : memref<128xi32, #tpu.memory_space<hbm>>) dst(%arg20 : memref<128xi32, #tpu.memory_space<vmem>>)
        tpu.yield
      }) : () -> ()
      "tpu.region"() ({
        %run_scoped3A = tpu.sem_alloc : memref<!tpu.dma_semaphore, #tpu.memory_space<semaphore_mem>>
        %dma_start3A_381 = tpu.memref_slice %arg11[%add3A_376] : memref<800000xi32, #tpu.memory_space<hbm>> -> memref<128xi32, #tpu.memory_space<hbm>>
        %dma_start3A_382 = tpu.memref_slice %arg11[%add3A_376] : memref<800000xi32, #tpu.memory_space<hbm>> -> memref<128xi32, #tpu.memory_space<hbm>>
        tpu.enqueue_dma source(%dma_start3A_382 : memref<128xi32, #tpu.memory_space<hbm>>) target(%arg21 : memref<128xi32, #tpu.memory_space<vmem>>) target_semaphore(%run_scoped3A : memref<!tpu.dma_semaphore, #tpu.memory_space<semaphore_mem>>)
        %dma_wait3A_383 = tpu.memref_slice %arg11[%add3A_376] : memref<800000xi32, #tpu.memory_space<hbm>> -> memref<128xi32, #tpu.memory_space<hbm>>
        %dma_wait3A_384 = tpu.memref_slice %arg11[%add3A_376] : memref<800000xi32, #tpu.memory_space<hbm>> -> memref<128xi32, #tpu.memory_space<hbm>>
        tpu.wait_dma2 semaphore(%run_scoped3A : memref<!tpu.dma_semaphore, #tpu.memory_space<semaphore_mem>>) src(%dma_wait3A_384 : memref<128xi32, #tpu.memory_space<hbm>>) dst(%arg21 : memref<128xi32, #tpu.memory_space<vmem>>)
        tpu.yield
      }) : () -> ()
      %dma_start3A = arith.constant 0 : i32
      %dma_start3A_377 = arith.constant 0 : i32
      %dma_start3A_378 = tpu.memref_slice %arg5[%dma_start3A, %dma_start3A_377] : memref<50000x16xf32, #tpu.memory_space<hbm>> -> memref<50000x16xf32, #tpu.memory_space<hbm>>
      tpu.enqueue_indirect_dma source(%dma_start3A_378 : memref<50000x16xf32, #tpu.memory_space<hbm>>) target(%arg22 : memref<128x16xf32, #tpu.memory_space<vmem>>) offsets(%arg20 : memref<128xi32, #tpu.memory_space<vmem>>) semaphore(%arg25 : memref<!tpu.dma_semaphore, #tpu.memory_space<semaphore_mem>>)
      %dma_wait3A = arith.constant 0 : i32
      %dma_wait3A_379 = arith.constant 0 : i32
      %dma_wait3A_380 = tpu.memref_slice %arg5[%dma_wait3A, %dma_wait3A_379] : memref<50000x16xf32, #tpu.memory_space<hbm>> -> memref<50000x16xf32, #tpu.memory_space<hbm>>
      tpu.wait_indirect_dma semaphore(%arg25 : memref<!tpu.dma_semaphore, #tpu.memory_space<semaphore_mem>>) src(%dma_wait3A_380 : memref<50000x16xf32, #tpu.memory_space<hbm>>) dst(%arg22 : memref<128x16xf32, #tpu.memory_space<vmem>>)
      "tpu.region"() ({
        %run_scoped3A = tpu.sem_alloc : memref<!tpu.dma_semaphore, #tpu.memory_space<semaphore_mem>>
        %dma_start3A_381 = arith.constant 0 : i32
        %dma_start3A_382 = arith.constant 0 : i32
        %dma_start3A_383 = tpu.memref_slice %arg24[%dma_start3A_381, %dma_start3A_382] : memref<50048x16xf32, #tpu.memory_space<vmem_shared>> -> memref<50048x16xf32, #tpu.memory_space<vmem_shared>>
        tpu.enqueue_indirect_dma source(%arg22 : memref<128x16xf32, #tpu.memory_space<vmem>>) target(%dma_start3A_383 : memref<50048x16xf32, #tpu.memory_space<vmem_shared>>) offsets(%arg21 : memref<128xi32, #tpu.memory_space<vmem>>) semaphore(%run_scoped3A : memref<!tpu.dma_semaphore, #tpu.memory_space<semaphore_mem>>) {add = true}
        %dma_wait3A_384 = arith.constant 0 : i32
        %dma_wait3A_385 = arith.constant 0 : i32
        %dma_wait3A_386 = tpu.memref_slice %arg24[%dma_wait3A_384, %dma_wait3A_385] : memref<50048x16xf32, #tpu.memory_space<vmem_shared>> -> memref<50048x16xf32, #tpu.memory_space<vmem_shared>>
        tpu.wait_indirect_dma semaphore(%run_scoped3A : memref<!tpu.dma_semaphore, #tpu.memory_space<semaphore_mem>>) src(%arg22 : memref<128x16xf32, #tpu.memory_space<vmem>>) dst(%dma_wait3A_386 : memref<50048x16xf32, #tpu.memory_space<vmem_shared>>)
        tpu.yield
      }) : () -> ()
    }
    %barrier3A_180 = arith.constant 0 : index
    tpu.barrier barrier_id(%barrier3A_180)
    "tpu.region"() ({
      %run_scoped3A = tpu.sem_alloc : memref<!tpu.dma_semaphore, #tpu.memory_space<semaphore_mem>>
      %dma_start3A = arith.constant 0 : i32
      %dma_start3A_370 = tpu.memref_slice %arg15[%arg0, %mul3A_136, %dma_start3A] : memref<2x50048x16xf32, #tpu.memory_space<hbm>> -> memref<1x3128x16xf32, #tpu.memory_space<hbm>>
      %dma_start3A_371 = tpu.memref_squeeze %dma_start3A_370 : memref<1x3128x16xf32, #tpu.memory_space<hbm>> -> memref<3128x16xf32, #tpu.memory_space<hbm>>
      %dma_start3A_372 = arith.constant 0 : i32
      %dma_start3A_373 = tpu.memref_slice %arg24[%mul3A_136, %dma_start3A_372] : memref<50048x16xf32, #tpu.memory_space<vmem_shared>> -> memref<3128x16xf32, #tpu.memory_space<vmem_shared>>
      tpu.enqueue_dma source(%dma_start3A_373 : memref<3128x16xf32, #tpu.memory_space<vmem_shared>>) target(%dma_start3A_371 : memref<3128x16xf32, #tpu.memory_space<hbm>>) target_semaphore(%run_scoped3A : memref<!tpu.dma_semaphore, #tpu.memory_space<semaphore_mem>>)
      %dma_wait3A = arith.constant 0 : i32
      %dma_wait3A_374 = tpu.memref_slice %arg15[%arg0, %mul3A_136, %dma_wait3A] : memref<2x50048x16xf32, #tpu.memory_space<hbm>> -> memref<1x3128x16xf32, #tpu.memory_space<hbm>>
      %dma_wait3A_375 = tpu.memref_squeeze %dma_wait3A_374 : memref<1x3128x16xf32, #tpu.memory_space<hbm>> -> memref<3128x16xf32, #tpu.memory_space<hbm>>
      %dma_wait3A_376 = arith.constant 0 : i32
      %dma_wait3A_377 = tpu.memref_slice %arg24[%mul3A_136, %dma_wait3A_376] : memref<50048x16xf32, #tpu.memory_space<vmem_shared>> -> memref<3128x16xf32, #tpu.memory_space<vmem_shared>>
      tpu.wait_dma2 semaphore(%run_scoped3A : memref<!tpu.dma_semaphore, #tpu.memory_space<semaphore_mem>>) src(%dma_wait3A_377 : memref<3128x16xf32, #tpu.memory_space<vmem_shared>>) dst(%dma_wait3A_375 : memref<3128x16xf32, #tpu.memory_space<hbm>>)
      tpu.yield
    }) : () -> ()
    %barrier3A_181 = arith.constant 0 : index
    tpu.barrier barrier_id(%barrier3A_181)
    %mul3A_182 = arith.constant 3128 : i32
    %mul3A_183 = arith.muli %arg1, %mul3A_182 : i32
    "tpu.region"() ({
      %run_scoped3A = tpu.sem_alloc : memref<!tpu.dma_semaphore, #tpu.memory_space<semaphore_mem>>
      %dma_start3A = arith.constant 0 : i32
      %dma_start3A_370 = tpu.memref_slice %arg24[%mul3A_183, %dma_start3A] : memref<50048x16xf32, #tpu.memory_space<vmem_shared>> -> memref<3128x16xf32, #tpu.memory_space<vmem_shared>>
      %dma_start3A_371 = arith.constant 0 : i32
      %dma_start3A_372 = tpu.memref_slice %arg24[%mul3A_183, %dma_start3A_371] : memref<50048x16xf32, #tpu.memory_space<vmem_shared>> -> memref<3128x16xf32, #tpu.memory_space<vmem_shared>>
      tpu.enqueue_dma source(%arg23 : memref<3128x16xf32, #tpu.memory_space<vmem>>) target(%dma_start3A_372 : memref<3128x16xf32, #tpu.memory_space<vmem_shared>>) target_semaphore(%run_scoped3A : memref<!tpu.dma_semaphore, #tpu.memory_space<semaphore_mem>>)
      %dma_wait3A = arith.constant 0 : i32
      %dma_wait3A_373 = tpu.memref_slice %arg24[%mul3A_183, %dma_wait3A] : memref<50048x16xf32, #tpu.memory_space<vmem_shared>> -> memref<3128x16xf32, #tpu.memory_space<vmem_shared>>
      %dma_wait3A_374 = arith.constant 0 : i32
      %dma_wait3A_375 = tpu.memref_slice %arg24[%mul3A_183, %dma_wait3A_374] : memref<50048x16xf32, #tpu.memory_space<vmem_shared>> -> memref<3128x16xf32, #tpu.memory_space<vmem_shared>>
      tpu.wait_dma2 semaphore(%run_scoped3A : memref<!tpu.dma_semaphore, #tpu.memory_space<semaphore_mem>>) src(%arg23 : memref<3128x16xf32, #tpu.memory_space<vmem>>) dst(%dma_wait3A_375 : memref<3128x16xf32, #tpu.memory_space<vmem_shared>>)
      tpu.yield
    }) : () -> ()
    %barrier3A_184 = arith.constant 0 : index
    tpu.barrier barrier_id(%barrier3A_184)
    %sub3A_185 = arith.constant 3125 : i32
    %sub3A_186 = arith.subi %sub3A_185, %arg1 : i32
    %add3A_187 = arith.constant 16 : i32
    %add3A_188 = arith.addi %sub3A_186, %add3A_187 : i32
    %sub3A_189 = arith.constant 1 : i32
    %sub3A_190 = arith.subi %add3A_188, %sub3A_189 : i32
    %jit3A_191 = arith.constant 16 : i32
    %div3A_192 = arith.divsi %sub3A_190, %jit3A_191 : i32
    %sign3A_193 = arith.constant 0 : i32
    %sign3A_194 = arith.cmpi sgt, %sub3A_190, %sign3A_193 : i32
    %sign3A_195 = arith.extui %sign3A_194 : i1 to i32
    %sign3A_196 = arith.constant 0 : i32
    %sign3A_197 = arith.cmpi slt, %sub3A_190, %sign3A_196 : i32
    %sign3A_198 = arith.extui %sign3A_197 : i1 to i32
    %sign3A_199 = arith.subi %sign3A_195, %sign3A_198 : i32
    %sign3A_200 = arith.constant 0 : i32
    %sign3A_201 = arith.cmpi sgt, %jit3A_191, %sign3A_200 : i32
    %sign3A_202 = arith.extui %sign3A_201 : i1 to i32
    %sign3A_203 = arith.constant 0 : i32
    %sign3A_204 = arith.cmpi slt, %jit3A_191, %sign3A_203 : i32
    %sign3A_205 = arith.extui %sign3A_204 : i1 to i32
    %sign3A_206 = arith.subi %sign3A_202, %sign3A_205 : i32
    %ne3A_207 = arith.cmpi ne, %sign3A_199, %sign3A_206 : i32
    %rem3A_208 = arith.remsi %sub3A_190, %jit3A_191 : i32
    %ne3A_209 = arith.constant 0 : i32
    %ne3A_210 = arith.cmpi ne, %rem3A_208, %ne3A_209 : i32
    %and3A_211 = arith.andi %ne3A_207, %ne3A_210 : i1
    %sub3A_212 = arith.constant 1 : i32
    %sub3A_213 = arith.subi %div3A_192, %sub3A_212 : i32
    %select_n3A_214 = arith.select %and3A_211, %sub3A_213, %div3A_192 : i32
    %mul3A_215 = arith.constant 400000 : i32
    %mul3A_216 = arith.muli %arg0, %mul3A_215 : i32
    %while3A_217 = arith.constant 0 : i32
    %while3A_218 = arith.constant 0 : i32
    %while3A_219 = arith.subi %select_n3A_214, %while3A_218 : i32
    %while3A_220 = arith.addi %while3A_218, %while3A_219 : i32
    %while3A_221 = arith.constant 1 : i32
    %while3A_222 = arith.divsi %while3A_219, %while3A_221 : i32
    %while3A_223 = arith.muli %while3A_222, %while3A_221 : i32
    %while3A_224 = arith.addi %while3A_218, %while3A_223 : i32
    %while3A_225 = arith.constant 1 : i32
    scf.for %while3A_370 = %while3A_218 to %while3A_224 step %while3A_225  : i32 {
      %mul3A_371 = arith.constant 16 : i32
      %mul3A_372 = arith.muli %while3A_370, %mul3A_371 : i32
      %add3A_373 = arith.addi %arg1, %mul3A_372 : i32
      %mul3A_374 = arith.constant 128 : i32
      %mul3A_375 = arith.muli %add3A_373, %mul3A_374 : i32
      %add3A_376 = arith.addi %mul3A_216, %mul3A_375 : i32
      "tpu.region"() ({
        %run_scoped3A = tpu.sem_alloc : memref<!tpu.dma_semaphore, #tpu.memory_space<semaphore_mem>>
        %dma_start3A_381 = tpu.memref_slice %arg10[%add3A_376] : memref<800000xi32, #tpu.memory_space<hbm>> -> memref<128xi32, #tpu.memory_space<hbm>>
        %dma_start3A_382 = tpu.memref_slice %arg10[%add3A_376] : memref<800000xi32, #tpu.memory_space<hbm>> -> memref<128xi32, #tpu.memory_space<hbm>>
        tpu.enqueue_dma source(%dma_start3A_382 : memref<128xi32, #tpu.memory_space<hbm>>) target(%arg20 : memref<128xi32, #tpu.memory_space<vmem>>) target_semaphore(%run_scoped3A : memref<!tpu.dma_semaphore, #tpu.memory_space<semaphore_mem>>)
        %dma_wait3A_383 = tpu.memref_slice %arg10[%add3A_376] : memref<800000xi32, #tpu.memory_space<hbm>> -> memref<128xi32, #tpu.memory_space<hbm>>
        %dma_wait3A_384 = tpu.memref_slice %arg10[%add3A_376] : memref<800000xi32, #tpu.memory_space<hbm>> -> memref<128xi32, #tpu.memory_space<hbm>>
        tpu.wait_dma2 semaphore(%run_scoped3A : memref<!tpu.dma_semaphore, #tpu.memory_space<semaphore_mem>>) src(%dma_wait3A_384 : memref<128xi32, #tpu.memory_space<hbm>>) dst(%arg20 : memref<128xi32, #tpu.memory_space<vmem>>)
        tpu.yield
      }) : () -> ()
      "tpu.region"() ({
        %run_scoped3A = tpu.sem_alloc : memref<!tpu.dma_semaphore, #tpu.memory_space<semaphore_mem>>
        %dma_start3A_381 = tpu.memref_slice %arg11[%add3A_376] : memref<800000xi32, #tpu.memory_space<hbm>> -> memref<128xi32, #tpu.memory_space<hbm>>
        %dma_start3A_382 = tpu.memref_slice %arg11[%add3A_376] : memref<800000xi32, #tpu.memory_space<hbm>> -> memref<128xi32, #tpu.memory_space<hbm>>
        tpu.enqueue_dma source(%dma_start3A_382 : memref<128xi32, #tpu.memory_space<hbm>>) target(%arg21 : memref<128xi32, #tpu.memory_space<vmem>>) target_semaphore(%run_scoped3A : memref<!tpu.dma_semaphore, #tpu.memory_space<semaphore_mem>>)
        %dma_wait3A_383 = tpu.memref_slice %arg11[%add3A_376] : memref<800000xi32, #tpu.memory_space<hbm>> -> memref<128xi32, #tpu.memory_space<hbm>>
        %dma_wait3A_384 = tpu.memref_slice %arg11[%add3A_376] : memref<800000xi32, #tpu.memory_space<hbm>> -> memref<128xi32, #tpu.memory_space<hbm>>
        tpu.wait_dma2 semaphore(%run_scoped3A : memref<!tpu.dma_semaphore, #tpu.memory_space<semaphore_mem>>) src(%dma_wait3A_384 : memref<128xi32, #tpu.memory_space<hbm>>) dst(%arg21 : memref<128xi32, #tpu.memory_space<vmem>>)
        tpu.yield
      }) : () -> ()
      %dma_start3A = arith.constant 0 : i32
      %dma_start3A_377 = arith.constant 0 : i32
      %dma_start3A_378 = tpu.memref_slice %arg6[%dma_start3A, %dma_start3A_377] : memref<50000x16xf32, #tpu.memory_space<hbm>> -> memref<50000x16xf32, #tpu.memory_space<hbm>>
      tpu.enqueue_indirect_dma source(%dma_start3A_378 : memref<50000x16xf32, #tpu.memory_space<hbm>>) target(%arg22 : memref<128x16xf32, #tpu.memory_space<vmem>>) offsets(%arg20 : memref<128xi32, #tpu.memory_space<vmem>>) semaphore(%arg25 : memref<!tpu.dma_semaphore, #tpu.memory_space<semaphore_mem>>)
      %dma_wait3A = arith.constant 0 : i32
      %dma_wait3A_379 = arith.constant 0 : i32
      %dma_wait3A_380 = tpu.memref_slice %arg6[%dma_wait3A, %dma_wait3A_379] : memref<50000x16xf32, #tpu.memory_space<hbm>> -> memref<50000x16xf32, #tpu.memory_space<hbm>>
      tpu.wait_indirect_dma semaphore(%arg25 : memref<!tpu.dma_semaphore, #tpu.memory_space<semaphore_mem>>) src(%dma_wait3A_380 : memref<50000x16xf32, #tpu.memory_space<hbm>>) dst(%arg22 : memref<128x16xf32, #tpu.memory_space<vmem>>)
      "tpu.region"() ({
        %run_scoped3A = tpu.sem_alloc : memref<!tpu.dma_semaphore, #tpu.memory_space<semaphore_mem>>
        %dma_start3A_381 = arith.constant 0 : i32
        %dma_start3A_382 = arith.constant 0 : i32
        %dma_start3A_383 = tpu.memref_slice %arg24[%dma_start3A_381, %dma_start3A_382] : memref<50048x16xf32, #tpu.memory_space<vmem_shared>> -> memref<50048x16xf32, #tpu.memory_space<vmem_shared>>
        tpu.enqueue_indirect_dma source(%arg22 : memref<128x16xf32, #tpu.memory_space<vmem>>) target(%dma_start3A_383 : memref<50048x16xf32, #tpu.memory_space<vmem_shared>>) offsets(%arg21 : memref<128xi32, #tpu.memory_space<vmem>>) semaphore(%run_scoped3A : memref<!tpu.dma_semaphore, #tpu.memory_space<semaphore_mem>>) {add = true}
        %dma_wait3A_384 = arith.constant 0 : i32
        %dma_wait3A_385 = arith.constant 0 : i32
        %dma_wait3A_386 = tpu.memref_slice %arg24[%dma_wait3A_384, %dma_wait3A_385] : memref<50048x16xf32, #tpu.memory_space<vmem_shared>> -> memref<50048x16xf32, #tpu.memory_space<vmem_shared>>
        tpu.wait_indirect_dma semaphore(%run_scoped3A : memref<!tpu.dma_semaphore, #tpu.memory_space<semaphore_mem>>) src(%arg22 : memref<128x16xf32, #tpu.memory_space<vmem>>) dst(%dma_wait3A_386 : memref<50048x16xf32, #tpu.memory_space<vmem_shared>>)
        tpu.yield
      }) : () -> ()
    }
    %while3A_226 = arith.constant 1 : i32
    scf.for %while3A_370 = %while3A_224 to %while3A_220 step %while3A_226  : i32 {
      %mul3A_371 = arith.constant 16 : i32
      %mul3A_372 = arith.muli %while3A_370, %mul3A_371 : i32
      %add3A_373 = arith.addi %arg1, %mul3A_372 : i32
      %mul3A_374 = arith.constant 128 : i32
      %mul3A_375 = arith.muli %add3A_373, %mul3A_374 : i32
      %add3A_376 = arith.addi %mul3A_216, %mul3A_375 : i32
      "tpu.region"() ({
        %run_scoped3A = tpu.sem_alloc : memref<!tpu.dma_semaphore, #tpu.memory_space<semaphore_mem>>
        %dma_start3A_381 = tpu.memref_slice %arg10[%add3A_376] : memref<800000xi32, #tpu.memory_space<hbm>> -> memref<128xi32, #tpu.memory_space<hbm>>
        %dma_start3A_382 = tpu.memref_slice %arg10[%add3A_376] : memref<800000xi32, #tpu.memory_space<hbm>> -> memref<128xi32, #tpu.memory_space<hbm>>
        tpu.enqueue_dma source(%dma_start3A_382 : memref<128xi32, #tpu.memory_space<hbm>>) target(%arg20 : memref<128xi32, #tpu.memory_space<vmem>>) target_semaphore(%run_scoped3A : memref<!tpu.dma_semaphore, #tpu.memory_space<semaphore_mem>>)
        %dma_wait3A_383 = tpu.memref_slice %arg10[%add3A_376] : memref<800000xi32, #tpu.memory_space<hbm>> -> memref<128xi32, #tpu.memory_space<hbm>>
        %dma_wait3A_384 = tpu.memref_slice %arg10[%add3A_376] : memref<800000xi32, #tpu.memory_space<hbm>> -> memref<128xi32, #tpu.memory_space<hbm>>
        tpu.wait_dma2 semaphore(%run_scoped3A : memref<!tpu.dma_semaphore, #tpu.memory_space<semaphore_mem>>) src(%dma_wait3A_384 : memref<128xi32, #tpu.memory_space<hbm>>) dst(%arg20 : memref<128xi32, #tpu.memory_space<vmem>>)
        tpu.yield
      }) : () -> ()
      "tpu.region"() ({
        %run_scoped3A = tpu.sem_alloc : memref<!tpu.dma_semaphore, #tpu.memory_space<semaphore_mem>>
        %dma_start3A_381 = tpu.memref_slice %arg11[%add3A_376] : memref<800000xi32, #tpu.memory_space<hbm>> -> memref<128xi32, #tpu.memory_space<hbm>>
        %dma_start3A_382 = tpu.memref_slice %arg11[%add3A_376] : memref<800000xi32, #tpu.memory_space<hbm>> -> memref<128xi32, #tpu.memory_space<hbm>>
        tpu.enqueue_dma source(%dma_start3A_382 : memref<128xi32, #tpu.memory_space<hbm>>) target(%arg21 : memref<128xi32, #tpu.memory_space<vmem>>) target_semaphore(%run_scoped3A : memref<!tpu.dma_semaphore, #tpu.memory_space<semaphore_mem>>)
        %dma_wait3A_383 = tpu.memref_slice %arg11[%add3A_376] : memref<800000xi32, #tpu.memory_space<hbm>> -> memref<128xi32, #tpu.memory_space<hbm>>
        %dma_wait3A_384 = tpu.memref_slice %arg11[%add3A_376] : memref<800000xi32, #tpu.memory_space<hbm>> -> memref<128xi32, #tpu.memory_space<hbm>>
        tpu.wait_dma2 semaphore(%run_scoped3A : memref<!tpu.dma_semaphore, #tpu.memory_space<semaphore_mem>>) src(%dma_wait3A_384 : memref<128xi32, #tpu.memory_space<hbm>>) dst(%arg21 : memref<128xi32, #tpu.memory_space<vmem>>)
        tpu.yield
      }) : () -> ()
      %dma_start3A = arith.constant 0 : i32
      %dma_start3A_377 = arith.constant 0 : i32
      %dma_start3A_378 = tpu.memref_slice %arg6[%dma_start3A, %dma_start3A_377] : memref<50000x16xf32, #tpu.memory_space<hbm>> -> memref<50000x16xf32, #tpu.memory_space<hbm>>
      tpu.enqueue_indirect_dma source(%dma_start3A_378 : memref<50000x16xf32, #tpu.memory_space<hbm>>) target(%arg22 : memref<128x16xf32, #tpu.memory_space<vmem>>) offsets(%arg20 : memref<128xi32, #tpu.memory_space<vmem>>) semaphore(%arg25 : memref<!tpu.dma_semaphore, #tpu.memory_space<semaphore_mem>>)
      %dma_wait3A = arith.constant 0 : i32
      %dma_wait3A_379 = arith.constant 0 : i32
      %dma_wait3A_380 = tpu.memref_slice %arg6[%dma_wait3A, %dma_wait3A_379] : memref<50000x16xf32, #tpu.memory_space<hbm>> -> memref<50000x16xf32, #tpu.memory_space<hbm>>
      tpu.wait_indirect_dma semaphore(%arg25 : memref<!tpu.dma_semaphore, #tpu.memory_space<semaphore_mem>>) src(%dma_wait3A_380 : memref<50000x16xf32, #tpu.memory_space<hbm>>) dst(%arg22 : memref<128x16xf32, #tpu.memory_space<vmem>>)
      "tpu.region"() ({
        %run_scoped3A = tpu.sem_alloc : memref<!tpu.dma_semaphore, #tpu.memory_space<semaphore_mem>>
        %dma_start3A_381 = arith.constant 0 : i32
        %dma_start3A_382 = arith.constant 0 : i32
        %dma_start3A_383 = tpu.memref_slice %arg24[%dma_start3A_381, %dma_start3A_382] : memref<50048x16xf32, #tpu.memory_space<vmem_shared>> -> memref<50048x16xf32, #tpu.memory_space<vmem_shared>>
        tpu.enqueue_indirect_dma source(%arg22 : memref<128x16xf32, #tpu.memory_space<vmem>>) target(%dma_start3A_383 : memref<50048x16xf32, #tpu.memory_space<vmem_shared>>) offsets(%arg21 : memref<128xi32, #tpu.memory_space<vmem>>) semaphore(%run_scoped3A : memref<!tpu.dma_semaphore, #tpu.memory_space<semaphore_mem>>) {add = true}
        %dma_wait3A_384 = arith.constant 0 : i32
        %dma_wait3A_385 = arith.constant 0 : i32
        %dma_wait3A_386 = tpu.memref_slice %arg24[%dma_wait3A_384, %dma_wait3A_385] : memref<50048x16xf32, #tpu.memory_space<vmem_shared>> -> memref<50048x16xf32, #tpu.memory_space<vmem_shared>>
        tpu.wait_indirect_dma semaphore(%run_scoped3A : memref<!tpu.dma_semaphore, #tpu.memory_space<semaphore_mem>>) src(%arg22 : memref<128x16xf32, #tpu.memory_space<vmem>>) dst(%dma_wait3A_386 : memref<50048x16xf32, #tpu.memory_space<vmem_shared>>)
        tpu.yield
      }) : () -> ()
    }
    %barrier3A_227 = arith.constant 0 : index
    tpu.barrier barrier_id(%barrier3A_227)
    "tpu.region"() ({
      %run_scoped3A = tpu.sem_alloc : memref<!tpu.dma_semaphore, #tpu.memory_space<semaphore_mem>>
      %dma_start3A = arith.constant 0 : i32
      %dma_start3A_370 = tpu.memref_slice %arg16[%arg0, %mul3A_183, %dma_start3A] : memref<2x50048x16xf32, #tpu.memory_space<hbm>> -> memref<1x3128x16xf32, #tpu.memory_space<hbm>>
      %dma_start3A_371 = tpu.memref_squeeze %dma_start3A_370 : memref<1x3128x16xf32, #tpu.memory_space<hbm>> -> memref<3128x16xf32, #tpu.memory_space<hbm>>
      %dma_start3A_372 = arith.constant 0 : i32
      %dma_start3A_373 = tpu.memref_slice %arg24[%mul3A_183, %dma_start3A_372] : memref<50048x16xf32, #tpu.memory_space<vmem_shared>> -> memref<3128x16xf32, #tpu.memory_space<vmem_shared>>
      tpu.enqueue_dma source(%dma_start3A_373 : memref<3128x16xf32, #tpu.memory_space<vmem_shared>>) target(%dma_start3A_371 : memref<3128x16xf32, #tpu.memory_space<hbm>>) target_semaphore(%run_scoped3A : memref<!tpu.dma_semaphore, #tpu.memory_space<semaphore_mem>>)
      %dma_wait3A = arith.constant 0 : i32
      %dma_wait3A_374 = tpu.memref_slice %arg16[%arg0, %mul3A_183, %dma_wait3A] : memref<2x50048x16xf32, #tpu.memory_space<hbm>> -> memref<1x3128x16xf32, #tpu.memory_space<hbm>>
      %dma_wait3A_375 = tpu.memref_squeeze %dma_wait3A_374 : memref<1x3128x16xf32, #tpu.memory_space<hbm>> -> memref<3128x16xf32, #tpu.memory_space<hbm>>
      %dma_wait3A_376 = arith.constant 0 : i32
      %dma_wait3A_377 = tpu.memref_slice %arg24[%mul3A_183, %dma_wait3A_376] : memref<50048x16xf32, #tpu.memory_space<vmem_shared>> -> memref<3128x16xf32, #tpu.memory_space<vmem_shared>>
      tpu.wait_dma2 semaphore(%run_scoped3A : memref<!tpu.dma_semaphore, #tpu.memory_space<semaphore_mem>>) src(%dma_wait3A_377 : memref<3128x16xf32, #tpu.memory_space<vmem_shared>>) dst(%dma_wait3A_375 : memref<3128x16xf32, #tpu.memory_space<hbm>>)
      tpu.yield
    }) : () -> ()
    %barrier3A_228 = arith.constant 0 : index
    tpu.barrier barrier_id(%barrier3A_228)
    %mul3A_229 = arith.constant 3128 : i32
    %mul3A_230 = arith.muli %arg1, %mul3A_229 : i32
    "tpu.region"() ({
      %run_scoped3A = tpu.sem_alloc : memref<!tpu.dma_semaphore, #tpu.memory_space<semaphore_mem>>
      %dma_start3A = arith.constant 0 : i32
      %dma_start3A_370 = tpu.memref_slice %arg24[%mul3A_230, %dma_start3A] : memref<50048x16xf32, #tpu.memory_space<vmem_shared>> -> memref<3128x16xf32, #tpu.memory_space<vmem_shared>>
      %dma_start3A_371 = arith.constant 0 : i32
      %dma_start3A_372 = tpu.memref_slice %arg24[%mul3A_230, %dma_start3A_371] : memref<50048x16xf32, #tpu.memory_space<vmem_shared>> -> memref<3128x16xf32, #tpu.memory_space<vmem_shared>>
      tpu.enqueue_dma source(%arg23 : memref<3128x16xf32, #tpu.memory_space<vmem>>) target(%dma_start3A_372 : memref<3128x16xf32, #tpu.memory_space<vmem_shared>>) target_semaphore(%run_scoped3A : memref<!tpu.dma_semaphore, #tpu.memory_space<semaphore_mem>>)
      %dma_wait3A = arith.constant 0 : i32
      %dma_wait3A_373 = tpu.memref_slice %arg24[%mul3A_230, %dma_wait3A] : memref<50048x16xf32, #tpu.memory_space<vmem_shared>> -> memref<3128x16xf32, #tpu.memory_space<vmem_shared>>
      %dma_wait3A_374 = arith.constant 0 : i32
      %dma_wait3A_375 = tpu.memref_slice %arg24[%mul3A_230, %dma_wait3A_374] : memref<50048x16xf32, #tpu.memory_space<vmem_shared>> -> memref<3128x16xf32, #tpu.memory_space<vmem_shared>>
      tpu.wait_dma2 semaphore(%run_scoped3A : memref<!tpu.dma_semaphore, #tpu.memory_space<semaphore_mem>>) src(%arg23 : memref<3128x16xf32, #tpu.memory_space<vmem>>) dst(%dma_wait3A_375 : memref<3128x16xf32, #tpu.memory_space<vmem_shared>>)
      tpu.yield
    }) : () -> ()
    %barrier3A_231 = arith.constant 0 : index
    tpu.barrier barrier_id(%barrier3A_231)
    %sub3A_232 = arith.constant 3125 : i32
    %sub3A_233 = arith.subi %sub3A_232, %arg1 : i32
    %add3A_234 = arith.constant 16 : i32
    %add3A_235 = arith.addi %sub3A_233, %add3A_234 : i32
    %sub3A_236 = arith.constant 1 : i32
    %sub3A_237 = arith.subi %add3A_235, %sub3A_236 : i32
    %jit3A_238 = arith.constant 16 : i32
    %div3A_239 = arith.divsi %sub3A_237, %jit3A_238 : i32
    %sign3A_240 = arith.constant 0 : i32
    %sign3A_241 = arith.cmpi sgt, %sub3A_237, %sign3A_240 : i32
    %sign3A_242 = arith.extui %sign3A_241 : i1 to i32
    %sign3A_243 = arith.constant 0 : i32
    %sign3A_244 = arith.cmpi slt, %sub3A_237, %sign3A_243 : i32
    %sign3A_245 = arith.extui %sign3A_244 : i1 to i32
    %sign3A_246 = arith.subi %sign3A_242, %sign3A_245 : i32
    %sign3A_247 = arith.constant 0 : i32
    %sign3A_248 = arith.cmpi sgt, %jit3A_238, %sign3A_247 : i32
    %sign3A_249 = arith.extui %sign3A_248 : i1 to i32
    %sign3A_250 = arith.constant 0 : i32
    %sign3A_251 = arith.cmpi slt, %jit3A_238, %sign3A_250 : i32
    %sign3A_252 = arith.extui %sign3A_251 : i1 to i32
    %sign3A_253 = arith.subi %sign3A_249, %sign3A_252 : i32
    %ne3A_254 = arith.cmpi ne, %sign3A_246, %sign3A_253 : i32
    %rem3A_255 = arith.remsi %sub3A_237, %jit3A_238 : i32
    %ne3A_256 = arith.constant 0 : i32
    %ne3A_257 = arith.cmpi ne, %rem3A_255, %ne3A_256 : i32
    %and3A_258 = arith.andi %ne3A_254, %ne3A_257 : i1
    %sub3A_259 = arith.constant 1 : i32
    %sub3A_260 = arith.subi %div3A_239, %sub3A_259 : i32
    %select_n3A_261 = arith.select %and3A_258, %sub3A_260, %div3A_239 : i32
    %mul3A_262 = arith.constant 400000 : i32
    %mul3A_263 = arith.muli %arg0, %mul3A_262 : i32
    %while3A_264 = arith.constant 0 : i32
    %while3A_265 = arith.constant 0 : i32
    %while3A_266 = arith.subi %select_n3A_261, %while3A_265 : i32
    %while3A_267 = arith.addi %while3A_265, %while3A_266 : i32
    %while3A_268 = arith.constant 1 : i32
    %while3A_269 = arith.divsi %while3A_266, %while3A_268 : i32
    %while3A_270 = arith.muli %while3A_269, %while3A_268 : i32
    %while3A_271 = arith.addi %while3A_265, %while3A_270 : i32
    %while3A_272 = arith.constant 1 : i32
    scf.for %while3A_370 = %while3A_265 to %while3A_271 step %while3A_272  : i32 {
      %mul3A_371 = arith.constant 16 : i32
      %mul3A_372 = arith.muli %while3A_370, %mul3A_371 : i32
      %add3A_373 = arith.addi %arg1, %mul3A_372 : i32
      %mul3A_374 = arith.constant 128 : i32
      %mul3A_375 = arith.muli %add3A_373, %mul3A_374 : i32
      %add3A_376 = arith.addi %mul3A_263, %mul3A_375 : i32
      "tpu.region"() ({
        %run_scoped3A = tpu.sem_alloc : memref<!tpu.dma_semaphore, #tpu.memory_space<semaphore_mem>>
        %dma_start3A_381 = tpu.memref_slice %arg10[%add3A_376] : memref<800000xi32, #tpu.memory_space<hbm>> -> memref<128xi32, #tpu.memory_space<hbm>>
        %dma_start3A_382 = tpu.memref_slice %arg10[%add3A_376] : memref<800000xi32, #tpu.memory_space<hbm>> -> memref<128xi32, #tpu.memory_space<hbm>>
        tpu.enqueue_dma source(%dma_start3A_382 : memref<128xi32, #tpu.memory_space<hbm>>) target(%arg20 : memref<128xi32, #tpu.memory_space<vmem>>) target_semaphore(%run_scoped3A : memref<!tpu.dma_semaphore, #tpu.memory_space<semaphore_mem>>)
        %dma_wait3A_383 = tpu.memref_slice %arg10[%add3A_376] : memref<800000xi32, #tpu.memory_space<hbm>> -> memref<128xi32, #tpu.memory_space<hbm>>
        %dma_wait3A_384 = tpu.memref_slice %arg10[%add3A_376] : memref<800000xi32, #tpu.memory_space<hbm>> -> memref<128xi32, #tpu.memory_space<hbm>>
        tpu.wait_dma2 semaphore(%run_scoped3A : memref<!tpu.dma_semaphore, #tpu.memory_space<semaphore_mem>>) src(%dma_wait3A_384 : memref<128xi32, #tpu.memory_space<hbm>>) dst(%arg20 : memref<128xi32, #tpu.memory_space<vmem>>)
        tpu.yield
      }) : () -> ()
      "tpu.region"() ({
        %run_scoped3A = tpu.sem_alloc : memref<!tpu.dma_semaphore, #tpu.memory_space<semaphore_mem>>
        %dma_start3A_381 = tpu.memref_slice %arg11[%add3A_376] : memref<800000xi32, #tpu.memory_space<hbm>> -> memref<128xi32, #tpu.memory_space<hbm>>
        %dma_start3A_382 = tpu.memref_slice %arg11[%add3A_376] : memref<800000xi32, #tpu.memory_space<hbm>> -> memref<128xi32, #tpu.memory_space<hbm>>
        tpu.enqueue_dma source(%dma_start3A_382 : memref<128xi32, #tpu.memory_space<hbm>>) target(%arg21 : memref<128xi32, #tpu.memory_space<vmem>>) target_semaphore(%run_scoped3A : memref<!tpu.dma_semaphore, #tpu.memory_space<semaphore_mem>>)
        %dma_wait3A_383 = tpu.memref_slice %arg11[%add3A_376] : memref<800000xi32, #tpu.memory_space<hbm>> -> memref<128xi32, #tpu.memory_space<hbm>>
        %dma_wait3A_384 = tpu.memref_slice %arg11[%add3A_376] : memref<800000xi32, #tpu.memory_space<hbm>> -> memref<128xi32, #tpu.memory_space<hbm>>
        tpu.wait_dma2 semaphore(%run_scoped3A : memref<!tpu.dma_semaphore, #tpu.memory_space<semaphore_mem>>) src(%dma_wait3A_384 : memref<128xi32, #tpu.memory_space<hbm>>) dst(%arg21 : memref<128xi32, #tpu.memory_space<vmem>>)
        tpu.yield
      }) : () -> ()
      %dma_start3A = arith.constant 0 : i32
      %dma_start3A_377 = arith.constant 0 : i32
      %dma_start3A_378 = tpu.memref_slice %arg7[%dma_start3A, %dma_start3A_377] : memref<50000x16xf32, #tpu.memory_space<hbm>> -> memref<50000x16xf32, #tpu.memory_space<hbm>>
      tpu.enqueue_indirect_dma source(%dma_start3A_378 : memref<50000x16xf32, #tpu.memory_space<hbm>>) target(%arg22 : memref<128x16xf32, #tpu.memory_space<vmem>>) offsets(%arg20 : memref<128xi32, #tpu.memory_space<vmem>>) semaphore(%arg25 : memref<!tpu.dma_semaphore, #tpu.memory_space<semaphore_mem>>)
      %dma_wait3A = arith.constant 0 : i32
      %dma_wait3A_379 = arith.constant 0 : i32
      %dma_wait3A_380 = tpu.memref_slice %arg7[%dma_wait3A, %dma_wait3A_379] : memref<50000x16xf32, #tpu.memory_space<hbm>> -> memref<50000x16xf32, #tpu.memory_space<hbm>>
      tpu.wait_indirect_dma semaphore(%arg25 : memref<!tpu.dma_semaphore, #tpu.memory_space<semaphore_mem>>) src(%dma_wait3A_380 : memref<50000x16xf32, #tpu.memory_space<hbm>>) dst(%arg22 : memref<128x16xf32, #tpu.memory_space<vmem>>)
      "tpu.region"() ({
        %run_scoped3A = tpu.sem_alloc : memref<!tpu.dma_semaphore, #tpu.memory_space<semaphore_mem>>
        %dma_start3A_381 = arith.constant 0 : i32
        %dma_start3A_382 = arith.constant 0 : i32
        %dma_start3A_383 = tpu.memref_slice %arg24[%dma_start3A_381, %dma_start3A_382] : memref<50048x16xf32, #tpu.memory_space<vmem_shared>> -> memref<50048x16xf32, #tpu.memory_space<vmem_shared>>
        tpu.enqueue_indirect_dma source(%arg22 : memref<128x16xf32, #tpu.memory_space<vmem>>) target(%dma_start3A_383 : memref<50048x16xf32, #tpu.memory_space<vmem_shared>>) offsets(%arg21 : memref<128xi32, #tpu.memory_space<vmem>>) semaphore(%run_scoped3A : memref<!tpu.dma_semaphore, #tpu.memory_space<semaphore_mem>>) {add = true}
        %dma_wait3A_384 = arith.constant 0 : i32
        %dma_wait3A_385 = arith.constant 0 : i32
        %dma_wait3A_386 = tpu.memref_slice %arg24[%dma_wait3A_384, %dma_wait3A_385] : memref<50048x16xf32, #tpu.memory_space<vmem_shared>> -> memref<50048x16xf32, #tpu.memory_space<vmem_shared>>
        tpu.wait_indirect_dma semaphore(%run_scoped3A : memref<!tpu.dma_semaphore, #tpu.memory_space<semaphore_mem>>) src(%arg22 : memref<128x16xf32, #tpu.memory_space<vmem>>) dst(%dma_wait3A_386 : memref<50048x16xf32, #tpu.memory_space<vmem_shared>>)
        tpu.yield
      }) : () -> ()
    }
    %while3A_273 = arith.constant 1 : i32
    scf.for %while3A_370 = %while3A_271 to %while3A_267 step %while3A_273  : i32 {
      %mul3A_371 = arith.constant 16 : i32
      %mul3A_372 = arith.muli %while3A_370, %mul3A_371 : i32
      %add3A_373 = arith.addi %arg1, %mul3A_372 : i32
      %mul3A_374 = arith.constant 128 : i32
      %mul3A_375 = arith.muli %add3A_373, %mul3A_374 : i32
      %add3A_376 = arith.addi %mul3A_263, %mul3A_375 : i32
      "tpu.region"() ({
        %run_scoped3A = tpu.sem_alloc : memref<!tpu.dma_semaphore, #tpu.memory_space<semaphore_mem>>
        %dma_start3A_381 = tpu.memref_slice %arg10[%add3A_376] : memref<800000xi32, #tpu.memory_space<hbm>> -> memref<128xi32, #tpu.memory_space<hbm>>
        %dma_start3A_382 = tpu.memref_slice %arg10[%add3A_376] : memref<800000xi32, #tpu.memory_space<hbm>> -> memref<128xi32, #tpu.memory_space<hbm>>
        tpu.enqueue_dma source(%dma_start3A_382 : memref<128xi32, #tpu.memory_space<hbm>>) target(%arg20 : memref<128xi32, #tpu.memory_space<vmem>>) target_semaphore(%run_scoped3A : memref<!tpu.dma_semaphore, #tpu.memory_space<semaphore_mem>>)
        %dma_wait3A_383 = tpu.memref_slice %arg10[%add3A_376] : memref<800000xi32, #tpu.memory_space<hbm>> -> memref<128xi32, #tpu.memory_space<hbm>>
        %dma_wait3A_384 = tpu.memref_slice %arg10[%add3A_376] : memref<800000xi32, #tpu.memory_space<hbm>> -> memref<128xi32, #tpu.memory_space<hbm>>
        tpu.wait_dma2 semaphore(%run_scoped3A : memref<!tpu.dma_semaphore, #tpu.memory_space<semaphore_mem>>) src(%dma_wait3A_384 : memref<128xi32, #tpu.memory_space<hbm>>) dst(%arg20 : memref<128xi32, #tpu.memory_space<vmem>>)
        tpu.yield
      }) : () -> ()
      "tpu.region"() ({
        %run_scoped3A = tpu.sem_alloc : memref<!tpu.dma_semaphore, #tpu.memory_space<semaphore_mem>>
        %dma_start3A_381 = tpu.memref_slice %arg11[%add3A_376] : memref<800000xi32, #tpu.memory_space<hbm>> -> memref<128xi32, #tpu.memory_space<hbm>>
        %dma_start3A_382 = tpu.memref_slice %arg11[%add3A_376] : memref<800000xi32, #tpu.memory_space<hbm>> -> memref<128xi32, #tpu.memory_space<hbm>>
        tpu.enqueue_dma source(%dma_start3A_382 : memref<128xi32, #tpu.memory_space<hbm>>) target(%arg21 : memref<128xi32, #tpu.memory_space<vmem>>) target_semaphore(%run_scoped3A : memref<!tpu.dma_semaphore, #tpu.memory_space<semaphore_mem>>)
        %dma_wait3A_383 = tpu.memref_slice %arg11[%add3A_376] : memref<800000xi32, #tpu.memory_space<hbm>> -> memref<128xi32, #tpu.memory_space<hbm>>
        %dma_wait3A_384 = tpu.memref_slice %arg11[%add3A_376] : memref<800000xi32, #tpu.memory_space<hbm>> -> memref<128xi32, #tpu.memory_space<hbm>>
        tpu.wait_dma2 semaphore(%run_scoped3A : memref<!tpu.dma_semaphore, #tpu.memory_space<semaphore_mem>>) src(%dma_wait3A_384 : memref<128xi32, #tpu.memory_space<hbm>>) dst(%arg21 : memref<128xi32, #tpu.memory_space<vmem>>)
        tpu.yield
      }) : () -> ()
      %dma_start3A = arith.constant 0 : i32
      %dma_start3A_377 = arith.constant 0 : i32
      %dma_start3A_378 = tpu.memref_slice %arg7[%dma_start3A, %dma_start3A_377] : memref<50000x16xf32, #tpu.memory_space<hbm>> -> memref<50000x16xf32, #tpu.memory_space<hbm>>
      tpu.enqueue_indirect_dma source(%dma_start3A_378 : memref<50000x16xf32, #tpu.memory_space<hbm>>) target(%arg22 : memref<128x16xf32, #tpu.memory_space<vmem>>) offsets(%arg20 : memref<128xi32, #tpu.memory_space<vmem>>) semaphore(%arg25 : memref<!tpu.dma_semaphore, #tpu.memory_space<semaphore_mem>>)
      %dma_wait3A = arith.constant 0 : i32
      %dma_wait3A_379 = arith.constant 0 : i32
      %dma_wait3A_380 = tpu.memref_slice %arg7[%dma_wait3A, %dma_wait3A_379] : memref<50000x16xf32, #tpu.memory_space<hbm>> -> memref<50000x16xf32, #tpu.memory_space<hbm>>
      tpu.wait_indirect_dma semaphore(%arg25 : memref<!tpu.dma_semaphore, #tpu.memory_space<semaphore_mem>>) src(%dma_wait3A_380 : memref<50000x16xf32, #tpu.memory_space<hbm>>) dst(%arg22 : memref<128x16xf32, #tpu.memory_space<vmem>>)
      "tpu.region"() ({
        %run_scoped3A = tpu.sem_alloc : memref<!tpu.dma_semaphore, #tpu.memory_space<semaphore_mem>>
        %dma_start3A_381 = arith.constant 0 : i32
        %dma_start3A_382 = arith.constant 0 : i32
        %dma_start3A_383 = tpu.memref_slice %arg24[%dma_start3A_381, %dma_start3A_382] : memref<50048x16xf32, #tpu.memory_space<vmem_shared>> -> memref<50048x16xf32, #tpu.memory_space<vmem_shared>>
        tpu.enqueue_indirect_dma source(%arg22 : memref<128x16xf32, #tpu.memory_space<vmem>>) target(%dma_start3A_383 : memref<50048x16xf32, #tpu.memory_space<vmem_shared>>) offsets(%arg21 : memref<128xi32, #tpu.memory_space<vmem>>) semaphore(%run_scoped3A : memref<!tpu.dma_semaphore, #tpu.memory_space<semaphore_mem>>) {add = true}
        %dma_wait3A_384 = arith.constant 0 : i32
        %dma_wait3A_385 = arith.constant 0 : i32
        %dma_wait3A_386 = tpu.memref_slice %arg24[%dma_wait3A_384, %dma_wait3A_385] : memref<50048x16xf32, #tpu.memory_space<vmem_shared>> -> memref<50048x16xf32, #tpu.memory_space<vmem_shared>>
        tpu.wait_indirect_dma semaphore(%run_scoped3A : memref<!tpu.dma_semaphore, #tpu.memory_space<semaphore_mem>>) src(%arg22 : memref<128x16xf32, #tpu.memory_space<vmem>>) dst(%dma_wait3A_386 : memref<50048x16xf32, #tpu.memory_space<vmem_shared>>)
        tpu.yield
      }) : () -> ()
    }
    %barrier3A_274 = arith.constant 0 : index
    tpu.barrier barrier_id(%barrier3A_274)
    "tpu.region"() ({
      %run_scoped3A = tpu.sem_alloc : memref<!tpu.dma_semaphore, #tpu.memory_space<semaphore_mem>>
      %dma_start3A = arith.constant 0 : i32
      %dma_start3A_370 = tpu.memref_slice %arg17[%arg0, %mul3A_230, %dma_start3A] : memref<2x50048x16xf32, #tpu.memory_space<hbm>> -> memref<1x3128x16xf32, #tpu.memory_space<hbm>>
      %dma_start3A_371 = tpu.memref_squeeze %dma_start3A_370 : memref<1x3128x16xf32, #tpu.memory_space<hbm>> -> memref<3128x16xf32, #tpu.memory_space<hbm>>
      %dma_start3A_372 = arith.constant 0 : i32
      %dma_start3A_373 = tpu.memref_slice %arg24[%mul3A_230, %dma_start3A_372] : memref<50048x16xf32, #tpu.memory_space<vmem_shared>> -> memref<3128x16xf32, #tpu.memory_space<vmem_shared>>
      tpu.enqueue_dma source(%dma_start3A_373 : memref<3128x16xf32, #tpu.memory_space<vmem_shared>>) target(%dma_start3A_371 : memref<3128x16xf32, #tpu.memory_space<hbm>>) target_semaphore(%run_scoped3A : memref<!tpu.dma_semaphore, #tpu.memory_space<semaphore_mem>>)
      %dma_wait3A = arith.constant 0 : i32
      %dma_wait3A_374 = tpu.memref_slice %arg17[%arg0, %mul3A_230, %dma_wait3A] : memref<2x50048x16xf32, #tpu.memory_space<hbm>> -> memref<1x3128x16xf32, #tpu.memory_space<hbm>>
      %dma_wait3A_375 = tpu.memref_squeeze %dma_wait3A_374 : memref<1x3128x16xf32, #tpu.memory_space<hbm>> -> memref<3128x16xf32, #tpu.memory_space<hbm>>
      %dma_wait3A_376 = arith.constant 0 : i32
      %dma_wait3A_377 = tpu.memref_slice %arg24[%mul3A_230, %dma_wait3A_376] : memref<50048x16xf32, #tpu.memory_space<vmem_shared>> -> memref<3128x16xf32, #tpu.memory_space<vmem_shared>>
      tpu.wait_dma2 semaphore(%run_scoped3A : memref<!tpu.dma_semaphore, #tpu.memory_space<semaphore_mem>>) src(%dma_wait3A_377 : memref<3128x16xf32, #tpu.memory_space<vmem_shared>>) dst(%dma_wait3A_375 : memref<3128x16xf32, #tpu.memory_space<hbm>>)
      tpu.yield
    }) : () -> ()
    %barrier3A_275 = arith.constant 0 : index
    tpu.barrier barrier_id(%barrier3A_275)
    %mul3A_276 = arith.constant 3128 : i32
    %mul3A_277 = arith.muli %arg1, %mul3A_276 : i32
    "tpu.region"() ({
      %run_scoped3A = tpu.sem_alloc : memref<!tpu.dma_semaphore, #tpu.memory_space<semaphore_mem>>
      %dma_start3A = arith.constant 0 : i32
      %dma_start3A_370 = tpu.memref_slice %arg24[%mul3A_277, %dma_start3A] : memref<50048x16xf32, #tpu.memory_space<vmem_shared>> -> memref<3128x16xf32, #tpu.memory_space<vmem_shared>>
      %dma_start3A_371 = arith.constant 0 : i32
      %dma_start3A_372 = tpu.memref_slice %arg24[%mul3A_277, %dma_start3A_371] : memref<50048x16xf32, #tpu.memory_space<vmem_shared>> -> memref<3128x16xf32, #tpu.memory_space<vmem_shared>>
      tpu.enqueue_dma source(%arg23 : memref<3128x16xf32, #tpu.memory_space<vmem>>) target(%dma_start3A_372 : memref<3128x16xf32, #tpu.memory_space<vmem_shared>>) target_semaphore(%run_scoped3A : memref<!tpu.dma_semaphore, #tpu.memory_space<semaphore_mem>>)
      %dma_wait3A = arith.constant 0 : i32
      %dma_wait3A_373 = tpu.memref_slice %arg24[%mul3A_277, %dma_wait3A] : memref<50048x16xf32, #tpu.memory_space<vmem_shared>> -> memref<3128x16xf32, #tpu.memory_space<vmem_shared>>
      %dma_wait3A_374 = arith.constant 0 : i32
      %dma_wait3A_375 = tpu.memref_slice %arg24[%mul3A_277, %dma_wait3A_374] : memref<50048x16xf32, #tpu.memory_space<vmem_shared>> -> memref<3128x16xf32, #tpu.memory_space<vmem_shared>>
      tpu.wait_dma2 semaphore(%run_scoped3A : memref<!tpu.dma_semaphore, #tpu.memory_space<semaphore_mem>>) src(%arg23 : memref<3128x16xf32, #tpu.memory_space<vmem>>) dst(%dma_wait3A_375 : memref<3128x16xf32, #tpu.memory_space<vmem_shared>>)
      tpu.yield
    }) : () -> ()
    %barrier3A_278 = arith.constant 0 : index
    tpu.barrier barrier_id(%barrier3A_278)
    %sub3A_279 = arith.constant 3125 : i32
    %sub3A_280 = arith.subi %sub3A_279, %arg1 : i32
    %add3A_281 = arith.constant 16 : i32
    %add3A_282 = arith.addi %sub3A_280, %add3A_281 : i32
    %sub3A_283 = arith.constant 1 : i32
    %sub3A_284 = arith.subi %add3A_282, %sub3A_283 : i32
    %jit3A_285 = arith.constant 16 : i32
    %div3A_286 = arith.divsi %sub3A_284, %jit3A_285 : i32
    %sign3A_287 = arith.constant 0 : i32
    %sign3A_288 = arith.cmpi sgt, %sub3A_284, %sign3A_287 : i32
    %sign3A_289 = arith.extui %sign3A_288 : i1 to i32
    %sign3A_290 = arith.constant 0 : i32
    %sign3A_291 = arith.cmpi slt, %sub3A_284, %sign3A_290 : i32
    %sign3A_292 = arith.extui %sign3A_291 : i1 to i32
    %sign3A_293 = arith.subi %sign3A_289, %sign3A_292 : i32
    %sign3A_294 = arith.constant 0 : i32
    %sign3A_295 = arith.cmpi sgt, %jit3A_285, %sign3A_294 : i32
    %sign3A_296 = arith.extui %sign3A_295 : i1 to i32
    %sign3A_297 = arith.constant 0 : i32
    %sign3A_298 = arith.cmpi slt, %jit3A_285, %sign3A_297 : i32
    %sign3A_299 = arith.extui %sign3A_298 : i1 to i32
    %sign3A_300 = arith.subi %sign3A_296, %sign3A_299 : i32
    %ne3A_301 = arith.cmpi ne, %sign3A_293, %sign3A_300 : i32
    %rem3A_302 = arith.remsi %sub3A_284, %jit3A_285 : i32
    %ne3A_303 = arith.constant 0 : i32
    %ne3A_304 = arith.cmpi ne, %rem3A_302, %ne3A_303 : i32
    %and3A_305 = arith.andi %ne3A_301, %ne3A_304 : i1
    %sub3A_306 = arith.constant 1 : i32
    %sub3A_307 = arith.subi %div3A_286, %sub3A_306 : i32
    %select_n3A_308 = arith.select %and3A_305, %sub3A_307, %div3A_286 : i32
    %mul3A_309 = arith.constant 400000 : i32
    %mul3A_310 = arith.muli %arg0, %mul3A_309 : i32
    %while3A_311 = arith.constant 0 : i32
    %while3A_312 = arith.constant 0 : i32
    %while3A_313 = arith.subi %select_n3A_308, %while3A_312 : i32
    %while3A_314 = arith.addi %while3A_312, %while3A_313 : i32
    %while3A_315 = arith.constant 1 : i32
    %while3A_316 = arith.divsi %while3A_313, %while3A_315 : i32
    %while3A_317 = arith.muli %while3A_316, %while3A_315 : i32
    %while3A_318 = arith.addi %while3A_312, %while3A_317 : i32
    %while3A_319 = arith.constant 1 : i32
    scf.for %while3A_370 = %while3A_312 to %while3A_318 step %while3A_319  : i32 {
      %mul3A_371 = arith.constant 16 : i32
      %mul3A_372 = arith.muli %while3A_370, %mul3A_371 : i32
      %add3A_373 = arith.addi %arg1, %mul3A_372 : i32
      %mul3A_374 = arith.constant 128 : i32
      %mul3A_375 = arith.muli %add3A_373, %mul3A_374 : i32
      %add3A_376 = arith.addi %mul3A_310, %mul3A_375 : i32
      "tpu.region"() ({
        %run_scoped3A = tpu.sem_alloc : memref<!tpu.dma_semaphore, #tpu.memory_space<semaphore_mem>>
        %dma_start3A_381 = tpu.memref_slice %arg10[%add3A_376] : memref<800000xi32, #tpu.memory_space<hbm>> -> memref<128xi32, #tpu.memory_space<hbm>>
        %dma_start3A_382 = tpu.memref_slice %arg10[%add3A_376] : memref<800000xi32, #tpu.memory_space<hbm>> -> memref<128xi32, #tpu.memory_space<hbm>>
        tpu.enqueue_dma source(%dma_start3A_382 : memref<128xi32, #tpu.memory_space<hbm>>) target(%arg20 : memref<128xi32, #tpu.memory_space<vmem>>) target_semaphore(%run_scoped3A : memref<!tpu.dma_semaphore, #tpu.memory_space<semaphore_mem>>)
        %dma_wait3A_383 = tpu.memref_slice %arg10[%add3A_376] : memref<800000xi32, #tpu.memory_space<hbm>> -> memref<128xi32, #tpu.memory_space<hbm>>
        %dma_wait3A_384 = tpu.memref_slice %arg10[%add3A_376] : memref<800000xi32, #tpu.memory_space<hbm>> -> memref<128xi32, #tpu.memory_space<hbm>>
        tpu.wait_dma2 semaphore(%run_scoped3A : memref<!tpu.dma_semaphore, #tpu.memory_space<semaphore_mem>>) src(%dma_wait3A_384 : memref<128xi32, #tpu.memory_space<hbm>>) dst(%arg20 : memref<128xi32, #tpu.memory_space<vmem>>)
        tpu.yield
      }) : () -> ()
      "tpu.region"() ({
        %run_scoped3A = tpu.sem_alloc : memref<!tpu.dma_semaphore, #tpu.memory_space<semaphore_mem>>
        %dma_start3A_381 = tpu.memref_slice %arg11[%add3A_376] : memref<800000xi32, #tpu.memory_space<hbm>> -> memref<128xi32, #tpu.memory_space<hbm>>
        %dma_start3A_382 = tpu.memref_slice %arg11[%add3A_376] : memref<800000xi32, #tpu.memory_space<hbm>> -> memref<128xi32, #tpu.memory_space<hbm>>
        tpu.enqueue_dma source(%dma_start3A_382 : memref<128xi32, #tpu.memory_space<hbm>>) target(%arg21 : memref<128xi32, #tpu.memory_space<vmem>>) target_semaphore(%run_scoped3A : memref<!tpu.dma_semaphore, #tpu.memory_space<semaphore_mem>>)
        %dma_wait3A_383 = tpu.memref_slice %arg11[%add3A_376] : memref<800000xi32, #tpu.memory_space<hbm>> -> memref<128xi32, #tpu.memory_space<hbm>>
        %dma_wait3A_384 = tpu.memref_slice %arg11[%add3A_376] : memref<800000xi32, #tpu.memory_space<hbm>> -> memref<128xi32, #tpu.memory_space<hbm>>
        tpu.wait_dma2 semaphore(%run_scoped3A : memref<!tpu.dma_semaphore, #tpu.memory_space<semaphore_mem>>) src(%dma_wait3A_384 : memref<128xi32, #tpu.memory_space<hbm>>) dst(%arg21 : memref<128xi32, #tpu.memory_space<vmem>>)
        tpu.yield
      }) : () -> ()
      %dma_start3A = arith.constant 0 : i32
      %dma_start3A_377 = arith.constant 0 : i32
      %dma_start3A_378 = tpu.memref_slice %arg8[%dma_start3A, %dma_start3A_377] : memref<50000x16xf32, #tpu.memory_space<hbm>> -> memref<50000x16xf32, #tpu.memory_space<hbm>>
      tpu.enqueue_indirect_dma source(%dma_start3A_378 : memref<50000x16xf32, #tpu.memory_space<hbm>>) target(%arg22 : memref<128x16xf32, #tpu.memory_space<vmem>>) offsets(%arg20 : memref<128xi32, #tpu.memory_space<vmem>>) semaphore(%arg25 : memref<!tpu.dma_semaphore, #tpu.memory_space<semaphore_mem>>)
      %dma_wait3A = arith.constant 0 : i32
      %dma_wait3A_379 = arith.constant 0 : i32
      %dma_wait3A_380 = tpu.memref_slice %arg8[%dma_wait3A, %dma_wait3A_379] : memref<50000x16xf32, #tpu.memory_space<hbm>> -> memref<50000x16xf32, #tpu.memory_space<hbm>>
      tpu.wait_indirect_dma semaphore(%arg25 : memref<!tpu.dma_semaphore, #tpu.memory_space<semaphore_mem>>) src(%dma_wait3A_380 : memref<50000x16xf32, #tpu.memory_space<hbm>>) dst(%arg22 : memref<128x16xf32, #tpu.memory_space<vmem>>)
      "tpu.region"() ({
        %run_scoped3A = tpu.sem_alloc : memref<!tpu.dma_semaphore, #tpu.memory_space<semaphore_mem>>
        %dma_start3A_381 = arith.constant 0 : i32
        %dma_start3A_382 = arith.constant 0 : i32
        %dma_start3A_383 = tpu.memref_slice %arg24[%dma_start3A_381, %dma_start3A_382] : memref<50048x16xf32, #tpu.memory_space<vmem_shared>> -> memref<50048x16xf32, #tpu.memory_space<vmem_shared>>
        tpu.enqueue_indirect_dma source(%arg22 : memref<128x16xf32, #tpu.memory_space<vmem>>) target(%dma_start3A_383 : memref<50048x16xf32, #tpu.memory_space<vmem_shared>>) offsets(%arg21 : memref<128xi32, #tpu.memory_space<vmem>>) semaphore(%run_scoped3A : memref<!tpu.dma_semaphore, #tpu.memory_space<semaphore_mem>>) {add = true}
        %dma_wait3A_384 = arith.constant 0 : i32
        %dma_wait3A_385 = arith.constant 0 : i32
        %dma_wait3A_386 = tpu.memref_slice %arg24[%dma_wait3A_384, %dma_wait3A_385] : memref<50048x16xf32, #tpu.memory_space<vmem_shared>> -> memref<50048x16xf32, #tpu.memory_space<vmem_shared>>
        tpu.wait_indirect_dma semaphore(%run_scoped3A : memref<!tpu.dma_semaphore, #tpu.memory_space<semaphore_mem>>) src(%arg22 : memref<128x16xf32, #tpu.memory_space<vmem>>) dst(%dma_wait3A_386 : memref<50048x16xf32, #tpu.memory_space<vmem_shared>>)
        tpu.yield
      }) : () -> ()
    }
    %while3A_320 = arith.constant 1 : i32
    scf.for %while3A_370 = %while3A_318 to %while3A_314 step %while3A_320  : i32 {
      %mul3A_371 = arith.constant 16 : i32
      %mul3A_372 = arith.muli %while3A_370, %mul3A_371 : i32
      %add3A_373 = arith.addi %arg1, %mul3A_372 : i32
      %mul3A_374 = arith.constant 128 : i32
      %mul3A_375 = arith.muli %add3A_373, %mul3A_374 : i32
      %add3A_376 = arith.addi %mul3A_310, %mul3A_375 : i32
      "tpu.region"() ({
        %run_scoped3A = tpu.sem_alloc : memref<!tpu.dma_semaphore, #tpu.memory_space<semaphore_mem>>
        %dma_start3A_381 = tpu.memref_slice %arg10[%add3A_376] : memref<800000xi32, #tpu.memory_space<hbm>> -> memref<128xi32, #tpu.memory_space<hbm>>
        %dma_start3A_382 = tpu.memref_slice %arg10[%add3A_376] : memref<800000xi32, #tpu.memory_space<hbm>> -> memref<128xi32, #tpu.memory_space<hbm>>
        tpu.enqueue_dma source(%dma_start3A_382 : memref<128xi32, #tpu.memory_space<hbm>>) target(%arg20 : memref<128xi32, #tpu.memory_space<vmem>>) target_semaphore(%run_scoped3A : memref<!tpu.dma_semaphore, #tpu.memory_space<semaphore_mem>>)
        %dma_wait3A_383 = tpu.memref_slice %arg10[%add3A_376] : memref<800000xi32, #tpu.memory_space<hbm>> -> memref<128xi32, #tpu.memory_space<hbm>>
        %dma_wait3A_384 = tpu.memref_slice %arg10[%add3A_376] : memref<800000xi32, #tpu.memory_space<hbm>> -> memref<128xi32, #tpu.memory_space<hbm>>
        tpu.wait_dma2 semaphore(%run_scoped3A : memref<!tpu.dma_semaphore, #tpu.memory_space<semaphore_mem>>) src(%dma_wait3A_384 : memref<128xi32, #tpu.memory_space<hbm>>) dst(%arg20 : memref<128xi32, #tpu.memory_space<vmem>>)
        tpu.yield
      }) : () -> ()
      "tpu.region"() ({
        %run_scoped3A = tpu.sem_alloc : memref<!tpu.dma_semaphore, #tpu.memory_space<semaphore_mem>>
        %dma_start3A_381 = tpu.memref_slice %arg11[%add3A_376] : memref<800000xi32, #tpu.memory_space<hbm>> -> memref<128xi32, #tpu.memory_space<hbm>>
        %dma_start3A_382 = tpu.memref_slice %arg11[%add3A_376] : memref<800000xi32, #tpu.memory_space<hbm>> -> memref<128xi32, #tpu.memory_space<hbm>>
        tpu.enqueue_dma source(%dma_start3A_382 : memref<128xi32, #tpu.memory_space<hbm>>) target(%arg21 : memref<128xi32, #tpu.memory_space<vmem>>) target_semaphore(%run_scoped3A : memref<!tpu.dma_semaphore, #tpu.memory_space<semaphore_mem>>)
        %dma_wait3A_383 = tpu.memref_slice %arg11[%add3A_376] : memref<800000xi32, #tpu.memory_space<hbm>> -> memref<128xi32, #tpu.memory_space<hbm>>
        %dma_wait3A_384 = tpu.memref_slice %arg11[%add3A_376] : memref<800000xi32, #tpu.memory_space<hbm>> -> memref<128xi32, #tpu.memory_space<hbm>>
        tpu.wait_dma2 semaphore(%run_scoped3A : memref<!tpu.dma_semaphore, #tpu.memory_space<semaphore_mem>>) src(%dma_wait3A_384 : memref<128xi32, #tpu.memory_space<hbm>>) dst(%arg21 : memref<128xi32, #tpu.memory_space<vmem>>)
        tpu.yield
      }) : () -> ()
      %dma_start3A = arith.constant 0 : i32
      %dma_start3A_377 = arith.constant 0 : i32
      %dma_start3A_378 = tpu.memref_slice %arg8[%dma_start3A, %dma_start3A_377] : memref<50000x16xf32, #tpu.memory_space<hbm>> -> memref<50000x16xf32, #tpu.memory_space<hbm>>
      tpu.enqueue_indirect_dma source(%dma_start3A_378 : memref<50000x16xf32, #tpu.memory_space<hbm>>) target(%arg22 : memref<128x16xf32, #tpu.memory_space<vmem>>) offsets(%arg20 : memref<128xi32, #tpu.memory_space<vmem>>) semaphore(%arg25 : memref<!tpu.dma_semaphore, #tpu.memory_space<semaphore_mem>>)
      %dma_wait3A = arith.constant 0 : i32
      %dma_wait3A_379 = arith.constant 0 : i32
      %dma_wait3A_380 = tpu.memref_slice %arg8[%dma_wait3A, %dma_wait3A_379] : memref<50000x16xf32, #tpu.memory_space<hbm>> -> memref<50000x16xf32, #tpu.memory_space<hbm>>
      tpu.wait_indirect_dma semaphore(%arg25 : memref<!tpu.dma_semaphore, #tpu.memory_space<semaphore_mem>>) src(%dma_wait3A_380 : memref<50000x16xf32, #tpu.memory_space<hbm>>) dst(%arg22 : memref<128x16xf32, #tpu.memory_space<vmem>>)
      "tpu.region"() ({
        %run_scoped3A = tpu.sem_alloc : memref<!tpu.dma_semaphore, #tpu.memory_space<semaphore_mem>>
        %dma_start3A_381 = arith.constant 0 : i32
        %dma_start3A_382 = arith.constant 0 : i32
        %dma_start3A_383 = tpu.memref_slice %arg24[%dma_start3A_381, %dma_start3A_382] : memref<50048x16xf32, #tpu.memory_space<vmem_shared>> -> memref<50048x16xf32, #tpu.memory_space<vmem_shared>>
        tpu.enqueue_indirect_dma source(%arg22 : memref<128x16xf32, #tpu.memory_space<vmem>>) target(%dma_start3A_383 : memref<50048x16xf32, #tpu.memory_space<vmem_shared>>) offsets(%arg21 : memref<128xi32, #tpu.memory_space<vmem>>) semaphore(%run_scoped3A : memref<!tpu.dma_semaphore, #tpu.memory_space<semaphore_mem>>) {add = true}
        %dma_wait3A_384 = arith.constant 0 : i32
        %dma_wait3A_385 = arith.constant 0 : i32
        %dma_wait3A_386 = tpu.memref_slice %arg24[%dma_wait3A_384, %dma_wait3A_385] : memref<50048x16xf32, #tpu.memory_space<vmem_shared>> -> memref<50048x16xf32, #tpu.memory_space<vmem_shared>>
        tpu.wait_indirect_dma semaphore(%run_scoped3A : memref<!tpu.dma_semaphore, #tpu.memory_space<semaphore_mem>>) src(%arg22 : memref<128x16xf32, #tpu.memory_space<vmem>>) dst(%dma_wait3A_386 : memref<50048x16xf32, #tpu.memory_space<vmem_shared>>)
        tpu.yield
      }) : () -> ()
    }
    %barrier3A_321 = arith.constant 0 : index
    tpu.barrier barrier_id(%barrier3A_321)
    "tpu.region"() ({
      %run_scoped3A = tpu.sem_alloc : memref<!tpu.dma_semaphore, #tpu.memory_space<semaphore_mem>>
      %dma_start3A = arith.constant 0 : i32
      %dma_start3A_370 = tpu.memref_slice %arg18[%arg0, %mul3A_277, %dma_start3A] : memref<2x50048x16xf32, #tpu.memory_space<hbm>> -> memref<1x3128x16xf32, #tpu.memory_space<hbm>>
      %dma_start3A_371 = tpu.memref_squeeze %dma_start3A_370 : memref<1x3128x16xf32, #tpu.memory_space<hbm>> -> memref<3128x16xf32, #tpu.memory_space<hbm>>
      %dma_start3A_372 = arith.constant 0 : i32
      %dma_start3A_373 = tpu.memref_slice %arg24[%mul3A_277, %dma_start3A_372] : memref<50048x16xf32, #tpu.memory_space<vmem_shared>> -> memref<3128x16xf32, #tpu.memory_space<vmem_shared>>
      tpu.enqueue_dma source(%dma_start3A_373 : memref<3128x16xf32, #tpu.memory_space<vmem_shared>>) target(%dma_start3A_371 : memref<3128x16xf32, #tpu.memory_space<hbm>>) target_semaphore(%run_scoped3A : memref<!tpu.dma_semaphore, #tpu.memory_space<semaphore_mem>>)
      %dma_wait3A = arith.constant 0 : i32
      %dma_wait3A_374 = tpu.memref_slice %arg18[%arg0, %mul3A_277, %dma_wait3A] : memref<2x50048x16xf32, #tpu.memory_space<hbm>> -> memref<1x3128x16xf32, #tpu.memory_space<hbm>>
      %dma_wait3A_375 = tpu.memref_squeeze %dma_wait3A_374 : memref<1x3128x16xf32, #tpu.memory_space<hbm>> -> memref<3128x16xf32, #tpu.memory_space<hbm>>
      %dma_wait3A_376 = arith.constant 0 : i32
      %dma_wait3A_377 = tpu.memref_slice %arg24[%mul3A_277, %dma_wait3A_376] : memref<50048x16xf32, #tpu.memory_space<vmem_shared>> -> memref<3128x16xf32, #tpu.memory_space<vmem_shared>>
      tpu.wait_dma2 semaphore(%run_scoped3A : memref<!tpu.dma_semaphore, #tpu.memory_space<semaphore_mem>>) src(%dma_wait3A_377 : memref<3128x16xf32, #tpu.memory_space<vmem_shared>>) dst(%dma_wait3A_375 : memref<3128x16xf32, #tpu.memory_space<hbm>>)
      tpu.yield
    }) : () -> ()
    %barrier3A_322 = arith.constant 0 : index
    tpu.barrier barrier_id(%barrier3A_322)
    %mul3A_323 = arith.constant 3128 : i32
    %mul3A_324 = arith.muli %arg1, %mul3A_323 : i32
    "tpu.region"() ({
      %run_scoped3A = tpu.sem_alloc : memref<!tpu.dma_semaphore, #tpu.memory_space<semaphore_mem>>
      %dma_start3A = arith.constant 0 : i32
      %dma_start3A_370 = tpu.memref_slice %arg24[%mul3A_324, %dma_start3A] : memref<50048x16xf32, #tpu.memory_space<vmem_shared>> -> memref<3128x16xf32, #tpu.memory_space<vmem_shared>>
      %dma_start3A_371 = arith.constant 0 : i32
      %dma_start3A_372 = tpu.memref_slice %arg24[%mul3A_324, %dma_start3A_371] : memref<50048x16xf32, #tpu.memory_space<vmem_shared>> -> memref<3128x16xf32, #tpu.memory_space<vmem_shared>>
      tpu.enqueue_dma source(%arg23 : memref<3128x16xf32, #tpu.memory_space<vmem>>) target(%dma_start3A_372 : memref<3128x16xf32, #tpu.memory_space<vmem_shared>>) target_semaphore(%run_scoped3A : memref<!tpu.dma_semaphore, #tpu.memory_space<semaphore_mem>>)
      %dma_wait3A = arith.constant 0 : i32
      %dma_wait3A_373 = tpu.memref_slice %arg24[%mul3A_324, %dma_wait3A] : memref<50048x16xf32, #tpu.memory_space<vmem_shared>> -> memref<3128x16xf32, #tpu.memory_space<vmem_shared>>
      %dma_wait3A_374 = arith.constant 0 : i32
      %dma_wait3A_375 = tpu.memref_slice %arg24[%mul3A_324, %dma_wait3A_374] : memref<50048x16xf32, #tpu.memory_space<vmem_shared>> -> memref<3128x16xf32, #tpu.memory_space<vmem_shared>>
      tpu.wait_dma2 semaphore(%run_scoped3A : memref<!tpu.dma_semaphore, #tpu.memory_space<semaphore_mem>>) src(%arg23 : memref<3128x16xf32, #tpu.memory_space<vmem>>) dst(%dma_wait3A_375 : memref<3128x16xf32, #tpu.memory_space<vmem_shared>>)
      tpu.yield
    }) : () -> ()
    %barrier3A_325 = arith.constant 0 : index
    tpu.barrier barrier_id(%barrier3A_325)
    %sub3A_326 = arith.constant 3125 : i32
    %sub3A_327 = arith.subi %sub3A_326, %arg1 : i32
    %add3A_328 = arith.constant 16 : i32
    %add3A_329 = arith.addi %sub3A_327, %add3A_328 : i32
    %sub3A_330 = arith.constant 1 : i32
    %sub3A_331 = arith.subi %add3A_329, %sub3A_330 : i32
    %jit3A_332 = arith.constant 16 : i32
    %div3A_333 = arith.divsi %sub3A_331, %jit3A_332 : i32
    %sign3A_334 = arith.constant 0 : i32
    %sign3A_335 = arith.cmpi sgt, %sub3A_331, %sign3A_334 : i32
    %sign3A_336 = arith.extui %sign3A_335 : i1 to i32
    %sign3A_337 = arith.constant 0 : i32
    %sign3A_338 = arith.cmpi slt, %sub3A_331, %sign3A_337 : i32
    %sign3A_339 = arith.extui %sign3A_338 : i1 to i32
    %sign3A_340 = arith.subi %sign3A_336, %sign3A_339 : i32
    %sign3A_341 = arith.constant 0 : i32
    %sign3A_342 = arith.cmpi sgt, %jit3A_332, %sign3A_341 : i32
    %sign3A_343 = arith.extui %sign3A_342 : i1 to i32
    %sign3A_344 = arith.constant 0 : i32
    %sign3A_345 = arith.cmpi slt, %jit3A_332, %sign3A_344 : i32
    %sign3A_346 = arith.extui %sign3A_345 : i1 to i32
    %sign3A_347 = arith.subi %sign3A_343, %sign3A_346 : i32
    %ne3A_348 = arith.cmpi ne, %sign3A_340, %sign3A_347 : i32
    %rem3A_349 = arith.remsi %sub3A_331, %jit3A_332 : i32
    %ne3A_350 = arith.constant 0 : i32
    %ne3A_351 = arith.cmpi ne, %rem3A_349, %ne3A_350 : i32
    %and3A_352 = arith.andi %ne3A_348, %ne3A_351 : i1
    %sub3A_353 = arith.constant 1 : i32
    %sub3A_354 = arith.subi %div3A_333, %sub3A_353 : i32
    %select_n3A_355 = arith.select %and3A_352, %sub3A_354, %div3A_333 : i32
    %mul3A_356 = arith.constant 400000 : i32
    %mul3A_357 = arith.muli %arg0, %mul3A_356 : i32
    %while3A_358 = arith.constant 0 : i32
    %while3A_359 = arith.constant 0 : i32
    %while3A_360 = arith.subi %select_n3A_355, %while3A_359 : i32
    %while3A_361 = arith.addi %while3A_359, %while3A_360 : i32
    %while3A_362 = arith.constant 1 : i32
    %while3A_363 = arith.divsi %while3A_360, %while3A_362 : i32
    %while3A_364 = arith.muli %while3A_363, %while3A_362 : i32
    %while3A_365 = arith.addi %while3A_359, %while3A_364 : i32
    %while3A_366 = arith.constant 1 : i32
    scf.for %while3A_370 = %while3A_359 to %while3A_365 step %while3A_366  : i32 {
      %mul3A_371 = arith.constant 16 : i32
      %mul3A_372 = arith.muli %while3A_370, %mul3A_371 : i32
      %add3A_373 = arith.addi %arg1, %mul3A_372 : i32
      %mul3A_374 = arith.constant 128 : i32
      %mul3A_375 = arith.muli %add3A_373, %mul3A_374 : i32
      %add3A_376 = arith.addi %mul3A_357, %mul3A_375 : i32
      "tpu.region"() ({
        %run_scoped3A = tpu.sem_alloc : memref<!tpu.dma_semaphore, #tpu.memory_space<semaphore_mem>>
        %dma_start3A_381 = tpu.memref_slice %arg10[%add3A_376] : memref<800000xi32, #tpu.memory_space<hbm>> -> memref<128xi32, #tpu.memory_space<hbm>>
        %dma_start3A_382 = tpu.memref_slice %arg10[%add3A_376] : memref<800000xi32, #tpu.memory_space<hbm>> -> memref<128xi32, #tpu.memory_space<hbm>>
        tpu.enqueue_dma source(%dma_start3A_382 : memref<128xi32, #tpu.memory_space<hbm>>) target(%arg20 : memref<128xi32, #tpu.memory_space<vmem>>) target_semaphore(%run_scoped3A : memref<!tpu.dma_semaphore, #tpu.memory_space<semaphore_mem>>)
        %dma_wait3A_383 = tpu.memref_slice %arg10[%add3A_376] : memref<800000xi32, #tpu.memory_space<hbm>> -> memref<128xi32, #tpu.memory_space<hbm>>
        %dma_wait3A_384 = tpu.memref_slice %arg10[%add3A_376] : memref<800000xi32, #tpu.memory_space<hbm>> -> memref<128xi32, #tpu.memory_space<hbm>>
        tpu.wait_dma2 semaphore(%run_scoped3A : memref<!tpu.dma_semaphore, #tpu.memory_space<semaphore_mem>>) src(%dma_wait3A_384 : memref<128xi32, #tpu.memory_space<hbm>>) dst(%arg20 : memref<128xi32, #tpu.memory_space<vmem>>)
        tpu.yield
      }) : () -> ()
      "tpu.region"() ({
        %run_scoped3A = tpu.sem_alloc : memref<!tpu.dma_semaphore, #tpu.memory_space<semaphore_mem>>
        %dma_start3A_381 = tpu.memref_slice %arg11[%add3A_376] : memref<800000xi32, #tpu.memory_space<hbm>> -> memref<128xi32, #tpu.memory_space<hbm>>
        %dma_start3A_382 = tpu.memref_slice %arg11[%add3A_376] : memref<800000xi32, #tpu.memory_space<hbm>> -> memref<128xi32, #tpu.memory_space<hbm>>
        tpu.enqueue_dma source(%dma_start3A_382 : memref<128xi32, #tpu.memory_space<hbm>>) target(%arg21 : memref<128xi32, #tpu.memory_space<vmem>>) target_semaphore(%run_scoped3A : memref<!tpu.dma_semaphore, #tpu.memory_space<semaphore_mem>>)
        %dma_wait3A_383 = tpu.memref_slice %arg11[%add3A_376] : memref<800000xi32, #tpu.memory_space<hbm>> -> memref<128xi32, #tpu.memory_space<hbm>>
        %dma_wait3A_384 = tpu.memref_slice %arg11[%add3A_376] : memref<800000xi32, #tpu.memory_space<hbm>> -> memref<128xi32, #tpu.memory_space<hbm>>
        tpu.wait_dma2 semaphore(%run_scoped3A : memref<!tpu.dma_semaphore, #tpu.memory_space<semaphore_mem>>) src(%dma_wait3A_384 : memref<128xi32, #tpu.memory_space<hbm>>) dst(%arg21 : memref<128xi32, #tpu.memory_space<vmem>>)
        tpu.yield
      }) : () -> ()
      %dma_start3A = arith.constant 0 : i32
      %dma_start3A_377 = arith.constant 0 : i32
      %dma_start3A_378 = tpu.memref_slice %arg9[%dma_start3A, %dma_start3A_377] : memref<50000x16xf32, #tpu.memory_space<hbm>> -> memref<50000x16xf32, #tpu.memory_space<hbm>>
      tpu.enqueue_indirect_dma source(%dma_start3A_378 : memref<50000x16xf32, #tpu.memory_space<hbm>>) target(%arg22 : memref<128x16xf32, #tpu.memory_space<vmem>>) offsets(%arg20 : memref<128xi32, #tpu.memory_space<vmem>>) semaphore(%arg25 : memref<!tpu.dma_semaphore, #tpu.memory_space<semaphore_mem>>)
      %dma_wait3A = arith.constant 0 : i32
      %dma_wait3A_379 = arith.constant 0 : i32
      %dma_wait3A_380 = tpu.memref_slice %arg9[%dma_wait3A, %dma_wait3A_379] : memref<50000x16xf32, #tpu.memory_space<hbm>> -> memref<50000x16xf32, #tpu.memory_space<hbm>>
      tpu.wait_indirect_dma semaphore(%arg25 : memref<!tpu.dma_semaphore, #tpu.memory_space<semaphore_mem>>) src(%dma_wait3A_380 : memref<50000x16xf32, #tpu.memory_space<hbm>>) dst(%arg22 : memref<128x16xf32, #tpu.memory_space<vmem>>)
      "tpu.region"() ({
        %run_scoped3A = tpu.sem_alloc : memref<!tpu.dma_semaphore, #tpu.memory_space<semaphore_mem>>
        %dma_start3A_381 = arith.constant 0 : i32
        %dma_start3A_382 = arith.constant 0 : i32
        %dma_start3A_383 = tpu.memref_slice %arg24[%dma_start3A_381, %dma_start3A_382] : memref<50048x16xf32, #tpu.memory_space<vmem_shared>> -> memref<50048x16xf32, #tpu.memory_space<vmem_shared>>
        tpu.enqueue_indirect_dma source(%arg22 : memref<128x16xf32, #tpu.memory_space<vmem>>) target(%dma_start3A_383 : memref<50048x16xf32, #tpu.memory_space<vmem_shared>>) offsets(%arg21 : memref<128xi32, #tpu.memory_space<vmem>>) semaphore(%run_scoped3A : memref<!tpu.dma_semaphore, #tpu.memory_space<semaphore_mem>>) {add = true}
        %dma_wait3A_384 = arith.constant 0 : i32
        %dma_wait3A_385 = arith.constant 0 : i32
        %dma_wait3A_386 = tpu.memref_slice %arg24[%dma_wait3A_384, %dma_wait3A_385] : memref<50048x16xf32, #tpu.memory_space<vmem_shared>> -> memref<50048x16xf32, #tpu.memory_space<vmem_shared>>
        tpu.wait_indirect_dma semaphore(%run_scoped3A : memref<!tpu.dma_semaphore, #tpu.memory_space<semaphore_mem>>) src(%arg22 : memref<128x16xf32, #tpu.memory_space<vmem>>) dst(%dma_wait3A_386 : memref<50048x16xf32, #tpu.memory_space<vmem_shared>>)
        tpu.yield
      }) : () -> ()
    }
    %while3A_367 = arith.constant 1 : i32
    scf.for %while3A_370 = %while3A_365 to %while3A_361 step %while3A_367  : i32 {
      %mul3A_371 = arith.constant 16 : i32
      %mul3A_372 = arith.muli %while3A_370, %mul3A_371 : i32
      %add3A_373 = arith.addi %arg1, %mul3A_372 : i32
      %mul3A_374 = arith.constant 128 : i32
      %mul3A_375 = arith.muli %add3A_373, %mul3A_374 : i32
      %add3A_376 = arith.addi %mul3A_357, %mul3A_375 : i32
      "tpu.region"() ({
        %run_scoped3A = tpu.sem_alloc : memref<!tpu.dma_semaphore, #tpu.memory_space<semaphore_mem>>
        %dma_start3A_381 = tpu.memref_slice %arg10[%add3A_376] : memref<800000xi32, #tpu.memory_space<hbm>> -> memref<128xi32, #tpu.memory_space<hbm>>
        %dma_start3A_382 = tpu.memref_slice %arg10[%add3A_376] : memref<800000xi32, #tpu.memory_space<hbm>> -> memref<128xi32, #tpu.memory_space<hbm>>
        tpu.enqueue_dma source(%dma_start3A_382 : memref<128xi32, #tpu.memory_space<hbm>>) target(%arg20 : memref<128xi32, #tpu.memory_space<vmem>>) target_semaphore(%run_scoped3A : memref<!tpu.dma_semaphore, #tpu.memory_space<semaphore_mem>>)
        %dma_wait3A_383 = tpu.memref_slice %arg10[%add3A_376] : memref<800000xi32, #tpu.memory_space<hbm>> -> memref<128xi32, #tpu.memory_space<hbm>>
        %dma_wait3A_384 = tpu.memref_slice %arg10[%add3A_376] : memref<800000xi32, #tpu.memory_space<hbm>> -> memref<128xi32, #tpu.memory_space<hbm>>
        tpu.wait_dma2 semaphore(%run_scoped3A : memref<!tpu.dma_semaphore, #tpu.memory_space<semaphore_mem>>) src(%dma_wait3A_384 : memref<128xi32, #tpu.memory_space<hbm>>) dst(%arg20 : memref<128xi32, #tpu.memory_space<vmem>>)
        tpu.yield
      }) : () -> ()
      "tpu.region"() ({
        %run_scoped3A = tpu.sem_alloc : memref<!tpu.dma_semaphore, #tpu.memory_space<semaphore_mem>>
        %dma_start3A_381 = tpu.memref_slice %arg11[%add3A_376] : memref<800000xi32, #tpu.memory_space<hbm>> -> memref<128xi32, #tpu.memory_space<hbm>>
        %dma_start3A_382 = tpu.memref_slice %arg11[%add3A_376] : memref<800000xi32, #tpu.memory_space<hbm>> -> memref<128xi32, #tpu.memory_space<hbm>>
        tpu.enqueue_dma source(%dma_start3A_382 : memref<128xi32, #tpu.memory_space<hbm>>) target(%arg21 : memref<128xi32, #tpu.memory_space<vmem>>) target_semaphore(%run_scoped3A : memref<!tpu.dma_semaphore, #tpu.memory_space<semaphore_mem>>)
        %dma_wait3A_383 = tpu.memref_slice %arg11[%add3A_376] : memref<800000xi32, #tpu.memory_space<hbm>> -> memref<128xi32, #tpu.memory_space<hbm>>
        %dma_wait3A_384 = tpu.memref_slice %arg11[%add3A_376] : memref<800000xi32, #tpu.memory_space<hbm>> -> memref<128xi32, #tpu.memory_space<hbm>>
        tpu.wait_dma2 semaphore(%run_scoped3A : memref<!tpu.dma_semaphore, #tpu.memory_space<semaphore_mem>>) src(%dma_wait3A_384 : memref<128xi32, #tpu.memory_space<hbm>>) dst(%arg21 : memref<128xi32, #tpu.memory_space<vmem>>)
        tpu.yield
      }) : () -> ()
      %dma_start3A = arith.constant 0 : i32
      %dma_start3A_377 = arith.constant 0 : i32
      %dma_start3A_378 = tpu.memref_slice %arg9[%dma_start3A, %dma_start3A_377] : memref<50000x16xf32, #tpu.memory_space<hbm>> -> memref<50000x16xf32, #tpu.memory_space<hbm>>
      tpu.enqueue_indirect_dma source(%dma_start3A_378 : memref<50000x16xf32, #tpu.memory_space<hbm>>) target(%arg22 : memref<128x16xf32, #tpu.memory_space<vmem>>) offsets(%arg20 : memref<128xi32, #tpu.memory_space<vmem>>) semaphore(%arg25 : memref<!tpu.dma_semaphore, #tpu.memory_space<semaphore_mem>>)
      %dma_wait3A = arith.constant 0 : i32
      %dma_wait3A_379 = arith.constant 0 : i32
      %dma_wait3A_380 = tpu.memref_slice %arg9[%dma_wait3A, %dma_wait3A_379] : memref<50000x16xf32, #tpu.memory_space<hbm>> -> memref<50000x16xf32, #tpu.memory_space<hbm>>
      tpu.wait_indirect_dma semaphore(%arg25 : memref<!tpu.dma_semaphore, #tpu.memory_space<semaphore_mem>>) src(%dma_wait3A_380 : memref<50000x16xf32, #tpu.memory_space<hbm>>) dst(%arg22 : memref<128x16xf32, #tpu.memory_space<vmem>>)
      "tpu.region"() ({
        %run_scoped3A = tpu.sem_alloc : memref<!tpu.dma_semaphore, #tpu.memory_space<semaphore_mem>>
        %dma_start3A_381 = arith.constant 0 : i32
        %dma_start3A_382 = arith.constant 0 : i32
        %dma_start3A_383 = tpu.memref_slice %arg24[%dma_start3A_381, %dma_start3A_382] : memref<50048x16xf32, #tpu.memory_space<vmem_shared>> -> memref<50048x16xf32, #tpu.memory_space<vmem_shared>>
        tpu.enqueue_indirect_dma source(%arg22 : memref<128x16xf32, #tpu.memory_space<vmem>>) target(%dma_start3A_383 : memref<50048x16xf32, #tpu.memory_space<vmem_shared>>) offsets(%arg21 : memref<128xi32, #tpu.memory_space<vmem>>) semaphore(%run_scoped3A : memref<!tpu.dma_semaphore, #tpu.memory_space<semaphore_mem>>) {add = true}
        %dma_wait3A_384 = arith.constant 0 : i32
        %dma_wait3A_385 = arith.constant 0 : i32
        %dma_wait3A_386 = tpu.memref_slice %arg24[%dma_wait3A_384, %dma_wait3A_385] : memref<50048x16xf32, #tpu.memory_space<vmem_shared>> -> memref<50048x16xf32, #tpu.memory_space<vmem_shared>>
        tpu.wait_indirect_dma semaphore(%run_scoped3A : memref<!tpu.dma_semaphore, #tpu.memory_space<semaphore_mem>>) src(%arg22 : memref<128x16xf32, #tpu.memory_space<vmem>>) dst(%dma_wait3A_386 : memref<50048x16xf32, #tpu.memory_space<vmem_shared>>)
        tpu.yield
      }) : () -> ()
    }
    %barrier3A_368 = arith.constant 0 : index
    tpu.barrier barrier_id(%barrier3A_368)
    "tpu.region"() ({
      %run_scoped3A = tpu.sem_alloc : memref<!tpu.dma_semaphore, #tpu.memory_space<semaphore_mem>>
      %dma_start3A = arith.constant 0 : i32
      %dma_start3A_370 = tpu.memref_slice %arg19[%arg0, %mul3A_324, %dma_start3A] : memref<2x50048x16xf32, #tpu.memory_space<hbm>> -> memref<1x3128x16xf32, #tpu.memory_space<hbm>>
      %dma_start3A_371 = tpu.memref_squeeze %dma_start3A_370 : memref<1x3128x16xf32, #tpu.memory_space<hbm>> -> memref<3128x16xf32, #tpu.memory_space<hbm>>
      %dma_start3A_372 = arith.constant 0 : i32
      %dma_start3A_373 = tpu.memref_slice %arg24[%mul3A_324, %dma_start3A_372] : memref<50048x16xf32, #tpu.memory_space<vmem_shared>> -> memref<3128x16xf32, #tpu.memory_space<vmem_shared>>
      tpu.enqueue_dma source(%dma_start3A_373 : memref<3128x16xf32, #tpu.memory_space<vmem_shared>>) target(%dma_start3A_371 : memref<3128x16xf32, #tpu.memory_space<hbm>>) target_semaphore(%run_scoped3A : memref<!tpu.dma_semaphore, #tpu.memory_space<semaphore_mem>>)
      %dma_wait3A = arith.constant 0 : i32
      %dma_wait3A_374 = tpu.memref_slice %arg19[%arg0, %mul3A_324, %dma_wait3A] : memref<2x50048x16xf32, #tpu.memory_space<hbm>> -> memref<1x3128x16xf32, #tpu.memory_space<hbm>>
      %dma_wait3A_375 = tpu.memref_squeeze %dma_wait3A_374 : memref<1x3128x16xf32, #tpu.memory_space<hbm>> -> memref<3128x16xf32, #tpu.memory_space<hbm>>
      %dma_wait3A_376 = arith.constant 0 : i32
      %dma_wait3A_377 = tpu.memref_slice %arg24[%mul3A_324, %dma_wait3A_376] : memref<50048x16xf32, #tpu.memory_space<vmem_shared>> -> memref<3128x16xf32, #tpu.memory_space<vmem_shared>>
      tpu.wait_dma2 semaphore(%run_scoped3A : memref<!tpu.dma_semaphore, #tpu.memory_space<semaphore_mem>>) src(%dma_wait3A_377 : memref<3128x16xf32, #tpu.memory_space<vmem_shared>>) dst(%dma_wait3A_375 : memref<3128x16xf32, #tpu.memory_space<hbm>>)
      tpu.yield
    }) : () -> ()
    %barrier3A_369 = arith.constant 0 : index
    tpu.barrier barrier_id(%barrier3A_369)
    return
  }
}

#map = affine_map<(d0, d1) -> (0, 0)>
#map1 = affine_map<(d0, d1) -> (0)>
#map2 = affine_map<(d0, d1) -> (0, 0, 0)>
module attributes {stable_mosaic.version = 14 : i64} {
  func.func @_seg16_body(%arg0: i32, %arg1: i32, %arg2: memref<50000x16xf32, #tpu.memory_space<hbm>>, %arg3: memref<800000xi32, #tpu.memory_space<hbm>>, %arg4: memref<800000xi32, #tpu.memory_space<hbm>>, %arg5: memref<2x50048x16xf32, #tpu.memory_space<hbm>>, %arg6: memref<128xi32, #tpu.memory_space<vmem>>, %arg7: memref<128xi32, #tpu.memory_space<vmem>>, %arg8: memref<128x16xf32, #tpu.memory_space<vmem>>, %arg9: memref<3128x16xf32, #tpu.memory_space<vmem>>, %arg10: memref<50048x16xf32, #tpu.memory_space<vmem_shared>>, %arg11: memref<!tpu.dma_semaphore, #tpu.memory_space<semaphore_mem>>) attributes {dimension_semantics = [#tpu.dimension_semantics<core_parallel>, #tpu.dimension_semantics<subcore_parallel>], iteration_bounds = array<i64: 2, 16>, scalar_prefetch = 0 : i64, scratch_operands = 6 : i64, tpu.core_type = #tpu.core_type<sc_vector_subcore>, window_params = [{transform_indices = #map}, {transform_indices = #map1}, {transform_indices = #map1}, {transform_indices = #map2}]} {
    %broadcast_in_dim3A = arith.constant 0.000000e+00 : f32
    %broadcast_in_dim3A_0 = vector.broadcast %broadcast_in_dim3A : f32 to vector<16xf32>
    %scan3A = arith.constant 0 : i32
    %scan3A_1 = arith.constant 0 : i32
    %scan3A_2 = arith.constant 3128 : i32
    %scan3A_3 = arith.addi %scan3A_1, %scan3A_2 : i32
    %scan3A_4 = arith.constant 1 : i32
    scf.for %scan3A_41 = %scan3A_1 to %scan3A_3 step %scan3A_4  : i32 {
      %swap3A = arith.index_cast %scan3A_41 : i32 to index
      %swap3A_42 = arith.constant 0 : index
      %swap3A_43 = tpu.vector_load %arg9[%swap3A, %swap3A_42] {strides = array<i32>} : memref<3128x16xf32, #tpu.memory_space<vmem>>, vector<1x16xf32>,
      %swap3A_44 = vector.shape_cast %swap3A_43 : vector<1x16xf32> to vector<16xf32>
      %swap3A_45 = vector.shape_cast %broadcast_in_dim3A_0 : vector<16xf32> to vector<1x16xf32>
      tpu.vector_store %arg9[%swap3A, %swap3A_42], %swap3A_45 {strides = array<i32>} : memref<3128x16xf32, #tpu.memory_space<vmem>>, vector<1x16xf32>,
    }
    %scan3A_5 = arith.constant 3128 : i32
    %mul3A = arith.constant 3128 : i32
    %mul3A_6 = arith.muli %arg1, %mul3A : i32
    "tpu.region"() ({
      %run_scoped3A = tpu.sem_alloc : memref<!tpu.dma_semaphore, #tpu.memory_space<semaphore_mem>>
      %dma_start3A = arith.constant 0 : i32
      %dma_start3A_41 = tpu.memref_slice %arg10[%mul3A_6, %dma_start3A] : memref<50048x16xf32, #tpu.memory_space<vmem_shared>> -> memref<3128x16xf32, #tpu.memory_space<vmem_shared>>
      %dma_start3A_42 = arith.constant 0 : i32
      %dma_start3A_43 = tpu.memref_slice %arg10[%mul3A_6, %dma_start3A_42] : memref<50048x16xf32, #tpu.memory_space<vmem_shared>> -> memref<3128x16xf32, #tpu.memory_space<vmem_shared>>
      tpu.enqueue_dma source(%arg9 : memref<3128x16xf32, #tpu.memory_space<vmem>>) target(%dma_start3A_43 : memref<3128x16xf32, #tpu.memory_space<vmem_shared>>) target_semaphore(%run_scoped3A : memref<!tpu.dma_semaphore, #tpu.memory_space<semaphore_mem>>)
      %dma_wait3A = arith.constant 0 : i32
      %dma_wait3A_44 = tpu.memref_slice %arg10[%mul3A_6, %dma_wait3A] : memref<50048x16xf32, #tpu.memory_space<vmem_shared>> -> memref<3128x16xf32, #tpu.memory_space<vmem_shared>>
      %dma_wait3A_45 = arith.constant 0 : i32
      %dma_wait3A_46 = tpu.memref_slice %arg10[%mul3A_6, %dma_wait3A_45] : memref<50048x16xf32, #tpu.memory_space<vmem_shared>> -> memref<3128x16xf32, #tpu.memory_space<vmem_shared>>
      tpu.wait_dma2 semaphore(%run_scoped3A : memref<!tpu.dma_semaphore, #tpu.memory_space<semaphore_mem>>) src(%arg9 : memref<3128x16xf32, #tpu.memory_space<vmem>>) dst(%dma_wait3A_46 : memref<3128x16xf32, #tpu.memory_space<vmem_shared>>)
      tpu.yield
    }) : () -> ()
    %barrier3A = arith.constant 0 : index
    tpu.barrier barrier_id(%barrier3A)
    %sub3A = arith.constant 3125 : i32
    %sub3A_7 = arith.subi %sub3A, %arg1 : i32
    %add3A = arith.constant 16 : i32
    %add3A_8 = arith.addi %sub3A_7, %add3A : i32
    %sub3A_9 = arith.constant 1 : i32
    %sub3A_10 = arith.subi %add3A_8, %sub3A_9 : i32
    %jit3A = arith.constant 16 : i32
    %div3A = arith.divsi %sub3A_10, %jit3A : i32
    %sign3A = arith.constant 0 : i32
    %sign3A_11 = arith.cmpi sgt, %sub3A_10, %sign3A : i32
    %sign3A_12 = arith.extui %sign3A_11 : i1 to i32
    %sign3A_13 = arith.constant 0 : i32
    %sign3A_14 = arith.cmpi slt, %sub3A_10, %sign3A_13 : i32
    %sign3A_15 = arith.extui %sign3A_14 : i1 to i32
    %sign3A_16 = arith.subi %sign3A_12, %sign3A_15 : i32
    %sign3A_17 = arith.constant 0 : i32
    %sign3A_18 = arith.cmpi sgt, %jit3A, %sign3A_17 : i32
    %sign3A_19 = arith.extui %sign3A_18 : i1 to i32
    %sign3A_20 = arith.constant 0 : i32
    %sign3A_21 = arith.cmpi slt, %jit3A, %sign3A_20 : i32
    %sign3A_22 = arith.extui %sign3A_21 : i1 to i32
    %sign3A_23 = arith.subi %sign3A_19, %sign3A_22 : i32
    %ne3A = arith.cmpi ne, %sign3A_16, %sign3A_23 : i32
    %rem3A = arith.remsi %sub3A_10, %jit3A : i32
    %ne3A_24 = arith.constant 0 : i32
    %ne3A_25 = arith.cmpi ne, %rem3A, %ne3A_24 : i32
    %and3A = arith.andi %ne3A, %ne3A_25 : i1
    %sub3A_26 = arith.constant 1 : i32
    %sub3A_27 = arith.subi %div3A, %sub3A_26 : i32
    %select_n3A = arith.select %and3A, %sub3A_27, %div3A : i32
    %mul3A_28 = arith.constant 400000 : i32
    %mul3A_29 = arith.muli %arg0, %mul3A_28 : i32
    %while3A = arith.constant 0 : i32
    %while3A_30 = arith.constant 0 : i32
    %while3A_31 = arith.subi %select_n3A, %while3A_30 : i32
    %while3A_32 = arith.addi %while3A_30, %while3A_31 : i32
    %while3A_33 = arith.constant 1 : i32
    %while3A_34 = arith.divsi %while3A_31, %while3A_33 : i32
    %while3A_35 = arith.muli %while3A_34, %while3A_33 : i32
    %while3A_36 = arith.addi %while3A_30, %while3A_35 : i32
    %while3A_37 = arith.constant 1 : i32
    scf.for %while3A_41 = %while3A_30 to %while3A_36 step %while3A_37  : i32 {
      %mul3A_42 = arith.constant 16 : i32
      %mul3A_43 = arith.muli %while3A_41, %mul3A_42 : i32
      %add3A_44 = arith.addi %arg1, %mul3A_43 : i32
      %mul3A_45 = arith.constant 128 : i32
      %mul3A_46 = arith.muli %add3A_44, %mul3A_45 : i32
      %add3A_47 = arith.addi %mul3A_29, %mul3A_46 : i32
      "tpu.region"() ({
        %run_scoped3A = tpu.sem_alloc : memref<!tpu.dma_semaphore, #tpu.memory_space<semaphore_mem>>
        %dma_start3A_52 = tpu.memref_slice %arg3[%add3A_47] : memref<800000xi32, #tpu.memory_space<hbm>> -> memref<128xi32, #tpu.memory_space<hbm>>
        %dma_start3A_53 = tpu.memref_slice %arg3[%add3A_47] : memref<800000xi32, #tpu.memory_space<hbm>> -> memref<128xi32, #tpu.memory_space<hbm>>
        tpu.enqueue_dma source(%dma_start3A_53 : memref<128xi32, #tpu.memory_space<hbm>>) target(%arg6 : memref<128xi32, #tpu.memory_space<vmem>>) target_semaphore(%run_scoped3A : memref<!tpu.dma_semaphore, #tpu.memory_space<semaphore_mem>>)
        %dma_wait3A_54 = tpu.memref_slice %arg3[%add3A_47] : memref<800000xi32, #tpu.memory_space<hbm>> -> memref<128xi32, #tpu.memory_space<hbm>>
        %dma_wait3A_55 = tpu.memref_slice %arg3[%add3A_47] : memref<800000xi32, #tpu.memory_space<hbm>> -> memref<128xi32, #tpu.memory_space<hbm>>
        tpu.wait_dma2 semaphore(%run_scoped3A : memref<!tpu.dma_semaphore, #tpu.memory_space<semaphore_mem>>) src(%dma_wait3A_55 : memref<128xi32, #tpu.memory_space<hbm>>) dst(%arg6 : memref<128xi32, #tpu.memory_space<vmem>>)
        tpu.yield
      }) : () -> ()
      "tpu.region"() ({
        %run_scoped3A = tpu.sem_alloc : memref<!tpu.dma_semaphore, #tpu.memory_space<semaphore_mem>>
        %dma_start3A_52 = tpu.memref_slice %arg4[%add3A_47] : memref<800000xi32, #tpu.memory_space<hbm>> -> memref<128xi32, #tpu.memory_space<hbm>>
        %dma_start3A_53 = tpu.memref_slice %arg4[%add3A_47] : memref<800000xi32, #tpu.memory_space<hbm>> -> memref<128xi32, #tpu.memory_space<hbm>>
        tpu.enqueue_dma source(%dma_start3A_53 : memref<128xi32, #tpu.memory_space<hbm>>) target(%arg7 : memref<128xi32, #tpu.memory_space<vmem>>) target_semaphore(%run_scoped3A : memref<!tpu.dma_semaphore, #tpu.memory_space<semaphore_mem>>)
        %dma_wait3A_54 = tpu.memref_slice %arg4[%add3A_47] : memref<800000xi32, #tpu.memory_space<hbm>> -> memref<128xi32, #tpu.memory_space<hbm>>
        %dma_wait3A_55 = tpu.memref_slice %arg4[%add3A_47] : memref<800000xi32, #tpu.memory_space<hbm>> -> memref<128xi32, #tpu.memory_space<hbm>>
        tpu.wait_dma2 semaphore(%run_scoped3A : memref<!tpu.dma_semaphore, #tpu.memory_space<semaphore_mem>>) src(%dma_wait3A_55 : memref<128xi32, #tpu.memory_space<hbm>>) dst(%arg7 : memref<128xi32, #tpu.memory_space<vmem>>)
        tpu.yield
      }) : () -> ()
      %dma_start3A = arith.constant 0 : i32
      %dma_start3A_48 = arith.constant 0 : i32
      %dma_start3A_49 = tpu.memref_slice %arg2[%dma_start3A, %dma_start3A_48] : memref<50000x16xf32, #tpu.memory_space<hbm>> -> memref<50000x16xf32, #tpu.memory_space<hbm>>
      tpu.enqueue_indirect_dma source(%dma_start3A_49 : memref<50000x16xf32, #tpu.memory_space<hbm>>) target(%arg8 : memref<128x16xf32, #tpu.memory_space<vmem>>) offsets(%arg6 : memref<128xi32, #tpu.memory_space<vmem>>) semaphore(%arg11 : memref<!tpu.dma_semaphore, #tpu.memory_space<semaphore_mem>>)
      %dma_wait3A = arith.constant 0 : i32
      %dma_wait3A_50 = arith.constant 0 : i32
      %dma_wait3A_51 = tpu.memref_slice %arg2[%dma_wait3A, %dma_wait3A_50] : memref<50000x16xf32, #tpu.memory_space<hbm>> -> memref<50000x16xf32, #tpu.memory_space<hbm>>
      tpu.wait_indirect_dma semaphore(%arg11 : memref<!tpu.dma_semaphore, #tpu.memory_space<semaphore_mem>>) src(%dma_wait3A_51 : memref<50000x16xf32, #tpu.memory_space<hbm>>) dst(%arg8 : memref<128x16xf32, #tpu.memory_space<vmem>>)
      "tpu.region"() ({
        %run_scoped3A = tpu.sem_alloc : memref<!tpu.dma_semaphore, #tpu.memory_space<semaphore_mem>>
        %dma_start3A_52 = arith.constant 0 : i32
        %dma_start3A_53 = arith.constant 0 : i32
        %dma_start3A_54 = tpu.memref_slice %arg10[%dma_start3A_52, %dma_start3A_53] : memref<50048x16xf32, #tpu.memory_space<vmem_shared>> -> memref<50048x16xf32, #tpu.memory_space<vmem_shared>>
        tpu.enqueue_indirect_dma source(%arg8 : memref<128x16xf32, #tpu.memory_space<vmem>>) target(%dma_start3A_54 : memref<50048x16xf32, #tpu.memory_space<vmem_shared>>) offsets(%arg7 : memref<128xi32, #tpu.memory_space<vmem>>) semaphore(%run_scoped3A : memref<!tpu.dma_semaphore, #tpu.memory_space<semaphore_mem>>) {add = true}
        %dma_wait3A_55 = arith.constant 0 : i32
        %dma_wait3A_56 = arith.constant 0 : i32
        %dma_wait3A_57 = tpu.memref_slice %arg10[%dma_wait3A_55, %dma_wait3A_56] : memref<50048x16xf32, #tpu.memory_space<vmem_shared>> -> memref<50048x16xf32, #tpu.memory_space<vmem_shared>>
        tpu.wait_indirect_dma semaphore(%run_scoped3A : memref<!tpu.dma_semaphore, #tpu.memory_space<semaphore_mem>>) src(%arg8 : memref<128x16xf32, #tpu.memory_space<vmem>>) dst(%dma_wait3A_57 : memref<50048x16xf32, #tpu.memory_space<vmem_shared>>)
        tpu.yield
      }) : () -> ()
    }
    %while3A_38 = arith.constant 1 : i32
    scf.for %while3A_41 = %while3A_36 to %while3A_32 step %while3A_38  : i32 {
      %mul3A_42 = arith.constant 16 : i32
      %mul3A_43 = arith.muli %while3A_41, %mul3A_42 : i32
      %add3A_44 = arith.addi %arg1, %mul3A_43 : i32
      %mul3A_45 = arith.constant 128 : i32
      %mul3A_46 = arith.muli %add3A_44, %mul3A_45 : i32
      %add3A_47 = arith.addi %mul3A_29, %mul3A_46 : i32
      "tpu.region"() ({
        %run_scoped3A = tpu.sem_alloc : memref<!tpu.dma_semaphore, #tpu.memory_space<semaphore_mem>>
        %dma_start3A_52 = tpu.memref_slice %arg3[%add3A_47] : memref<800000xi32, #tpu.memory_space<hbm>> -> memref<128xi32, #tpu.memory_space<hbm>>
        %dma_start3A_53 = tpu.memref_slice %arg3[%add3A_47] : memref<800000xi32, #tpu.memory_space<hbm>> -> memref<128xi32, #tpu.memory_space<hbm>>
        tpu.enqueue_dma source(%dma_start3A_53 : memref<128xi32, #tpu.memory_space<hbm>>) target(%arg6 : memref<128xi32, #tpu.memory_space<vmem>>) target_semaphore(%run_scoped3A : memref<!tpu.dma_semaphore, #tpu.memory_space<semaphore_mem>>)
        %dma_wait3A_54 = tpu.memref_slice %arg3[%add3A_47] : memref<800000xi32, #tpu.memory_space<hbm>> -> memref<128xi32, #tpu.memory_space<hbm>>
        %dma_wait3A_55 = tpu.memref_slice %arg3[%add3A_47] : memref<800000xi32, #tpu.memory_space<hbm>> -> memref<128xi32, #tpu.memory_space<hbm>>
        tpu.wait_dma2 semaphore(%run_scoped3A : memref<!tpu.dma_semaphore, #tpu.memory_space<semaphore_mem>>) src(%dma_wait3A_55 : memref<128xi32, #tpu.memory_space<hbm>>) dst(%arg6 : memref<128xi32, #tpu.memory_space<vmem>>)
        tpu.yield
      }) : () -> ()
      "tpu.region"() ({
        %run_scoped3A = tpu.sem_alloc : memref<!tpu.dma_semaphore, #tpu.memory_space<semaphore_mem>>
        %dma_start3A_52 = tpu.memref_slice %arg4[%add3A_47] : memref<800000xi32, #tpu.memory_space<hbm>> -> memref<128xi32, #tpu.memory_space<hbm>>
        %dma_start3A_53 = tpu.memref_slice %arg4[%add3A_47] : memref<800000xi32, #tpu.memory_space<hbm>> -> memref<128xi32, #tpu.memory_space<hbm>>
        tpu.enqueue_dma source(%dma_start3A_53 : memref<128xi32, #tpu.memory_space<hbm>>) target(%arg7 : memref<128xi32, #tpu.memory_space<vmem>>) target_semaphore(%run_scoped3A : memref<!tpu.dma_semaphore, #tpu.memory_space<semaphore_mem>>)
        %dma_wait3A_54 = tpu.memref_slice %arg4[%add3A_47] : memref<800000xi32, #tpu.memory_space<hbm>> -> memref<128xi32, #tpu.memory_space<hbm>>
        %dma_wait3A_55 = tpu.memref_slice %arg4[%add3A_47] : memref<800000xi32, #tpu.memory_space<hbm>> -> memref<128xi32, #tpu.memory_space<hbm>>
        tpu.wait_dma2 semaphore(%run_scoped3A : memref<!tpu.dma_semaphore, #tpu.memory_space<semaphore_mem>>) src(%dma_wait3A_55 : memref<128xi32, #tpu.memory_space<hbm>>) dst(%arg7 : memref<128xi32, #tpu.memory_space<vmem>>)
        tpu.yield
      }) : () -> ()
      %dma_start3A = arith.constant 0 : i32
      %dma_start3A_48 = arith.constant 0 : i32
      %dma_start3A_49 = tpu.memref_slice %arg2[%dma_start3A, %dma_start3A_48] : memref<50000x16xf32, #tpu.memory_space<hbm>> -> memref<50000x16xf32, #tpu.memory_space<hbm>>
      tpu.enqueue_indirect_dma source(%dma_start3A_49 : memref<50000x16xf32, #tpu.memory_space<hbm>>) target(%arg8 : memref<128x16xf32, #tpu.memory_space<vmem>>) offsets(%arg6 : memref<128xi32, #tpu.memory_space<vmem>>) semaphore(%arg11 : memref<!tpu.dma_semaphore, #tpu.memory_space<semaphore_mem>>)
      %dma_wait3A = arith.constant 0 : i32
      %dma_wait3A_50 = arith.constant 0 : i32
      %dma_wait3A_51 = tpu.memref_slice %arg2[%dma_wait3A, %dma_wait3A_50] : memref<50000x16xf32, #tpu.memory_space<hbm>> -> memref<50000x16xf32, #tpu.memory_space<hbm>>
      tpu.wait_indirect_dma semaphore(%arg11 : memref<!tpu.dma_semaphore, #tpu.memory_space<semaphore_mem>>) src(%dma_wait3A_51 : memref<50000x16xf32, #tpu.memory_space<hbm>>) dst(%arg8 : memref<128x16xf32, #tpu.memory_space<vmem>>)
      "tpu.region"() ({
        %run_scoped3A = tpu.sem_alloc : memref<!tpu.dma_semaphore, #tpu.memory_space<semaphore_mem>>
        %dma_start3A_52 = arith.constant 0 : i32
        %dma_start3A_53 = arith.constant 0 : i32
        %dma_start3A_54 = tpu.memref_slice %arg10[%dma_start3A_52, %dma_start3A_53] : memref<50048x16xf32, #tpu.memory_space<vmem_shared>> -> memref<50048x16xf32, #tpu.memory_space<vmem_shared>>
        tpu.enqueue_indirect_dma source(%arg8 : memref<128x16xf32, #tpu.memory_space<vmem>>) target(%dma_start3A_54 : memref<50048x16xf32, #tpu.memory_space<vmem_shared>>) offsets(%arg7 : memref<128xi32, #tpu.memory_space<vmem>>) semaphore(%run_scoped3A : memref<!tpu.dma_semaphore, #tpu.memory_space<semaphore_mem>>) {add = true}
        %dma_wait3A_55 = arith.constant 0 : i32
        %dma_wait3A_56 = arith.constant 0 : i32
        %dma_wait3A_57 = tpu.memref_slice %arg10[%dma_wait3A_55, %dma_wait3A_56] : memref<50048x16xf32, #tpu.memory_space<vmem_shared>> -> memref<50048x16xf32, #tpu.memory_space<vmem_shared>>
        tpu.wait_indirect_dma semaphore(%run_scoped3A : memref<!tpu.dma_semaphore, #tpu.memory_space<semaphore_mem>>) src(%arg8 : memref<128x16xf32, #tpu.memory_space<vmem>>) dst(%dma_wait3A_57 : memref<50048x16xf32, #tpu.memory_space<vmem_shared>>)
        tpu.yield
      }) : () -> ()
    }
    %barrier3A_39 = arith.constant 0 : index
    tpu.barrier barrier_id(%barrier3A_39)
    "tpu.region"() ({
      %run_scoped3A = tpu.sem_alloc : memref<!tpu.dma_semaphore, #tpu.memory_space<semaphore_mem>>
      %dma_start3A = arith.constant 0 : i32
      %dma_start3A_41 = tpu.memref_slice %arg5[%arg0, %mul3A_6, %dma_start3A] : memref<2x50048x16xf32, #tpu.memory_space<hbm>> -> memref<1x3128x16xf32, #tpu.memory_space<hbm>>
      %dma_start3A_42 = tpu.memref_squeeze %dma_start3A_41 : memref<1x3128x16xf32, #tpu.memory_space<hbm>> -> memref<3128x16xf32, #tpu.memory_space<hbm>>
      %dma_start3A_43 = arith.constant 0 : i32
      %dma_start3A_44 = tpu.memref_slice %arg10[%mul3A_6, %dma_start3A_43] : memref<50048x16xf32, #tpu.memory_space<vmem_shared>> -> memref<3128x16xf32, #tpu.memory_space<vmem_shared>>
      tpu.enqueue_dma source(%dma_start3A_44 : memref<3128x16xf32, #tpu.memory_space<vmem_shared>>) target(%dma_start3A_42 : memref<3128x16xf32, #tpu.memory_space<hbm>>) target_semaphore(%run_scoped3A : memref<!tpu.dma_semaphore, #tpu.memory_space<semaphore_mem>>)
      %dma_wait3A = arith.constant 0 : i32
      %dma_wait3A_45 = tpu.memref_slice %arg5[%arg0, %mul3A_6, %dma_wait3A] : memref<2x50048x16xf32, #tpu.memory_space<hbm>> -> memref<1x3128x16xf32, #tpu.memory_space<hbm>>
      %dma_wait3A_46 = tpu.memref_squeeze %dma_wait3A_45 : memref<1x3128x16xf32, #tpu.memory_space<hbm>> -> memref<3128x16xf32, #tpu.memory_space<hbm>>
      %dma_wait3A_47 = arith.constant 0 : i32
      %dma_wait3A_48 = tpu.memref_slice %arg10[%mul3A_6, %dma_wait3A_47] : memref<50048x16xf32, #tpu.memory_space<vmem_shared>> -> memref<3128x16xf32, #tpu.memory_space<vmem_shared>>
      tpu.wait_dma2 semaphore(%run_scoped3A : memref<!tpu.dma_semaphore, #tpu.memory_space<semaphore_mem>>) src(%dma_wait3A_48 : memref<3128x16xf32, #tpu.memory_space<vmem_shared>>) dst(%dma_wait3A_46 : memref<3128x16xf32, #tpu.memory_space<hbm>>)
      tpu.yield
    }) : () -> ()
    %barrier3A_40 = arith.constant 0 : index
    tpu.barrier barrier_id(%barrier3A_40)
    return
  }
}

module attributes {stable_mosaic.version = 14 : i64} {
  func.func @_t1_body(%arg0: i32, %arg1: memref<2x1000x16xf32, #tpu.memory_space<vmem>>, %arg2: memref<1000x16xf32, #tpu.memory_space<vmem>>, %arg3: memref<16x128xf32, #tpu.memory_space<vmem>>, %arg4: memref<16x128xf32, #tpu.memory_space<vmem>>, %arg5: memref<1x128xf32, #tpu.memory_space<vmem>>, %arg6: memref<128x1xf32, #tpu.memory_space<vmem>>, %arg7: memref<1000x128xf32, #tpu.memory_space<vmem>>, %arg8: memref<1000x1xf32, #tpu.memory_space<vmem>>) attributes {dimension_semantics = [#tpu.dimension_semantics<arbitrary>], iteration_bounds = array<i64: 50>, scalar_prefetch = 0 : i64, scratch_operands = 0 : i64, tpu.core_type = #tpu.core_type<tc>, window_params = [{transform_indices = @transform_0, window_bounds = array<i64: 2, 1000, 16>}, {transform_indices = @transform_1, window_bounds = array<i64: 1000, 16>}, {pipeline_mode = #tpu.pipeline_mode<synchronous>, transform_indices = @transform_2, window_bounds = array<i64: 16, 128>}, {pipeline_mode = #tpu.pipeline_mode<synchronous>, transform_indices = @transform_3, window_bounds = array<i64: 16, 128>}, {pipeline_mode = #tpu.pipeline_mode<synchronous>, transform_indices = @transform_4, window_bounds = array<i64: 1, 128>}, {pipeline_mode = #tpu.pipeline_mode<synchronous>, transform_indices = @transform_5, window_bounds = array<i64: 128, 1>}, {transform_indices = @transform_6, window_bounds = array<i64: 1000, 128>}, {transform_indices = @transform_7, window_bounds = array<i64: 1000, 1>}]} {
    %get3A = arith.constant 0 : index
    %get3A_0 = arith.constant 0 : index
    %get3A_1 = arith.constant 0 : index
    %get3A_2 = vector.load %arg1[%get3A, %get3A_0, %get3A_1] : memref<2x1000x16xf32, #tpu.memory_space<vmem>>, vector<1x1000x16xf32>
    %get3A_3 = vector.shape_cast %get3A_2 : vector<1x1000x16xf32> to vector<1000x16xf32>
    %get3A_4 = arith.constant 1 : index
    %get3A_5 = arith.constant 0 : index
    %get3A_6 = arith.constant 0 : index
    %get3A_7 = vector.load %arg1[%get3A_4, %get3A_5, %get3A_6] : memref<2x1000x16xf32, #tpu.memory_space<vmem>>, vector<1x1000x16xf32>
    %get3A_8 = vector.shape_cast %get3A_7 : vector<1x1000x16xf32> to vector<1000x16xf32>
    %add3A = arith.addf %get3A_3, %get3A_8 : vector<1000x16xf32>
    %get3A_9 = arith.constant 0 : index
    %get3A_10 = arith.constant 0 : index
    %get3A_11 = vector.load %arg3[%get3A_9, %get3A_10] : memref<16x128xf32, #tpu.memory_space<vmem>>, vector<16x128xf32>
    %dot_general3A = arith.constant dense<0.000000e+00> : vector<1000x128xf32>
    %dot_general3A_12 = tpu.matmul %add3A, %get3A_11, %dot_general3A {dimension_numbers = #tpu.dot_dimension_numbers<[1], [0], [0], [1], [0, 0, 1, 1], [], []>, transpose_lhs_hint = false} : vector<1000x16xf32>, vector<16x128xf32>, vector<1000x128xf32> -> vector<1000x128xf32>
    %get3A_13 = arith.constant 0 : index
    %get3A_14 = arith.constant 0 : index
    %get3A_15 = vector.load %arg2[%get3A_13, %get3A_14] : memref<1000x16xf32, #tpu.memory_space<vmem>>, vector<1000x16xf32>
    %get3A_16 = arith.constant 0 : index
    %get3A_17 = arith.constant 0 : index
    %get3A_18 = vector.load %arg4[%get3A_16, %get3A_17] : memref<16x128xf32, #tpu.memory_space<vmem>>, vector<16x128xf32>
    %dot_general3A_19 = arith.constant dense<0.000000e+00> : vector<1000x128xf32>
    %dot_general3A_20 = tpu.matmul %get3A_15, %get3A_18, %dot_general3A_19 {dimension_numbers = #tpu.dot_dimension_numbers<[1], [0], [0], [1], [0, 0, 1, 1], [], []>, transpose_lhs_hint = false} : vector<1000x16xf32>, vector<16x128xf32>, vector<1000x128xf32> -> vector<1000x128xf32>
    %add3A_21 = arith.addf %dot_general3A_12, %dot_general3A_20 : vector<1000x128xf32>
    %get3A_22 = arith.constant 0 : index
    %get3A_23 = arith.constant 0 : index
    %get3A_24 = vector.load %arg5[%get3A_22, %get3A_23] : memref<1x128xf32, #tpu.memory_space<vmem>>, vector<1x128xf32>
    %add3A_25 = vector.broadcast %get3A_24 : vector<1x128xf32> to vector<1000x128xf32>
    %add3A_26 = arith.addf %add3A_21, %add3A_25 : vector<1000x128xf32>
    %max3A = arith.constant 0.000000e+00 : f32
    %max3A_27 = vector.broadcast %max3A : f32 to vector<1000x128xf32>
    %max3A_28 = arith.maximumf %add3A_26, %max3A_27 : vector<1000x128xf32>
    %swap3A = arith.constant 0 : index
    %swap3A_29 = arith.constant 0 : index
    %swap3A_30 = vector.load %arg7[%swap3A, %swap3A_29] : memref<1000x128xf32, #tpu.memory_space<vmem>>, vector<1000x128xf32>
    tpu.vector_store %arg7[%swap3A, %swap3A_29], %max3A_28 {strides = array<i32>} : memref<1000x128xf32, #tpu.memory_space<vmem>>, vector<1000x128xf32>,
    %get3A_31 = arith.constant 0 : index
    %get3A_32 = arith.constant 0 : index
    %get3A_33 = vector.load %arg6[%get3A_31, %get3A_32] : memref<128x1xf32, #tpu.memory_space<vmem>>, vector<128x1xf32>
    %mul3A = arith.mulf %get3A_33, %get3A_33 : vector<128x1xf32>
    %reduce_sum3A = vector.shape_cast %mul3A : vector<128x1xf32> to vector<1x128x1xf32>
    %reduce_sum3A_34 = arith.constant dense<0.000000e+00> : vector<1xf32>
    %reduce_sum3A_35 = vector.multi_reduction <add>, %reduce_sum3A, %reduce_sum3A_34 [1, 2] : vector<1x128x1xf32> to vector<1xf32>
    %reduce_sum3A_36 = vector.shape_cast %reduce_sum3A_35 : vector<1xf32> to vector<1x1x1xf32>
    %reduce_sum3A_37 = vector.extract %reduce_sum3A_36[0, 0, 0] : f32 from vector<1x1x1xf32>
    %rsqrt3A = math.rsqrt %reduce_sum3A_37 : f32
    %dot_general3A_38 = arith.constant dense<0.000000e+00> : vector<1000x1xf32>
    %dot_general3A_39 = tpu.matmul %max3A_28, %get3A_33, %dot_general3A_38 {dimension_numbers = #tpu.dot_dimension_numbers<[1], [0], [0], [1], [0, 0, 1, 1], [], []>, transpose_lhs_hint = false} : vector<1000x128xf32>, vector<128x1xf32>, vector<1000x1xf32> -> vector<1000x1xf32>
    %mul3A_40 = vector.broadcast %rsqrt3A : f32 to vector<1000x1xf32>
    %mul3A_41 = arith.mulf %dot_general3A_39, %mul3A_40 : vector<1000x1xf32>
    %swap3A_42 = arith.constant 0 : index
    %swap3A_43 = arith.constant 0 : index
    %swap3A_44 = vector.load %arg8[%swap3A_42, %swap3A_43] : memref<1000x1xf32, #tpu.memory_space<vmem>>, vector<1000x1xf32>
    tpu.vector_store %arg8[%swap3A_42, %swap3A_43], %mul3A_41 {strides = array<i32>} : memref<1000x1xf32, #tpu.memory_space<vmem>>, vector<1000x1xf32>,
    return
  }
  func.func @transform_0(%arg0: i32) -> (i32, i32, i32) {
    %c0_i32 = arith.constant 0 : i32
    %c0_i32_0 = arith.constant 0 : i32
    %c0_i32_1 = arith.constant 0 : i32
    return %c0_i32, %arg0, %c0_i32_0 : i32, i32, i32
  }
  func.func @transform_1(%arg0: i32) -> (i32, i32) {
    %c0_i32 = arith.constant 0 : i32
    %c0_i32_0 = arith.constant 0 : i32
    return %arg0, %c0_i32 : i32, i32
  }
  func.func @transform_2(%arg0: i32) -> (i32, i32) {
    %c0_i32 = arith.constant 0 : i32
    %c0_i32_0 = arith.constant 0 : i32
    %c0_i32_1 = arith.constant 0 : i32
    return %c0_i32, %c0_i32_0 : i32, i32
  }
  func.func @transform_3(%arg0: i32) -> (i32, i32) {
    %c0_i32 = arith.constant 0 : i32
    %c0_i32_0 = arith.constant 0 : i32
    %c0_i32_1 = arith.constant 0 : i32
    return %c0_i32, %c0_i32_0 : i32, i32
  }
  func.func @transform_4(%arg0: i32) -> (i32, i32) {
    %c0_i32 = arith.constant 0 : i32
    %c0_i32_0 = arith.constant 0 : i32
    %c0_i32_1 = arith.constant 0 : i32
    return %c0_i32, %c0_i32_0 : i32, i32
  }
  func.func @transform_5(%arg0: i32) -> (i32, i32) {
    %c0_i32 = arith.constant 0 : i32
    %c0_i32_0 = arith.constant 0 : i32
    %c0_i32_1 = arith.constant 0 : i32
    return %c0_i32, %c0_i32_0 : i32, i32
  }
  func.func @transform_6(%arg0: i32) -> (i32, i32) {
    %c0_i32 = arith.constant 0 : i32
    %c0_i32_0 = arith.constant 0 : i32
    return %arg0, %c0_i32 : i32, i32
  }
  func.func @transform_7(%arg0: i32) -> (i32, i32) {
    %c0_i32 = arith.constant 0 : i32
    %c0_i32_0 = arith.constant 0 : i32
    return %arg0, %c0_i32 : i32, i32
  }
}

module attributes {stable_mosaic.version = 14 : i64} {
  func.func @_topk_body(%arg0: memref<50x1000xf32, #tpu.memory_space<vmem>>, %arg1: memref<50x1000xf32, #tpu.memory_space<vmem>>, %arg2: memref<50x1000xf32, #tpu.memory_space<vmem>>) attributes {dimension_semantics = [], scalar_prefetch = 0 : i64, scratch_operands = 0 : i64, tpu.core_type = #tpu.core_type<tc>} {
    %get3A = arith.constant 0 : index
    %get3A_0 = arith.constant 0 : index
    %get3A_1 = vector.load %arg0[%get3A, %get3A_0] : memref<50x1000xf32, #tpu.memory_space<vmem>>, vector<50x1000xf32>
    %bitcast_convert_type3A = tpu.bitcast %get3A_1 : vector<50x1000xf32> -> vector<50x1000xi32>
    %ge3A = arith.constant -2147483648 : i32
    %ge3A_2 = vector.broadcast %ge3A : i32 to vector<50x1000xi32>
    %ge3A_3 = arith.cmpi uge, %bitcast_convert_type3A, %ge3A_2 : vector<50x1000xi32>
    %not3A = arith.constant dense<-1> : vector<50x1000xi32>
    %not3A_4 = arith.xori %bitcast_convert_type3A, %not3A : vector<50x1000xi32>
    %or3A = arith.constant -2147483648 : i32
    %or3A_5 = vector.broadcast %or3A : i32 to vector<50x1000xi32>
    %or3A_6 = arith.ori %bitcast_convert_type3A, %or3A_5 : vector<50x1000xi32>
    %select_n3A = arith.select %ge3A_3, %not3A_4, %or3A_6 : vector<50x1000xi1>, vector<50x1000xi32>
    %broadcast_in_dim3A = arith.constant 0 : i32
    %broadcast_in_dim3A_7 = vector.broadcast %broadcast_in_dim3A : i32 to vector<50x1xi32>
    %or3A_8 = arith.constant -2147483648 : i32
    %or3A_9 = vector.broadcast %or3A_8 : i32 to vector<50x1xi32>
    %or3A_10 = arith.ori %broadcast_in_dim3A_7, %or3A_9 : vector<50x1xi32>
    %ge3A_11 = vector.broadcast %or3A_10 : vector<50x1xi32> to vector<50x1000xi32>
    %ge3A_12 = arith.cmpi uge, %select_n3A, %ge3A_11 : vector<50x1000xi32>
    %convert_element_type3A = arith.extui %ge3A_12 : vector<50x1000xi1> to vector<50x1000xi32>
    %reduce_sum3A = arith.constant dense<0> : vector<50xi32>
    %reduce_sum3A_13 = vector.multi_reduction <add>, %convert_element_type3A, %reduce_sum3A [1] : vector<50x1000xi32> to vector<50xi32>
    %broadcast_in_dim3A_14 = vector.shape_cast %reduce_sum3A_13 : vector<50xi32> to vector<50x1xi32>
    %ge3A_15 = arith.constant 800 : i32
    %ge3A_16 = vector.broadcast %ge3A_15 : i32 to vector<50x1xi32>
    %ge3A_17 = arith.cmpi sge, %broadcast_in_dim3A_14, %ge3A_16 : vector<50x1xi32>
    %select_n3A_18 = arith.select %ge3A_17, %or3A_10, %broadcast_in_dim3A_7 : vector<50x1xi1>, vector<50x1xi32>
    %or3A_19 = arith.constant 1073741824 : i32
    %or3A_20 = vector.broadcast %or3A_19 : i32 to vector<50x1xi32>
    %or3A_21 = arith.ori %select_n3A_18, %or3A_20 : vector<50x1xi32>
    %ge3A_22 = vector.broadcast %or3A_21 : vector<50x1xi32> to vector<50x1000xi32>
    %ge3A_23 = arith.cmpi uge, %select_n3A, %ge3A_22 : vector<50x1000xi32>
    %convert_element_type3A_24 = arith.extui %ge3A_23 : vector<50x1000xi1> to vector<50x1000xi32>
    %reduce_sum3A_25 = arith.constant dense<0> : vector<50xi32>
    %reduce_sum3A_26 = vector.multi_reduction <add>, %convert_element_type3A_24, %reduce_sum3A_25 [1] : vector<50x1000xi32> to vector<50xi32>
    %broadcast_in_dim3A_27 = vector.shape_cast %reduce_sum3A_26 : vector<50xi32> to vector<50x1xi32>
    %ge3A_28 = arith.constant 800 : i32
    %ge3A_29 = vector.broadcast %ge3A_28 : i32 to vector<50x1xi32>
    %ge3A_30 = arith.cmpi sge, %broadcast_in_dim3A_27, %ge3A_29 : vector<50x1xi32>
    %select_n3A_31 = arith.select %ge3A_30, %or3A_21, %select_n3A_18 : vector<50x1xi1>, vector<50x1xi32>
    %or3A_32 = arith.constant 536870912 : i32
    %or3A_33 = vector.broadcast %or3A_32 : i32 to vector<50x1xi32>
    %or3A_34 = arith.ori %select_n3A_31, %or3A_33 : vector<50x1xi32>
    %ge3A_35 = vector.broadcast %or3A_34 : vector<50x1xi32> to vector<50x1000xi32>
    %ge3A_36 = arith.cmpi uge, %select_n3A, %ge3A_35 : vector<50x1000xi32>
    %convert_element_type3A_37 = arith.extui %ge3A_36 : vector<50x1000xi1> to vector<50x1000xi32>
    %reduce_sum3A_38 = arith.constant dense<0> : vector<50xi32>
    %reduce_sum3A_39 = vector.multi_reduction <add>, %convert_element_type3A_37, %reduce_sum3A_38 [1] : vector<50x1000xi32> to vector<50xi32>
    %broadcast_in_dim3A_40 = vector.shape_cast %reduce_sum3A_39 : vector<50xi32> to vector<50x1xi32>
    %ge3A_41 = arith.constant 800 : i32
    %ge3A_42 = vector.broadcast %ge3A_41 : i32 to vector<50x1xi32>
    %ge3A_43 = arith.cmpi sge, %broadcast_in_dim3A_40, %ge3A_42 : vector<50x1xi32>
    %select_n3A_44 = arith.select %ge3A_43, %or3A_34, %select_n3A_31 : vector<50x1xi1>, vector<50x1xi32>
    %or3A_45 = arith.constant 268435456 : i32
    %or3A_46 = vector.broadcast %or3A_45 : i32 to vector<50x1xi32>
    %or3A_47 = arith.ori %select_n3A_44, %or3A_46 : vector<50x1xi32>
    %ge3A_48 = vector.broadcast %or3A_47 : vector<50x1xi32> to vector<50x1000xi32>
    %ge3A_49 = arith.cmpi uge, %select_n3A, %ge3A_48 : vector<50x1000xi32>
    %convert_element_type3A_50 = arith.extui %ge3A_49 : vector<50x1000xi1> to vector<50x1000xi32>
    %reduce_sum3A_51 = arith.constant dense<0> : vector<50xi32>
    %reduce_sum3A_52 = vector.multi_reduction <add>, %convert_element_type3A_50, %reduce_sum3A_51 [1] : vector<50x1000xi32> to vector<50xi32>
    %broadcast_in_dim3A_53 = vector.shape_cast %reduce_sum3A_52 : vector<50xi32> to vector<50x1xi32>
    %ge3A_54 = arith.constant 800 : i32
    %ge3A_55 = vector.broadcast %ge3A_54 : i32 to vector<50x1xi32>
    %ge3A_56 = arith.cmpi sge, %broadcast_in_dim3A_53, %ge3A_55 : vector<50x1xi32>
    %select_n3A_57 = arith.select %ge3A_56, %or3A_47, %select_n3A_44 : vector<50x1xi1>, vector<50x1xi32>
    %or3A_58 = arith.constant 134217728 : i32
    %or3A_59 = vector.broadcast %or3A_58 : i32 to vector<50x1xi32>
    %or3A_60 = arith.ori %select_n3A_57, %or3A_59 : vector<50x1xi32>
    %ge3A_61 = vector.broadcast %or3A_60 : vector<50x1xi32> to vector<50x1000xi32>
    %ge3A_62 = arith.cmpi uge, %select_n3A, %ge3A_61 : vector<50x1000xi32>
    %convert_element_type3A_63 = arith.extui %ge3A_62 : vector<50x1000xi1> to vector<50x1000xi32>
    %reduce_sum3A_64 = arith.constant dense<0> : vector<50xi32>
    %reduce_sum3A_65 = vector.multi_reduction <add>, %convert_element_type3A_63, %reduce_sum3A_64 [1] : vector<50x1000xi32> to vector<50xi32>
    %broadcast_in_dim3A_66 = vector.shape_cast %reduce_sum3A_65 : vector<50xi32> to vector<50x1xi32>
    %ge3A_67 = arith.constant 800 : i32
    %ge3A_68 = vector.broadcast %ge3A_67 : i32 to vector<50x1xi32>
    %ge3A_69 = arith.cmpi sge, %broadcast_in_dim3A_66, %ge3A_68 : vector<50x1xi32>
    %select_n3A_70 = arith.select %ge3A_69, %or3A_60, %select_n3A_57 : vector<50x1xi1>, vector<50x1xi32>
    %or3A_71 = arith.constant 67108864 : i32
    %or3A_72 = vector.broadcast %or3A_71 : i32 to vector<50x1xi32>
    %or3A_73 = arith.ori %select_n3A_70, %or3A_72 : vector<50x1xi32>
    %ge3A_74 = vector.broadcast %or3A_73 : vector<50x1xi32> to vector<50x1000xi32>
    %ge3A_75 = arith.cmpi uge, %select_n3A, %ge3A_74 : vector<50x1000xi32>
    %convert_element_type3A_76 = arith.extui %ge3A_75 : vector<50x1000xi1> to vector<50x1000xi32>
    %reduce_sum3A_77 = arith.constant dense<0> : vector<50xi32>
    %reduce_sum3A_78 = vector.multi_reduction <add>, %convert_element_type3A_76, %reduce_sum3A_77 [1] : vector<50x1000xi32> to vector<50xi32>
    %broadcast_in_dim3A_79 = vector.shape_cast %reduce_sum3A_78 : vector<50xi32> to vector<50x1xi32>
    %ge3A_80 = arith.constant 800 : i32
    %ge3A_81 = vector.broadcast %ge3A_80 : i32 to vector<50x1xi32>
    %ge3A_82 = arith.cmpi sge, %broadcast_in_dim3A_79, %ge3A_81 : vector<50x1xi32>
    %select_n3A_83 = arith.select %ge3A_82, %or3A_73, %select_n3A_70 : vector<50x1xi1>, vector<50x1xi32>
    %or3A_84 = arith.constant 33554432 : i32
    %or3A_85 = vector.broadcast %or3A_84 : i32 to vector<50x1xi32>
    %or3A_86 = arith.ori %select_n3A_83, %or3A_85 : vector<50x1xi32>
    %ge3A_87 = vector.broadcast %or3A_86 : vector<50x1xi32> to vector<50x1000xi32>
    %ge3A_88 = arith.cmpi uge, %select_n3A, %ge3A_87 : vector<50x1000xi32>
    %convert_element_type3A_89 = arith.extui %ge3A_88 : vector<50x1000xi1> to vector<50x1000xi32>
    %reduce_sum3A_90 = arith.constant dense<0> : vector<50xi32>
    %reduce_sum3A_91 = vector.multi_reduction <add>, %convert_element_type3A_89, %reduce_sum3A_90 [1] : vector<50x1000xi32> to vector<50xi32>
    %broadcast_in_dim3A_92 = vector.shape_cast %reduce_sum3A_91 : vector<50xi32> to vector<50x1xi32>
    %ge3A_93 = arith.constant 800 : i32
    %ge3A_94 = vector.broadcast %ge3A_93 : i32 to vector<50x1xi32>
    %ge3A_95 = arith.cmpi sge, %broadcast_in_dim3A_92, %ge3A_94 : vector<50x1xi32>
    %select_n3A_96 = arith.select %ge3A_95, %or3A_86, %select_n3A_83 : vector<50x1xi1>, vector<50x1xi32>
    %or3A_97 = arith.constant 16777216 : i32
    %or3A_98 = vector.broadcast %or3A_97 : i32 to vector<50x1xi32>
    %or3A_99 = arith.ori %select_n3A_96, %or3A_98 : vector<50x1xi32>
    %ge3A_100 = vector.broadcast %or3A_99 : vector<50x1xi32> to vector<50x1000xi32>
    %ge3A_101 = arith.cmpi uge, %select_n3A, %ge3A_100 : vector<50x1000xi32>
    %convert_element_type3A_102 = arith.extui %ge3A_101 : vector<50x1000xi1> to vector<50x1000xi32>
    %reduce_sum3A_103 = arith.constant dense<0> : vector<50xi32>
    %reduce_sum3A_104 = vector.multi_reduction <add>, %convert_element_type3A_102, %reduce_sum3A_103 [1] : vector<50x1000xi32> to vector<50xi32>
    %broadcast_in_dim3A_105 = vector.shape_cast %reduce_sum3A_104 : vector<50xi32> to vector<50x1xi32>
    %ge3A_106 = arith.constant 800 : i32
    %ge3A_107 = vector.broadcast %ge3A_106 : i32 to vector<50x1xi32>
    %ge3A_108 = arith.cmpi sge, %broadcast_in_dim3A_105, %ge3A_107 : vector<50x1xi32>
    %select_n3A_109 = arith.select %ge3A_108, %or3A_99, %select_n3A_96 : vector<50x1xi1>, vector<50x1xi32>
    %or3A_110 = arith.constant 8388608 : i32
    %or3A_111 = vector.broadcast %or3A_110 : i32 to vector<50x1xi32>
    %or3A_112 = arith.ori %select_n3A_109, %or3A_111 : vector<50x1xi32>
    %ge3A_113 = vector.broadcast %or3A_112 : vector<50x1xi32> to vector<50x1000xi32>
    %ge3A_114 = arith.cmpi uge, %select_n3A, %ge3A_113 : vector<50x1000xi32>
    %convert_element_type3A_115 = arith.extui %ge3A_114 : vector<50x1000xi1> to vector<50x1000xi32>
    %reduce_sum3A_116 = arith.constant dense<0> : vector<50xi32>
    %reduce_sum3A_117 = vector.multi_reduction <add>, %convert_element_type3A_115, %reduce_sum3A_116 [1] : vector<50x1000xi32> to vector<50xi32>
    %broadcast_in_dim3A_118 = vector.shape_cast %reduce_sum3A_117 : vector<50xi32> to vector<50x1xi32>
    %ge3A_119 = arith.constant 800 : i32
    %ge3A_120 = vector.broadcast %ge3A_119 : i32 to vector<50x1xi32>
    %ge3A_121 = arith.cmpi sge, %broadcast_in_dim3A_118, %ge3A_120 : vector<50x1xi32>
    %select_n3A_122 = arith.select %ge3A_121, %or3A_112, %select_n3A_109 : vector<50x1xi1>, vector<50x1xi32>
    %or3A_123 = arith.constant 4194304 : i32
    %or3A_124 = vector.broadcast %or3A_123 : i32 to vector<50x1xi32>
    %or3A_125 = arith.ori %select_n3A_122, %or3A_124 : vector<50x1xi32>
    %ge3A_126 = vector.broadcast %or3A_125 : vector<50x1xi32> to vector<50x1000xi32>
    %ge3A_127 = arith.cmpi uge, %select_n3A, %ge3A_126 : vector<50x1000xi32>
    %convert_element_type3A_128 = arith.extui %ge3A_127 : vector<50x1000xi1> to vector<50x1000xi32>
    %reduce_sum3A_129 = arith.constant dense<0> : vector<50xi32>
    %reduce_sum3A_130 = vector.multi_reduction <add>, %convert_element_type3A_128, %reduce_sum3A_129 [1] : vector<50x1000xi32> to vector<50xi32>
    %broadcast_in_dim3A_131 = vector.shape_cast %reduce_sum3A_130 : vector<50xi32> to vector<50x1xi32>
    %ge3A_132 = arith.constant 800 : i32
    %ge3A_133 = vector.broadcast %ge3A_132 : i32 to vector<50x1xi32>
    %ge3A_134 = arith.cmpi sge, %broadcast_in_dim3A_131, %ge3A_133 : vector<50x1xi32>
    %select_n3A_135 = arith.select %ge3A_134, %or3A_125, %select_n3A_122 : vector<50x1xi1>, vector<50x1xi32>
    %or3A_136 = arith.constant 2097152 : i32
    %or3A_137 = vector.broadcast %or3A_136 : i32 to vector<50x1xi32>
    %or3A_138 = arith.ori %select_n3A_135, %or3A_137 : vector<50x1xi32>
    %ge3A_139 = vector.broadcast %or3A_138 : vector<50x1xi32> to vector<50x1000xi32>
    %ge3A_140 = arith.cmpi uge, %select_n3A, %ge3A_139 : vector<50x1000xi32>
    %convert_element_type3A_141 = arith.extui %ge3A_140 : vector<50x1000xi1> to vector<50x1000xi32>
    %reduce_sum3A_142 = arith.constant dense<0> : vector<50xi32>
    %reduce_sum3A_143 = vector.multi_reduction <add>, %convert_element_type3A_141, %reduce_sum3A_142 [1] : vector<50x1000xi32> to vector<50xi32>
    %broadcast_in_dim3A_144 = vector.shape_cast %reduce_sum3A_143 : vector<50xi32> to vector<50x1xi32>
    %ge3A_145 = arith.constant 800 : i32
    %ge3A_146 = vector.broadcast %ge3A_145 : i32 to vector<50x1xi32>
    %ge3A_147 = arith.cmpi sge, %broadcast_in_dim3A_144, %ge3A_146 : vector<50x1xi32>
    %select_n3A_148 = arith.select %ge3A_147, %or3A_138, %select_n3A_135 : vector<50x1xi1>, vector<50x1xi32>
    %or3A_149 = arith.constant 1048576 : i32
    %or3A_150 = vector.broadcast %or3A_149 : i32 to vector<50x1xi32>
    %or3A_151 = arith.ori %select_n3A_148, %or3A_150 : vector<50x1xi32>
    %ge3A_152 = vector.broadcast %or3A_151 : vector<50x1xi32> to vector<50x1000xi32>
    %ge3A_153 = arith.cmpi uge, %select_n3A, %ge3A_152 : vector<50x1000xi32>
    %convert_element_type3A_154 = arith.extui %ge3A_153 : vector<50x1000xi1> to vector<50x1000xi32>
    %reduce_sum3A_155 = arith.constant dense<0> : vector<50xi32>
    %reduce_sum3A_156 = vector.multi_reduction <add>, %convert_element_type3A_154, %reduce_sum3A_155 [1] : vector<50x1000xi32> to vector<50xi32>
    %broadcast_in_dim3A_157 = vector.shape_cast %reduce_sum3A_156 : vector<50xi32> to vector<50x1xi32>
    %ge3A_158 = arith.constant 800 : i32
    %ge3A_159 = vector.broadcast %ge3A_158 : i32 to vector<50x1xi32>
    %ge3A_160 = arith.cmpi sge, %broadcast_in_dim3A_157, %ge3A_159 : vector<50x1xi32>
    %select_n3A_161 = arith.select %ge3A_160, %or3A_151, %select_n3A_148 : vector<50x1xi1>, vector<50x1xi32>
    %or3A_162 = arith.constant 524288 : i32
    %or3A_163 = vector.broadcast %or3A_162 : i32 to vector<50x1xi32>
    %or3A_164 = arith.ori %select_n3A_161, %or3A_163 : vector<50x1xi32>
    %ge3A_165 = vector.broadcast %or3A_164 : vector<50x1xi32> to vector<50x1000xi32>
    %ge3A_166 = arith.cmpi uge, %select_n3A, %ge3A_165 : vector<50x1000xi32>
    %convert_element_type3A_167 = arith.extui %ge3A_166 : vector<50x1000xi1> to vector<50x1000xi32>
    %reduce_sum3A_168 = arith.constant dense<0> : vector<50xi32>
    %reduce_sum3A_169 = vector.multi_reduction <add>, %convert_element_type3A_167, %reduce_sum3A_168 [1] : vector<50x1000xi32> to vector<50xi32>
    %broadcast_in_dim3A_170 = vector.shape_cast %reduce_sum3A_169 : vector<50xi32> to vector<50x1xi32>
    %ge3A_171 = arith.constant 800 : i32
    %ge3A_172 = vector.broadcast %ge3A_171 : i32 to vector<50x1xi32>
    %ge3A_173 = arith.cmpi sge, %broadcast_in_dim3A_170, %ge3A_172 : vector<50x1xi32>
    %select_n3A_174 = arith.select %ge3A_173, %or3A_164, %select_n3A_161 : vector<50x1xi1>, vector<50x1xi32>
    %or3A_175 = arith.constant 262144 : i32
    %or3A_176 = vector.broadcast %or3A_175 : i32 to vector<50x1xi32>
    %or3A_177 = arith.ori %select_n3A_174, %or3A_176 : vector<50x1xi32>
    %ge3A_178 = vector.broadcast %or3A_177 : vector<50x1xi32> to vector<50x1000xi32>
    %ge3A_179 = arith.cmpi uge, %select_n3A, %ge3A_178 : vector<50x1000xi32>
    %convert_element_type3A_180 = arith.extui %ge3A_179 : vector<50x1000xi1> to vector<50x1000xi32>
    %reduce_sum3A_181 = arith.constant dense<0> : vector<50xi32>
    %reduce_sum3A_182 = vector.multi_reduction <add>, %convert_element_type3A_180, %reduce_sum3A_181 [1] : vector<50x1000xi32> to vector<50xi32>
    %broadcast_in_dim3A_183 = vector.shape_cast %reduce_sum3A_182 : vector<50xi32> to vector<50x1xi32>
    %ge3A_184 = arith.constant 800 : i32
    %ge3A_185 = vector.broadcast %ge3A_184 : i32 to vector<50x1xi32>
    %ge3A_186 = arith.cmpi sge, %broadcast_in_dim3A_183, %ge3A_185 : vector<50x1xi32>
    %select_n3A_187 = arith.select %ge3A_186, %or3A_177, %select_n3A_174 : vector<50x1xi1>, vector<50x1xi32>
    %or3A_188 = arith.constant 131072 : i32
    %or3A_189 = vector.broadcast %or3A_188 : i32 to vector<50x1xi32>
    %or3A_190 = arith.ori %select_n3A_187, %or3A_189 : vector<50x1xi32>
    %ge3A_191 = vector.broadcast %or3A_190 : vector<50x1xi32> to vector<50x1000xi32>
    %ge3A_192 = arith.cmpi uge, %select_n3A, %ge3A_191 : vector<50x1000xi32>
    %convert_element_type3A_193 = arith.extui %ge3A_192 : vector<50x1000xi1> to vector<50x1000xi32>
    %reduce_sum3A_194 = arith.constant dense<0> : vector<50xi32>
    %reduce_sum3A_195 = vector.multi_reduction <add>, %convert_element_type3A_193, %reduce_sum3A_194 [1] : vector<50x1000xi32> to vector<50xi32>
    %broadcast_in_dim3A_196 = vector.shape_cast %reduce_sum3A_195 : vector<50xi32> to vector<50x1xi32>
    %ge3A_197 = arith.constant 800 : i32
    %ge3A_198 = vector.broadcast %ge3A_197 : i32 to vector<50x1xi32>
    %ge3A_199 = arith.cmpi sge, %broadcast_in_dim3A_196, %ge3A_198 : vector<50x1xi32>
    %select_n3A_200 = arith.select %ge3A_199, %or3A_190, %select_n3A_187 : vector<50x1xi1>, vector<50x1xi32>
    %or3A_201 = arith.constant 65536 : i32
    %or3A_202 = vector.broadcast %or3A_201 : i32 to vector<50x1xi32>
    %or3A_203 = arith.ori %select_n3A_200, %or3A_202 : vector<50x1xi32>
    %ge3A_204 = vector.broadcast %or3A_203 : vector<50x1xi32> to vector<50x1000xi32>
    %ge3A_205 = arith.cmpi uge, %select_n3A, %ge3A_204 : vector<50x1000xi32>
    %convert_element_type3A_206 = arith.extui %ge3A_205 : vector<50x1000xi1> to vector<50x1000xi32>
    %reduce_sum3A_207 = arith.constant dense<0> : vector<50xi32>
    %reduce_sum3A_208 = vector.multi_reduction <add>, %convert_element_type3A_206, %reduce_sum3A_207 [1] : vector<50x1000xi32> to vector<50xi32>
    %broadcast_in_dim3A_209 = vector.shape_cast %reduce_sum3A_208 : vector<50xi32> to vector<50x1xi32>
    %ge3A_210 = arith.constant 800 : i32
    %ge3A_211 = vector.broadcast %ge3A_210 : i32 to vector<50x1xi32>
    %ge3A_212 = arith.cmpi sge, %broadcast_in_dim3A_209, %ge3A_211 : vector<50x1xi32>
    %select_n3A_213 = arith.select %ge3A_212, %or3A_203, %select_n3A_200 : vector<50x1xi1>, vector<50x1xi32>
    %or3A_214 = arith.constant 32768 : i32
    %or3A_215 = vector.broadcast %or3A_214 : i32 to vector<50x1xi32>
    %or3A_216 = arith.ori %select_n3A_213, %or3A_215 : vector<50x1xi32>
    %ge3A_217 = vector.broadcast %or3A_216 : vector<50x1xi32> to vector<50x1000xi32>
    %ge3A_218 = arith.cmpi uge, %select_n3A, %ge3A_217 : vector<50x1000xi32>
    %convert_element_type3A_219 = arith.extui %ge3A_218 : vector<50x1000xi1> to vector<50x1000xi32>
    %reduce_sum3A_220 = arith.constant dense<0> : vector<50xi32>
    %reduce_sum3A_221 = vector.multi_reduction <add>, %convert_element_type3A_219, %reduce_sum3A_220 [1] : vector<50x1000xi32> to vector<50xi32>
    %broadcast_in_dim3A_222 = vector.shape_cast %reduce_sum3A_221 : vector<50xi32> to vector<50x1xi32>
    %ge3A_223 = arith.constant 800 : i32
    %ge3A_224 = vector.broadcast %ge3A_223 : i32 to vector<50x1xi32>
    %ge3A_225 = arith.cmpi sge, %broadcast_in_dim3A_222, %ge3A_224 : vector<50x1xi32>
    %select_n3A_226 = arith.select %ge3A_225, %or3A_216, %select_n3A_213 : vector<50x1xi1>, vector<50x1xi32>
    %or3A_227 = arith.constant 16384 : i32
    %or3A_228 = vector.broadcast %or3A_227 : i32 to vector<50x1xi32>
    %or3A_229 = arith.ori %select_n3A_226, %or3A_228 : vector<50x1xi32>
    %ge3A_230 = vector.broadcast %or3A_229 : vector<50x1xi32> to vector<50x1000xi32>
    %ge3A_231 = arith.cmpi uge, %select_n3A, %ge3A_230 : vector<50x1000xi32>
    %convert_element_type3A_232 = arith.extui %ge3A_231 : vector<50x1000xi1> to vector<50x1000xi32>
    %reduce_sum3A_233 = arith.constant dense<0> : vector<50xi32>
    %reduce_sum3A_234 = vector.multi_reduction <add>, %convert_element_type3A_232, %reduce_sum3A_233 [1] : vector<50x1000xi32> to vector<50xi32>
    %broadcast_in_dim3A_235 = vector.shape_cast %reduce_sum3A_234 : vector<50xi32> to vector<50x1xi32>
    %ge3A_236 = arith.constant 800 : i32
    %ge3A_237 = vector.broadcast %ge3A_236 : i32 to vector<50x1xi32>
    %ge3A_238 = arith.cmpi sge, %broadcast_in_dim3A_235, %ge3A_237 : vector<50x1xi32>
    %select_n3A_239 = arith.select %ge3A_238, %or3A_229, %select_n3A_226 : vector<50x1xi1>, vector<50x1xi32>
    %or3A_240 = arith.constant 8192 : i32
    %or3A_241 = vector.broadcast %or3A_240 : i32 to vector<50x1xi32>
    %or3A_242 = arith.ori %select_n3A_239, %or3A_241 : vector<50x1xi32>
    %ge3A_243 = vector.broadcast %or3A_242 : vector<50x1xi32> to vector<50x1000xi32>
    %ge3A_244 = arith.cmpi uge, %select_n3A, %ge3A_243 : vector<50x1000xi32>
    %convert_element_type3A_245 = arith.extui %ge3A_244 : vector<50x1000xi1> to vector<50x1000xi32>
    %reduce_sum3A_246 = arith.constant dense<0> : vector<50xi32>
    %reduce_sum3A_247 = vector.multi_reduction <add>, %convert_element_type3A_245, %reduce_sum3A_246 [1] : vector<50x1000xi32> to vector<50xi32>
    %broadcast_in_dim3A_248 = vector.shape_cast %reduce_sum3A_247 : vector<50xi32> to vector<50x1xi32>
    %ge3A_249 = arith.constant 800 : i32
    %ge3A_250 = vector.broadcast %ge3A_249 : i32 to vector<50x1xi32>
    %ge3A_251 = arith.cmpi sge, %broadcast_in_dim3A_248, %ge3A_250 : vector<50x1xi32>
    %select_n3A_252 = arith.select %ge3A_251, %or3A_242, %select_n3A_239 : vector<50x1xi1>, vector<50x1xi32>
    %or3A_253 = arith.constant 4096 : i32
    %or3A_254 = vector.broadcast %or3A_253 : i32 to vector<50x1xi32>
    %or3A_255 = arith.ori %select_n3A_252, %or3A_254 : vector<50x1xi32>
    %ge3A_256 = vector.broadcast %or3A_255 : vector<50x1xi32> to vector<50x1000xi32>
    %ge3A_257 = arith.cmpi uge, %select_n3A, %ge3A_256 : vector<50x1000xi32>
    %convert_element_type3A_258 = arith.extui %ge3A_257 : vector<50x1000xi1> to vector<50x1000xi32>
    %reduce_sum3A_259 = arith.constant dense<0> : vector<50xi32>
    %reduce_sum3A_260 = vector.multi_reduction <add>, %convert_element_type3A_258, %reduce_sum3A_259 [1] : vector<50x1000xi32> to vector<50xi32>
    %broadcast_in_dim3A_261 = vector.shape_cast %reduce_sum3A_260 : vector<50xi32> to vector<50x1xi32>
    %ge3A_262 = arith.constant 800 : i32
    %ge3A_263 = vector.broadcast %ge3A_262 : i32 to vector<50x1xi32>
    %ge3A_264 = arith.cmpi sge, %broadcast_in_dim3A_261, %ge3A_263 : vector<50x1xi32>
    %select_n3A_265 = arith.select %ge3A_264, %or3A_255, %select_n3A_252 : vector<50x1xi1>, vector<50x1xi32>
    %or3A_266 = arith.constant 2048 : i32
    %or3A_267 = vector.broadcast %or3A_266 : i32 to vector<50x1xi32>
    %or3A_268 = arith.ori %select_n3A_265, %or3A_267 : vector<50x1xi32>
    %ge3A_269 = vector.broadcast %or3A_268 : vector<50x1xi32> to vector<50x1000xi32>
    %ge3A_270 = arith.cmpi uge, %select_n3A, %ge3A_269 : vector<50x1000xi32>
    %convert_element_type3A_271 = arith.extui %ge3A_270 : vector<50x1000xi1> to vector<50x1000xi32>
    %reduce_sum3A_272 = arith.constant dense<0> : vector<50xi32>
    %reduce_sum3A_273 = vector.multi_reduction <add>, %convert_element_type3A_271, %reduce_sum3A_272 [1] : vector<50x1000xi32> to vector<50xi32>
    %broadcast_in_dim3A_274 = vector.shape_cast %reduce_sum3A_273 : vector<50xi32> to vector<50x1xi32>
    %ge3A_275 = arith.constant 800 : i32
    %ge3A_276 = vector.broadcast %ge3A_275 : i32 to vector<50x1xi32>
    %ge3A_277 = arith.cmpi sge, %broadcast_in_dim3A_274, %ge3A_276 : vector<50x1xi32>
    %select_n3A_278 = arith.select %ge3A_277, %or3A_268, %select_n3A_265 : vector<50x1xi1>, vector<50x1xi32>
    %or3A_279 = arith.constant 1024 : i32
    %or3A_280 = vector.broadcast %or3A_279 : i32 to vector<50x1xi32>
    %or3A_281 = arith.ori %select_n3A_278, %or3A_280 : vector<50x1xi32>
    %ge3A_282 = vector.broadcast %or3A_281 : vector<50x1xi32> to vector<50x1000xi32>
    %ge3A_283 = arith.cmpi uge, %select_n3A, %ge3A_282 : vector<50x1000xi32>
    %convert_element_type3A_284 = arith.extui %ge3A_283 : vector<50x1000xi1> to vector<50x1000xi32>
    %reduce_sum3A_285 = arith.constant dense<0> : vector<50xi32>
    %reduce_sum3A_286 = vector.multi_reduction <add>, %convert_element_type3A_284, %reduce_sum3A_285 [1] : vector<50x1000xi32> to vector<50xi32>
    %broadcast_in_dim3A_287 = vector.shape_cast %reduce_sum3A_286 : vector<50xi32> to vector<50x1xi32>
    %ge3A_288 = arith.constant 800 : i32
    %ge3A_289 = vector.broadcast %ge3A_288 : i32 to vector<50x1xi32>
    %ge3A_290 = arith.cmpi sge, %broadcast_in_dim3A_287, %ge3A_289 : vector<50x1xi32>
    %select_n3A_291 = arith.select %ge3A_290, %or3A_281, %select_n3A_278 : vector<50x1xi1>, vector<50x1xi32>
    %or3A_292 = arith.constant 512 : i32
    %or3A_293 = vector.broadcast %or3A_292 : i32 to vector<50x1xi32>
    %or3A_294 = arith.ori %select_n3A_291, %or3A_293 : vector<50x1xi32>
    %ge3A_295 = vector.broadcast %or3A_294 : vector<50x1xi32> to vector<50x1000xi32>
    %ge3A_296 = arith.cmpi uge, %select_n3A, %ge3A_295 : vector<50x1000xi32>
    %convert_element_type3A_297 = arith.extui %ge3A_296 : vector<50x1000xi1> to vector<50x1000xi32>
    %reduce_sum3A_298 = arith.constant dense<0> : vector<50xi32>
    %reduce_sum3A_299 = vector.multi_reduction <add>, %convert_element_type3A_297, %reduce_sum3A_298 [1] : vector<50x1000xi32> to vector<50xi32>
    %broadcast_in_dim3A_300 = vector.shape_cast %reduce_sum3A_299 : vector<50xi32> to vector<50x1xi32>
    %ge3A_301 = arith.constant 800 : i32
    %ge3A_302 = vector.broadcast %ge3A_301 : i32 to vector<50x1xi32>
    %ge3A_303 = arith.cmpi sge, %broadcast_in_dim3A_300, %ge3A_302 : vector<50x1xi32>
    %select_n3A_304 = arith.select %ge3A_303, %or3A_294, %select_n3A_291 : vector<50x1xi1>, vector<50x1xi32>
    %or3A_305 = arith.constant 256 : i32
    %or3A_306 = vector.broadcast %or3A_305 : i32 to vector<50x1xi32>
    %or3A_307 = arith.ori %select_n3A_304, %or3A_306 : vector<50x1xi32>
    %ge3A_308 = vector.broadcast %or3A_307 : vector<50x1xi32> to vector<50x1000xi32>
    %ge3A_309 = arith.cmpi uge, %select_n3A, %ge3A_308 : vector<50x1000xi32>
    %convert_element_type3A_310 = arith.extui %ge3A_309 : vector<50x1000xi1> to vector<50x1000xi32>
    %reduce_sum3A_311 = arith.constant dense<0> : vector<50xi32>
    %reduce_sum3A_312 = vector.multi_reduction <add>, %convert_element_type3A_310, %reduce_sum3A_311 [1] : vector<50x1000xi32> to vector<50xi32>
    %broadcast_in_dim3A_313 = vector.shape_cast %reduce_sum3A_312 : vector<50xi32> to vector<50x1xi32>
    %ge3A_314 = arith.constant 800 : i32
    %ge3A_315 = vector.broadcast %ge3A_314 : i32 to vector<50x1xi32>
    %ge3A_316 = arith.cmpi sge, %broadcast_in_dim3A_313, %ge3A_315 : vector<50x1xi32>
    %select_n3A_317 = arith.select %ge3A_316, %or3A_307, %select_n3A_304 : vector<50x1xi1>, vector<50x1xi32>
    %or3A_318 = arith.constant 128 : i32
    %or3A_319 = vector.broadcast %or3A_318 : i32 to vector<50x1xi32>
    %or3A_320 = arith.ori %select_n3A_317, %or3A_319 : vector<50x1xi32>
    %ge3A_321 = vector.broadcast %or3A_320 : vector<50x1xi32> to vector<50x1000xi32>
    %ge3A_322 = arith.cmpi uge, %select_n3A, %ge3A_321 : vector<50x1000xi32>
    %convert_element_type3A_323 = arith.extui %ge3A_322 : vector<50x1000xi1> to vector<50x1000xi32>
    %reduce_sum3A_324 = arith.constant dense<0> : vector<50xi32>
    %reduce_sum3A_325 = vector.multi_reduction <add>, %convert_element_type3A_323, %reduce_sum3A_324 [1] : vector<50x1000xi32> to vector<50xi32>
    %broadcast_in_dim3A_326 = vector.shape_cast %reduce_sum3A_325 : vector<50xi32> to vector<50x1xi32>
    %ge3A_327 = arith.constant 800 : i32
    %ge3A_328 = vector.broadcast %ge3A_327 : i32 to vector<50x1xi32>
    %ge3A_329 = arith.cmpi sge, %broadcast_in_dim3A_326, %ge3A_328 : vector<50x1xi32>
    %select_n3A_330 = arith.select %ge3A_329, %or3A_320, %select_n3A_317 : vector<50x1xi1>, vector<50x1xi32>
    %or3A_331 = arith.constant 64 : i32
    %or3A_332 = vector.broadcast %or3A_331 : i32 to vector<50x1xi32>
    %or3A_333 = arith.ori %select_n3A_330, %or3A_332 : vector<50x1xi32>
    %ge3A_334 = vector.broadcast %or3A_333 : vector<50x1xi32> to vector<50x1000xi32>
    %ge3A_335 = arith.cmpi uge, %select_n3A, %ge3A_334 : vector<50x1000xi32>
    %convert_element_type3A_336 = arith.extui %ge3A_335 : vector<50x1000xi1> to vector<50x1000xi32>
    %reduce_sum3A_337 = arith.constant dense<0> : vector<50xi32>
    %reduce_sum3A_338 = vector.multi_reduction <add>, %convert_element_type3A_336, %reduce_sum3A_337 [1] : vector<50x1000xi32> to vector<50xi32>
    %broadcast_in_dim3A_339 = vector.shape_cast %reduce_sum3A_338 : vector<50xi32> to vector<50x1xi32>
    %ge3A_340 = arith.constant 800 : i32
    %ge3A_341 = vector.broadcast %ge3A_340 : i32 to vector<50x1xi32>
    %ge3A_342 = arith.cmpi sge, %broadcast_in_dim3A_339, %ge3A_341 : vector<50x1xi32>
    %select_n3A_343 = arith.select %ge3A_342, %or3A_333, %select_n3A_330 : vector<50x1xi1>, vector<50x1xi32>
    %or3A_344 = arith.constant 32 : i32
    %or3A_345 = vector.broadcast %or3A_344 : i32 to vector<50x1xi32>
    %or3A_346 = arith.ori %select_n3A_343, %or3A_345 : vector<50x1xi32>
    %ge3A_347 = vector.broadcast %or3A_346 : vector<50x1xi32> to vector<50x1000xi32>
    %ge3A_348 = arith.cmpi uge, %select_n3A, %ge3A_347 : vector<50x1000xi32>
    %convert_element_type3A_349 = arith.extui %ge3A_348 : vector<50x1000xi1> to vector<50x1000xi32>
    %reduce_sum3A_350 = arith.constant dense<0> : vector<50xi32>
    %reduce_sum3A_351 = vector.multi_reduction <add>, %convert_element_type3A_349, %reduce_sum3A_350 [1] : vector<50x1000xi32> to vector<50xi32>
    %broadcast_in_dim3A_352 = vector.shape_cast %reduce_sum3A_351 : vector<50xi32> to vector<50x1xi32>
    %ge3A_353 = arith.constant 800 : i32
    %ge3A_354 = vector.broadcast %ge3A_353 : i32 to vector<50x1xi32>
    %ge3A_355 = arith.cmpi sge, %broadcast_in_dim3A_352, %ge3A_354 : vector<50x1xi32>
    %select_n3A_356 = arith.select %ge3A_355, %or3A_346, %select_n3A_343 : vector<50x1xi1>, vector<50x1xi32>
    %or3A_357 = arith.constant 16 : i32
    %or3A_358 = vector.broadcast %or3A_357 : i32 to vector<50x1xi32>
    %or3A_359 = arith.ori %select_n3A_356, %or3A_358 : vector<50x1xi32>
    %ge3A_360 = vector.broadcast %or3A_359 : vector<50x1xi32> to vector<50x1000xi32>
    %ge3A_361 = arith.cmpi uge, %select_n3A, %ge3A_360 : vector<50x1000xi32>
    %convert_element_type3A_362 = arith.extui %ge3A_361 : vector<50x1000xi1> to vector<50x1000xi32>
    %reduce_sum3A_363 = arith.constant dense<0> : vector<50xi32>
    %reduce_sum3A_364 = vector.multi_reduction <add>, %convert_element_type3A_362, %reduce_sum3A_363 [1] : vector<50x1000xi32> to vector<50xi32>
    %broadcast_in_dim3A_365 = vector.shape_cast %reduce_sum3A_364 : vector<50xi32> to vector<50x1xi32>
    %ge3A_366 = arith.constant 800 : i32
    %ge3A_367 = vector.broadcast %ge3A_366 : i32 to vector<50x1xi32>
    %ge3A_368 = arith.cmpi sge, %broadcast_in_dim3A_365, %ge3A_367 : vector<50x1xi32>
    %select_n3A_369 = arith.select %ge3A_368, %or3A_359, %select_n3A_356 : vector<50x1xi1>, vector<50x1xi32>
    %or3A_370 = arith.constant 8 : i32
    %or3A_371 = vector.broadcast %or3A_370 : i32 to vector<50x1xi32>
    %or3A_372 = arith.ori %select_n3A_369, %or3A_371 : vector<50x1xi32>
    %ge3A_373 = vector.broadcast %or3A_372 : vector<50x1xi32> to vector<50x1000xi32>
    %ge3A_374 = arith.cmpi uge, %select_n3A, %ge3A_373 : vector<50x1000xi32>
    %convert_element_type3A_375 = arith.extui %ge3A_374 : vector<50x1000xi1> to vector<50x1000xi32>
    %reduce_sum3A_376 = arith.constant dense<0> : vector<50xi32>
    %reduce_sum3A_377 = vector.multi_reduction <add>, %convert_element_type3A_375, %reduce_sum3A_376 [1] : vector<50x1000xi32> to vector<50xi32>
    %broadcast_in_dim3A_378 = vector.shape_cast %reduce_sum3A_377 : vector<50xi32> to vector<50x1xi32>
    %ge3A_379 = arith.constant 800 : i32
    %ge3A_380 = vector.broadcast %ge3A_379 : i32 to vector<50x1xi32>
    %ge3A_381 = arith.cmpi sge, %broadcast_in_dim3A_378, %ge3A_380 : vector<50x1xi32>
    %select_n3A_382 = arith.select %ge3A_381, %or3A_372, %select_n3A_369 : vector<50x1xi1>, vector<50x1xi32>
    %or3A_383 = arith.constant 4 : i32
    %or3A_384 = vector.broadcast %or3A_383 : i32 to vector<50x1xi32>
    %or3A_385 = arith.ori %select_n3A_382, %or3A_384 : vector<50x1xi32>
    %ge3A_386 = vector.broadcast %or3A_385 : vector<50x1xi32> to vector<50x1000xi32>
    %ge3A_387 = arith.cmpi uge, %select_n3A, %ge3A_386 : vector<50x1000xi32>
    %convert_element_type3A_388 = arith.extui %ge3A_387 : vector<50x1000xi1> to vector<50x1000xi32>
    %reduce_sum3A_389 = arith.constant dense<0> : vector<50xi32>
    %reduce_sum3A_390 = vector.multi_reduction <add>, %convert_element_type3A_388, %reduce_sum3A_389 [1] : vector<50x1000xi32> to vector<50xi32>
    %broadcast_in_dim3A_391 = vector.shape_cast %reduce_sum3A_390 : vector<50xi32> to vector<50x1xi32>
    %ge3A_392 = arith.constant 800 : i32
    %ge3A_393 = vector.broadcast %ge3A_392 : i32 to vector<50x1xi32>
    %ge3A_394 = arith.cmpi sge, %broadcast_in_dim3A_391, %ge3A_393 : vector<50x1xi32>
    %select_n3A_395 = arith.select %ge3A_394, %or3A_385, %select_n3A_382 : vector<50x1xi1>, vector<50x1xi32>
    %or3A_396 = arith.constant 2 : i32
    %or3A_397 = vector.broadcast %or3A_396 : i32 to vector<50x1xi32>
    %or3A_398 = arith.ori %select_n3A_395, %or3A_397 : vector<50x1xi32>
    %ge3A_399 = vector.broadcast %or3A_398 : vector<50x1xi32> to vector<50x1000xi32>
    %ge3A_400 = arith.cmpi uge, %select_n3A, %ge3A_399 : vector<50x1000xi32>
    %convert_element_type3A_401 = arith.extui %ge3A_400 : vector<50x1000xi1> to vector<50x1000xi32>
    %reduce_sum3A_402 = arith.constant dense<0> : vector<50xi32>
    %reduce_sum3A_403 = vector.multi_reduction <add>, %convert_element_type3A_401, %reduce_sum3A_402 [1] : vector<50x1000xi32> to vector<50xi32>
    %broadcast_in_dim3A_404 = vector.shape_cast %reduce_sum3A_403 : vector<50xi32> to vector<50x1xi32>
    %ge3A_405 = arith.constant 800 : i32
    %ge3A_406 = vector.broadcast %ge3A_405 : i32 to vector<50x1xi32>
    %ge3A_407 = arith.cmpi sge, %broadcast_in_dim3A_404, %ge3A_406 : vector<50x1xi32>
    %select_n3A_408 = arith.select %ge3A_407, %or3A_398, %select_n3A_395 : vector<50x1xi1>, vector<50x1xi32>
    %or3A_409 = arith.constant 1 : i32
    %or3A_410 = vector.broadcast %or3A_409 : i32 to vector<50x1xi32>
    %or3A_411 = arith.ori %select_n3A_408, %or3A_410 : vector<50x1xi32>
    %ge3A_412 = vector.broadcast %or3A_411 : vector<50x1xi32> to vector<50x1000xi32>
    %ge3A_413 = arith.cmpi uge, %select_n3A, %ge3A_412 : vector<50x1000xi32>
    %convert_element_type3A_414 = arith.extui %ge3A_413 : vector<50x1000xi1> to vector<50x1000xi32>
    %reduce_sum3A_415 = arith.constant dense<0> : vector<50xi32>
    %reduce_sum3A_416 = vector.multi_reduction <add>, %convert_element_type3A_414, %reduce_sum3A_415 [1] : vector<50x1000xi32> to vector<50xi32>
    %broadcast_in_dim3A_417 = vector.shape_cast %reduce_sum3A_416 : vector<50xi32> to vector<50x1xi32>
    %ge3A_418 = arith.constant 800 : i32
    %ge3A_419 = vector.broadcast %ge3A_418 : i32 to vector<50x1xi32>
    %ge3A_420 = arith.cmpi sge, %broadcast_in_dim3A_417, %ge3A_419 : vector<50x1xi32>
    %select_n3A_421 = arith.select %ge3A_420, %or3A_411, %select_n3A_408 : vector<50x1xi1>, vector<50x1xi32>
    %gt3A = vector.broadcast %select_n3A_421 : vector<50x1xi32> to vector<50x1000xi32>
    %gt3A_422 = arith.cmpi ugt, %select_n3A, %gt3A : vector<50x1000xi32>
    %convert_element_type3A_423 = arith.extui %gt3A_422 : vector<50x1000xi1> to vector<50x1000xi32>
    %reduce_sum3A_424 = arith.constant dense<0> : vector<50xi32>
    %reduce_sum3A_425 = vector.multi_reduction <add>, %convert_element_type3A_423, %reduce_sum3A_424 [1] : vector<50x1000xi32> to vector<50xi32>
    %broadcast_in_dim3A_426 = vector.shape_cast %reduce_sum3A_425 : vector<50xi32> to vector<50x1xi32>
    %sub3A = arith.constant 800 : i32
    %sub3A_427 = vector.broadcast %sub3A : i32 to vector<50x1xi32>
    %sub3A_428 = arith.subi %sub3A_427, %broadcast_in_dim3A_426 : vector<50x1xi32>
    %eq3A = vector.broadcast %select_n3A_421 : vector<50x1xi32> to vector<50x1000xi32>
    %eq3A_429 = arith.cmpi eq, %select_n3A, %eq3A : vector<50x1000xi32>
    %iota3A = tpu.iota {dimensions = array<i32: 1>} : vector<50x1000xi32>
    %broadcast_in_dim3A_430 = arith.constant 0 : i32
    %broadcast_in_dim3A_431 = vector.broadcast %broadcast_in_dim3A_430 : i32 to vector<50x1xi32>
    %broadcast_in_dim3A_432 = arith.constant 1000 : i32
    %broadcast_in_dim3A_433 = vector.broadcast %broadcast_in_dim3A_432 : i32 to vector<50x1xi32>
    %add3A = arith.addi %broadcast_in_dim3A_431, %broadcast_in_dim3A_433 : vector<50x1xi32>
    %jit3A = arith.constant 2 : i32
    %div3A = vector.broadcast %jit3A : i32 to vector<50x1xi32>
    %div3A_434 = arith.divsi %add3A, %div3A : vector<50x1xi32>
    %sign3A = arith.constant 0 : i32
    %sign3A_435 = vector.broadcast %sign3A : i32 to vector<50x1xi32>
    %sign3A_436 = arith.cmpi sgt, %add3A, %sign3A_435 : vector<50x1xi32>
    %sign3A_437 = arith.extui %sign3A_436 : vector<50x1xi1> to vector<50x1xi32>
    %sign3A_438 = arith.constant 0 : i32
    %sign3A_439 = vector.broadcast %sign3A_438 : i32 to vector<50x1xi32>
    %sign3A_440 = arith.cmpi slt, %add3A, %sign3A_439 : vector<50x1xi32>
    %sign3A_441 = arith.extui %sign3A_440 : vector<50x1xi1> to vector<50x1xi32>
    %sign3A_442 = arith.subi %sign3A_437, %sign3A_441 : vector<50x1xi32>
    %sign3A_443 = arith.constant 0 : i32
    %sign3A_444 = arith.cmpi sgt, %jit3A, %sign3A_443 : i32
    %sign3A_445 = arith.extui %sign3A_444 : i1 to i32
    %sign3A_446 = arith.constant 0 : i32
    %sign3A_447 = arith.cmpi slt, %jit3A, %sign3A_446 : i32
    %sign3A_448 = arith.extui %sign3A_447 : i1 to i32
    %sign3A_449 = arith.subi %sign3A_445, %sign3A_448 : i32
    %ne3A = vector.broadcast %sign3A_449 : i32 to vector<50x1xi32>
    %ne3A_450 = arith.cmpi ne, %sign3A_442, %ne3A : vector<50x1xi32>
    %rem3A = vector.broadcast %jit3A : i32 to vector<50x1xi32>
    %rem3A_451 = arith.remsi %add3A, %rem3A : vector<50x1xi32>
    %ne3A_452 = arith.constant 0 : i32
    %ne3A_453 = vector.broadcast %ne3A_452 : i32 to vector<50x1xi32>
    %ne3A_454 = arith.cmpi ne, %rem3A_451, %ne3A_453 : vector<50x1xi32>
    %and3A = arith.andi %ne3A_450, %ne3A_454 : vector<50x1xi1>
    %sub3A_455 = arith.constant 1 : i32
    %sub3A_456 = vector.broadcast %sub3A_455 : i32 to vector<50x1xi32>
    %sub3A_457 = arith.subi %div3A_434, %sub3A_456 : vector<50x1xi32>
    %select_n3A_458 = arith.select %and3A, %sub3A_457, %div3A_434 : vector<50x1xi1>, vector<50x1xi32>
    %lt3A = vector.broadcast %select_n3A_458 : vector<50x1xi32> to vector<50x1000xi32>
    %lt3A_459 = arith.cmpi slt, %iota3A, %lt3A : vector<50x1000xi32>
    %and3A_460 = arith.andi %eq3A_429, %lt3A_459 : vector<50x1000xi1>
    %convert_element_type3A_461 = arith.extui %and3A_460 : vector<50x1000xi1> to vector<50x1000xi32>
    %reduce_sum3A_462 = arith.constant dense<0> : vector<50xi32>
    %reduce_sum3A_463 = vector.multi_reduction <add>, %convert_element_type3A_461, %reduce_sum3A_462 [1] : vector<50x1000xi32> to vector<50xi32>
    %broadcast_in_dim3A_464 = vector.shape_cast %reduce_sum3A_463 : vector<50xi32> to vector<50x1xi32>
    %ge3A_465 = arith.cmpi sge, %broadcast_in_dim3A_464, %sub3A_428 : vector<50x1xi32>
    %select_n3A_466 = arith.select %ge3A_465, %select_n3A_458, %broadcast_in_dim3A_433 : vector<50x1xi1>, vector<50x1xi32>
    %add3A_467 = arith.constant 1 : i32
    %add3A_468 = vector.broadcast %add3A_467 : i32 to vector<50x1xi32>
    %add3A_469 = arith.addi %select_n3A_458, %add3A_468 : vector<50x1xi32>
    %select_n3A_470 = arith.select %ge3A_465, %broadcast_in_dim3A_431, %add3A_469 : vector<50x1xi1>, vector<50x1xi32>
    %add3A_471 = arith.addi %select_n3A_470, %select_n3A_466 : vector<50x1xi32>
    %jit3A_472 = arith.constant 2 : i32
    %div3A_473 = vector.broadcast %jit3A_472 : i32 to vector<50x1xi32>
    %div3A_474 = arith.divsi %add3A_471, %div3A_473 : vector<50x1xi32>
    %sign3A_475 = arith.constant 0 : i32
    %sign3A_476 = vector.broadcast %sign3A_475 : i32 to vector<50x1xi32>
    %sign3A_477 = arith.cmpi sgt, %add3A_471, %sign3A_476 : vector<50x1xi32>
    %sign3A_478 = arith.extui %sign3A_477 : vector<50x1xi1> to vector<50x1xi32>
    %sign3A_479 = arith.constant 0 : i32
    %sign3A_480 = vector.broadcast %sign3A_479 : i32 to vector<50x1xi32>
    %sign3A_481 = arith.cmpi slt, %add3A_471, %sign3A_480 : vector<50x1xi32>
    %sign3A_482 = arith.extui %sign3A_481 : vector<50x1xi1> to vector<50x1xi32>
    %sign3A_483 = arith.subi %sign3A_478, %sign3A_482 : vector<50x1xi32>
    %sign3A_484 = arith.constant 0 : i32
    %sign3A_485 = arith.cmpi sgt, %jit3A_472, %sign3A_484 : i32
    %sign3A_486 = arith.extui %sign3A_485 : i1 to i32
    %sign3A_487 = arith.constant 0 : i32
    %sign3A_488 = arith.cmpi slt, %jit3A_472, %sign3A_487 : i32
    %sign3A_489 = arith.extui %sign3A_488 : i1 to i32
    %sign3A_490 = arith.subi %sign3A_486, %sign3A_489 : i32
    %ne3A_491 = vector.broadcast %sign3A_490 : i32 to vector<50x1xi32>
    %ne3A_492 = arith.cmpi ne, %sign3A_483, %ne3A_491 : vector<50x1xi32>
    %rem3A_493 = vector.broadcast %jit3A_472 : i32 to vector<50x1xi32>
    %rem3A_494 = arith.remsi %add3A_471, %rem3A_493 : vector<50x1xi32>
    %ne3A_495 = arith.constant 0 : i32
    %ne3A_496 = vector.broadcast %ne3A_495 : i32 to vector<50x1xi32>
    %ne3A_497 = arith.cmpi ne, %rem3A_494, %ne3A_496 : vector<50x1xi32>
    %and3A_498 = arith.andi %ne3A_492, %ne3A_497 : vector<50x1xi1>
    %sub3A_499 = arith.constant 1 : i32
    %sub3A_500 = vector.broadcast %sub3A_499 : i32 to vector<50x1xi32>
    %sub3A_501 = arith.subi %div3A_474, %sub3A_500 : vector<50x1xi32>
    %select_n3A_502 = arith.select %and3A_498, %sub3A_501, %div3A_474 : vector<50x1xi1>, vector<50x1xi32>
    %lt3A_503 = vector.broadcast %select_n3A_502 : vector<50x1xi32> to vector<50x1000xi32>
    %lt3A_504 = arith.cmpi slt, %iota3A, %lt3A_503 : vector<50x1000xi32>
    %and3A_505 = arith.andi %eq3A_429, %lt3A_504 : vector<50x1000xi1>
    %convert_element_type3A_506 = arith.extui %and3A_505 : vector<50x1000xi1> to vector<50x1000xi32>
    %reduce_sum3A_507 = arith.constant dense<0> : vector<50xi32>
    %reduce_sum3A_508 = vector.multi_reduction <add>, %convert_element_type3A_506, %reduce_sum3A_507 [1] : vector<50x1000xi32> to vector<50xi32>
    %broadcast_in_dim3A_509 = vector.shape_cast %reduce_sum3A_508 : vector<50xi32> to vector<50x1xi32>
    %ge3A_510 = arith.cmpi sge, %broadcast_in_dim3A_509, %sub3A_428 : vector<50x1xi32>
    %select_n3A_511 = arith.select %ge3A_510, %select_n3A_502, %select_n3A_466 : vector<50x1xi1>, vector<50x1xi32>
    %add3A_512 = arith.constant 1 : i32
    %add3A_513 = vector.broadcast %add3A_512 : i32 to vector<50x1xi32>
    %add3A_514 = arith.addi %select_n3A_502, %add3A_513 : vector<50x1xi32>
    %select_n3A_515 = arith.select %ge3A_510, %select_n3A_470, %add3A_514 : vector<50x1xi1>, vector<50x1xi32>
    %add3A_516 = arith.addi %select_n3A_515, %select_n3A_511 : vector<50x1xi32>
    %jit3A_517 = arith.constant 2 : i32
    %div3A_518 = vector.broadcast %jit3A_517 : i32 to vector<50x1xi32>
    %div3A_519 = arith.divsi %add3A_516, %div3A_518 : vector<50x1xi32>
    %sign3A_520 = arith.constant 0 : i32
    %sign3A_521 = vector.broadcast %sign3A_520 : i32 to vector<50x1xi32>
    %sign3A_522 = arith.cmpi sgt, %add3A_516, %sign3A_521 : vector<50x1xi32>
    %sign3A_523 = arith.extui %sign3A_522 : vector<50x1xi1> to vector<50x1xi32>
    %sign3A_524 = arith.constant 0 : i32
    %sign3A_525 = vector.broadcast %sign3A_524 : i32 to vector<50x1xi32>
    %sign3A_526 = arith.cmpi slt, %add3A_516, %sign3A_525 : vector<50x1xi32>
    %sign3A_527 = arith.extui %sign3A_526 : vector<50x1xi1> to vector<50x1xi32>
    %sign3A_528 = arith.subi %sign3A_523, %sign3A_527 : vector<50x1xi32>
    %sign3A_529 = arith.constant 0 : i32
    %sign3A_530 = arith.cmpi sgt, %jit3A_517, %sign3A_529 : i32
    %sign3A_531 = arith.extui %sign3A_530 : i1 to i32
    %sign3A_532 = arith.constant 0 : i32
    %sign3A_533 = arith.cmpi slt, %jit3A_517, %sign3A_532 : i32
    %sign3A_534 = arith.extui %sign3A_533 : i1 to i32
    %sign3A_535 = arith.subi %sign3A_531, %sign3A_534 : i32
    %ne3A_536 = vector.broadcast %sign3A_535 : i32 to vector<50x1xi32>
    %ne3A_537 = arith.cmpi ne, %sign3A_528, %ne3A_536 : vector<50x1xi32>
    %rem3A_538 = vector.broadcast %jit3A_517 : i32 to vector<50x1xi32>
    %rem3A_539 = arith.remsi %add3A_516, %rem3A_538 : vector<50x1xi32>
    %ne3A_540 = arith.constant 0 : i32
    %ne3A_541 = vector.broadcast %ne3A_540 : i32 to vector<50x1xi32>
    %ne3A_542 = arith.cmpi ne, %rem3A_539, %ne3A_541 : vector<50x1xi32>
    %and3A_543 = arith.andi %ne3A_537, %ne3A_542 : vector<50x1xi1>
    %sub3A_544 = arith.constant 1 : i32
    %sub3A_545 = vector.broadcast %sub3A_544 : i32 to vector<50x1xi32>
    %sub3A_546 = arith.subi %div3A_519, %sub3A_545 : vector<50x1xi32>
    %select_n3A_547 = arith.select %and3A_543, %sub3A_546, %div3A_519 : vector<50x1xi1>, vector<50x1xi32>
    %lt3A_548 = vector.broadcast %select_n3A_547 : vector<50x1xi32> to vector<50x1000xi32>
    %lt3A_549 = arith.cmpi slt, %iota3A, %lt3A_548 : vector<50x1000xi32>
    %and3A_550 = arith.andi %eq3A_429, %lt3A_549 : vector<50x1000xi1>
    %convert_element_type3A_551 = arith.extui %and3A_550 : vector<50x1000xi1> to vector<50x1000xi32>
    %reduce_sum3A_552 = arith.constant dense<0> : vector<50xi32>
    %reduce_sum3A_553 = vector.multi_reduction <add>, %convert_element_type3A_551, %reduce_sum3A_552 [1] : vector<50x1000xi32> to vector<50xi32>
    %broadcast_in_dim3A_554 = vector.shape_cast %reduce_sum3A_553 : vector<50xi32> to vector<50x1xi32>
    %ge3A_555 = arith.cmpi sge, %broadcast_in_dim3A_554, %sub3A_428 : vector<50x1xi32>
    %select_n3A_556 = arith.select %ge3A_555, %select_n3A_547, %select_n3A_511 : vector<50x1xi1>, vector<50x1xi32>
    %add3A_557 = arith.constant 1 : i32
    %add3A_558 = vector.broadcast %add3A_557 : i32 to vector<50x1xi32>
    %add3A_559 = arith.addi %select_n3A_547, %add3A_558 : vector<50x1xi32>
    %select_n3A_560 = arith.select %ge3A_555, %select_n3A_515, %add3A_559 : vector<50x1xi1>, vector<50x1xi32>
    %add3A_561 = arith.addi %select_n3A_560, %select_n3A_556 : vector<50x1xi32>
    %jit3A_562 = arith.constant 2 : i32
    %div3A_563 = vector.broadcast %jit3A_562 : i32 to vector<50x1xi32>
    %div3A_564 = arith.divsi %add3A_561, %div3A_563 : vector<50x1xi32>
    %sign3A_565 = arith.constant 0 : i32
    %sign3A_566 = vector.broadcast %sign3A_565 : i32 to vector<50x1xi32>
    %sign3A_567 = arith.cmpi sgt, %add3A_561, %sign3A_566 : vector<50x1xi32>
    %sign3A_568 = arith.extui %sign3A_567 : vector<50x1xi1> to vector<50x1xi32>
    %sign3A_569 = arith.constant 0 : i32
    %sign3A_570 = vector.broadcast %sign3A_569 : i32 to vector<50x1xi32>
    %sign3A_571 = arith.cmpi slt, %add3A_561, %sign3A_570 : vector<50x1xi32>
    %sign3A_572 = arith.extui %sign3A_571 : vector<50x1xi1> to vector<50x1xi32>
    %sign3A_573 = arith.subi %sign3A_568, %sign3A_572 : vector<50x1xi32>
    %sign3A_574 = arith.constant 0 : i32
    %sign3A_575 = arith.cmpi sgt, %jit3A_562, %sign3A_574 : i32
    %sign3A_576 = arith.extui %sign3A_575 : i1 to i32
    %sign3A_577 = arith.constant 0 : i32
    %sign3A_578 = arith.cmpi slt, %jit3A_562, %sign3A_577 : i32
    %sign3A_579 = arith.extui %sign3A_578 : i1 to i32
    %sign3A_580 = arith.subi %sign3A_576, %sign3A_579 : i32
    %ne3A_581 = vector.broadcast %sign3A_580 : i32 to vector<50x1xi32>
    %ne3A_582 = arith.cmpi ne, %sign3A_573, %ne3A_581 : vector<50x1xi32>
    %rem3A_583 = vector.broadcast %jit3A_562 : i32 to vector<50x1xi32>
    %rem3A_584 = arith.remsi %add3A_561, %rem3A_583 : vector<50x1xi32>
    %ne3A_585 = arith.constant 0 : i32
    %ne3A_586 = vector.broadcast %ne3A_585 : i32 to vector<50x1xi32>
    %ne3A_587 = arith.cmpi ne, %rem3A_584, %ne3A_586 : vector<50x1xi32>
    %and3A_588 = arith.andi %ne3A_582, %ne3A_587 : vector<50x1xi1>
    %sub3A_589 = arith.constant 1 : i32
    %sub3A_590 = vector.broadcast %sub3A_589 : i32 to vector<50x1xi32>
    %sub3A_591 = arith.subi %div3A_564, %sub3A_590 : vector<50x1xi32>
    %select_n3A_592 = arith.select %and3A_588, %sub3A_591, %div3A_564 : vector<50x1xi1>, vector<50x1xi32>
    %lt3A_593 = vector.broadcast %select_n3A_592 : vector<50x1xi32> to vector<50x1000xi32>
    %lt3A_594 = arith.cmpi slt, %iota3A, %lt3A_593 : vector<50x1000xi32>
    %and3A_595 = arith.andi %eq3A_429, %lt3A_594 : vector<50x1000xi1>
    %convert_element_type3A_596 = arith.extui %and3A_595 : vector<50x1000xi1> to vector<50x1000xi32>
    %reduce_sum3A_597 = arith.constant dense<0> : vector<50xi32>
    %reduce_sum3A_598 = vector.multi_reduction <add>, %convert_element_type3A_596, %reduce_sum3A_597 [1] : vector<50x1000xi32> to vector<50xi32>
    %broadcast_in_dim3A_599 = vector.shape_cast %reduce_sum3A_598 : vector<50xi32> to vector<50x1xi32>
    %ge3A_600 = arith.cmpi sge, %broadcast_in_dim3A_599, %sub3A_428 : vector<50x1xi32>
    %select_n3A_601 = arith.select %ge3A_600, %select_n3A_592, %select_n3A_556 : vector<50x1xi1>, vector<50x1xi32>
    %add3A_602 = arith.constant 1 : i32
    %add3A_603 = vector.broadcast %add3A_602 : i32 to vector<50x1xi32>
    %add3A_604 = arith.addi %select_n3A_592, %add3A_603 : vector<50x1xi32>
    %select_n3A_605 = arith.select %ge3A_600, %select_n3A_560, %add3A_604 : vector<50x1xi1>, vector<50x1xi32>
    %add3A_606 = arith.addi %select_n3A_605, %select_n3A_601 : vector<50x1xi32>
    %jit3A_607 = arith.constant 2 : i32
    %div3A_608 = vector.broadcast %jit3A_607 : i32 to vector<50x1xi32>
    %div3A_609 = arith.divsi %add3A_606, %div3A_608 : vector<50x1xi32>
    %sign3A_610 = arith.constant 0 : i32
    %sign3A_611 = vector.broadcast %sign3A_610 : i32 to vector<50x1xi32>
    %sign3A_612 = arith.cmpi sgt, %add3A_606, %sign3A_611 : vector<50x1xi32>
    %sign3A_613 = arith.extui %sign3A_612 : vector<50x1xi1> to vector<50x1xi32>
    %sign3A_614 = arith.constant 0 : i32
    %sign3A_615 = vector.broadcast %sign3A_614 : i32 to vector<50x1xi32>
    %sign3A_616 = arith.cmpi slt, %add3A_606, %sign3A_615 : vector<50x1xi32>
    %sign3A_617 = arith.extui %sign3A_616 : vector<50x1xi1> to vector<50x1xi32>
    %sign3A_618 = arith.subi %sign3A_613, %sign3A_617 : vector<50x1xi32>
    %sign3A_619 = arith.constant 0 : i32
    %sign3A_620 = arith.cmpi sgt, %jit3A_607, %sign3A_619 : i32
    %sign3A_621 = arith.extui %sign3A_620 : i1 to i32
    %sign3A_622 = arith.constant 0 : i32
    %sign3A_623 = arith.cmpi slt, %jit3A_607, %sign3A_622 : i32
    %sign3A_624 = arith.extui %sign3A_623 : i1 to i32
    %sign3A_625 = arith.subi %sign3A_621, %sign3A_624 : i32
    %ne3A_626 = vector.broadcast %sign3A_625 : i32 to vector<50x1xi32>
    %ne3A_627 = arith.cmpi ne, %sign3A_618, %ne3A_626 : vector<50x1xi32>
    %rem3A_628 = vector.broadcast %jit3A_607 : i32 to vector<50x1xi32>
    %rem3A_629 = arith.remsi %add3A_606, %rem3A_628 : vector<50x1xi32>
    %ne3A_630 = arith.constant 0 : i32
    %ne3A_631 = vector.broadcast %ne3A_630 : i32 to vector<50x1xi32>
    %ne3A_632 = arith.cmpi ne, %rem3A_629, %ne3A_631 : vector<50x1xi32>
    %and3A_633 = arith.andi %ne3A_627, %ne3A_632 : vector<50x1xi1>
    %sub3A_634 = arith.constant 1 : i32
    %sub3A_635 = vector.broadcast %sub3A_634 : i32 to vector<50x1xi32>
    %sub3A_636 = arith.subi %div3A_609, %sub3A_635 : vector<50x1xi32>
    %select_n3A_637 = arith.select %and3A_633, %sub3A_636, %div3A_609 : vector<50x1xi1>, vector<50x1xi32>
    %lt3A_638 = vector.broadcast %select_n3A_637 : vector<50x1xi32> to vector<50x1000xi32>
    %lt3A_639 = arith.cmpi slt, %iota3A, %lt3A_638 : vector<50x1000xi32>
    %and3A_640 = arith.andi %eq3A_429, %lt3A_639 : vector<50x1000xi1>
    %convert_element_type3A_641 = arith.extui %and3A_640 : vector<50x1000xi1> to vector<50x1000xi32>
    %reduce_sum3A_642 = arith.constant dense<0> : vector<50xi32>
    %reduce_sum3A_643 = vector.multi_reduction <add>, %convert_element_type3A_641, %reduce_sum3A_642 [1] : vector<50x1000xi32> to vector<50xi32>
    %broadcast_in_dim3A_644 = vector.shape_cast %reduce_sum3A_643 : vector<50xi32> to vector<50x1xi32>
    %ge3A_645 = arith.cmpi sge, %broadcast_in_dim3A_644, %sub3A_428 : vector<50x1xi32>
    %select_n3A_646 = arith.select %ge3A_645, %select_n3A_637, %select_n3A_601 : vector<50x1xi1>, vector<50x1xi32>
    %add3A_647 = arith.constant 1 : i32
    %add3A_648 = vector.broadcast %add3A_647 : i32 to vector<50x1xi32>
    %add3A_649 = arith.addi %select_n3A_637, %add3A_648 : vector<50x1xi32>
    %select_n3A_650 = arith.select %ge3A_645, %select_n3A_605, %add3A_649 : vector<50x1xi1>, vector<50x1xi32>
    %add3A_651 = arith.addi %select_n3A_650, %select_n3A_646 : vector<50x1xi32>
    %jit3A_652 = arith.constant 2 : i32
    %div3A_653 = vector.broadcast %jit3A_652 : i32 to vector<50x1xi32>
    %div3A_654 = arith.divsi %add3A_651, %div3A_653 : vector<50x1xi32>
    %sign3A_655 = arith.constant 0 : i32
    %sign3A_656 = vector.broadcast %sign3A_655 : i32 to vector<50x1xi32>
    %sign3A_657 = arith.cmpi sgt, %add3A_651, %sign3A_656 : vector<50x1xi32>
    %sign3A_658 = arith.extui %sign3A_657 : vector<50x1xi1> to vector<50x1xi32>
    %sign3A_659 = arith.constant 0 : i32
    %sign3A_660 = vector.broadcast %sign3A_659 : i32 to vector<50x1xi32>
    %sign3A_661 = arith.cmpi slt, %add3A_651, %sign3A_660 : vector<50x1xi32>
    %sign3A_662 = arith.extui %sign3A_661 : vector<50x1xi1> to vector<50x1xi32>
    %sign3A_663 = arith.subi %sign3A_658, %sign3A_662 : vector<50x1xi32>
    %sign3A_664 = arith.constant 0 : i32
    %sign3A_665 = arith.cmpi sgt, %jit3A_652, %sign3A_664 : i32
    %sign3A_666 = arith.extui %sign3A_665 : i1 to i32
    %sign3A_667 = arith.constant 0 : i32
    %sign3A_668 = arith.cmpi slt, %jit3A_652, %sign3A_667 : i32
    %sign3A_669 = arith.extui %sign3A_668 : i1 to i32
    %sign3A_670 = arith.subi %sign3A_666, %sign3A_669 : i32
    %ne3A_671 = vector.broadcast %sign3A_670 : i32 to vector<50x1xi32>
    %ne3A_672 = arith.cmpi ne, %sign3A_663, %ne3A_671 : vector<50x1xi32>
    %rem3A_673 = vector.broadcast %jit3A_652 : i32 to vector<50x1xi32>
    %rem3A_674 = arith.remsi %add3A_651, %rem3A_673 : vector<50x1xi32>
    %ne3A_675 = arith.constant 0 : i32
    %ne3A_676 = vector.broadcast %ne3A_675 : i32 to vector<50x1xi32>
    %ne3A_677 = arith.cmpi ne, %rem3A_674, %ne3A_676 : vector<50x1xi32>
    %and3A_678 = arith.andi %ne3A_672, %ne3A_677 : vector<50x1xi1>
    %sub3A_679 = arith.constant 1 : i32
    %sub3A_680 = vector.broadcast %sub3A_679 : i32 to vector<50x1xi32>
    %sub3A_681 = arith.subi %div3A_654, %sub3A_680 : vector<50x1xi32>
    %select_n3A_682 = arith.select %and3A_678, %sub3A_681, %div3A_654 : vector<50x1xi1>, vector<50x1xi32>
    %lt3A_683 = vector.broadcast %select_n3A_682 : vector<50x1xi32> to vector<50x1000xi32>
    %lt3A_684 = arith.cmpi slt, %iota3A, %lt3A_683 : vector<50x1000xi32>
    %and3A_685 = arith.andi %eq3A_429, %lt3A_684 : vector<50x1000xi1>
    %convert_element_type3A_686 = arith.extui %and3A_685 : vector<50x1000xi1> to vector<50x1000xi32>
    %reduce_sum3A_687 = arith.constant dense<0> : vector<50xi32>
    %reduce_sum3A_688 = vector.multi_reduction <add>, %convert_element_type3A_686, %reduce_sum3A_687 [1] : vector<50x1000xi32> to vector<50xi32>
    %broadcast_in_dim3A_689 = vector.shape_cast %reduce_sum3A_688 : vector<50xi32> to vector<50x1xi32>
    %ge3A_690 = arith.cmpi sge, %broadcast_in_dim3A_689, %sub3A_428 : vector<50x1xi32>
    %select_n3A_691 = arith.select %ge3A_690, %select_n3A_682, %select_n3A_646 : vector<50x1xi1>, vector<50x1xi32>
    %add3A_692 = arith.constant 1 : i32
    %add3A_693 = vector.broadcast %add3A_692 : i32 to vector<50x1xi32>
    %add3A_694 = arith.addi %select_n3A_682, %add3A_693 : vector<50x1xi32>
    %select_n3A_695 = arith.select %ge3A_690, %select_n3A_650, %add3A_694 : vector<50x1xi1>, vector<50x1xi32>
    %add3A_696 = arith.addi %select_n3A_695, %select_n3A_691 : vector<50x1xi32>
    %jit3A_697 = arith.constant 2 : i32
    %div3A_698 = vector.broadcast %jit3A_697 : i32 to vector<50x1xi32>
    %div3A_699 = arith.divsi %add3A_696, %div3A_698 : vector<50x1xi32>
    %sign3A_700 = arith.constant 0 : i32
    %sign3A_701 = vector.broadcast %sign3A_700 : i32 to vector<50x1xi32>
    %sign3A_702 = arith.cmpi sgt, %add3A_696, %sign3A_701 : vector<50x1xi32>
    %sign3A_703 = arith.extui %sign3A_702 : vector<50x1xi1> to vector<50x1xi32>
    %sign3A_704 = arith.constant 0 : i32
    %sign3A_705 = vector.broadcast %sign3A_704 : i32 to vector<50x1xi32>
    %sign3A_706 = arith.cmpi slt, %add3A_696, %sign3A_705 : vector<50x1xi32>
    %sign3A_707 = arith.extui %sign3A_706 : vector<50x1xi1> to vector<50x1xi32>
    %sign3A_708 = arith.subi %sign3A_703, %sign3A_707 : vector<50x1xi32>
    %sign3A_709 = arith.constant 0 : i32
    %sign3A_710 = arith.cmpi sgt, %jit3A_697, %sign3A_709 : i32
    %sign3A_711 = arith.extui %sign3A_710 : i1 to i32
    %sign3A_712 = arith.constant 0 : i32
    %sign3A_713 = arith.cmpi slt, %jit3A_697, %sign3A_712 : i32
    %sign3A_714 = arith.extui %sign3A_713 : i1 to i32
    %sign3A_715 = arith.subi %sign3A_711, %sign3A_714 : i32
    %ne3A_716 = vector.broadcast %sign3A_715 : i32 to vector<50x1xi32>
    %ne3A_717 = arith.cmpi ne, %sign3A_708, %ne3A_716 : vector<50x1xi32>
    %rem3A_718 = vector.broadcast %jit3A_697 : i32 to vector<50x1xi32>
    %rem3A_719 = arith.remsi %add3A_696, %rem3A_718 : vector<50x1xi32>
    %ne3A_720 = arith.constant 0 : i32
    %ne3A_721 = vector.broadcast %ne3A_720 : i32 to vector<50x1xi32>
    %ne3A_722 = arith.cmpi ne, %rem3A_719, %ne3A_721 : vector<50x1xi32>
    %and3A_723 = arith.andi %ne3A_717, %ne3A_722 : vector<50x1xi1>
    %sub3A_724 = arith.constant 1 : i32
    %sub3A_725 = vector.broadcast %sub3A_724 : i32 to vector<50x1xi32>
    %sub3A_726 = arith.subi %div3A_699, %sub3A_725 : vector<50x1xi32>
    %select_n3A_727 = arith.select %and3A_723, %sub3A_726, %div3A_699 : vector<50x1xi1>, vector<50x1xi32>
    %lt3A_728 = vector.broadcast %select_n3A_727 : vector<50x1xi32> to vector<50x1000xi32>
    %lt3A_729 = arith.cmpi slt, %iota3A, %lt3A_728 : vector<50x1000xi32>
    %and3A_730 = arith.andi %eq3A_429, %lt3A_729 : vector<50x1000xi1>
    %convert_element_type3A_731 = arith.extui %and3A_730 : vector<50x1000xi1> to vector<50x1000xi32>
    %reduce_sum3A_732 = arith.constant dense<0> : vector<50xi32>
    %reduce_sum3A_733 = vector.multi_reduction <add>, %convert_element_type3A_731, %reduce_sum3A_732 [1] : vector<50x1000xi32> to vector<50xi32>
    %broadcast_in_dim3A_734 = vector.shape_cast %reduce_sum3A_733 : vector<50xi32> to vector<50x1xi32>
    %ge3A_735 = arith.cmpi sge, %broadcast_in_dim3A_734, %sub3A_428 : vector<50x1xi32>
    %select_n3A_736 = arith.select %ge3A_735, %select_n3A_727, %select_n3A_691 : vector<50x1xi1>, vector<50x1xi32>
    %add3A_737 = arith.constant 1 : i32
    %add3A_738 = vector.broadcast %add3A_737 : i32 to vector<50x1xi32>
    %add3A_739 = arith.addi %select_n3A_727, %add3A_738 : vector<50x1xi32>
    %select_n3A_740 = arith.select %ge3A_735, %select_n3A_695, %add3A_739 : vector<50x1xi1>, vector<50x1xi32>
    %add3A_741 = arith.addi %select_n3A_740, %select_n3A_736 : vector<50x1xi32>
    %jit3A_742 = arith.constant 2 : i32
    %div3A_743 = vector.broadcast %jit3A_742 : i32 to vector<50x1xi32>
    %div3A_744 = arith.divsi %add3A_741, %div3A_743 : vector<50x1xi32>
    %sign3A_745 = arith.constant 0 : i32
    %sign3A_746 = vector.broadcast %sign3A_745 : i32 to vector<50x1xi32>
    %sign3A_747 = arith.cmpi sgt, %add3A_741, %sign3A_746 : vector<50x1xi32>
    %sign3A_748 = arith.extui %sign3A_747 : vector<50x1xi1> to vector<50x1xi32>
    %sign3A_749 = arith.constant 0 : i32
    %sign3A_750 = vector.broadcast %sign3A_749 : i32 to vector<50x1xi32>
    %sign3A_751 = arith.cmpi slt, %add3A_741, %sign3A_750 : vector<50x1xi32>
    %sign3A_752 = arith.extui %sign3A_751 : vector<50x1xi1> to vector<50x1xi32>
    %sign3A_753 = arith.subi %sign3A_748, %sign3A_752 : vector<50x1xi32>
    %sign3A_754 = arith.constant 0 : i32
    %sign3A_755 = arith.cmpi sgt, %jit3A_742, %sign3A_754 : i32
    %sign3A_756 = arith.extui %sign3A_755 : i1 to i32
    %sign3A_757 = arith.constant 0 : i32
    %sign3A_758 = arith.cmpi slt, %jit3A_742, %sign3A_757 : i32
    %sign3A_759 = arith.extui %sign3A_758 : i1 to i32
    %sign3A_760 = arith.subi %sign3A_756, %sign3A_759 : i32
    %ne3A_761 = vector.broadcast %sign3A_760 : i32 to vector<50x1xi32>
    %ne3A_762 = arith.cmpi ne, %sign3A_753, %ne3A_761 : vector<50x1xi32>
    %rem3A_763 = vector.broadcast %jit3A_742 : i32 to vector<50x1xi32>
    %rem3A_764 = arith.remsi %add3A_741, %rem3A_763 : vector<50x1xi32>
    %ne3A_765 = arith.constant 0 : i32
    %ne3A_766 = vector.broadcast %ne3A_765 : i32 to vector<50x1xi32>
    %ne3A_767 = arith.cmpi ne, %rem3A_764, %ne3A_766 : vector<50x1xi32>
    %and3A_768 = arith.andi %ne3A_762, %ne3A_767 : vector<50x1xi1>
    %sub3A_769 = arith.constant 1 : i32
    %sub3A_770 = vector.broadcast %sub3A_769 : i32 to vector<50x1xi32>
    %sub3A_771 = arith.subi %div3A_744, %sub3A_770 : vector<50x1xi32>
    %select_n3A_772 = arith.select %and3A_768, %sub3A_771, %div3A_744 : vector<50x1xi1>, vector<50x1xi32>
    %lt3A_773 = vector.broadcast %select_n3A_772 : vector<50x1xi32> to vector<50x1000xi32>
    %lt3A_774 = arith.cmpi slt, %iota3A, %lt3A_773 : vector<50x1000xi32>
    %and3A_775 = arith.andi %eq3A_429, %lt3A_774 : vector<50x1000xi1>
    %convert_element_type3A_776 = arith.extui %and3A_775 : vector<50x1000xi1> to vector<50x1000xi32>
    %reduce_sum3A_777 = arith.constant dense<0> : vector<50xi32>
    %reduce_sum3A_778 = vector.multi_reduction <add>, %convert_element_type3A_776, %reduce_sum3A_777 [1] : vector<50x1000xi32> to vector<50xi32>
    %broadcast_in_dim3A_779 = vector.shape_cast %reduce_sum3A_778 : vector<50xi32> to vector<50x1xi32>
    %ge3A_780 = arith.cmpi sge, %broadcast_in_dim3A_779, %sub3A_428 : vector<50x1xi32>
    %select_n3A_781 = arith.select %ge3A_780, %select_n3A_772, %select_n3A_736 : vector<50x1xi1>, vector<50x1xi32>
    %add3A_782 = arith.constant 1 : i32
    %add3A_783 = vector.broadcast %add3A_782 : i32 to vector<50x1xi32>
    %add3A_784 = arith.addi %select_n3A_772, %add3A_783 : vector<50x1xi32>
    %select_n3A_785 = arith.select %ge3A_780, %select_n3A_740, %add3A_784 : vector<50x1xi1>, vector<50x1xi32>
    %add3A_786 = arith.addi %select_n3A_785, %select_n3A_781 : vector<50x1xi32>
    %jit3A_787 = arith.constant 2 : i32
    %div3A_788 = vector.broadcast %jit3A_787 : i32 to vector<50x1xi32>
    %div3A_789 = arith.divsi %add3A_786, %div3A_788 : vector<50x1xi32>
    %sign3A_790 = arith.constant 0 : i32
    %sign3A_791 = vector.broadcast %sign3A_790 : i32 to vector<50x1xi32>
    %sign3A_792 = arith.cmpi sgt, %add3A_786, %sign3A_791 : vector<50x1xi32>
    %sign3A_793 = arith.extui %sign3A_792 : vector<50x1xi1> to vector<50x1xi32>
    %sign3A_794 = arith.constant 0 : i32
    %sign3A_795 = vector.broadcast %sign3A_794 : i32 to vector<50x1xi32>
    %sign3A_796 = arith.cmpi slt, %add3A_786, %sign3A_795 : vector<50x1xi32>
    %sign3A_797 = arith.extui %sign3A_796 : vector<50x1xi1> to vector<50x1xi32>
    %sign3A_798 = arith.subi %sign3A_793, %sign3A_797 : vector<50x1xi32>
    %sign3A_799 = arith.constant 0 : i32
    %sign3A_800 = arith.cmpi sgt, %jit3A_787, %sign3A_799 : i32
    %sign3A_801 = arith.extui %sign3A_800 : i1 to i32
    %sign3A_802 = arith.constant 0 : i32
    %sign3A_803 = arith.cmpi slt, %jit3A_787, %sign3A_802 : i32
    %sign3A_804 = arith.extui %sign3A_803 : i1 to i32
    %sign3A_805 = arith.subi %sign3A_801, %sign3A_804 : i32
    %ne3A_806 = vector.broadcast %sign3A_805 : i32 to vector<50x1xi32>
    %ne3A_807 = arith.cmpi ne, %sign3A_798, %ne3A_806 : vector<50x1xi32>
    %rem3A_808 = vector.broadcast %jit3A_787 : i32 to vector<50x1xi32>
    %rem3A_809 = arith.remsi %add3A_786, %rem3A_808 : vector<50x1xi32>
    %ne3A_810 = arith.constant 0 : i32
    %ne3A_811 = vector.broadcast %ne3A_810 : i32 to vector<50x1xi32>
    %ne3A_812 = arith.cmpi ne, %rem3A_809, %ne3A_811 : vector<50x1xi32>
    %and3A_813 = arith.andi %ne3A_807, %ne3A_812 : vector<50x1xi1>
    %sub3A_814 = arith.constant 1 : i32
    %sub3A_815 = vector.broadcast %sub3A_814 : i32 to vector<50x1xi32>
    %sub3A_816 = arith.subi %div3A_789, %sub3A_815 : vector<50x1xi32>
    %select_n3A_817 = arith.select %and3A_813, %sub3A_816, %div3A_789 : vector<50x1xi1>, vector<50x1xi32>
    %lt3A_818 = vector.broadcast %select_n3A_817 : vector<50x1xi32> to vector<50x1000xi32>
    %lt3A_819 = arith.cmpi slt, %iota3A, %lt3A_818 : vector<50x1000xi32>
    %and3A_820 = arith.andi %eq3A_429, %lt3A_819 : vector<50x1000xi1>
    %convert_element_type3A_821 = arith.extui %and3A_820 : vector<50x1000xi1> to vector<50x1000xi32>
    %reduce_sum3A_822 = arith.constant dense<0> : vector<50xi32>
    %reduce_sum3A_823 = vector.multi_reduction <add>, %convert_element_type3A_821, %reduce_sum3A_822 [1] : vector<50x1000xi32> to vector<50xi32>
    %broadcast_in_dim3A_824 = vector.shape_cast %reduce_sum3A_823 : vector<50xi32> to vector<50x1xi32>
    %ge3A_825 = arith.cmpi sge, %broadcast_in_dim3A_824, %sub3A_428 : vector<50x1xi32>
    %select_n3A_826 = arith.select %ge3A_825, %select_n3A_817, %select_n3A_781 : vector<50x1xi1>, vector<50x1xi32>
    %add3A_827 = arith.constant 1 : i32
    %add3A_828 = vector.broadcast %add3A_827 : i32 to vector<50x1xi32>
    %add3A_829 = arith.addi %select_n3A_817, %add3A_828 : vector<50x1xi32>
    %select_n3A_830 = arith.select %ge3A_825, %select_n3A_785, %add3A_829 : vector<50x1xi1>, vector<50x1xi32>
    %add3A_831 = arith.addi %select_n3A_830, %select_n3A_826 : vector<50x1xi32>
    %jit3A_832 = arith.constant 2 : i32
    %div3A_833 = vector.broadcast %jit3A_832 : i32 to vector<50x1xi32>
    %div3A_834 = arith.divsi %add3A_831, %div3A_833 : vector<50x1xi32>
    %sign3A_835 = arith.constant 0 : i32
    %sign3A_836 = vector.broadcast %sign3A_835 : i32 to vector<50x1xi32>
    %sign3A_837 = arith.cmpi sgt, %add3A_831, %sign3A_836 : vector<50x1xi32>
    %sign3A_838 = arith.extui %sign3A_837 : vector<50x1xi1> to vector<50x1xi32>
    %sign3A_839 = arith.constant 0 : i32
    %sign3A_840 = vector.broadcast %sign3A_839 : i32 to vector<50x1xi32>
    %sign3A_841 = arith.cmpi slt, %add3A_831, %sign3A_840 : vector<50x1xi32>
    %sign3A_842 = arith.extui %sign3A_841 : vector<50x1xi1> to vector<50x1xi32>
    %sign3A_843 = arith.subi %sign3A_838, %sign3A_842 : vector<50x1xi32>
    %sign3A_844 = arith.constant 0 : i32
    %sign3A_845 = arith.cmpi sgt, %jit3A_832, %sign3A_844 : i32
    %sign3A_846 = arith.extui %sign3A_845 : i1 to i32
    %sign3A_847 = arith.constant 0 : i32
    %sign3A_848 = arith.cmpi slt, %jit3A_832, %sign3A_847 : i32
    %sign3A_849 = arith.extui %sign3A_848 : i1 to i32
    %sign3A_850 = arith.subi %sign3A_846, %sign3A_849 : i32
    %ne3A_851 = vector.broadcast %sign3A_850 : i32 to vector<50x1xi32>
    %ne3A_852 = arith.cmpi ne, %sign3A_843, %ne3A_851 : vector<50x1xi32>
    %rem3A_853 = vector.broadcast %jit3A_832 : i32 to vector<50x1xi32>
    %rem3A_854 = arith.remsi %add3A_831, %rem3A_853 : vector<50x1xi32>
    %ne3A_855 = arith.constant 0 : i32
    %ne3A_856 = vector.broadcast %ne3A_855 : i32 to vector<50x1xi32>
    %ne3A_857 = arith.cmpi ne, %rem3A_854, %ne3A_856 : vector<50x1xi32>
    %and3A_858 = arith.andi %ne3A_852, %ne3A_857 : vector<50x1xi1>
    %sub3A_859 = arith.constant 1 : i32
    %sub3A_860 = vector.broadcast %sub3A_859 : i32 to vector<50x1xi32>
    %sub3A_861 = arith.subi %div3A_834, %sub3A_860 : vector<50x1xi32>
    %select_n3A_862 = arith.select %and3A_858, %sub3A_861, %div3A_834 : vector<50x1xi1>, vector<50x1xi32>
    %lt3A_863 = vector.broadcast %select_n3A_862 : vector<50x1xi32> to vector<50x1000xi32>
    %lt3A_864 = arith.cmpi slt, %iota3A, %lt3A_863 : vector<50x1000xi32>
    %and3A_865 = arith.andi %eq3A_429, %lt3A_864 : vector<50x1000xi1>
    %convert_element_type3A_866 = arith.extui %and3A_865 : vector<50x1000xi1> to vector<50x1000xi32>
    %reduce_sum3A_867 = arith.constant dense<0> : vector<50xi32>
    %reduce_sum3A_868 = vector.multi_reduction <add>, %convert_element_type3A_866, %reduce_sum3A_867 [1] : vector<50x1000xi32> to vector<50xi32>
    %broadcast_in_dim3A_869 = vector.shape_cast %reduce_sum3A_868 : vector<50xi32> to vector<50x1xi32>
    %ge3A_870 = arith.cmpi sge, %broadcast_in_dim3A_869, %sub3A_428 : vector<50x1xi32>
    %select_n3A_871 = arith.select %ge3A_870, %select_n3A_862, %select_n3A_826 : vector<50x1xi1>, vector<50x1xi32>
    %add3A_872 = arith.constant 1 : i32
    %add3A_873 = vector.broadcast %add3A_872 : i32 to vector<50x1xi32>
    %add3A_874 = arith.addi %select_n3A_862, %add3A_873 : vector<50x1xi32>
    %select_n3A_875 = arith.select %ge3A_870, %select_n3A_830, %add3A_874 : vector<50x1xi1>, vector<50x1xi32>
    %add3A_876 = arith.addi %select_n3A_875, %select_n3A_871 : vector<50x1xi32>
    %jit3A_877 = arith.constant 2 : i32
    %div3A_878 = vector.broadcast %jit3A_877 : i32 to vector<50x1xi32>
    %div3A_879 = arith.divsi %add3A_876, %div3A_878 : vector<50x1xi32>
    %sign3A_880 = arith.constant 0 : i32
    %sign3A_881 = vector.broadcast %sign3A_880 : i32 to vector<50x1xi32>
    %sign3A_882 = arith.cmpi sgt, %add3A_876, %sign3A_881 : vector<50x1xi32>
    %sign3A_883 = arith.extui %sign3A_882 : vector<50x1xi1> to vector<50x1xi32>
    %sign3A_884 = arith.constant 0 : i32
    %sign3A_885 = vector.broadcast %sign3A_884 : i32 to vector<50x1xi32>
    %sign3A_886 = arith.cmpi slt, %add3A_876, %sign3A_885 : vector<50x1xi32>
    %sign3A_887 = arith.extui %sign3A_886 : vector<50x1xi1> to vector<50x1xi32>
    %sign3A_888 = arith.subi %sign3A_883, %sign3A_887 : vector<50x1xi32>
    %sign3A_889 = arith.constant 0 : i32
    %sign3A_890 = arith.cmpi sgt, %jit3A_877, %sign3A_889 : i32
    %sign3A_891 = arith.extui %sign3A_890 : i1 to i32
    %sign3A_892 = arith.constant 0 : i32
    %sign3A_893 = arith.cmpi slt, %jit3A_877, %sign3A_892 : i32
    %sign3A_894 = arith.extui %sign3A_893 : i1 to i32
    %sign3A_895 = arith.subi %sign3A_891, %sign3A_894 : i32
    %ne3A_896 = vector.broadcast %sign3A_895 : i32 to vector<50x1xi32>
    %ne3A_897 = arith.cmpi ne, %sign3A_888, %ne3A_896 : vector<50x1xi32>
    %rem3A_898 = vector.broadcast %jit3A_877 : i32 to vector<50x1xi32>
    %rem3A_899 = arith.remsi %add3A_876, %rem3A_898 : vector<50x1xi32>
    %ne3A_900 = arith.constant 0 : i32
    %ne3A_901 = vector.broadcast %ne3A_900 : i32 to vector<50x1xi32>
    %ne3A_902 = arith.cmpi ne, %rem3A_899, %ne3A_901 : vector<50x1xi32>
    %and3A_903 = arith.andi %ne3A_897, %ne3A_902 : vector<50x1xi1>
    %sub3A_904 = arith.constant 1 : i32
    %sub3A_905 = vector.broadcast %sub3A_904 : i32 to vector<50x1xi32>
    %sub3A_906 = arith.subi %div3A_879, %sub3A_905 : vector<50x1xi32>
    %select_n3A_907 = arith.select %and3A_903, %sub3A_906, %div3A_879 : vector<50x1xi1>, vector<50x1xi32>
    %lt3A_908 = vector.broadcast %select_n3A_907 : vector<50x1xi32> to vector<50x1000xi32>
    %lt3A_909 = arith.cmpi slt, %iota3A, %lt3A_908 : vector<50x1000xi32>
    %and3A_910 = arith.andi %eq3A_429, %lt3A_909 : vector<50x1000xi1>
    %convert_element_type3A_911 = arith.extui %and3A_910 : vector<50x1000xi1> to vector<50x1000xi32>
    %reduce_sum3A_912 = arith.constant dense<0> : vector<50xi32>
    %reduce_sum3A_913 = vector.multi_reduction <add>, %convert_element_type3A_911, %reduce_sum3A_912 [1] : vector<50x1000xi32> to vector<50xi32>
    %broadcast_in_dim3A_914 = vector.shape_cast %reduce_sum3A_913 : vector<50xi32> to vector<50x1xi32>
    %ge3A_915 = arith.cmpi sge, %broadcast_in_dim3A_914, %sub3A_428 : vector<50x1xi32>
    %select_n3A_916 = arith.select %ge3A_915, %select_n3A_907, %select_n3A_871 : vector<50x1xi1>, vector<50x1xi32>
    %lt3A_917 = vector.broadcast %select_n3A_916 : vector<50x1xi32> to vector<50x1000xi32>
    %lt3A_918 = arith.cmpi slt, %iota3A, %lt3A_917 : vector<50x1000xi32>
    %and3A_919 = arith.andi %eq3A_429, %lt3A_918 : vector<50x1000xi1>
    %or3A_920 = arith.ori %gt3A_422, %and3A_919 : vector<50x1000xi1>
    %tanh3A = math.tanh %get3A_1 : vector<50x1000xf32>
    %jit3A_921 = arith.constant 0.000000e+00 : f32
    %broadcast_in_dim3A_922 = vector.broadcast %jit3A_921 : f32 to vector<50x1000xf32>
    %select_n3A_923 = arith.select %or3A_920, %tanh3A, %broadcast_in_dim3A_922 : vector<50x1000xi1>, vector<50x1000xf32>
    %swap3A = arith.constant 0 : index
    %swap3A_924 = arith.constant 0 : index
    %swap3A_925 = vector.load %arg1[%swap3A, %swap3A_924] : memref<50x1000xf32, #tpu.memory_space<vmem>>, vector<50x1000xf32>
    tpu.vector_store %arg1[%swap3A, %swap3A_924], %select_n3A_923 {strides = array<i32>} : memref<50x1000xf32, #tpu.memory_space<vmem>>, vector<50x1000xf32>,
    %convert_element_type3A_926 = arith.extui %or3A_920 : vector<50x1000xi1> to vector<50x1000xi32>
    %convert_element_type3A_927 = arith.sitofp %convert_element_type3A_926 : vector<50x1000xi32> to vector<50x1000xf32>
    %swap3A_928 = arith.constant 0 : index
    %swap3A_929 = arith.constant 0 : index
    %swap3A_930 = vector.load %arg2[%swap3A_928, %swap3A_929] : memref<50x1000xf32, #tpu.memory_space<vmem>>, vector<50x1000xf32>
    tpu.vector_store %arg2[%swap3A_928, %swap3A_929], %convert_element_type3A_927 {strides = array<i32>} : memref<50x1000xf32, #tpu.memory_space<vmem>>, vector<50x1000xf32>,
    return
  }
}

module attributes {stable_mosaic.version = 14 : i64} {
  func.func @_t3_body(%arg0: i32, %arg1: memref<1000x128xf32, #tpu.memory_space<vmem>>, %arg2: memref<1000x1xf32, #tpu.memory_space<vmem>>, %arg3: memref<1000x1xf32, #tpu.memory_space<vmem>>, %arg4: memref<1000x16xf32, #tpu.memory_space<vmem>>, %arg5: memref<1000x16xf32, #tpu.memory_space<vmem>>, %arg6: memref<1000x16xf32, #tpu.memory_space<vmem>>, %arg7: memref<1000x16xf32, #tpu.memory_space<vmem>>, %arg8: memref<1000x16xf32, #tpu.memory_space<vmem>>, %arg9: memref<1000x16xf32, #tpu.memory_space<vmem>>, %arg10: memref<1000x16xf32, #tpu.memory_space<vmem>>, %arg11: memref<1000x16xf32, #tpu.memory_space<vmem>>, %arg12: memref<1x1x256xf32, #tpu.memory_space<vmem>>) attributes {dimension_semantics = [#tpu.dimension_semantics<arbitrary>], iteration_bounds = array<i64: 50>, scalar_prefetch = 0 : i64, scratch_operands = 0 : i64, tpu.core_type = #tpu.core_type<tc>, window_params = [{transform_indices = @transform_0, window_bounds = array<i64: 1000, 128>}, {transform_indices = @transform_1, window_bounds = array<i64: 1000, 1>}, {transform_indices = @transform_2, window_bounds = array<i64: 1000, 1>}, {transform_indices = @transform_3, window_bounds = array<i64: 1000, 16>}, {transform_indices = @transform_4, window_bounds = array<i64: 1000, 16>}, {transform_indices = @transform_5, window_bounds = array<i64: 1000, 16>}, {transform_indices = @transform_6, window_bounds = array<i64: 1000, 16>}, {transform_indices = @transform_7, window_bounds = array<i64: 1000, 16>}, {transform_indices = @transform_8, window_bounds = array<i64: 1000, 16>}, {transform_indices = @transform_9, window_bounds = array<i64: 1000, 16>}, {transform_indices = @transform_10, window_bounds = array<i64: 1000, 16>}, {transform_indices = @transform_11, window_bounds = array<i64: 1, 1, 256>}]} {
    %get3A = arith.constant 0 : index
    %get3A_0 = arith.constant 0 : index
    %get3A_1 = vector.load %arg1[%get3A, %get3A_0] : memref<1000x128xf32, #tpu.memory_space<vmem>>, vector<1000x128xf32>
    %get3A_2 = arith.constant 0 : index
    %get3A_3 = arith.constant 0 : index
    %get3A_4 = vector.load %arg2[%get3A_2, %get3A_3] : memref<1000x1xf32, #tpu.memory_space<vmem>>, vector<1000x1xf32>
    %mul3A = vector.broadcast %get3A_4 : vector<1000x1xf32> to vector<1000x128xf32>
    %mul3A_5 = arith.mulf %get3A_1, %mul3A : vector<1000x128xf32>
    %slice3A = vector.extract_strided_slice %mul3A_5 {offsets = [0, 0], sizes = [1000, 16], strides = [1, 1]} : vector<1000x128xf32> to vector<1000x16xf32>
    %swap3A = arith.constant 0 : index
    %swap3A_6 = arith.constant 0 : index
    %swap3A_7 = vector.load %arg4[%swap3A, %swap3A_6] : memref<1000x16xf32, #tpu.memory_space<vmem>>, vector<1000x16xf32>
    tpu.vector_store %arg4[%swap3A, %swap3A_6], %slice3A {strides = array<i32>} : memref<1000x16xf32, #tpu.memory_space<vmem>>, vector<1000x16xf32>,
    %slice3A_8 = vector.extract_strided_slice %mul3A_5 {offsets = [0, 16], sizes = [1000, 16], strides = [1, 1]} : vector<1000x128xf32> to vector<1000x16xf32>
    %swap3A_9 = arith.constant 0 : index
    %swap3A_10 = arith.constant 0 : index
    %swap3A_11 = vector.load %arg5[%swap3A_9, %swap3A_10] : memref<1000x16xf32, #tpu.memory_space<vmem>>, vector<1000x16xf32>
    tpu.vector_store %arg5[%swap3A_9, %swap3A_10], %slice3A_8 {strides = array<i32>} : memref<1000x16xf32, #tpu.memory_space<vmem>>, vector<1000x16xf32>,
    %slice3A_12 = vector.extract_strided_slice %mul3A_5 {offsets = [0, 32], sizes = [1000, 16], strides = [1, 1]} : vector<1000x128xf32> to vector<1000x16xf32>
    %swap3A_13 = arith.constant 0 : index
    %swap3A_14 = arith.constant 0 : index
    %swap3A_15 = vector.load %arg6[%swap3A_13, %swap3A_14] : memref<1000x16xf32, #tpu.memory_space<vmem>>, vector<1000x16xf32>
    tpu.vector_store %arg6[%swap3A_13, %swap3A_14], %slice3A_12 {strides = array<i32>} : memref<1000x16xf32, #tpu.memory_space<vmem>>, vector<1000x16xf32>,
    %slice3A_16 = vector.extract_strided_slice %mul3A_5 {offsets = [0, 48], sizes = [1000, 16], strides = [1, 1]} : vector<1000x128xf32> to vector<1000x16xf32>
    %swap3A_17 = arith.constant 0 : index
    %swap3A_18 = arith.constant 0 : index
    %swap3A_19 = vector.load %arg7[%swap3A_17, %swap3A_18] : memref<1000x16xf32, #tpu.memory_space<vmem>>, vector<1000x16xf32>
    tpu.vector_store %arg7[%swap3A_17, %swap3A_18], %slice3A_16 {strides = array<i32>} : memref<1000x16xf32, #tpu.memory_space<vmem>>, vector<1000x16xf32>,
    %slice3A_20 = vector.extract_strided_slice %mul3A_5 {offsets = [0, 64], sizes = [1000, 16], strides = [1, 1]} : vector<1000x128xf32> to vector<1000x16xf32>
    %swap3A_21 = arith.constant 0 : index
    %swap3A_22 = arith.constant 0 : index
    %swap3A_23 = vector.load %arg8[%swap3A_21, %swap3A_22] : memref<1000x16xf32, #tpu.memory_space<vmem>>, vector<1000x16xf32>
    tpu.vector_store %arg8[%swap3A_21, %swap3A_22], %slice3A_20 {strides = array<i32>} : memref<1000x16xf32, #tpu.memory_space<vmem>>, vector<1000x16xf32>,
    %slice3A_24 = vector.extract_strided_slice %mul3A_5 {offsets = [0, 80], sizes = [1000, 16], strides = [1, 1]} : vector<1000x128xf32> to vector<1000x16xf32>
    %swap3A_25 = arith.constant 0 : index
    %swap3A_26 = arith.constant 0 : index
    %swap3A_27 = vector.load %arg9[%swap3A_25, %swap3A_26] : memref<1000x16xf32, #tpu.memory_space<vmem>>, vector<1000x16xf32>
    tpu.vector_store %arg9[%swap3A_25, %swap3A_26], %slice3A_24 {strides = array<i32>} : memref<1000x16xf32, #tpu.memory_space<vmem>>, vector<1000x16xf32>,
    %slice3A_28 = vector.extract_strided_slice %mul3A_5 {offsets = [0, 96], sizes = [1000, 16], strides = [1, 1]} : vector<1000x128xf32> to vector<1000x16xf32>
    %swap3A_29 = arith.constant 0 : index
    %swap3A_30 = arith.constant 0 : index
    %swap3A_31 = vector.load %arg10[%swap3A_29, %swap3A_30] : memref<1000x16xf32, #tpu.memory_space<vmem>>, vector<1000x16xf32>
    tpu.vector_store %arg10[%swap3A_29, %swap3A_30], %slice3A_28 {strides = array<i32>} : memref<1000x16xf32, #tpu.memory_space<vmem>>, vector<1000x16xf32>,
    %slice3A_32 = vector.extract_strided_slice %mul3A_5 {offsets = [0, 112], sizes = [1000, 16], strides = [1, 1]} : vector<1000x128xf32> to vector<1000x16xf32>
    %swap3A_33 = arith.constant 0 : index
    %swap3A_34 = arith.constant 0 : index
    %swap3A_35 = vector.load %arg11[%swap3A_33, %swap3A_34] : memref<1000x16xf32, #tpu.memory_space<vmem>>, vector<1000x16xf32>
    tpu.vector_store %arg11[%swap3A_33, %swap3A_34], %slice3A_32 {strides = array<i32>} : memref<1000x16xf32, #tpu.memory_space<vmem>>, vector<1000x16xf32>,
    %reduce_sum3A = arith.constant dense<0.000000e+00> : vector<128xf32>
    %reduce_sum3A_36 = vector.multi_reduction <add>, %mul3A_5, %reduce_sum3A [0] : vector<1000x128xf32> to vector<128xf32>
    %broadcast_in_dim3A = vector.shape_cast %reduce_sum3A_36 : vector<128xf32> to vector<1x128xf32>
    %mul3A_37 = arith.constant 1.250000e-03 : f32
    %mul3A_38 = vector.broadcast %mul3A_37 : f32 to vector<1x128xf32>
    %mul3A_39 = arith.mulf %broadcast_in_dim3A, %mul3A_38 : vector<1x128xf32>
    %get3A_40 = arith.constant 0 : index
    %get3A_41 = arith.constant 0 : index
    %get3A_42 = vector.load %arg3[%get3A_40, %get3A_41] : memref<1000x1xf32, #tpu.memory_space<vmem>>, vector<1000x1xf32>
    %gt3A = arith.constant 5.000000e-01 : f32
    %gt3A_43 = vector.broadcast %gt3A : f32 to vector<1000x1xf32>
    %gt3A_44 = arith.cmpf ogt, %get3A_42, %gt3A_43 : vector<1000x1xf32>
    %jit3A = arith.constant 0xFF800000 : f32
    %broadcast_in_dim3A_45 = vector.shape_cast %gt3A_44 : vector<1000x1xi1> to vector<1000x1xi1>
    %broadcast_in_dim3A_46 = vector.broadcast %broadcast_in_dim3A_45 : vector<1000x1xi1> to vector<1000x128xi1>
    %broadcast_in_dim3A_47 = vector.broadcast %jit3A : f32 to vector<1000x128xf32>
    %select_n3A = arith.select %broadcast_in_dim3A_46, %mul3A_5, %broadcast_in_dim3A_47 : vector<1000x128xi1>, vector<1000x128xf32>
    %reduce_max3A = arith.constant dense<0xFF800000> : vector<128xf32>
    %reduce_max3A_48 = vector.multi_reduction <maximumf>, %select_n3A, %reduce_max3A [0] : vector<1000x128xf32> to vector<128xf32>
    %broadcast_in_dim3A_49 = vector.shape_cast %reduce_max3A_48 : vector<128xf32> to vector<1x128xf32>
    %concatenate3A = tpu.concatenate %mul3A_39, %broadcast_in_dim3A_49 in 1 : vector<1x128xf32>, vector<1x128xf32> -> vector<1x256xf32>
    %broadcast_in_dim3A_50 = vector.shape_cast %concatenate3A : vector<1x256xf32> to vector<1x1x256xf32>
    %swap3A_51 = arith.constant 0 : index
    %swap3A_52 = arith.constant 0 : index
    %swap3A_53 = arith.constant 0 : index
    %swap3A_54 = vector.load %arg12[%swap3A_51, %swap3A_52, %swap3A_53] : memref<1x1x256xf32, #tpu.memory_space<vmem>>, vector<1x1x256xf32>
    tpu.vector_store %arg12[%swap3A_51, %swap3A_52, %swap3A_53], %broadcast_in_dim3A_50 {strides = array<i32>} : memref<1x1x256xf32, #tpu.memory_space<vmem>>, vector<1x1x256xf32>,
    return
  }
  func.func @transform_0(%arg0: i32) -> (i32, i32) {
    %c0_i32 = arith.constant 0 : i32
    %c0_i32_0 = arith.constant 0 : i32
    return %arg0, %c0_i32 : i32, i32
  }
  func.func @transform_1(%arg0: i32) -> (i32, i32) {
    %c0_i32 = arith.constant 0 : i32
    %c0_i32_0 = arith.constant 0 : i32
    return %arg0, %c0_i32 : i32, i32
  }
  func.func @transform_2(%arg0: i32) -> (i32, i32) {
    %c0_i32 = arith.constant 0 : i32
    %c0_i32_0 = arith.constant 0 : i32
    return %arg0, %c0_i32 : i32, i32
  }
  func.func @transform_3(%arg0: i32) -> (i32, i32) {
    %c0_i32 = arith.constant 0 : i32
    %c0_i32_0 = arith.constant 0 : i32
    return %arg0, %c0_i32 : i32, i32
  }
  func.func @transform_4(%arg0: i32) -> (i32, i32) {
    %c0_i32 = arith.constant 0 : i32
    %c0_i32_0 = arith.constant 0 : i32
    return %arg0, %c0_i32 : i32, i32
  }
  func.func @transform_5(%arg0: i32) -> (i32, i32) {
    %c0_i32 = arith.constant 0 : i32
    %c0_i32_0 = arith.constant 0 : i32
    return %arg0, %c0_i32 : i32, i32
  }
  func.func @transform_6(%arg0: i32) -> (i32, i32) {
    %c0_i32 = arith.constant 0 : i32
    %c0_i32_0 = arith.constant 0 : i32
    return %arg0, %c0_i32 : i32, i32
  }
  func.func @transform_7(%arg0: i32) -> (i32, i32) {
    %c0_i32 = arith.constant 0 : i32
    %c0_i32_0 = arith.constant 0 : i32
    return %arg0, %c0_i32 : i32, i32
  }
  func.func @transform_8(%arg0: i32) -> (i32, i32) {
    %c0_i32 = arith.constant 0 : i32
    %c0_i32_0 = arith.constant 0 : i32
    return %arg0, %c0_i32 : i32, i32
  }
  func.func @transform_9(%arg0: i32) -> (i32, i32) {
    %c0_i32 = arith.constant 0 : i32
    %c0_i32_0 = arith.constant 0 : i32
    return %arg0, %c0_i32 : i32, i32
  }
  func.func @transform_10(%arg0: i32) -> (i32, i32) {
    %c0_i32 = arith.constant 0 : i32
    %c0_i32_0 = arith.constant 0 : i32
    return %arg0, %c0_i32 : i32, i32
  }
  func.func @transform_11(%arg0: i32) -> (i32, i32, i32) {
    %c0_i32 = arith.constant 0 : i32
    %c0_i32_0 = arith.constant 0 : i32
    %c0_i32_1 = arith.constant 0 : i32
    return %arg0, %c0_i32, %c0_i32_0 : i32, i32, i32
  }
}

module attributes {stable_mosaic.version = 14 : i64} {
  func.func @_t4_body(%arg0: i32, %arg1: memref<2x1000x16xf32, #tpu.memory_space<vmem>>, %arg2: memref<2x1000x16xf32, #tpu.memory_space<vmem>>, %arg3: memref<2x1000x16xf32, #tpu.memory_space<vmem>>, %arg4: memref<2x1000x16xf32, #tpu.memory_space<vmem>>, %arg5: memref<2x1000x16xf32, #tpu.memory_space<vmem>>, %arg6: memref<2x1000x16xf32, #tpu.memory_space<vmem>>, %arg7: memref<2x1000x16xf32, #tpu.memory_space<vmem>>, %arg8: memref<2x1000x16xf32, #tpu.memory_space<vmem>>, %arg9: memref<1000x16xf32, #tpu.memory_space<vmem>>, %arg10: memref<1000x16xf32, #tpu.memory_space<vmem>>, %arg11: memref<1000x16xf32, #tpu.memory_space<vmem>>, %arg12: memref<1000x16xf32, #tpu.memory_space<vmem>>, %arg13: memref<1000x16xf32, #tpu.memory_space<vmem>>, %arg14: memref<1000x16xf32, #tpu.memory_space<vmem>>, %arg15: memref<1000x16xf32, #tpu.memory_space<vmem>>, %arg16: memref<1000x16xf32, #tpu.memory_space<vmem>>, %arg17: memref<128x128xf32, #tpu.memory_space<vmem>>, %arg18: memref<128x128xf32, #tpu.memory_space<vmem>>, %arg19: memref<1x128xf32, #tpu.memory_space<vmem>>, %arg20: memref<128x1xf32, #tpu.memory_space<vmem>>, %arg21: memref<1000x1xf32, #tpu.memory_space<vmem>>, %arg22: memref<1000x128xf32, #tpu.memory_space<vmem>>, %arg23: memref<1000x1xf32, #tpu.memory_space<vmem>>) attributes {dimension_semantics = [#tpu.dimension_semantics<arbitrary>], iteration_bounds = array<i64: 50>, scalar_prefetch = 0 : i64, scratch_operands = 0 : i64, tpu.core_type = #tpu.core_type<tc>, window_params = [{transform_indices = @transform_0, window_bounds = array<i64: 2, 1000, 16>}, {transform_indices = @transform_1, window_bounds = array<i64: 2, 1000, 16>}, {transform_indices = @transform_2, window_bounds = array<i64: 2, 1000, 16>}, {transform_indices = @transform_3, window_bounds = array<i64: 2, 1000, 16>}, {transform_indices = @transform_4, window_bounds = array<i64: 2, 1000, 16>}, {transform_indices = @transform_5, window_bounds = array<i64: 2, 1000, 16>}, {transform_indices = @transform_6, window_bounds = array<i64: 2, 1000, 16>}, {transform_indices = @transform_7, window_bounds = array<i64: 2, 1000, 16>}, {transform_indices = @transform_8, window_bounds = array<i64: 1000, 16>}, {transform_indices = @transform_9, window_bounds = array<i64: 1000, 16>}, {transform_indices = @transform_10, window_bounds = array<i64: 1000, 16>}, {transform_indices = @transform_11, window_bounds = array<i64: 1000, 16>}, {transform_indices = @transform_12, window_bounds = array<i64: 1000, 16>}, {transform_indices = @transform_13, window_bounds = array<i64: 1000, 16>}, {transform_indices = @transform_14, window_bounds = array<i64: 1000, 16>}, {transform_indices = @transform_15, window_bounds = array<i64: 1000, 16>}, {pipeline_mode = #tpu.pipeline_mode<synchronous>, transform_indices = @transform_16, window_bounds = array<i64: 128, 128>}, {pipeline_mode = #tpu.pipeline_mode<synchronous>, transform_indices = @transform_17, window_bounds = array<i64: 128, 128>}, {pipeline_mode = #tpu.pipeline_mode<synchronous>, transform_indices = @transform_18, window_bounds = array<i64: 1, 128>}, {pipeline_mode = #tpu.pipeline_mode<synchronous>, transform_indices = @transform_19, window_bounds = array<i64: 128, 1>}, {transform_indices = @transform_20, window_bounds = array<i64: 1000, 1>}, {transform_indices = @transform_21, window_bounds = array<i64: 1000, 128>}, {transform_indices = @transform_22, window_bounds = array<i64: 1000, 1>}]} {
    %get3A = arith.constant 0 : index
    %get3A_0 = arith.constant 0 : index
    %get3A_1 = arith.constant 0 : index
    %get3A_2 = vector.load %arg1[%get3A, %get3A_0, %get3A_1] : memref<2x1000x16xf32, #tpu.memory_space<vmem>>, vector<1x1000x16xf32>
    %get3A_3 = vector.shape_cast %get3A_2 : vector<1x1000x16xf32> to vector<1000x16xf32>
    %get3A_4 = arith.constant 1 : index
    %get3A_5 = arith.constant 0 : index
    %get3A_6 = arith.constant 0 : index
    %get3A_7 = vector.load %arg1[%get3A_4, %get3A_5, %get3A_6] : memref<2x1000x16xf32, #tpu.memory_space<vmem>>, vector<1x1000x16xf32>
    %get3A_8 = vector.shape_cast %get3A_7 : vector<1x1000x16xf32> to vector<1000x16xf32>
    %add3A = arith.addf %get3A_3, %get3A_8 : vector<1000x16xf32>
    %get3A_9 = arith.constant 0 : index
    %get3A_10 = arith.constant 0 : index
    %get3A_11 = arith.constant 0 : index
    %get3A_12 = vector.load %arg2[%get3A_9, %get3A_10, %get3A_11] : memref<2x1000x16xf32, #tpu.memory_space<vmem>>, vector<1x1000x16xf32>
    %get3A_13 = vector.shape_cast %get3A_12 : vector<1x1000x16xf32> to vector<1000x16xf32>
    %get3A_14 = arith.constant 1 : index
    %get3A_15 = arith.constant 0 : index
    %get3A_16 = arith.constant 0 : index
    %get3A_17 = vector.load %arg2[%get3A_14, %get3A_15, %get3A_16] : memref<2x1000x16xf32, #tpu.memory_space<vmem>>, vector<1x1000x16xf32>
    %get3A_18 = vector.shape_cast %get3A_17 : vector<1x1000x16xf32> to vector<1000x16xf32>
    %add3A_19 = arith.addf %get3A_13, %get3A_18 : vector<1000x16xf32>
    %get3A_20 = arith.constant 0 : index
    %get3A_21 = arith.constant 0 : index
    %get3A_22 = arith.constant 0 : index
    %get3A_23 = vector.load %arg3[%get3A_20, %get3A_21, %get3A_22] : memref<2x1000x16xf32, #tpu.memory_space<vmem>>, vector<1x1000x16xf32>
    %get3A_24 = vector.shape_cast %get3A_23 : vector<1x1000x16xf32> to vector<1000x16xf32>
    %get3A_25 = arith.constant 1 : index
    %get3A_26 = arith.constant 0 : index
    %get3A_27 = arith.constant 0 : index
    %get3A_28 = vector.load %arg3[%get3A_25, %get3A_26, %get3A_27] : memref<2x1000x16xf32, #tpu.memory_space<vmem>>, vector<1x1000x16xf32>
    %get3A_29 = vector.shape_cast %get3A_28 : vector<1x1000x16xf32> to vector<1000x16xf32>
    %add3A_30 = arith.addf %get3A_24, %get3A_29 : vector<1000x16xf32>
    %get3A_31 = arith.constant 0 : index
    %get3A_32 = arith.constant 0 : index
    %get3A_33 = arith.constant 0 : index
    %get3A_34 = vector.load %arg4[%get3A_31, %get3A_32, %get3A_33] : memref<2x1000x16xf32, #tpu.memory_space<vmem>>, vector<1x1000x16xf32>
    %get3A_35 = vector.shape_cast %get3A_34 : vector<1x1000x16xf32> to vector<1000x16xf32>
    %get3A_36 = arith.constant 1 : index
    %get3A_37 = arith.constant 0 : index
    %get3A_38 = arith.constant 0 : index
    %get3A_39 = vector.load %arg4[%get3A_36, %get3A_37, %get3A_38] : memref<2x1000x16xf32, #tpu.memory_space<vmem>>, vector<1x1000x16xf32>
    %get3A_40 = vector.shape_cast %get3A_39 : vector<1x1000x16xf32> to vector<1000x16xf32>
    %add3A_41 = arith.addf %get3A_35, %get3A_40 : vector<1000x16xf32>
    %get3A_42 = arith.constant 0 : index
    %get3A_43 = arith.constant 0 : index
    %get3A_44 = arith.constant 0 : index
    %get3A_45 = vector.load %arg5[%get3A_42, %get3A_43, %get3A_44] : memref<2x1000x16xf32, #tpu.memory_space<vmem>>, vector<1x1000x16xf32>
    %get3A_46 = vector.shape_cast %get3A_45 : vector<1x1000x16xf32> to vector<1000x16xf32>
    %get3A_47 = arith.constant 1 : index
    %get3A_48 = arith.constant 0 : index
    %get3A_49 = arith.constant 0 : index
    %get3A_50 = vector.load %arg5[%get3A_47, %get3A_48, %get3A_49] : memref<2x1000x16xf32, #tpu.memory_space<vmem>>, vector<1x1000x16xf32>
    %get3A_51 = vector.shape_cast %get3A_50 : vector<1x1000x16xf32> to vector<1000x16xf32>
    %add3A_52 = arith.addf %get3A_46, %get3A_51 : vector<1000x16xf32>
    %get3A_53 = arith.constant 0 : index
    %get3A_54 = arith.constant 0 : index
    %get3A_55 = arith.constant 0 : index
    %get3A_56 = vector.load %arg6[%get3A_53, %get3A_54, %get3A_55] : memref<2x1000x16xf32, #tpu.memory_space<vmem>>, vector<1x1000x16xf32>
    %get3A_57 = vector.shape_cast %get3A_56 : vector<1x1000x16xf32> to vector<1000x16xf32>
    %get3A_58 = arith.constant 1 : index
    %get3A_59 = arith.constant 0 : index
    %get3A_60 = arith.constant 0 : index
    %get3A_61 = vector.load %arg6[%get3A_58, %get3A_59, %get3A_60] : memref<2x1000x16xf32, #tpu.memory_space<vmem>>, vector<1x1000x16xf32>
    %get3A_62 = vector.shape_cast %get3A_61 : vector<1x1000x16xf32> to vector<1000x16xf32>
    %add3A_63 = arith.addf %get3A_57, %get3A_62 : vector<1000x16xf32>
    %get3A_64 = arith.constant 0 : index
    %get3A_65 = arith.constant 0 : index
    %get3A_66 = arith.constant 0 : index
    %get3A_67 = vector.load %arg7[%get3A_64, %get3A_65, %get3A_66] : memref<2x1000x16xf32, #tpu.memory_space<vmem>>, vector<1x1000x16xf32>
    %get3A_68 = vector.shape_cast %get3A_67 : vector<1x1000x16xf32> to vector<1000x16xf32>
    %get3A_69 = arith.constant 1 : index
    %get3A_70 = arith.constant 0 : index
    %get3A_71 = arith.constant 0 : index
    %get3A_72 = vector.load %arg7[%get3A_69, %get3A_70, %get3A_71] : memref<2x1000x16xf32, #tpu.memory_space<vmem>>, vector<1x1000x16xf32>
    %get3A_73 = vector.shape_cast %get3A_72 : vector<1x1000x16xf32> to vector<1000x16xf32>
    %add3A_74 = arith.addf %get3A_68, %get3A_73 : vector<1000x16xf32>
    %get3A_75 = arith.constant 0 : index
    %get3A_76 = arith.constant 0 : index
    %get3A_77 = arith.constant 0 : index
    %get3A_78 = vector.load %arg8[%get3A_75, %get3A_76, %get3A_77] : memref<2x1000x16xf32, #tpu.memory_space<vmem>>, vector<1x1000x16xf32>
    %get3A_79 = vector.shape_cast %get3A_78 : vector<1x1000x16xf32> to vector<1000x16xf32>
    %get3A_80 = arith.constant 1 : index
    %get3A_81 = arith.constant 0 : index
    %get3A_82 = arith.constant 0 : index
    %get3A_83 = vector.load %arg8[%get3A_80, %get3A_81, %get3A_82] : memref<2x1000x16xf32, #tpu.memory_space<vmem>>, vector<1x1000x16xf32>
    %get3A_84 = vector.shape_cast %get3A_83 : vector<1x1000x16xf32> to vector<1000x16xf32>
    %add3A_85 = arith.addf %get3A_79, %get3A_84 : vector<1000x16xf32>
    %concatenate3A = tpu.concatenate %add3A, %add3A_19, %add3A_30, %add3A_41, %add3A_52, %add3A_63, %add3A_74, %add3A_85 in 1 : vector<1000x16xf32>, vector<1000x16xf32>, vector<1000x16xf32>, vector<1000x16xf32>, vector<1000x16xf32>, vector<1000x16xf32>, vector<1000x16xf32>, vector<1000x16xf32> -> vector<1000x128xf32>
    %get3A_86 = arith.constant 0 : index
    %get3A_87 = arith.constant 0 : index
    %get3A_88 = vector.load %arg9[%get3A_86, %get3A_87] : memref<1000x16xf32, #tpu.memory_space<vmem>>, vector<1000x16xf32>
    %get3A_89 = arith.constant 0 : index
    %get3A_90 = arith.constant 0 : index
    %get3A_91 = vector.load %arg10[%get3A_89, %get3A_90] : memref<1000x16xf32, #tpu.memory_space<vmem>>, vector<1000x16xf32>
    %get3A_92 = arith.constant 0 : index
    %get3A_93 = arith.constant 0 : index
    %get3A_94 = vector.load %arg11[%get3A_92, %get3A_93] : memref<1000x16xf32, #tpu.memory_space<vmem>>, vector<1000x16xf32>
    %get3A_95 = arith.constant 0 : index
    %get3A_96 = arith.constant 0 : index
    %get3A_97 = vector.load %arg12[%get3A_95, %get3A_96] : memref<1000x16xf32, #tpu.memory_space<vmem>>, vector<1000x16xf32>
    %get3A_98 = arith.constant 0 : index
    %get3A_99 = arith.constant 0 : index
    %get3A_100 = vector.load %arg13[%get3A_98, %get3A_99] : memref<1000x16xf32, #tpu.memory_space<vmem>>, vector<1000x16xf32>
    %get3A_101 = arith.constant 0 : index
    %get3A_102 = arith.constant 0 : index
    %get3A_103 = vector.load %arg14[%get3A_101, %get3A_102] : memref<1000x16xf32, #tpu.memory_space<vmem>>, vector<1000x16xf32>
    %get3A_104 = arith.constant 0 : index
    %get3A_105 = arith.constant 0 : index
    %get3A_106 = vector.load %arg15[%get3A_104, %get3A_105] : memref<1000x16xf32, #tpu.memory_space<vmem>>, vector<1000x16xf32>
    %get3A_107 = arith.constant 0 : index
    %get3A_108 = arith.constant 0 : index
    %get3A_109 = vector.load %arg16[%get3A_107, %get3A_108] : memref<1000x16xf32, #tpu.memory_space<vmem>>, vector<1000x16xf32>
    %concatenate3A_110 = tpu.concatenate %get3A_88, %get3A_91, %get3A_94, %get3A_97, %get3A_100, %get3A_103, %get3A_106, %get3A_109 in 1 : vector<1000x16xf32>, vector<1000x16xf32>, vector<1000x16xf32>, vector<1000x16xf32>, vector<1000x16xf32>, vector<1000x16xf32>, vector<1000x16xf32>, vector<1000x16xf32> -> vector<1000x128xf32>
    %get3A_111 = arith.constant 0 : index
    %get3A_112 = arith.constant 0 : index
    %get3A_113 = vector.load %arg17[%get3A_111, %get3A_112] : memref<128x128xf32, #tpu.memory_space<vmem>>, vector<128x128xf32>
    %dot_general3A = arith.constant dense<0.000000e+00> : vector<1000x128xf32>
    %dot_general3A_114 = tpu.matmul %concatenate3A, %get3A_113, %dot_general3A {dimension_numbers = #tpu.dot_dimension_numbers<[1], [0], [0], [1], [0, 0, 1, 1], [], []>, transpose_lhs_hint = false} : vector<1000x128xf32>, vector<128x128xf32>, vector<1000x128xf32> -> vector<1000x128xf32>
    %get3A_115 = arith.constant 0 : index
    %get3A_116 = arith.constant 0 : index
    %get3A_117 = vector.load %arg18[%get3A_115, %get3A_116] : memref<128x128xf32, #tpu.memory_space<vmem>>, vector<128x128xf32>
    %dot_general3A_118 = arith.constant dense<0.000000e+00> : vector<1000x128xf32>
    %dot_general3A_119 = tpu.matmul %concatenate3A_110, %get3A_117, %dot_general3A_118 {dimension_numbers = #tpu.dot_dimension_numbers<[1], [0], [0], [1], [0, 0, 1, 1], [], []>, transpose_lhs_hint = false} : vector<1000x128xf32>, vector<128x128xf32>, vector<1000x128xf32> -> vector<1000x128xf32>
    %add3A_120 = arith.addf %dot_general3A_114, %dot_general3A_119 : vector<1000x128xf32>
    %get3A_121 = arith.constant 0 : index
    %get3A_122 = arith.constant 0 : index
    %get3A_123 = vector.load %arg19[%get3A_121, %get3A_122] : memref<1x128xf32, #tpu.memory_space<vmem>>, vector<1x128xf32>
    %add3A_124 = vector.broadcast %get3A_123 : vector<1x128xf32> to vector<1000x128xf32>
    %add3A_125 = arith.addf %add3A_120, %add3A_124 : vector<1000x128xf32>
    %max3A = arith.constant 0.000000e+00 : f32
    %max3A_126 = vector.broadcast %max3A : f32 to vector<1000x128xf32>
    %max3A_127 = arith.maximumf %add3A_125, %max3A_126 : vector<1000x128xf32>
    %swap3A = arith.constant 0 : index
    %swap3A_128 = arith.constant 0 : index
    %swap3A_129 = vector.load %arg22[%swap3A, %swap3A_128] : memref<1000x128xf32, #tpu.memory_space<vmem>>, vector<1000x128xf32>
    tpu.vector_store %arg22[%swap3A, %swap3A_128], %max3A_127 {strides = array<i32>} : memref<1000x128xf32, #tpu.memory_space<vmem>>, vector<1000x128xf32>,
    %get3A_130 = arith.constant 0 : index
    %get3A_131 = arith.constant 0 : index
    %get3A_132 = vector.load %arg20[%get3A_130, %get3A_131] : memref<128x1xf32, #tpu.memory_space<vmem>>, vector<128x1xf32>
    %mul3A = arith.mulf %get3A_132, %get3A_132 : vector<128x1xf32>
    %reduce_sum3A = vector.shape_cast %mul3A : vector<128x1xf32> to vector<1x128x1xf32>
    %reduce_sum3A_133 = arith.constant dense<0.000000e+00> : vector<1xf32>
    %reduce_sum3A_134 = vector.multi_reduction <add>, %reduce_sum3A, %reduce_sum3A_133 [1, 2] : vector<1x128x1xf32> to vector<1xf32>
    %reduce_sum3A_135 = vector.shape_cast %reduce_sum3A_134 : vector<1xf32> to vector<1x1x1xf32>
    %reduce_sum3A_136 = vector.extract %reduce_sum3A_135[0, 0, 0] : f32 from vector<1x1x1xf32>
    %rsqrt3A = math.rsqrt %reduce_sum3A_136 : f32
    %dot_general3A_137 = arith.constant dense<0.000000e+00> : vector<1000x1xf32>
    %dot_general3A_138 = tpu.matmul %max3A_127, %get3A_132, %dot_general3A_137 {dimension_numbers = #tpu.dot_dimension_numbers<[1], [0], [0], [1], [0, 0, 1, 1], [], []>, transpose_lhs_hint = false} : vector<1000x128xf32>, vector<128x1xf32>, vector<1000x1xf32> -> vector<1000x1xf32>
    %mul3A_139 = vector.broadcast %rsqrt3A : f32 to vector<1000x1xf32>
    %mul3A_140 = arith.mulf %dot_general3A_138, %mul3A_139 : vector<1000x1xf32>
    %get3A_141 = arith.constant 0 : index
    %get3A_142 = arith.constant 0 : index
    %get3A_143 = vector.load %arg21[%get3A_141, %get3A_142] : memref<1000x1xf32, #tpu.memory_space<vmem>>, vector<1000x1xf32>
    %gt3A = arith.constant 5.000000e-01 : f32
    %gt3A_144 = vector.broadcast %gt3A : f32 to vector<1000x1xf32>
    %gt3A_145 = arith.cmpf ogt, %get3A_143, %gt3A_144 : vector<1000x1xf32>
    %jit3A = arith.constant 0xFF800000 : f32
    %broadcast_in_dim3A = vector.broadcast %jit3A : f32 to vector<1000x1xf32>
    %select_n3A = arith.select %gt3A_145, %mul3A_140, %broadcast_in_dim3A : vector<1000x1xi1>, vector<1000x1xf32>
    %swap3A_146 = arith.constant 0 : index
    %swap3A_147 = arith.constant 0 : index
    %swap3A_148 = vector.load %arg23[%swap3A_146, %swap3A_147] : memref<1000x1xf32, #tpu.memory_space<vmem>>, vector<1000x1xf32>
    tpu.vector_store %arg23[%swap3A_146, %swap3A_147], %select_n3A {strides = array<i32>} : memref<1000x1xf32, #tpu.memory_space<vmem>>, vector<1000x1xf32>,
    return
  }
  func.func @transform_0(%arg0: i32) -> (i32, i32, i32) {
    %c0_i32 = arith.constant 0 : i32
    %c0_i32_0 = arith.constant 0 : i32
    %c0_i32_1 = arith.constant 0 : i32
    return %c0_i32, %arg0, %c0_i32_0 : i32, i32, i32
  }
  func.func @transform_1(%arg0: i32) -> (i32, i32, i32) {
    %c0_i32 = arith.constant 0 : i32
    %c0_i32_0 = arith.constant 0 : i32
    %c0_i32_1 = arith.constant 0 : i32
    return %c0_i32, %arg0, %c0_i32_0 : i32, i32, i32
  }
  func.func @transform_2(%arg0: i32) -> (i32, i32, i32) {
    %c0_i32 = arith.constant 0 : i32
    %c0_i32_0 = arith.constant 0 : i32
    %c0_i32_1 = arith.constant 0 : i32
    return %c0_i32, %arg0, %c0_i32_0 : i32, i32, i32
  }
  func.func @transform_3(%arg0: i32) -> (i32, i32, i32) {
    %c0_i32 = arith.constant 0 : i32
    %c0_i32_0 = arith.constant 0 : i32
    %c0_i32_1 = arith.constant 0 : i32
    return %c0_i32, %arg0, %c0_i32_0 : i32, i32, i32
  }
  func.func @transform_4(%arg0: i32) -> (i32, i32, i32) {
    %c0_i32 = arith.constant 0 : i32
    %c0_i32_0 = arith.constant 0 : i32
    %c0_i32_1 = arith.constant 0 : i32
    return %c0_i32, %arg0, %c0_i32_0 : i32, i32, i32
  }
  func.func @transform_5(%arg0: i32) -> (i32, i32, i32) {
    %c0_i32 = arith.constant 0 : i32
    %c0_i32_0 = arith.constant 0 : i32
    %c0_i32_1 = arith.constant 0 : i32
    return %c0_i32, %arg0, %c0_i32_0 : i32, i32, i32
  }
  func.func @transform_6(%arg0: i32) -> (i32, i32, i32) {
    %c0_i32 = arith.constant 0 : i32
    %c0_i32_0 = arith.constant 0 : i32
    %c0_i32_1 = arith.constant 0 : i32
    return %c0_i32, %arg0, %c0_i32_0 : i32, i32, i32
  }
  func.func @transform_7(%arg0: i32) -> (i32, i32, i32) {
    %c0_i32 = arith.constant 0 : i32
    %c0_i32_0 = arith.constant 0 : i32
    %c0_i32_1 = arith.constant 0 : i32
    return %c0_i32, %arg0, %c0_i32_0 : i32, i32, i32
  }
  func.func @transform_8(%arg0: i32) -> (i32, i32) {
    %c0_i32 = arith.constant 0 : i32
    %c0_i32_0 = arith.constant 0 : i32
    return %arg0, %c0_i32 : i32, i32
  }
  func.func @transform_9(%arg0: i32) -> (i32, i32) {
    %c0_i32 = arith.constant 0 : i32
    %c0_i32_0 = arith.constant 0 : i32
    return %arg0, %c0_i32 : i32, i32
  }
  func.func @transform_10(%arg0: i32) -> (i32, i32) {
    %c0_i32 = arith.constant 0 : i32
    %c0_i32_0 = arith.constant 0 : i32
    return %arg0, %c0_i32 : i32, i32
  }
  func.func @transform_11(%arg0: i32) -> (i32, i32) {
    %c0_i32 = arith.constant 0 : i32
    %c0_i32_0 = arith.constant 0 : i32
    return %arg0, %c0_i32 : i32, i32
  }
  func.func @transform_12(%arg0: i32) -> (i32, i32) {
    %c0_i32 = arith.constant 0 : i32
    %c0_i32_0 = arith.constant 0 : i32
    return %arg0, %c0_i32 : i32, i32
  }
  func.func @transform_13(%arg0: i32) -> (i32, i32) {
    %c0_i32 = arith.constant 0 : i32
    %c0_i32_0 = arith.constant 0 : i32
    return %arg0, %c0_i32 : i32, i32
  }
  func.func @transform_14(%arg0: i32) -> (i32, i32) {
    %c0_i32 = arith.constant 0 : i32
    %c0_i32_0 = arith.constant 0 : i32
    return %arg0, %c0_i32 : i32, i32
  }
  func.func @transform_15(%arg0: i32) -> (i32, i32) {
    %c0_i32 = arith.constant 0 : i32
    %c0_i32_0 = arith.constant 0 : i32
    return %arg0, %c0_i32 : i32, i32
  }
  func.func @transform_16(%arg0: i32) -> (i32, i32) {
    %c0_i32 = arith.constant 0 : i32
    %c0_i32_0 = arith.constant 0 : i32
    %c0_i32_1 = arith.constant 0 : i32
    return %c0_i32, %c0_i32_0 : i32, i32
  }
  func.func @transform_17(%arg0: i32) -> (i32, i32) {
    %c0_i32 = arith.constant 0 : i32
    %c0_i32_0 = arith.constant 0 : i32
    %c0_i32_1 = arith.constant 0 : i32
    return %c0_i32, %c0_i32_0 : i32, i32
  }
  func.func @transform_18(%arg0: i32) -> (i32, i32) {
    %c0_i32 = arith.constant 0 : i32
    %c0_i32_0 = arith.constant 0 : i32
    %c0_i32_1 = arith.constant 0 : i32
    return %c0_i32, %c0_i32_0 : i32, i32
  }
  func.func @transform_19(%arg0: i32) -> (i32, i32) {
    %c0_i32 = arith.constant 0 : i32
    %c0_i32_0 = arith.constant 0 : i32
    %c0_i32_1 = arith.constant 0 : i32
    return %c0_i32, %c0_i32_0 : i32, i32
  }
  func.func @transform_20(%arg0: i32) -> (i32, i32) {
    %c0_i32 = arith.constant 0 : i32
    %c0_i32_0 = arith.constant 0 : i32
    return %arg0, %c0_i32 : i32, i32
  }
  func.func @transform_21(%arg0: i32) -> (i32, i32) {
    %c0_i32 = arith.constant 0 : i32
    %c0_i32_0 = arith.constant 0 : i32
    return %arg0, %c0_i32 : i32, i32
  }
  func.func @transform_22(%arg0: i32) -> (i32, i32) {
    %c0_i32 = arith.constant 0 : i32
    %c0_i32_0 = arith.constant 0 : i32
    return %arg0, %c0_i32 : i32, i32
  }
}

module attributes {stable_mosaic.version = 14 : i64} {
  func.func @_topk_body(%arg0: memref<50x1000xf32, #tpu.memory_space<vmem>>, %arg1: memref<50x1000xf32, #tpu.memory_space<vmem>>, %arg2: memref<50x1000xf32, #tpu.memory_space<vmem>>) attributes {dimension_semantics = [], scalar_prefetch = 0 : i64, scratch_operands = 0 : i64, tpu.core_type = #tpu.core_type<tc>} {
    %get3A = arith.constant 0 : index
    %get3A_0 = arith.constant 0 : index
    %get3A_1 = vector.load %arg0[%get3A, %get3A_0] : memref<50x1000xf32, #tpu.memory_space<vmem>>, vector<50x1000xf32>
    %bitcast_convert_type3A = tpu.bitcast %get3A_1 : vector<50x1000xf32> -> vector<50x1000xi32>
    %ge3A = arith.constant -2147483648 : i32
    %ge3A_2 = vector.broadcast %ge3A : i32 to vector<50x1000xi32>
    %ge3A_3 = arith.cmpi uge, %bitcast_convert_type3A, %ge3A_2 : vector<50x1000xi32>
    %not3A = arith.constant dense<-1> : vector<50x1000xi32>
    %not3A_4 = arith.xori %bitcast_convert_type3A, %not3A : vector<50x1000xi32>
    %or3A = arith.constant -2147483648 : i32
    %or3A_5 = vector.broadcast %or3A : i32 to vector<50x1000xi32>
    %or3A_6 = arith.ori %bitcast_convert_type3A, %or3A_5 : vector<50x1000xi32>
    %select_n3A = arith.select %ge3A_3, %not3A_4, %or3A_6 : vector<50x1000xi1>, vector<50x1000xi32>
    %broadcast_in_dim3A = arith.constant 0 : i32
    %broadcast_in_dim3A_7 = vector.broadcast %broadcast_in_dim3A : i32 to vector<50x1xi32>
    %or3A_8 = arith.constant -2147483648 : i32
    %or3A_9 = vector.broadcast %or3A_8 : i32 to vector<50x1xi32>
    %or3A_10 = arith.ori %broadcast_in_dim3A_7, %or3A_9 : vector<50x1xi32>
    %ge3A_11 = vector.broadcast %or3A_10 : vector<50x1xi32> to vector<50x1000xi32>
    %ge3A_12 = arith.cmpi uge, %select_n3A, %ge3A_11 : vector<50x1000xi32>
    %convert_element_type3A = arith.extui %ge3A_12 : vector<50x1000xi1> to vector<50x1000xi32>
    %reduce_sum3A = arith.constant dense<0> : vector<50xi32>
    %reduce_sum3A_13 = vector.multi_reduction <add>, %convert_element_type3A, %reduce_sum3A [1] : vector<50x1000xi32> to vector<50xi32>
    %broadcast_in_dim3A_14 = vector.shape_cast %reduce_sum3A_13 : vector<50xi32> to vector<50x1xi32>
    %ge3A_15 = arith.constant 640 : i32
    %ge3A_16 = vector.broadcast %ge3A_15 : i32 to vector<50x1xi32>
    %ge3A_17 = arith.cmpi sge, %broadcast_in_dim3A_14, %ge3A_16 : vector<50x1xi32>
    %select_n3A_18 = arith.select %ge3A_17, %or3A_10, %broadcast_in_dim3A_7 : vector<50x1xi1>, vector<50x1xi32>
    %or3A_19 = arith.constant 1073741824 : i32
    %or3A_20 = vector.broadcast %or3A_19 : i32 to vector<50x1xi32>
    %or3A_21 = arith.ori %select_n3A_18, %or3A_20 : vector<50x1xi32>
    %ge3A_22 = vector.broadcast %or3A_21 : vector<50x1xi32> to vector<50x1000xi32>
    %ge3A_23 = arith.cmpi uge, %select_n3A, %ge3A_22 : vector<50x1000xi32>
    %convert_element_type3A_24 = arith.extui %ge3A_23 : vector<50x1000xi1> to vector<50x1000xi32>
    %reduce_sum3A_25 = arith.constant dense<0> : vector<50xi32>
    %reduce_sum3A_26 = vector.multi_reduction <add>, %convert_element_type3A_24, %reduce_sum3A_25 [1] : vector<50x1000xi32> to vector<50xi32>
    %broadcast_in_dim3A_27 = vector.shape_cast %reduce_sum3A_26 : vector<50xi32> to vector<50x1xi32>
    %ge3A_28 = arith.constant 640 : i32
    %ge3A_29 = vector.broadcast %ge3A_28 : i32 to vector<50x1xi32>
    %ge3A_30 = arith.cmpi sge, %broadcast_in_dim3A_27, %ge3A_29 : vector<50x1xi32>
    %select_n3A_31 = arith.select %ge3A_30, %or3A_21, %select_n3A_18 : vector<50x1xi1>, vector<50x1xi32>
    %or3A_32 = arith.constant 536870912 : i32
    %or3A_33 = vector.broadcast %or3A_32 : i32 to vector<50x1xi32>
    %or3A_34 = arith.ori %select_n3A_31, %or3A_33 : vector<50x1xi32>
    %ge3A_35 = vector.broadcast %or3A_34 : vector<50x1xi32> to vector<50x1000xi32>
    %ge3A_36 = arith.cmpi uge, %select_n3A, %ge3A_35 : vector<50x1000xi32>
    %convert_element_type3A_37 = arith.extui %ge3A_36 : vector<50x1000xi1> to vector<50x1000xi32>
    %reduce_sum3A_38 = arith.constant dense<0> : vector<50xi32>
    %reduce_sum3A_39 = vector.multi_reduction <add>, %convert_element_type3A_37, %reduce_sum3A_38 [1] : vector<50x1000xi32> to vector<50xi32>
    %broadcast_in_dim3A_40 = vector.shape_cast %reduce_sum3A_39 : vector<50xi32> to vector<50x1xi32>
    %ge3A_41 = arith.constant 640 : i32
    %ge3A_42 = vector.broadcast %ge3A_41 : i32 to vector<50x1xi32>
    %ge3A_43 = arith.cmpi sge, %broadcast_in_dim3A_40, %ge3A_42 : vector<50x1xi32>
    %select_n3A_44 = arith.select %ge3A_43, %or3A_34, %select_n3A_31 : vector<50x1xi1>, vector<50x1xi32>
    %or3A_45 = arith.constant 268435456 : i32
    %or3A_46 = vector.broadcast %or3A_45 : i32 to vector<50x1xi32>
    %or3A_47 = arith.ori %select_n3A_44, %or3A_46 : vector<50x1xi32>
    %ge3A_48 = vector.broadcast %or3A_47 : vector<50x1xi32> to vector<50x1000xi32>
    %ge3A_49 = arith.cmpi uge, %select_n3A, %ge3A_48 : vector<50x1000xi32>
    %convert_element_type3A_50 = arith.extui %ge3A_49 : vector<50x1000xi1> to vector<50x1000xi32>
    %reduce_sum3A_51 = arith.constant dense<0> : vector<50xi32>
    %reduce_sum3A_52 = vector.multi_reduction <add>, %convert_element_type3A_50, %reduce_sum3A_51 [1] : vector<50x1000xi32> to vector<50xi32>
    %broadcast_in_dim3A_53 = vector.shape_cast %reduce_sum3A_52 : vector<50xi32> to vector<50x1xi32>
    %ge3A_54 = arith.constant 640 : i32
    %ge3A_55 = vector.broadcast %ge3A_54 : i32 to vector<50x1xi32>
    %ge3A_56 = arith.cmpi sge, %broadcast_in_dim3A_53, %ge3A_55 : vector<50x1xi32>
    %select_n3A_57 = arith.select %ge3A_56, %or3A_47, %select_n3A_44 : vector<50x1xi1>, vector<50x1xi32>
    %or3A_58 = arith.constant 134217728 : i32
    %or3A_59 = vector.broadcast %or3A_58 : i32 to vector<50x1xi32>
    %or3A_60 = arith.ori %select_n3A_57, %or3A_59 : vector<50x1xi32>
    %ge3A_61 = vector.broadcast %or3A_60 : vector<50x1xi32> to vector<50x1000xi32>
    %ge3A_62 = arith.cmpi uge, %select_n3A, %ge3A_61 : vector<50x1000xi32>
    %convert_element_type3A_63 = arith.extui %ge3A_62 : vector<50x1000xi1> to vector<50x1000xi32>
    %reduce_sum3A_64 = arith.constant dense<0> : vector<50xi32>
    %reduce_sum3A_65 = vector.multi_reduction <add>, %convert_element_type3A_63, %reduce_sum3A_64 [1] : vector<50x1000xi32> to vector<50xi32>
    %broadcast_in_dim3A_66 = vector.shape_cast %reduce_sum3A_65 : vector<50xi32> to vector<50x1xi32>
    %ge3A_67 = arith.constant 640 : i32
    %ge3A_68 = vector.broadcast %ge3A_67 : i32 to vector<50x1xi32>
    %ge3A_69 = arith.cmpi sge, %broadcast_in_dim3A_66, %ge3A_68 : vector<50x1xi32>
    %select_n3A_70 = arith.select %ge3A_69, %or3A_60, %select_n3A_57 : vector<50x1xi1>, vector<50x1xi32>
    %or3A_71 = arith.constant 67108864 : i32
    %or3A_72 = vector.broadcast %or3A_71 : i32 to vector<50x1xi32>
    %or3A_73 = arith.ori %select_n3A_70, %or3A_72 : vector<50x1xi32>
    %ge3A_74 = vector.broadcast %or3A_73 : vector<50x1xi32> to vector<50x1000xi32>
    %ge3A_75 = arith.cmpi uge, %select_n3A, %ge3A_74 : vector<50x1000xi32>
    %convert_element_type3A_76 = arith.extui %ge3A_75 : vector<50x1000xi1> to vector<50x1000xi32>
    %reduce_sum3A_77 = arith.constant dense<0> : vector<50xi32>
    %reduce_sum3A_78 = vector.multi_reduction <add>, %convert_element_type3A_76, %reduce_sum3A_77 [1] : vector<50x1000xi32> to vector<50xi32>
    %broadcast_in_dim3A_79 = vector.shape_cast %reduce_sum3A_78 : vector<50xi32> to vector<50x1xi32>
    %ge3A_80 = arith.constant 640 : i32
    %ge3A_81 = vector.broadcast %ge3A_80 : i32 to vector<50x1xi32>
    %ge3A_82 = arith.cmpi sge, %broadcast_in_dim3A_79, %ge3A_81 : vector<50x1xi32>
    %select_n3A_83 = arith.select %ge3A_82, %or3A_73, %select_n3A_70 : vector<50x1xi1>, vector<50x1xi32>
    %or3A_84 = arith.constant 33554432 : i32
    %or3A_85 = vector.broadcast %or3A_84 : i32 to vector<50x1xi32>
    %or3A_86 = arith.ori %select_n3A_83, %or3A_85 : vector<50x1xi32>
    %ge3A_87 = vector.broadcast %or3A_86 : vector<50x1xi32> to vector<50x1000xi32>
    %ge3A_88 = arith.cmpi uge, %select_n3A, %ge3A_87 : vector<50x1000xi32>
    %convert_element_type3A_89 = arith.extui %ge3A_88 : vector<50x1000xi1> to vector<50x1000xi32>
    %reduce_sum3A_90 = arith.constant dense<0> : vector<50xi32>
    %reduce_sum3A_91 = vector.multi_reduction <add>, %convert_element_type3A_89, %reduce_sum3A_90 [1] : vector<50x1000xi32> to vector<50xi32>
    %broadcast_in_dim3A_92 = vector.shape_cast %reduce_sum3A_91 : vector<50xi32> to vector<50x1xi32>
    %ge3A_93 = arith.constant 640 : i32
    %ge3A_94 = vector.broadcast %ge3A_93 : i32 to vector<50x1xi32>
    %ge3A_95 = arith.cmpi sge, %broadcast_in_dim3A_92, %ge3A_94 : vector<50x1xi32>
    %select_n3A_96 = arith.select %ge3A_95, %or3A_86, %select_n3A_83 : vector<50x1xi1>, vector<50x1xi32>
    %or3A_97 = arith.constant 16777216 : i32
    %or3A_98 = vector.broadcast %or3A_97 : i32 to vector<50x1xi32>
    %or3A_99 = arith.ori %select_n3A_96, %or3A_98 : vector<50x1xi32>
    %ge3A_100 = vector.broadcast %or3A_99 : vector<50x1xi32> to vector<50x1000xi32>
    %ge3A_101 = arith.cmpi uge, %select_n3A, %ge3A_100 : vector<50x1000xi32>
    %convert_element_type3A_102 = arith.extui %ge3A_101 : vector<50x1000xi1> to vector<50x1000xi32>
    %reduce_sum3A_103 = arith.constant dense<0> : vector<50xi32>
    %reduce_sum3A_104 = vector.multi_reduction <add>, %convert_element_type3A_102, %reduce_sum3A_103 [1] : vector<50x1000xi32> to vector<50xi32>
    %broadcast_in_dim3A_105 = vector.shape_cast %reduce_sum3A_104 : vector<50xi32> to vector<50x1xi32>
    %ge3A_106 = arith.constant 640 : i32
    %ge3A_107 = vector.broadcast %ge3A_106 : i32 to vector<50x1xi32>
    %ge3A_108 = arith.cmpi sge, %broadcast_in_dim3A_105, %ge3A_107 : vector<50x1xi32>
    %select_n3A_109 = arith.select %ge3A_108, %or3A_99, %select_n3A_96 : vector<50x1xi1>, vector<50x1xi32>
    %or3A_110 = arith.constant 8388608 : i32
    %or3A_111 = vector.broadcast %or3A_110 : i32 to vector<50x1xi32>
    %or3A_112 = arith.ori %select_n3A_109, %or3A_111 : vector<50x1xi32>
    %ge3A_113 = vector.broadcast %or3A_112 : vector<50x1xi32> to vector<50x1000xi32>
    %ge3A_114 = arith.cmpi uge, %select_n3A, %ge3A_113 : vector<50x1000xi32>
    %convert_element_type3A_115 = arith.extui %ge3A_114 : vector<50x1000xi1> to vector<50x1000xi32>
    %reduce_sum3A_116 = arith.constant dense<0> : vector<50xi32>
    %reduce_sum3A_117 = vector.multi_reduction <add>, %convert_element_type3A_115, %reduce_sum3A_116 [1] : vector<50x1000xi32> to vector<50xi32>
    %broadcast_in_dim3A_118 = vector.shape_cast %reduce_sum3A_117 : vector<50xi32> to vector<50x1xi32>
    %ge3A_119 = arith.constant 640 : i32
    %ge3A_120 = vector.broadcast %ge3A_119 : i32 to vector<50x1xi32>
    %ge3A_121 = arith.cmpi sge, %broadcast_in_dim3A_118, %ge3A_120 : vector<50x1xi32>
    %select_n3A_122 = arith.select %ge3A_121, %or3A_112, %select_n3A_109 : vector<50x1xi1>, vector<50x1xi32>
    %or3A_123 = arith.constant 4194304 : i32
    %or3A_124 = vector.broadcast %or3A_123 : i32 to vector<50x1xi32>
    %or3A_125 = arith.ori %select_n3A_122, %or3A_124 : vector<50x1xi32>
    %ge3A_126 = vector.broadcast %or3A_125 : vector<50x1xi32> to vector<50x1000xi32>
    %ge3A_127 = arith.cmpi uge, %select_n3A, %ge3A_126 : vector<50x1000xi32>
    %convert_element_type3A_128 = arith.extui %ge3A_127 : vector<50x1000xi1> to vector<50x1000xi32>
    %reduce_sum3A_129 = arith.constant dense<0> : vector<50xi32>
    %reduce_sum3A_130 = vector.multi_reduction <add>, %convert_element_type3A_128, %reduce_sum3A_129 [1] : vector<50x1000xi32> to vector<50xi32>
    %broadcast_in_dim3A_131 = vector.shape_cast %reduce_sum3A_130 : vector<50xi32> to vector<50x1xi32>
    %ge3A_132 = arith.constant 640 : i32
    %ge3A_133 = vector.broadcast %ge3A_132 : i32 to vector<50x1xi32>
    %ge3A_134 = arith.cmpi sge, %broadcast_in_dim3A_131, %ge3A_133 : vector<50x1xi32>
    %select_n3A_135 = arith.select %ge3A_134, %or3A_125, %select_n3A_122 : vector<50x1xi1>, vector<50x1xi32>
    %or3A_136 = arith.constant 2097152 : i32
    %or3A_137 = vector.broadcast %or3A_136 : i32 to vector<50x1xi32>
    %or3A_138 = arith.ori %select_n3A_135, %or3A_137 : vector<50x1xi32>
    %ge3A_139 = vector.broadcast %or3A_138 : vector<50x1xi32> to vector<50x1000xi32>
    %ge3A_140 = arith.cmpi uge, %select_n3A, %ge3A_139 : vector<50x1000xi32>
    %convert_element_type3A_141 = arith.extui %ge3A_140 : vector<50x1000xi1> to vector<50x1000xi32>
    %reduce_sum3A_142 = arith.constant dense<0> : vector<50xi32>
    %reduce_sum3A_143 = vector.multi_reduction <add>, %convert_element_type3A_141, %reduce_sum3A_142 [1] : vector<50x1000xi32> to vector<50xi32>
    %broadcast_in_dim3A_144 = vector.shape_cast %reduce_sum3A_143 : vector<50xi32> to vector<50x1xi32>
    %ge3A_145 = arith.constant 640 : i32
    %ge3A_146 = vector.broadcast %ge3A_145 : i32 to vector<50x1xi32>
    %ge3A_147 = arith.cmpi sge, %broadcast_in_dim3A_144, %ge3A_146 : vector<50x1xi32>
    %select_n3A_148 = arith.select %ge3A_147, %or3A_138, %select_n3A_135 : vector<50x1xi1>, vector<50x1xi32>
    %or3A_149 = arith.constant 1048576 : i32
    %or3A_150 = vector.broadcast %or3A_149 : i32 to vector<50x1xi32>
    %or3A_151 = arith.ori %select_n3A_148, %or3A_150 : vector<50x1xi32>
    %ge3A_152 = vector.broadcast %or3A_151 : vector<50x1xi32> to vector<50x1000xi32>
    %ge3A_153 = arith.cmpi uge, %select_n3A, %ge3A_152 : vector<50x1000xi32>
    %convert_element_type3A_154 = arith.extui %ge3A_153 : vector<50x1000xi1> to vector<50x1000xi32>
    %reduce_sum3A_155 = arith.constant dense<0> : vector<50xi32>
    %reduce_sum3A_156 = vector.multi_reduction <add>, %convert_element_type3A_154, %reduce_sum3A_155 [1] : vector<50x1000xi32> to vector<50xi32>
    %broadcast_in_dim3A_157 = vector.shape_cast %reduce_sum3A_156 : vector<50xi32> to vector<50x1xi32>
    %ge3A_158 = arith.constant 640 : i32
    %ge3A_159 = vector.broadcast %ge3A_158 : i32 to vector<50x1xi32>
    %ge3A_160 = arith.cmpi sge, %broadcast_in_dim3A_157, %ge3A_159 : vector<50x1xi32>
    %select_n3A_161 = arith.select %ge3A_160, %or3A_151, %select_n3A_148 : vector<50x1xi1>, vector<50x1xi32>
    %or3A_162 = arith.constant 524288 : i32
    %or3A_163 = vector.broadcast %or3A_162 : i32 to vector<50x1xi32>
    %or3A_164 = arith.ori %select_n3A_161, %or3A_163 : vector<50x1xi32>
    %ge3A_165 = vector.broadcast %or3A_164 : vector<50x1xi32> to vector<50x1000xi32>
    %ge3A_166 = arith.cmpi uge, %select_n3A, %ge3A_165 : vector<50x1000xi32>
    %convert_element_type3A_167 = arith.extui %ge3A_166 : vector<50x1000xi1> to vector<50x1000xi32>
    %reduce_sum3A_168 = arith.constant dense<0> : vector<50xi32>
    %reduce_sum3A_169 = vector.multi_reduction <add>, %convert_element_type3A_167, %reduce_sum3A_168 [1] : vector<50x1000xi32> to vector<50xi32>
    %broadcast_in_dim3A_170 = vector.shape_cast %reduce_sum3A_169 : vector<50xi32> to vector<50x1xi32>
    %ge3A_171 = arith.constant 640 : i32
    %ge3A_172 = vector.broadcast %ge3A_171 : i32 to vector<50x1xi32>
    %ge3A_173 = arith.cmpi sge, %broadcast_in_dim3A_170, %ge3A_172 : vector<50x1xi32>
    %select_n3A_174 = arith.select %ge3A_173, %or3A_164, %select_n3A_161 : vector<50x1xi1>, vector<50x1xi32>
    %or3A_175 = arith.constant 262144 : i32
    %or3A_176 = vector.broadcast %or3A_175 : i32 to vector<50x1xi32>
    %or3A_177 = arith.ori %select_n3A_174, %or3A_176 : vector<50x1xi32>
    %ge3A_178 = vector.broadcast %or3A_177 : vector<50x1xi32> to vector<50x1000xi32>
    %ge3A_179 = arith.cmpi uge, %select_n3A, %ge3A_178 : vector<50x1000xi32>
    %convert_element_type3A_180 = arith.extui %ge3A_179 : vector<50x1000xi1> to vector<50x1000xi32>
    %reduce_sum3A_181 = arith.constant dense<0> : vector<50xi32>
    %reduce_sum3A_182 = vector.multi_reduction <add>, %convert_element_type3A_180, %reduce_sum3A_181 [1] : vector<50x1000xi32> to vector<50xi32>
    %broadcast_in_dim3A_183 = vector.shape_cast %reduce_sum3A_182 : vector<50xi32> to vector<50x1xi32>
    %ge3A_184 = arith.constant 640 : i32
    %ge3A_185 = vector.broadcast %ge3A_184 : i32 to vector<50x1xi32>
    %ge3A_186 = arith.cmpi sge, %broadcast_in_dim3A_183, %ge3A_185 : vector<50x1xi32>
    %select_n3A_187 = arith.select %ge3A_186, %or3A_177, %select_n3A_174 : vector<50x1xi1>, vector<50x1xi32>
    %or3A_188 = arith.constant 131072 : i32
    %or3A_189 = vector.broadcast %or3A_188 : i32 to vector<50x1xi32>
    %or3A_190 = arith.ori %select_n3A_187, %or3A_189 : vector<50x1xi32>
    %ge3A_191 = vector.broadcast %or3A_190 : vector<50x1xi32> to vector<50x1000xi32>
    %ge3A_192 = arith.cmpi uge, %select_n3A, %ge3A_191 : vector<50x1000xi32>
    %convert_element_type3A_193 = arith.extui %ge3A_192 : vector<50x1000xi1> to vector<50x1000xi32>
    %reduce_sum3A_194 = arith.constant dense<0> : vector<50xi32>
    %reduce_sum3A_195 = vector.multi_reduction <add>, %convert_element_type3A_193, %reduce_sum3A_194 [1] : vector<50x1000xi32> to vector<50xi32>
    %broadcast_in_dim3A_196 = vector.shape_cast %reduce_sum3A_195 : vector<50xi32> to vector<50x1xi32>
    %ge3A_197 = arith.constant 640 : i32
    %ge3A_198 = vector.broadcast %ge3A_197 : i32 to vector<50x1xi32>
    %ge3A_199 = arith.cmpi sge, %broadcast_in_dim3A_196, %ge3A_198 : vector<50x1xi32>
    %select_n3A_200 = arith.select %ge3A_199, %or3A_190, %select_n3A_187 : vector<50x1xi1>, vector<50x1xi32>
    %or3A_201 = arith.constant 65536 : i32
    %or3A_202 = vector.broadcast %or3A_201 : i32 to vector<50x1xi32>
    %or3A_203 = arith.ori %select_n3A_200, %or3A_202 : vector<50x1xi32>
    %ge3A_204 = vector.broadcast %or3A_203 : vector<50x1xi32> to vector<50x1000xi32>
    %ge3A_205 = arith.cmpi uge, %select_n3A, %ge3A_204 : vector<50x1000xi32>
    %convert_element_type3A_206 = arith.extui %ge3A_205 : vector<50x1000xi1> to vector<50x1000xi32>
    %reduce_sum3A_207 = arith.constant dense<0> : vector<50xi32>
    %reduce_sum3A_208 = vector.multi_reduction <add>, %convert_element_type3A_206, %reduce_sum3A_207 [1] : vector<50x1000xi32> to vector<50xi32>
    %broadcast_in_dim3A_209 = vector.shape_cast %reduce_sum3A_208 : vector<50xi32> to vector<50x1xi32>
    %ge3A_210 = arith.constant 640 : i32
    %ge3A_211 = vector.broadcast %ge3A_210 : i32 to vector<50x1xi32>
    %ge3A_212 = arith.cmpi sge, %broadcast_in_dim3A_209, %ge3A_211 : vector<50x1xi32>
    %select_n3A_213 = arith.select %ge3A_212, %or3A_203, %select_n3A_200 : vector<50x1xi1>, vector<50x1xi32>
    %or3A_214 = arith.constant 32768 : i32
    %or3A_215 = vector.broadcast %or3A_214 : i32 to vector<50x1xi32>
    %or3A_216 = arith.ori %select_n3A_213, %or3A_215 : vector<50x1xi32>
    %ge3A_217 = vector.broadcast %or3A_216 : vector<50x1xi32> to vector<50x1000xi32>
    %ge3A_218 = arith.cmpi uge, %select_n3A, %ge3A_217 : vector<50x1000xi32>
    %convert_element_type3A_219 = arith.extui %ge3A_218 : vector<50x1000xi1> to vector<50x1000xi32>
    %reduce_sum3A_220 = arith.constant dense<0> : vector<50xi32>
    %reduce_sum3A_221 = vector.multi_reduction <add>, %convert_element_type3A_219, %reduce_sum3A_220 [1] : vector<50x1000xi32> to vector<50xi32>
    %broadcast_in_dim3A_222 = vector.shape_cast %reduce_sum3A_221 : vector<50xi32> to vector<50x1xi32>
    %ge3A_223 = arith.constant 640 : i32
    %ge3A_224 = vector.broadcast %ge3A_223 : i32 to vector<50x1xi32>
    %ge3A_225 = arith.cmpi sge, %broadcast_in_dim3A_222, %ge3A_224 : vector<50x1xi32>
    %select_n3A_226 = arith.select %ge3A_225, %or3A_216, %select_n3A_213 : vector<50x1xi1>, vector<50x1xi32>
    %or3A_227 = arith.constant 16384 : i32
    %or3A_228 = vector.broadcast %or3A_227 : i32 to vector<50x1xi32>
    %or3A_229 = arith.ori %select_n3A_226, %or3A_228 : vector<50x1xi32>
    %ge3A_230 = vector.broadcast %or3A_229 : vector<50x1xi32> to vector<50x1000xi32>
    %ge3A_231 = arith.cmpi uge, %select_n3A, %ge3A_230 : vector<50x1000xi32>
    %convert_element_type3A_232 = arith.extui %ge3A_231 : vector<50x1000xi1> to vector<50x1000xi32>
    %reduce_sum3A_233 = arith.constant dense<0> : vector<50xi32>
    %reduce_sum3A_234 = vector.multi_reduction <add>, %convert_element_type3A_232, %reduce_sum3A_233 [1] : vector<50x1000xi32> to vector<50xi32>
    %broadcast_in_dim3A_235 = vector.shape_cast %reduce_sum3A_234 : vector<50xi32> to vector<50x1xi32>
    %ge3A_236 = arith.constant 640 : i32
    %ge3A_237 = vector.broadcast %ge3A_236 : i32 to vector<50x1xi32>
    %ge3A_238 = arith.cmpi sge, %broadcast_in_dim3A_235, %ge3A_237 : vector<50x1xi32>
    %select_n3A_239 = arith.select %ge3A_238, %or3A_229, %select_n3A_226 : vector<50x1xi1>, vector<50x1xi32>
    %or3A_240 = arith.constant 8192 : i32
    %or3A_241 = vector.broadcast %or3A_240 : i32 to vector<50x1xi32>
    %or3A_242 = arith.ori %select_n3A_239, %or3A_241 : vector<50x1xi32>
    %ge3A_243 = vector.broadcast %or3A_242 : vector<50x1xi32> to vector<50x1000xi32>
    %ge3A_244 = arith.cmpi uge, %select_n3A, %ge3A_243 : vector<50x1000xi32>
    %convert_element_type3A_245 = arith.extui %ge3A_244 : vector<50x1000xi1> to vector<50x1000xi32>
    %reduce_sum3A_246 = arith.constant dense<0> : vector<50xi32>
    %reduce_sum3A_247 = vector.multi_reduction <add>, %convert_element_type3A_245, %reduce_sum3A_246 [1] : vector<50x1000xi32> to vector<50xi32>
    %broadcast_in_dim3A_248 = vector.shape_cast %reduce_sum3A_247 : vector<50xi32> to vector<50x1xi32>
    %ge3A_249 = arith.constant 640 : i32
    %ge3A_250 = vector.broadcast %ge3A_249 : i32 to vector<50x1xi32>
    %ge3A_251 = arith.cmpi sge, %broadcast_in_dim3A_248, %ge3A_250 : vector<50x1xi32>
    %select_n3A_252 = arith.select %ge3A_251, %or3A_242, %select_n3A_239 : vector<50x1xi1>, vector<50x1xi32>
    %or3A_253 = arith.constant 4096 : i32
    %or3A_254 = vector.broadcast %or3A_253 : i32 to vector<50x1xi32>
    %or3A_255 = arith.ori %select_n3A_252, %or3A_254 : vector<50x1xi32>
    %ge3A_256 = vector.broadcast %or3A_255 : vector<50x1xi32> to vector<50x1000xi32>
    %ge3A_257 = arith.cmpi uge, %select_n3A, %ge3A_256 : vector<50x1000xi32>
    %convert_element_type3A_258 = arith.extui %ge3A_257 : vector<50x1000xi1> to vector<50x1000xi32>
    %reduce_sum3A_259 = arith.constant dense<0> : vector<50xi32>
    %reduce_sum3A_260 = vector.multi_reduction <add>, %convert_element_type3A_258, %reduce_sum3A_259 [1] : vector<50x1000xi32> to vector<50xi32>
    %broadcast_in_dim3A_261 = vector.shape_cast %reduce_sum3A_260 : vector<50xi32> to vector<50x1xi32>
    %ge3A_262 = arith.constant 640 : i32
    %ge3A_263 = vector.broadcast %ge3A_262 : i32 to vector<50x1xi32>
    %ge3A_264 = arith.cmpi sge, %broadcast_in_dim3A_261, %ge3A_263 : vector<50x1xi32>
    %select_n3A_265 = arith.select %ge3A_264, %or3A_255, %select_n3A_252 : vector<50x1xi1>, vector<50x1xi32>
    %or3A_266 = arith.constant 2048 : i32
    %or3A_267 = vector.broadcast %or3A_266 : i32 to vector<50x1xi32>
    %or3A_268 = arith.ori %select_n3A_265, %or3A_267 : vector<50x1xi32>
    %ge3A_269 = vector.broadcast %or3A_268 : vector<50x1xi32> to vector<50x1000xi32>
    %ge3A_270 = arith.cmpi uge, %select_n3A, %ge3A_269 : vector<50x1000xi32>
    %convert_element_type3A_271 = arith.extui %ge3A_270 : vector<50x1000xi1> to vector<50x1000xi32>
    %reduce_sum3A_272 = arith.constant dense<0> : vector<50xi32>
    %reduce_sum3A_273 = vector.multi_reduction <add>, %convert_element_type3A_271, %reduce_sum3A_272 [1] : vector<50x1000xi32> to vector<50xi32>
    %broadcast_in_dim3A_274 = vector.shape_cast %reduce_sum3A_273 : vector<50xi32> to vector<50x1xi32>
    %ge3A_275 = arith.constant 640 : i32
    %ge3A_276 = vector.broadcast %ge3A_275 : i32 to vector<50x1xi32>
    %ge3A_277 = arith.cmpi sge, %broadcast_in_dim3A_274, %ge3A_276 : vector<50x1xi32>
    %select_n3A_278 = arith.select %ge3A_277, %or3A_268, %select_n3A_265 : vector<50x1xi1>, vector<50x1xi32>
    %or3A_279 = arith.constant 1024 : i32
    %or3A_280 = vector.broadcast %or3A_279 : i32 to vector<50x1xi32>
    %or3A_281 = arith.ori %select_n3A_278, %or3A_280 : vector<50x1xi32>
    %ge3A_282 = vector.broadcast %or3A_281 : vector<50x1xi32> to vector<50x1000xi32>
    %ge3A_283 = arith.cmpi uge, %select_n3A, %ge3A_282 : vector<50x1000xi32>
    %convert_element_type3A_284 = arith.extui %ge3A_283 : vector<50x1000xi1> to vector<50x1000xi32>
    %reduce_sum3A_285 = arith.constant dense<0> : vector<50xi32>
    %reduce_sum3A_286 = vector.multi_reduction <add>, %convert_element_type3A_284, %reduce_sum3A_285 [1] : vector<50x1000xi32> to vector<50xi32>
    %broadcast_in_dim3A_287 = vector.shape_cast %reduce_sum3A_286 : vector<50xi32> to vector<50x1xi32>
    %ge3A_288 = arith.constant 640 : i32
    %ge3A_289 = vector.broadcast %ge3A_288 : i32 to vector<50x1xi32>
    %ge3A_290 = arith.cmpi sge, %broadcast_in_dim3A_287, %ge3A_289 : vector<50x1xi32>
    %select_n3A_291 = arith.select %ge3A_290, %or3A_281, %select_n3A_278 : vector<50x1xi1>, vector<50x1xi32>
    %or3A_292 = arith.constant 512 : i32
    %or3A_293 = vector.broadcast %or3A_292 : i32 to vector<50x1xi32>
    %or3A_294 = arith.ori %select_n3A_291, %or3A_293 : vector<50x1xi32>
    %ge3A_295 = vector.broadcast %or3A_294 : vector<50x1xi32> to vector<50x1000xi32>
    %ge3A_296 = arith.cmpi uge, %select_n3A, %ge3A_295 : vector<50x1000xi32>
    %convert_element_type3A_297 = arith.extui %ge3A_296 : vector<50x1000xi1> to vector<50x1000xi32>
    %reduce_sum3A_298 = arith.constant dense<0> : vector<50xi32>
    %reduce_sum3A_299 = vector.multi_reduction <add>, %convert_element_type3A_297, %reduce_sum3A_298 [1] : vector<50x1000xi32> to vector<50xi32>
    %broadcast_in_dim3A_300 = vector.shape_cast %reduce_sum3A_299 : vector<50xi32> to vector<50x1xi32>
    %ge3A_301 = arith.constant 640 : i32
    %ge3A_302 = vector.broadcast %ge3A_301 : i32 to vector<50x1xi32>
    %ge3A_303 = arith.cmpi sge, %broadcast_in_dim3A_300, %ge3A_302 : vector<50x1xi32>
    %select_n3A_304 = arith.select %ge3A_303, %or3A_294, %select_n3A_291 : vector<50x1xi1>, vector<50x1xi32>
    %or3A_305 = arith.constant 256 : i32
    %or3A_306 = vector.broadcast %or3A_305 : i32 to vector<50x1xi32>
    %or3A_307 = arith.ori %select_n3A_304, %or3A_306 : vector<50x1xi32>
    %ge3A_308 = vector.broadcast %or3A_307 : vector<50x1xi32> to vector<50x1000xi32>
    %ge3A_309 = arith.cmpi uge, %select_n3A, %ge3A_308 : vector<50x1000xi32>
    %convert_element_type3A_310 = arith.extui %ge3A_309 : vector<50x1000xi1> to vector<50x1000xi32>
    %reduce_sum3A_311 = arith.constant dense<0> : vector<50xi32>
    %reduce_sum3A_312 = vector.multi_reduction <add>, %convert_element_type3A_310, %reduce_sum3A_311 [1] : vector<50x1000xi32> to vector<50xi32>
    %broadcast_in_dim3A_313 = vector.shape_cast %reduce_sum3A_312 : vector<50xi32> to vector<50x1xi32>
    %ge3A_314 = arith.constant 640 : i32
    %ge3A_315 = vector.broadcast %ge3A_314 : i32 to vector<50x1xi32>
    %ge3A_316 = arith.cmpi sge, %broadcast_in_dim3A_313, %ge3A_315 : vector<50x1xi32>
    %select_n3A_317 = arith.select %ge3A_316, %or3A_307, %select_n3A_304 : vector<50x1xi1>, vector<50x1xi32>
    %or3A_318 = arith.constant 128 : i32
    %or3A_319 = vector.broadcast %or3A_318 : i32 to vector<50x1xi32>
    %or3A_320 = arith.ori %select_n3A_317, %or3A_319 : vector<50x1xi32>
    %ge3A_321 = vector.broadcast %or3A_320 : vector<50x1xi32> to vector<50x1000xi32>
    %ge3A_322 = arith.cmpi uge, %select_n3A, %ge3A_321 : vector<50x1000xi32>
    %convert_element_type3A_323 = arith.extui %ge3A_322 : vector<50x1000xi1> to vector<50x1000xi32>
    %reduce_sum3A_324 = arith.constant dense<0> : vector<50xi32>
    %reduce_sum3A_325 = vector.multi_reduction <add>, %convert_element_type3A_323, %reduce_sum3A_324 [1] : vector<50x1000xi32> to vector<50xi32>
    %broadcast_in_dim3A_326 = vector.shape_cast %reduce_sum3A_325 : vector<50xi32> to vector<50x1xi32>
    %ge3A_327 = arith.constant 640 : i32
    %ge3A_328 = vector.broadcast %ge3A_327 : i32 to vector<50x1xi32>
    %ge3A_329 = arith.cmpi sge, %broadcast_in_dim3A_326, %ge3A_328 : vector<50x1xi32>
    %select_n3A_330 = arith.select %ge3A_329, %or3A_320, %select_n3A_317 : vector<50x1xi1>, vector<50x1xi32>
    %or3A_331 = arith.constant 64 : i32
    %or3A_332 = vector.broadcast %or3A_331 : i32 to vector<50x1xi32>
    %or3A_333 = arith.ori %select_n3A_330, %or3A_332 : vector<50x1xi32>
    %ge3A_334 = vector.broadcast %or3A_333 : vector<50x1xi32> to vector<50x1000xi32>
    %ge3A_335 = arith.cmpi uge, %select_n3A, %ge3A_334 : vector<50x1000xi32>
    %convert_element_type3A_336 = arith.extui %ge3A_335 : vector<50x1000xi1> to vector<50x1000xi32>
    %reduce_sum3A_337 = arith.constant dense<0> : vector<50xi32>
    %reduce_sum3A_338 = vector.multi_reduction <add>, %convert_element_type3A_336, %reduce_sum3A_337 [1] : vector<50x1000xi32> to vector<50xi32>
    %broadcast_in_dim3A_339 = vector.shape_cast %reduce_sum3A_338 : vector<50xi32> to vector<50x1xi32>
    %ge3A_340 = arith.constant 640 : i32
    %ge3A_341 = vector.broadcast %ge3A_340 : i32 to vector<50x1xi32>
    %ge3A_342 = arith.cmpi sge, %broadcast_in_dim3A_339, %ge3A_341 : vector<50x1xi32>
    %select_n3A_343 = arith.select %ge3A_342, %or3A_333, %select_n3A_330 : vector<50x1xi1>, vector<50x1xi32>
    %or3A_344 = arith.constant 32 : i32
    %or3A_345 = vector.broadcast %or3A_344 : i32 to vector<50x1xi32>
    %or3A_346 = arith.ori %select_n3A_343, %or3A_345 : vector<50x1xi32>
    %ge3A_347 = vector.broadcast %or3A_346 : vector<50x1xi32> to vector<50x1000xi32>
    %ge3A_348 = arith.cmpi uge, %select_n3A, %ge3A_347 : vector<50x1000xi32>
    %convert_element_type3A_349 = arith.extui %ge3A_348 : vector<50x1000xi1> to vector<50x1000xi32>
    %reduce_sum3A_350 = arith.constant dense<0> : vector<50xi32>
    %reduce_sum3A_351 = vector.multi_reduction <add>, %convert_element_type3A_349, %reduce_sum3A_350 [1] : vector<50x1000xi32> to vector<50xi32>
    %broadcast_in_dim3A_352 = vector.shape_cast %reduce_sum3A_351 : vector<50xi32> to vector<50x1xi32>
    %ge3A_353 = arith.constant 640 : i32
    %ge3A_354 = vector.broadcast %ge3A_353 : i32 to vector<50x1xi32>
    %ge3A_355 = arith.cmpi sge, %broadcast_in_dim3A_352, %ge3A_354 : vector<50x1xi32>
    %select_n3A_356 = arith.select %ge3A_355, %or3A_346, %select_n3A_343 : vector<50x1xi1>, vector<50x1xi32>
    %or3A_357 = arith.constant 16 : i32
    %or3A_358 = vector.broadcast %or3A_357 : i32 to vector<50x1xi32>
    %or3A_359 = arith.ori %select_n3A_356, %or3A_358 : vector<50x1xi32>
    %ge3A_360 = vector.broadcast %or3A_359 : vector<50x1xi32> to vector<50x1000xi32>
    %ge3A_361 = arith.cmpi uge, %select_n3A, %ge3A_360 : vector<50x1000xi32>
    %convert_element_type3A_362 = arith.extui %ge3A_361 : vector<50x1000xi1> to vector<50x1000xi32>
    %reduce_sum3A_363 = arith.constant dense<0> : vector<50xi32>
    %reduce_sum3A_364 = vector.multi_reduction <add>, %convert_element_type3A_362, %reduce_sum3A_363 [1] : vector<50x1000xi32> to vector<50xi32>
    %broadcast_in_dim3A_365 = vector.shape_cast %reduce_sum3A_364 : vector<50xi32> to vector<50x1xi32>
    %ge3A_366 = arith.constant 640 : i32
    %ge3A_367 = vector.broadcast %ge3A_366 : i32 to vector<50x1xi32>
    %ge3A_368 = arith.cmpi sge, %broadcast_in_dim3A_365, %ge3A_367 : vector<50x1xi32>
    %select_n3A_369 = arith.select %ge3A_368, %or3A_359, %select_n3A_356 : vector<50x1xi1>, vector<50x1xi32>
    %or3A_370 = arith.constant 8 : i32
    %or3A_371 = vector.broadcast %or3A_370 : i32 to vector<50x1xi32>
    %or3A_372 = arith.ori %select_n3A_369, %or3A_371 : vector<50x1xi32>
    %ge3A_373 = vector.broadcast %or3A_372 : vector<50x1xi32> to vector<50x1000xi32>
    %ge3A_374 = arith.cmpi uge, %select_n3A, %ge3A_373 : vector<50x1000xi32>
    %convert_element_type3A_375 = arith.extui %ge3A_374 : vector<50x1000xi1> to vector<50x1000xi32>
    %reduce_sum3A_376 = arith.constant dense<0> : vector<50xi32>
    %reduce_sum3A_377 = vector.multi_reduction <add>, %convert_element_type3A_375, %reduce_sum3A_376 [1] : vector<50x1000xi32> to vector<50xi32>
    %broadcast_in_dim3A_378 = vector.shape_cast %reduce_sum3A_377 : vector<50xi32> to vector<50x1xi32>
    %ge3A_379 = arith.constant 640 : i32
    %ge3A_380 = vector.broadcast %ge3A_379 : i32 to vector<50x1xi32>
    %ge3A_381 = arith.cmpi sge, %broadcast_in_dim3A_378, %ge3A_380 : vector<50x1xi32>
    %select_n3A_382 = arith.select %ge3A_381, %or3A_372, %select_n3A_369 : vector<50x1xi1>, vector<50x1xi32>
    %or3A_383 = arith.constant 4 : i32
    %or3A_384 = vector.broadcast %or3A_383 : i32 to vector<50x1xi32>
    %or3A_385 = arith.ori %select_n3A_382, %or3A_384 : vector<50x1xi32>
    %ge3A_386 = vector.broadcast %or3A_385 : vector<50x1xi32> to vector<50x1000xi32>
    %ge3A_387 = arith.cmpi uge, %select_n3A, %ge3A_386 : vector<50x1000xi32>
    %convert_element_type3A_388 = arith.extui %ge3A_387 : vector<50x1000xi1> to vector<50x1000xi32>
    %reduce_sum3A_389 = arith.constant dense<0> : vector<50xi32>
    %reduce_sum3A_390 = vector.multi_reduction <add>, %convert_element_type3A_388, %reduce_sum3A_389 [1] : vector<50x1000xi32> to vector<50xi32>
    %broadcast_in_dim3A_391 = vector.shape_cast %reduce_sum3A_390 : vector<50xi32> to vector<50x1xi32>
    %ge3A_392 = arith.constant 640 : i32
    %ge3A_393 = vector.broadcast %ge3A_392 : i32 to vector<50x1xi32>
    %ge3A_394 = arith.cmpi sge, %broadcast_in_dim3A_391, %ge3A_393 : vector<50x1xi32>
    %select_n3A_395 = arith.select %ge3A_394, %or3A_385, %select_n3A_382 : vector<50x1xi1>, vector<50x1xi32>
    %or3A_396 = arith.constant 2 : i32
    %or3A_397 = vector.broadcast %or3A_396 : i32 to vector<50x1xi32>
    %or3A_398 = arith.ori %select_n3A_395, %or3A_397 : vector<50x1xi32>
    %ge3A_399 = vector.broadcast %or3A_398 : vector<50x1xi32> to vector<50x1000xi32>
    %ge3A_400 = arith.cmpi uge, %select_n3A, %ge3A_399 : vector<50x1000xi32>
    %convert_element_type3A_401 = arith.extui %ge3A_400 : vector<50x1000xi1> to vector<50x1000xi32>
    %reduce_sum3A_402 = arith.constant dense<0> : vector<50xi32>
    %reduce_sum3A_403 = vector.multi_reduction <add>, %convert_element_type3A_401, %reduce_sum3A_402 [1] : vector<50x1000xi32> to vector<50xi32>
    %broadcast_in_dim3A_404 = vector.shape_cast %reduce_sum3A_403 : vector<50xi32> to vector<50x1xi32>
    %ge3A_405 = arith.constant 640 : i32
    %ge3A_406 = vector.broadcast %ge3A_405 : i32 to vector<50x1xi32>
    %ge3A_407 = arith.cmpi sge, %broadcast_in_dim3A_404, %ge3A_406 : vector<50x1xi32>
    %select_n3A_408 = arith.select %ge3A_407, %or3A_398, %select_n3A_395 : vector<50x1xi1>, vector<50x1xi32>
    %or3A_409 = arith.constant 1 : i32
    %or3A_410 = vector.broadcast %or3A_409 : i32 to vector<50x1xi32>
    %or3A_411 = arith.ori %select_n3A_408, %or3A_410 : vector<50x1xi32>
    %ge3A_412 = vector.broadcast %or3A_411 : vector<50x1xi32> to vector<50x1000xi32>
    %ge3A_413 = arith.cmpi uge, %select_n3A, %ge3A_412 : vector<50x1000xi32>
    %convert_element_type3A_414 = arith.extui %ge3A_413 : vector<50x1000xi1> to vector<50x1000xi32>
    %reduce_sum3A_415 = arith.constant dense<0> : vector<50xi32>
    %reduce_sum3A_416 = vector.multi_reduction <add>, %convert_element_type3A_414, %reduce_sum3A_415 [1] : vector<50x1000xi32> to vector<50xi32>
    %broadcast_in_dim3A_417 = vector.shape_cast %reduce_sum3A_416 : vector<50xi32> to vector<50x1xi32>
    %ge3A_418 = arith.constant 640 : i32
    %ge3A_419 = vector.broadcast %ge3A_418 : i32 to vector<50x1xi32>
    %ge3A_420 = arith.cmpi sge, %broadcast_in_dim3A_417, %ge3A_419 : vector<50x1xi32>
    %select_n3A_421 = arith.select %ge3A_420, %or3A_411, %select_n3A_408 : vector<50x1xi1>, vector<50x1xi32>
    %gt3A = vector.broadcast %select_n3A_421 : vector<50x1xi32> to vector<50x1000xi32>
    %gt3A_422 = arith.cmpi ugt, %select_n3A, %gt3A : vector<50x1000xi32>
    %convert_element_type3A_423 = arith.extui %gt3A_422 : vector<50x1000xi1> to vector<50x1000xi32>
    %reduce_sum3A_424 = arith.constant dense<0> : vector<50xi32>
    %reduce_sum3A_425 = vector.multi_reduction <add>, %convert_element_type3A_423, %reduce_sum3A_424 [1] : vector<50x1000xi32> to vector<50xi32>
    %broadcast_in_dim3A_426 = vector.shape_cast %reduce_sum3A_425 : vector<50xi32> to vector<50x1xi32>
    %sub3A = arith.constant 640 : i32
    %sub3A_427 = vector.broadcast %sub3A : i32 to vector<50x1xi32>
    %sub3A_428 = arith.subi %sub3A_427, %broadcast_in_dim3A_426 : vector<50x1xi32>
    %eq3A = vector.broadcast %select_n3A_421 : vector<50x1xi32> to vector<50x1000xi32>
    %eq3A_429 = arith.cmpi eq, %select_n3A, %eq3A : vector<50x1000xi32>
    %iota3A = tpu.iota {dimensions = array<i32: 1>} : vector<50x1000xi32>
    %broadcast_in_dim3A_430 = arith.constant 0 : i32
    %broadcast_in_dim3A_431 = vector.broadcast %broadcast_in_dim3A_430 : i32 to vector<50x1xi32>
    %broadcast_in_dim3A_432 = arith.constant 1000 : i32
    %broadcast_in_dim3A_433 = vector.broadcast %broadcast_in_dim3A_432 : i32 to vector<50x1xi32>
    %add3A = arith.addi %broadcast_in_dim3A_431, %broadcast_in_dim3A_433 : vector<50x1xi32>
    %jit3A = arith.constant 2 : i32
    %div3A = vector.broadcast %jit3A : i32 to vector<50x1xi32>
    %div3A_434 = arith.divsi %add3A, %div3A : vector<50x1xi32>
    %sign3A = arith.constant 0 : i32
    %sign3A_435 = vector.broadcast %sign3A : i32 to vector<50x1xi32>
    %sign3A_436 = arith.cmpi sgt, %add3A, %sign3A_435 : vector<50x1xi32>
    %sign3A_437 = arith.extui %sign3A_436 : vector<50x1xi1> to vector<50x1xi32>
    %sign3A_438 = arith.constant 0 : i32
    %sign3A_439 = vector.broadcast %sign3A_438 : i32 to vector<50x1xi32>
    %sign3A_440 = arith.cmpi slt, %add3A, %sign3A_439 : vector<50x1xi32>
    %sign3A_441 = arith.extui %sign3A_440 : vector<50x1xi1> to vector<50x1xi32>
    %sign3A_442 = arith.subi %sign3A_437, %sign3A_441 : vector<50x1xi32>
    %sign3A_443 = arith.constant 0 : i32
    %sign3A_444 = arith.cmpi sgt, %jit3A, %sign3A_443 : i32
    %sign3A_445 = arith.extui %sign3A_444 : i1 to i32
    %sign3A_446 = arith.constant 0 : i32
    %sign3A_447 = arith.cmpi slt, %jit3A, %sign3A_446 : i32
    %sign3A_448 = arith.extui %sign3A_447 : i1 to i32
    %sign3A_449 = arith.subi %sign3A_445, %sign3A_448 : i32
    %ne3A = vector.broadcast %sign3A_449 : i32 to vector<50x1xi32>
    %ne3A_450 = arith.cmpi ne, %sign3A_442, %ne3A : vector<50x1xi32>
    %rem3A = vector.broadcast %jit3A : i32 to vector<50x1xi32>
    %rem3A_451 = arith.remsi %add3A, %rem3A : vector<50x1xi32>
    %ne3A_452 = arith.constant 0 : i32
    %ne3A_453 = vector.broadcast %ne3A_452 : i32 to vector<50x1xi32>
    %ne3A_454 = arith.cmpi ne, %rem3A_451, %ne3A_453 : vector<50x1xi32>
    %and3A = arith.andi %ne3A_450, %ne3A_454 : vector<50x1xi1>
    %sub3A_455 = arith.constant 1 : i32
    %sub3A_456 = vector.broadcast %sub3A_455 : i32 to vector<50x1xi32>
    %sub3A_457 = arith.subi %div3A_434, %sub3A_456 : vector<50x1xi32>
    %select_n3A_458 = arith.select %and3A, %sub3A_457, %div3A_434 : vector<50x1xi1>, vector<50x1xi32>
    %lt3A = vector.broadcast %select_n3A_458 : vector<50x1xi32> to vector<50x1000xi32>
    %lt3A_459 = arith.cmpi slt, %iota3A, %lt3A : vector<50x1000xi32>
    %and3A_460 = arith.andi %eq3A_429, %lt3A_459 : vector<50x1000xi1>
    %convert_element_type3A_461 = arith.extui %and3A_460 : vector<50x1000xi1> to vector<50x1000xi32>
    %reduce_sum3A_462 = arith.constant dense<0> : vector<50xi32>
    %reduce_sum3A_463 = vector.multi_reduction <add>, %convert_element_type3A_461, %reduce_sum3A_462 [1] : vector<50x1000xi32> to vector<50xi32>
    %broadcast_in_dim3A_464 = vector.shape_cast %reduce_sum3A_463 : vector<50xi32> to vector<50x1xi32>
    %ge3A_465 = arith.cmpi sge, %broadcast_in_dim3A_464, %sub3A_428 : vector<50x1xi32>
    %select_n3A_466 = arith.select %ge3A_465, %select_n3A_458, %broadcast_in_dim3A_433 : vector<50x1xi1>, vector<50x1xi32>
    %add3A_467 = arith.constant 1 : i32
    %add3A_468 = vector.broadcast %add3A_467 : i32 to vector<50x1xi32>
    %add3A_469 = arith.addi %select_n3A_458, %add3A_468 : vector<50x1xi32>
    %select_n3A_470 = arith.select %ge3A_465, %broadcast_in_dim3A_431, %add3A_469 : vector<50x1xi1>, vector<50x1xi32>
    %add3A_471 = arith.addi %select_n3A_470, %select_n3A_466 : vector<50x1xi32>
    %jit3A_472 = arith.constant 2 : i32
    %div3A_473 = vector.broadcast %jit3A_472 : i32 to vector<50x1xi32>
    %div3A_474 = arith.divsi %add3A_471, %div3A_473 : vector<50x1xi32>
    %sign3A_475 = arith.constant 0 : i32
    %sign3A_476 = vector.broadcast %sign3A_475 : i32 to vector<50x1xi32>
    %sign3A_477 = arith.cmpi sgt, %add3A_471, %sign3A_476 : vector<50x1xi32>
    %sign3A_478 = arith.extui %sign3A_477 : vector<50x1xi1> to vector<50x1xi32>
    %sign3A_479 = arith.constant 0 : i32
    %sign3A_480 = vector.broadcast %sign3A_479 : i32 to vector<50x1xi32>
    %sign3A_481 = arith.cmpi slt, %add3A_471, %sign3A_480 : vector<50x1xi32>
    %sign3A_482 = arith.extui %sign3A_481 : vector<50x1xi1> to vector<50x1xi32>
    %sign3A_483 = arith.subi %sign3A_478, %sign3A_482 : vector<50x1xi32>
    %sign3A_484 = arith.constant 0 : i32
    %sign3A_485 = arith.cmpi sgt, %jit3A_472, %sign3A_484 : i32
    %sign3A_486 = arith.extui %sign3A_485 : i1 to i32
    %sign3A_487 = arith.constant 0 : i32
    %sign3A_488 = arith.cmpi slt, %jit3A_472, %sign3A_487 : i32
    %sign3A_489 = arith.extui %sign3A_488 : i1 to i32
    %sign3A_490 = arith.subi %sign3A_486, %sign3A_489 : i32
    %ne3A_491 = vector.broadcast %sign3A_490 : i32 to vector<50x1xi32>
    %ne3A_492 = arith.cmpi ne, %sign3A_483, %ne3A_491 : vector<50x1xi32>
    %rem3A_493 = vector.broadcast %jit3A_472 : i32 to vector<50x1xi32>
    %rem3A_494 = arith.remsi %add3A_471, %rem3A_493 : vector<50x1xi32>
    %ne3A_495 = arith.constant 0 : i32
    %ne3A_496 = vector.broadcast %ne3A_495 : i32 to vector<50x1xi32>
    %ne3A_497 = arith.cmpi ne, %rem3A_494, %ne3A_496 : vector<50x1xi32>
    %and3A_498 = arith.andi %ne3A_492, %ne3A_497 : vector<50x1xi1>
    %sub3A_499 = arith.constant 1 : i32
    %sub3A_500 = vector.broadcast %sub3A_499 : i32 to vector<50x1xi32>
    %sub3A_501 = arith.subi %div3A_474, %sub3A_500 : vector<50x1xi32>
    %select_n3A_502 = arith.select %and3A_498, %sub3A_501, %div3A_474 : vector<50x1xi1>, vector<50x1xi32>
    %lt3A_503 = vector.broadcast %select_n3A_502 : vector<50x1xi32> to vector<50x1000xi32>
    %lt3A_504 = arith.cmpi slt, %iota3A, %lt3A_503 : vector<50x1000xi32>
    %and3A_505 = arith.andi %eq3A_429, %lt3A_504 : vector<50x1000xi1>
    %convert_element_type3A_506 = arith.extui %and3A_505 : vector<50x1000xi1> to vector<50x1000xi32>
    %reduce_sum3A_507 = arith.constant dense<0> : vector<50xi32>
    %reduce_sum3A_508 = vector.multi_reduction <add>, %convert_element_type3A_506, %reduce_sum3A_507 [1] : vector<50x1000xi32> to vector<50xi32>
    %broadcast_in_dim3A_509 = vector.shape_cast %reduce_sum3A_508 : vector<50xi32> to vector<50x1xi32>
    %ge3A_510 = arith.cmpi sge, %broadcast_in_dim3A_509, %sub3A_428 : vector<50x1xi32>
    %select_n3A_511 = arith.select %ge3A_510, %select_n3A_502, %select_n3A_466 : vector<50x1xi1>, vector<50x1xi32>
    %add3A_512 = arith.constant 1 : i32
    %add3A_513 = vector.broadcast %add3A_512 : i32 to vector<50x1xi32>
    %add3A_514 = arith.addi %select_n3A_502, %add3A_513 : vector<50x1xi32>
    %select_n3A_515 = arith.select %ge3A_510, %select_n3A_470, %add3A_514 : vector<50x1xi1>, vector<50x1xi32>
    %add3A_516 = arith.addi %select_n3A_515, %select_n3A_511 : vector<50x1xi32>
    %jit3A_517 = arith.constant 2 : i32
    %div3A_518 = vector.broadcast %jit3A_517 : i32 to vector<50x1xi32>
    %div3A_519 = arith.divsi %add3A_516, %div3A_518 : vector<50x1xi32>
    %sign3A_520 = arith.constant 0 : i32
    %sign3A_521 = vector.broadcast %sign3A_520 : i32 to vector<50x1xi32>
    %sign3A_522 = arith.cmpi sgt, %add3A_516, %sign3A_521 : vector<50x1xi32>
    %sign3A_523 = arith.extui %sign3A_522 : vector<50x1xi1> to vector<50x1xi32>
    %sign3A_524 = arith.constant 0 : i32
    %sign3A_525 = vector.broadcast %sign3A_524 : i32 to vector<50x1xi32>
    %sign3A_526 = arith.cmpi slt, %add3A_516, %sign3A_525 : vector<50x1xi32>
    %sign3A_527 = arith.extui %sign3A_526 : vector<50x1xi1> to vector<50x1xi32>
    %sign3A_528 = arith.subi %sign3A_523, %sign3A_527 : vector<50x1xi32>
    %sign3A_529 = arith.constant 0 : i32
    %sign3A_530 = arith.cmpi sgt, %jit3A_517, %sign3A_529 : i32
    %sign3A_531 = arith.extui %sign3A_530 : i1 to i32
    %sign3A_532 = arith.constant 0 : i32
    %sign3A_533 = arith.cmpi slt, %jit3A_517, %sign3A_532 : i32
    %sign3A_534 = arith.extui %sign3A_533 : i1 to i32
    %sign3A_535 = arith.subi %sign3A_531, %sign3A_534 : i32
    %ne3A_536 = vector.broadcast %sign3A_535 : i32 to vector<50x1xi32>
    %ne3A_537 = arith.cmpi ne, %sign3A_528, %ne3A_536 : vector<50x1xi32>
    %rem3A_538 = vector.broadcast %jit3A_517 : i32 to vector<50x1xi32>
    %rem3A_539 = arith.remsi %add3A_516, %rem3A_538 : vector<50x1xi32>
    %ne3A_540 = arith.constant 0 : i32
    %ne3A_541 = vector.broadcast %ne3A_540 : i32 to vector<50x1xi32>
    %ne3A_542 = arith.cmpi ne, %rem3A_539, %ne3A_541 : vector<50x1xi32>
    %and3A_543 = arith.andi %ne3A_537, %ne3A_542 : vector<50x1xi1>
    %sub3A_544 = arith.constant 1 : i32
    %sub3A_545 = vector.broadcast %sub3A_544 : i32 to vector<50x1xi32>
    %sub3A_546 = arith.subi %div3A_519, %sub3A_545 : vector<50x1xi32>
    %select_n3A_547 = arith.select %and3A_543, %sub3A_546, %div3A_519 : vector<50x1xi1>, vector<50x1xi32>
    %lt3A_548 = vector.broadcast %select_n3A_547 : vector<50x1xi32> to vector<50x1000xi32>
    %lt3A_549 = arith.cmpi slt, %iota3A, %lt3A_548 : vector<50x1000xi32>
    %and3A_550 = arith.andi %eq3A_429, %lt3A_549 : vector<50x1000xi1>
    %convert_element_type3A_551 = arith.extui %and3A_550 : vector<50x1000xi1> to vector<50x1000xi32>
    %reduce_sum3A_552 = arith.constant dense<0> : vector<50xi32>
    %reduce_sum3A_553 = vector.multi_reduction <add>, %convert_element_type3A_551, %reduce_sum3A_552 [1] : vector<50x1000xi32> to vector<50xi32>
    %broadcast_in_dim3A_554 = vector.shape_cast %reduce_sum3A_553 : vector<50xi32> to vector<50x1xi32>
    %ge3A_555 = arith.cmpi sge, %broadcast_in_dim3A_554, %sub3A_428 : vector<50x1xi32>
    %select_n3A_556 = arith.select %ge3A_555, %select_n3A_547, %select_n3A_511 : vector<50x1xi1>, vector<50x1xi32>
    %add3A_557 = arith.constant 1 : i32
    %add3A_558 = vector.broadcast %add3A_557 : i32 to vector<50x1xi32>
    %add3A_559 = arith.addi %select_n3A_547, %add3A_558 : vector<50x1xi32>
    %select_n3A_560 = arith.select %ge3A_555, %select_n3A_515, %add3A_559 : vector<50x1xi1>, vector<50x1xi32>
    %add3A_561 = arith.addi %select_n3A_560, %select_n3A_556 : vector<50x1xi32>
    %jit3A_562 = arith.constant 2 : i32
    %div3A_563 = vector.broadcast %jit3A_562 : i32 to vector<50x1xi32>
    %div3A_564 = arith.divsi %add3A_561, %div3A_563 : vector<50x1xi32>
    %sign3A_565 = arith.constant 0 : i32
    %sign3A_566 = vector.broadcast %sign3A_565 : i32 to vector<50x1xi32>
    %sign3A_567 = arith.cmpi sgt, %add3A_561, %sign3A_566 : vector<50x1xi32>
    %sign3A_568 = arith.extui %sign3A_567 : vector<50x1xi1> to vector<50x1xi32>
    %sign3A_569 = arith.constant 0 : i32
    %sign3A_570 = vector.broadcast %sign3A_569 : i32 to vector<50x1xi32>
    %sign3A_571 = arith.cmpi slt, %add3A_561, %sign3A_570 : vector<50x1xi32>
    %sign3A_572 = arith.extui %sign3A_571 : vector<50x1xi1> to vector<50x1xi32>
    %sign3A_573 = arith.subi %sign3A_568, %sign3A_572 : vector<50x1xi32>
    %sign3A_574 = arith.constant 0 : i32
    %sign3A_575 = arith.cmpi sgt, %jit3A_562, %sign3A_574 : i32
    %sign3A_576 = arith.extui %sign3A_575 : i1 to i32
    %sign3A_577 = arith.constant 0 : i32
    %sign3A_578 = arith.cmpi slt, %jit3A_562, %sign3A_577 : i32
    %sign3A_579 = arith.extui %sign3A_578 : i1 to i32
    %sign3A_580 = arith.subi %sign3A_576, %sign3A_579 : i32
    %ne3A_581 = vector.broadcast %sign3A_580 : i32 to vector<50x1xi32>
    %ne3A_582 = arith.cmpi ne, %sign3A_573, %ne3A_581 : vector<50x1xi32>
    %rem3A_583 = vector.broadcast %jit3A_562 : i32 to vector<50x1xi32>
    %rem3A_584 = arith.remsi %add3A_561, %rem3A_583 : vector<50x1xi32>
    %ne3A_585 = arith.constant 0 : i32
    %ne3A_586 = vector.broadcast %ne3A_585 : i32 to vector<50x1xi32>
    %ne3A_587 = arith.cmpi ne, %rem3A_584, %ne3A_586 : vector<50x1xi32>
    %and3A_588 = arith.andi %ne3A_582, %ne3A_587 : vector<50x1xi1>
    %sub3A_589 = arith.constant 1 : i32
    %sub3A_590 = vector.broadcast %sub3A_589 : i32 to vector<50x1xi32>
    %sub3A_591 = arith.subi %div3A_564, %sub3A_590 : vector<50x1xi32>
    %select_n3A_592 = arith.select %and3A_588, %sub3A_591, %div3A_564 : vector<50x1xi1>, vector<50x1xi32>
    %lt3A_593 = vector.broadcast %select_n3A_592 : vector<50x1xi32> to vector<50x1000xi32>
    %lt3A_594 = arith.cmpi slt, %iota3A, %lt3A_593 : vector<50x1000xi32>
    %and3A_595 = arith.andi %eq3A_429, %lt3A_594 : vector<50x1000xi1>
    %convert_element_type3A_596 = arith.extui %and3A_595 : vector<50x1000xi1> to vector<50x1000xi32>
    %reduce_sum3A_597 = arith.constant dense<0> : vector<50xi32>
    %reduce_sum3A_598 = vector.multi_reduction <add>, %convert_element_type3A_596, %reduce_sum3A_597 [1] : vector<50x1000xi32> to vector<50xi32>
    %broadcast_in_dim3A_599 = vector.shape_cast %reduce_sum3A_598 : vector<50xi32> to vector<50x1xi32>
    %ge3A_600 = arith.cmpi sge, %broadcast_in_dim3A_599, %sub3A_428 : vector<50x1xi32>
    %select_n3A_601 = arith.select %ge3A_600, %select_n3A_592, %select_n3A_556 : vector<50x1xi1>, vector<50x1xi32>
    %add3A_602 = arith.constant 1 : i32
    %add3A_603 = vector.broadcast %add3A_602 : i32 to vector<50x1xi32>
    %add3A_604 = arith.addi %select_n3A_592, %add3A_603 : vector<50x1xi32>
    %select_n3A_605 = arith.select %ge3A_600, %select_n3A_560, %add3A_604 : vector<50x1xi1>, vector<50x1xi32>
    %add3A_606 = arith.addi %select_n3A_605, %select_n3A_601 : vector<50x1xi32>
    %jit3A_607 = arith.constant 2 : i32
    %div3A_608 = vector.broadcast %jit3A_607 : i32 to vector<50x1xi32>
    %div3A_609 = arith.divsi %add3A_606, %div3A_608 : vector<50x1xi32>
    %sign3A_610 = arith.constant 0 : i32
    %sign3A_611 = vector.broadcast %sign3A_610 : i32 to vector<50x1xi32>
    %sign3A_612 = arith.cmpi sgt, %add3A_606, %sign3A_611 : vector<50x1xi32>
    %sign3A_613 = arith.extui %sign3A_612 : vector<50x1xi1> to vector<50x1xi32>
    %sign3A_614 = arith.constant 0 : i32
    %sign3A_615 = vector.broadcast %sign3A_614 : i32 to vector<50x1xi32>
    %sign3A_616 = arith.cmpi slt, %add3A_606, %sign3A_615 : vector<50x1xi32>
    %sign3A_617 = arith.extui %sign3A_616 : vector<50x1xi1> to vector<50x1xi32>
    %sign3A_618 = arith.subi %sign3A_613, %sign3A_617 : vector<50x1xi32>
    %sign3A_619 = arith.constant 0 : i32
    %sign3A_620 = arith.cmpi sgt, %jit3A_607, %sign3A_619 : i32
    %sign3A_621 = arith.extui %sign3A_620 : i1 to i32
    %sign3A_622 = arith.constant 0 : i32
    %sign3A_623 = arith.cmpi slt, %jit3A_607, %sign3A_622 : i32
    %sign3A_624 = arith.extui %sign3A_623 : i1 to i32
    %sign3A_625 = arith.subi %sign3A_621, %sign3A_624 : i32
    %ne3A_626 = vector.broadcast %sign3A_625 : i32 to vector<50x1xi32>
    %ne3A_627 = arith.cmpi ne, %sign3A_618, %ne3A_626 : vector<50x1xi32>
    %rem3A_628 = vector.broadcast %jit3A_607 : i32 to vector<50x1xi32>
    %rem3A_629 = arith.remsi %add3A_606, %rem3A_628 : vector<50x1xi32>
    %ne3A_630 = arith.constant 0 : i32
    %ne3A_631 = vector.broadcast %ne3A_630 : i32 to vector<50x1xi32>
    %ne3A_632 = arith.cmpi ne, %rem3A_629, %ne3A_631 : vector<50x1xi32>
    %and3A_633 = arith.andi %ne3A_627, %ne3A_632 : vector<50x1xi1>
    %sub3A_634 = arith.constant 1 : i32
    %sub3A_635 = vector.broadcast %sub3A_634 : i32 to vector<50x1xi32>
    %sub3A_636 = arith.subi %div3A_609, %sub3A_635 : vector<50x1xi32>
    %select_n3A_637 = arith.select %and3A_633, %sub3A_636, %div3A_609 : vector<50x1xi1>, vector<50x1xi32>
    %lt3A_638 = vector.broadcast %select_n3A_637 : vector<50x1xi32> to vector<50x1000xi32>
    %lt3A_639 = arith.cmpi slt, %iota3A, %lt3A_638 : vector<50x1000xi32>
    %and3A_640 = arith.andi %eq3A_429, %lt3A_639 : vector<50x1000xi1>
    %convert_element_type3A_641 = arith.extui %and3A_640 : vector<50x1000xi1> to vector<50x1000xi32>
    %reduce_sum3A_642 = arith.constant dense<0> : vector<50xi32>
    %reduce_sum3A_643 = vector.multi_reduction <add>, %convert_element_type3A_641, %reduce_sum3A_642 [1] : vector<50x1000xi32> to vector<50xi32>
    %broadcast_in_dim3A_644 = vector.shape_cast %reduce_sum3A_643 : vector<50xi32> to vector<50x1xi32>
    %ge3A_645 = arith.cmpi sge, %broadcast_in_dim3A_644, %sub3A_428 : vector<50x1xi32>
    %select_n3A_646 = arith.select %ge3A_645, %select_n3A_637, %select_n3A_601 : vector<50x1xi1>, vector<50x1xi32>
    %add3A_647 = arith.constant 1 : i32
    %add3A_648 = vector.broadcast %add3A_647 : i32 to vector<50x1xi32>
    %add3A_649 = arith.addi %select_n3A_637, %add3A_648 : vector<50x1xi32>
    %select_n3A_650 = arith.select %ge3A_645, %select_n3A_605, %add3A_649 : vector<50x1xi1>, vector<50x1xi32>
    %add3A_651 = arith.addi %select_n3A_650, %select_n3A_646 : vector<50x1xi32>
    %jit3A_652 = arith.constant 2 : i32
    %div3A_653 = vector.broadcast %jit3A_652 : i32 to vector<50x1xi32>
    %div3A_654 = arith.divsi %add3A_651, %div3A_653 : vector<50x1xi32>
    %sign3A_655 = arith.constant 0 : i32
    %sign3A_656 = vector.broadcast %sign3A_655 : i32 to vector<50x1xi32>
    %sign3A_657 = arith.cmpi sgt, %add3A_651, %sign3A_656 : vector<50x1xi32>
    %sign3A_658 = arith.extui %sign3A_657 : vector<50x1xi1> to vector<50x1xi32>
    %sign3A_659 = arith.constant 0 : i32
    %sign3A_660 = vector.broadcast %sign3A_659 : i32 to vector<50x1xi32>
    %sign3A_661 = arith.cmpi slt, %add3A_651, %sign3A_660 : vector<50x1xi32>
    %sign3A_662 = arith.extui %sign3A_661 : vector<50x1xi1> to vector<50x1xi32>
    %sign3A_663 = arith.subi %sign3A_658, %sign3A_662 : vector<50x1xi32>
    %sign3A_664 = arith.constant 0 : i32
    %sign3A_665 = arith.cmpi sgt, %jit3A_652, %sign3A_664 : i32
    %sign3A_666 = arith.extui %sign3A_665 : i1 to i32
    %sign3A_667 = arith.constant 0 : i32
    %sign3A_668 = arith.cmpi slt, %jit3A_652, %sign3A_667 : i32
    %sign3A_669 = arith.extui %sign3A_668 : i1 to i32
    %sign3A_670 = arith.subi %sign3A_666, %sign3A_669 : i32
    %ne3A_671 = vector.broadcast %sign3A_670 : i32 to vector<50x1xi32>
    %ne3A_672 = arith.cmpi ne, %sign3A_663, %ne3A_671 : vector<50x1xi32>
    %rem3A_673 = vector.broadcast %jit3A_652 : i32 to vector<50x1xi32>
    %rem3A_674 = arith.remsi %add3A_651, %rem3A_673 : vector<50x1xi32>
    %ne3A_675 = arith.constant 0 : i32
    %ne3A_676 = vector.broadcast %ne3A_675 : i32 to vector<50x1xi32>
    %ne3A_677 = arith.cmpi ne, %rem3A_674, %ne3A_676 : vector<50x1xi32>
    %and3A_678 = arith.andi %ne3A_672, %ne3A_677 : vector<50x1xi1>
    %sub3A_679 = arith.constant 1 : i32
    %sub3A_680 = vector.broadcast %sub3A_679 : i32 to vector<50x1xi32>
    %sub3A_681 = arith.subi %div3A_654, %sub3A_680 : vector<50x1xi32>
    %select_n3A_682 = arith.select %and3A_678, %sub3A_681, %div3A_654 : vector<50x1xi1>, vector<50x1xi32>
    %lt3A_683 = vector.broadcast %select_n3A_682 : vector<50x1xi32> to vector<50x1000xi32>
    %lt3A_684 = arith.cmpi slt, %iota3A, %lt3A_683 : vector<50x1000xi32>
    %and3A_685 = arith.andi %eq3A_429, %lt3A_684 : vector<50x1000xi1>
    %convert_element_type3A_686 = arith.extui %and3A_685 : vector<50x1000xi1> to vector<50x1000xi32>
    %reduce_sum3A_687 = arith.constant dense<0> : vector<50xi32>
    %reduce_sum3A_688 = vector.multi_reduction <add>, %convert_element_type3A_686, %reduce_sum3A_687 [1] : vector<50x1000xi32> to vector<50xi32>
    %broadcast_in_dim3A_689 = vector.shape_cast %reduce_sum3A_688 : vector<50xi32> to vector<50x1xi32>
    %ge3A_690 = arith.cmpi sge, %broadcast_in_dim3A_689, %sub3A_428 : vector<50x1xi32>
    %select_n3A_691 = arith.select %ge3A_690, %select_n3A_682, %select_n3A_646 : vector<50x1xi1>, vector<50x1xi32>
    %add3A_692 = arith.constant 1 : i32
    %add3A_693 = vector.broadcast %add3A_692 : i32 to vector<50x1xi32>
    %add3A_694 = arith.addi %select_n3A_682, %add3A_693 : vector<50x1xi32>
    %select_n3A_695 = arith.select %ge3A_690, %select_n3A_650, %add3A_694 : vector<50x1xi1>, vector<50x1xi32>
    %add3A_696 = arith.addi %select_n3A_695, %select_n3A_691 : vector<50x1xi32>
    %jit3A_697 = arith.constant 2 : i32
    %div3A_698 = vector.broadcast %jit3A_697 : i32 to vector<50x1xi32>
    %div3A_699 = arith.divsi %add3A_696, %div3A_698 : vector<50x1xi32>
    %sign3A_700 = arith.constant 0 : i32
    %sign3A_701 = vector.broadcast %sign3A_700 : i32 to vector<50x1xi32>
    %sign3A_702 = arith.cmpi sgt, %add3A_696, %sign3A_701 : vector<50x1xi32>
    %sign3A_703 = arith.extui %sign3A_702 : vector<50x1xi1> to vector<50x1xi32>
    %sign3A_704 = arith.constant 0 : i32
    %sign3A_705 = vector.broadcast %sign3A_704 : i32 to vector<50x1xi32>
    %sign3A_706 = arith.cmpi slt, %add3A_696, %sign3A_705 : vector<50x1xi32>
    %sign3A_707 = arith.extui %sign3A_706 : vector<50x1xi1> to vector<50x1xi32>
    %sign3A_708 = arith.subi %sign3A_703, %sign3A_707 : vector<50x1xi32>
    %sign3A_709 = arith.constant 0 : i32
    %sign3A_710 = arith.cmpi sgt, %jit3A_697, %sign3A_709 : i32
    %sign3A_711 = arith.extui %sign3A_710 : i1 to i32
    %sign3A_712 = arith.constant 0 : i32
    %sign3A_713 = arith.cmpi slt, %jit3A_697, %sign3A_712 : i32
    %sign3A_714 = arith.extui %sign3A_713 : i1 to i32
    %sign3A_715 = arith.subi %sign3A_711, %sign3A_714 : i32
    %ne3A_716 = vector.broadcast %sign3A_715 : i32 to vector<50x1xi32>
    %ne3A_717 = arith.cmpi ne, %sign3A_708, %ne3A_716 : vector<50x1xi32>
    %rem3A_718 = vector.broadcast %jit3A_697 : i32 to vector<50x1xi32>
    %rem3A_719 = arith.remsi %add3A_696, %rem3A_718 : vector<50x1xi32>
    %ne3A_720 = arith.constant 0 : i32
    %ne3A_721 = vector.broadcast %ne3A_720 : i32 to vector<50x1xi32>
    %ne3A_722 = arith.cmpi ne, %rem3A_719, %ne3A_721 : vector<50x1xi32>
    %and3A_723 = arith.andi %ne3A_717, %ne3A_722 : vector<50x1xi1>
    %sub3A_724 = arith.constant 1 : i32
    %sub3A_725 = vector.broadcast %sub3A_724 : i32 to vector<50x1xi32>
    %sub3A_726 = arith.subi %div3A_699, %sub3A_725 : vector<50x1xi32>
    %select_n3A_727 = arith.select %and3A_723, %sub3A_726, %div3A_699 : vector<50x1xi1>, vector<50x1xi32>
    %lt3A_728 = vector.broadcast %select_n3A_727 : vector<50x1xi32> to vector<50x1000xi32>
    %lt3A_729 = arith.cmpi slt, %iota3A, %lt3A_728 : vector<50x1000xi32>
    %and3A_730 = arith.andi %eq3A_429, %lt3A_729 : vector<50x1000xi1>
    %convert_element_type3A_731 = arith.extui %and3A_730 : vector<50x1000xi1> to vector<50x1000xi32>
    %reduce_sum3A_732 = arith.constant dense<0> : vector<50xi32>
    %reduce_sum3A_733 = vector.multi_reduction <add>, %convert_element_type3A_731, %reduce_sum3A_732 [1] : vector<50x1000xi32> to vector<50xi32>
    %broadcast_in_dim3A_734 = vector.shape_cast %reduce_sum3A_733 : vector<50xi32> to vector<50x1xi32>
    %ge3A_735 = arith.cmpi sge, %broadcast_in_dim3A_734, %sub3A_428 : vector<50x1xi32>
    %select_n3A_736 = arith.select %ge3A_735, %select_n3A_727, %select_n3A_691 : vector<50x1xi1>, vector<50x1xi32>
    %add3A_737 = arith.constant 1 : i32
    %add3A_738 = vector.broadcast %add3A_737 : i32 to vector<50x1xi32>
    %add3A_739 = arith.addi %select_n3A_727, %add3A_738 : vector<50x1xi32>
    %select_n3A_740 = arith.select %ge3A_735, %select_n3A_695, %add3A_739 : vector<50x1xi1>, vector<50x1xi32>
    %add3A_741 = arith.addi %select_n3A_740, %select_n3A_736 : vector<50x1xi32>
    %jit3A_742 = arith.constant 2 : i32
    %div3A_743 = vector.broadcast %jit3A_742 : i32 to vector<50x1xi32>
    %div3A_744 = arith.divsi %add3A_741, %div3A_743 : vector<50x1xi32>
    %sign3A_745 = arith.constant 0 : i32
    %sign3A_746 = vector.broadcast %sign3A_745 : i32 to vector<50x1xi32>
    %sign3A_747 = arith.cmpi sgt, %add3A_741, %sign3A_746 : vector<50x1xi32>
    %sign3A_748 = arith.extui %sign3A_747 : vector<50x1xi1> to vector<50x1xi32>
    %sign3A_749 = arith.constant 0 : i32
    %sign3A_750 = vector.broadcast %sign3A_749 : i32 to vector<50x1xi32>
    %sign3A_751 = arith.cmpi slt, %add3A_741, %sign3A_750 : vector<50x1xi32>
    %sign3A_752 = arith.extui %sign3A_751 : vector<50x1xi1> to vector<50x1xi32>
    %sign3A_753 = arith.subi %sign3A_748, %sign3A_752 : vector<50x1xi32>
    %sign3A_754 = arith.constant 0 : i32
    %sign3A_755 = arith.cmpi sgt, %jit3A_742, %sign3A_754 : i32
    %sign3A_756 = arith.extui %sign3A_755 : i1 to i32
    %sign3A_757 = arith.constant 0 : i32
    %sign3A_758 = arith.cmpi slt, %jit3A_742, %sign3A_757 : i32
    %sign3A_759 = arith.extui %sign3A_758 : i1 to i32
    %sign3A_760 = arith.subi %sign3A_756, %sign3A_759 : i32
    %ne3A_761 = vector.broadcast %sign3A_760 : i32 to vector<50x1xi32>
    %ne3A_762 = arith.cmpi ne, %sign3A_753, %ne3A_761 : vector<50x1xi32>
    %rem3A_763 = vector.broadcast %jit3A_742 : i32 to vector<50x1xi32>
    %rem3A_764 = arith.remsi %add3A_741, %rem3A_763 : vector<50x1xi32>
    %ne3A_765 = arith.constant 0 : i32
    %ne3A_766 = vector.broadcast %ne3A_765 : i32 to vector<50x1xi32>
    %ne3A_767 = arith.cmpi ne, %rem3A_764, %ne3A_766 : vector<50x1xi32>
    %and3A_768 = arith.andi %ne3A_762, %ne3A_767 : vector<50x1xi1>
    %sub3A_769 = arith.constant 1 : i32
    %sub3A_770 = vector.broadcast %sub3A_769 : i32 to vector<50x1xi32>
    %sub3A_771 = arith.subi %div3A_744, %sub3A_770 : vector<50x1xi32>
    %select_n3A_772 = arith.select %and3A_768, %sub3A_771, %div3A_744 : vector<50x1xi1>, vector<50x1xi32>
    %lt3A_773 = vector.broadcast %select_n3A_772 : vector<50x1xi32> to vector<50x1000xi32>
    %lt3A_774 = arith.cmpi slt, %iota3A, %lt3A_773 : vector<50x1000xi32>
    %and3A_775 = arith.andi %eq3A_429, %lt3A_774 : vector<50x1000xi1>
    %convert_element_type3A_776 = arith.extui %and3A_775 : vector<50x1000xi1> to vector<50x1000xi32>
    %reduce_sum3A_777 = arith.constant dense<0> : vector<50xi32>
    %reduce_sum3A_778 = vector.multi_reduction <add>, %convert_element_type3A_776, %reduce_sum3A_777 [1] : vector<50x1000xi32> to vector<50xi32>
    %broadcast_in_dim3A_779 = vector.shape_cast %reduce_sum3A_778 : vector<50xi32> to vector<50x1xi32>
    %ge3A_780 = arith.cmpi sge, %broadcast_in_dim3A_779, %sub3A_428 : vector<50x1xi32>
    %select_n3A_781 = arith.select %ge3A_780, %select_n3A_772, %select_n3A_736 : vector<50x1xi1>, vector<50x1xi32>
    %add3A_782 = arith.constant 1 : i32
    %add3A_783 = vector.broadcast %add3A_782 : i32 to vector<50x1xi32>
    %add3A_784 = arith.addi %select_n3A_772, %add3A_783 : vector<50x1xi32>
    %select_n3A_785 = arith.select %ge3A_780, %select_n3A_740, %add3A_784 : vector<50x1xi1>, vector<50x1xi32>
    %add3A_786 = arith.addi %select_n3A_785, %select_n3A_781 : vector<50x1xi32>
    %jit3A_787 = arith.constant 2 : i32
    %div3A_788 = vector.broadcast %jit3A_787 : i32 to vector<50x1xi32>
    %div3A_789 = arith.divsi %add3A_786, %div3A_788 : vector<50x1xi32>
    %sign3A_790 = arith.constant 0 : i32
    %sign3A_791 = vector.broadcast %sign3A_790 : i32 to vector<50x1xi32>
    %sign3A_792 = arith.cmpi sgt, %add3A_786, %sign3A_791 : vector<50x1xi32>
    %sign3A_793 = arith.extui %sign3A_792 : vector<50x1xi1> to vector<50x1xi32>
    %sign3A_794 = arith.constant 0 : i32
    %sign3A_795 = vector.broadcast %sign3A_794 : i32 to vector<50x1xi32>
    %sign3A_796 = arith.cmpi slt, %add3A_786, %sign3A_795 : vector<50x1xi32>
    %sign3A_797 = arith.extui %sign3A_796 : vector<50x1xi1> to vector<50x1xi32>
    %sign3A_798 = arith.subi %sign3A_793, %sign3A_797 : vector<50x1xi32>
    %sign3A_799 = arith.constant 0 : i32
    %sign3A_800 = arith.cmpi sgt, %jit3A_787, %sign3A_799 : i32
    %sign3A_801 = arith.extui %sign3A_800 : i1 to i32
    %sign3A_802 = arith.constant 0 : i32
    %sign3A_803 = arith.cmpi slt, %jit3A_787, %sign3A_802 : i32
    %sign3A_804 = arith.extui %sign3A_803 : i1 to i32
    %sign3A_805 = arith.subi %sign3A_801, %sign3A_804 : i32
    %ne3A_806 = vector.broadcast %sign3A_805 : i32 to vector<50x1xi32>
    %ne3A_807 = arith.cmpi ne, %sign3A_798, %ne3A_806 : vector<50x1xi32>
    %rem3A_808 = vector.broadcast %jit3A_787 : i32 to vector<50x1xi32>
    %rem3A_809 = arith.remsi %add3A_786, %rem3A_808 : vector<50x1xi32>
    %ne3A_810 = arith.constant 0 : i32
    %ne3A_811 = vector.broadcast %ne3A_810 : i32 to vector<50x1xi32>
    %ne3A_812 = arith.cmpi ne, %rem3A_809, %ne3A_811 : vector<50x1xi32>
    %and3A_813 = arith.andi %ne3A_807, %ne3A_812 : vector<50x1xi1>
    %sub3A_814 = arith.constant 1 : i32
    %sub3A_815 = vector.broadcast %sub3A_814 : i32 to vector<50x1xi32>
    %sub3A_816 = arith.subi %div3A_789, %sub3A_815 : vector<50x1xi32>
    %select_n3A_817 = arith.select %and3A_813, %sub3A_816, %div3A_789 : vector<50x1xi1>, vector<50x1xi32>
    %lt3A_818 = vector.broadcast %select_n3A_817 : vector<50x1xi32> to vector<50x1000xi32>
    %lt3A_819 = arith.cmpi slt, %iota3A, %lt3A_818 : vector<50x1000xi32>
    %and3A_820 = arith.andi %eq3A_429, %lt3A_819 : vector<50x1000xi1>
    %convert_element_type3A_821 = arith.extui %and3A_820 : vector<50x1000xi1> to vector<50x1000xi32>
    %reduce_sum3A_822 = arith.constant dense<0> : vector<50xi32>
    %reduce_sum3A_823 = vector.multi_reduction <add>, %convert_element_type3A_821, %reduce_sum3A_822 [1] : vector<50x1000xi32> to vector<50xi32>
    %broadcast_in_dim3A_824 = vector.shape_cast %reduce_sum3A_823 : vector<50xi32> to vector<50x1xi32>
    %ge3A_825 = arith.cmpi sge, %broadcast_in_dim3A_824, %sub3A_428 : vector<50x1xi32>
    %select_n3A_826 = arith.select %ge3A_825, %select_n3A_817, %select_n3A_781 : vector<50x1xi1>, vector<50x1xi32>
    %add3A_827 = arith.constant 1 : i32
    %add3A_828 = vector.broadcast %add3A_827 : i32 to vector<50x1xi32>
    %add3A_829 = arith.addi %select_n3A_817, %add3A_828 : vector<50x1xi32>
    %select_n3A_830 = arith.select %ge3A_825, %select_n3A_785, %add3A_829 : vector<50x1xi1>, vector<50x1xi32>
    %add3A_831 = arith.addi %select_n3A_830, %select_n3A_826 : vector<50x1xi32>
    %jit3A_832 = arith.constant 2 : i32
    %div3A_833 = vector.broadcast %jit3A_832 : i32 to vector<50x1xi32>
    %div3A_834 = arith.divsi %add3A_831, %div3A_833 : vector<50x1xi32>
    %sign3A_835 = arith.constant 0 : i32
    %sign3A_836 = vector.broadcast %sign3A_835 : i32 to vector<50x1xi32>
    %sign3A_837 = arith.cmpi sgt, %add3A_831, %sign3A_836 : vector<50x1xi32>
    %sign3A_838 = arith.extui %sign3A_837 : vector<50x1xi1> to vector<50x1xi32>
    %sign3A_839 = arith.constant 0 : i32
    %sign3A_840 = vector.broadcast %sign3A_839 : i32 to vector<50x1xi32>
    %sign3A_841 = arith.cmpi slt, %add3A_831, %sign3A_840 : vector<50x1xi32>
    %sign3A_842 = arith.extui %sign3A_841 : vector<50x1xi1> to vector<50x1xi32>
    %sign3A_843 = arith.subi %sign3A_838, %sign3A_842 : vector<50x1xi32>
    %sign3A_844 = arith.constant 0 : i32
    %sign3A_845 = arith.cmpi sgt, %jit3A_832, %sign3A_844 : i32
    %sign3A_846 = arith.extui %sign3A_845 : i1 to i32
    %sign3A_847 = arith.constant 0 : i32
    %sign3A_848 = arith.cmpi slt, %jit3A_832, %sign3A_847 : i32
    %sign3A_849 = arith.extui %sign3A_848 : i1 to i32
    %sign3A_850 = arith.subi %sign3A_846, %sign3A_849 : i32
    %ne3A_851 = vector.broadcast %sign3A_850 : i32 to vector<50x1xi32>
    %ne3A_852 = arith.cmpi ne, %sign3A_843, %ne3A_851 : vector<50x1xi32>
    %rem3A_853 = vector.broadcast %jit3A_832 : i32 to vector<50x1xi32>
    %rem3A_854 = arith.remsi %add3A_831, %rem3A_853 : vector<50x1xi32>
    %ne3A_855 = arith.constant 0 : i32
    %ne3A_856 = vector.broadcast %ne3A_855 : i32 to vector<50x1xi32>
    %ne3A_857 = arith.cmpi ne, %rem3A_854, %ne3A_856 : vector<50x1xi32>
    %and3A_858 = arith.andi %ne3A_852, %ne3A_857 : vector<50x1xi1>
    %sub3A_859 = arith.constant 1 : i32
    %sub3A_860 = vector.broadcast %sub3A_859 : i32 to vector<50x1xi32>
    %sub3A_861 = arith.subi %div3A_834, %sub3A_860 : vector<50x1xi32>
    %select_n3A_862 = arith.select %and3A_858, %sub3A_861, %div3A_834 : vector<50x1xi1>, vector<50x1xi32>
    %lt3A_863 = vector.broadcast %select_n3A_862 : vector<50x1xi32> to vector<50x1000xi32>
    %lt3A_864 = arith.cmpi slt, %iota3A, %lt3A_863 : vector<50x1000xi32>
    %and3A_865 = arith.andi %eq3A_429, %lt3A_864 : vector<50x1000xi1>
    %convert_element_type3A_866 = arith.extui %and3A_865 : vector<50x1000xi1> to vector<50x1000xi32>
    %reduce_sum3A_867 = arith.constant dense<0> : vector<50xi32>
    %reduce_sum3A_868 = vector.multi_reduction <add>, %convert_element_type3A_866, %reduce_sum3A_867 [1] : vector<50x1000xi32> to vector<50xi32>
    %broadcast_in_dim3A_869 = vector.shape_cast %reduce_sum3A_868 : vector<50xi32> to vector<50x1xi32>
    %ge3A_870 = arith.cmpi sge, %broadcast_in_dim3A_869, %sub3A_428 : vector<50x1xi32>
    %select_n3A_871 = arith.select %ge3A_870, %select_n3A_862, %select_n3A_826 : vector<50x1xi1>, vector<50x1xi32>
    %add3A_872 = arith.constant 1 : i32
    %add3A_873 = vector.broadcast %add3A_872 : i32 to vector<50x1xi32>
    %add3A_874 = arith.addi %select_n3A_862, %add3A_873 : vector<50x1xi32>
    %select_n3A_875 = arith.select %ge3A_870, %select_n3A_830, %add3A_874 : vector<50x1xi1>, vector<50x1xi32>
    %add3A_876 = arith.addi %select_n3A_875, %select_n3A_871 : vector<50x1xi32>
    %jit3A_877 = arith.constant 2 : i32
    %div3A_878 = vector.broadcast %jit3A_877 : i32 to vector<50x1xi32>
    %div3A_879 = arith.divsi %add3A_876, %div3A_878 : vector<50x1xi32>
    %sign3A_880 = arith.constant 0 : i32
    %sign3A_881 = vector.broadcast %sign3A_880 : i32 to vector<50x1xi32>
    %sign3A_882 = arith.cmpi sgt, %add3A_876, %sign3A_881 : vector<50x1xi32>
    %sign3A_883 = arith.extui %sign3A_882 : vector<50x1xi1> to vector<50x1xi32>
    %sign3A_884 = arith.constant 0 : i32
    %sign3A_885 = vector.broadcast %sign3A_884 : i32 to vector<50x1xi32>
    %sign3A_886 = arith.cmpi slt, %add3A_876, %sign3A_885 : vector<50x1xi32>
    %sign3A_887 = arith.extui %sign3A_886 : vector<50x1xi1> to vector<50x1xi32>
    %sign3A_888 = arith.subi %sign3A_883, %sign3A_887 : vector<50x1xi32>
    %sign3A_889 = arith.constant 0 : i32
    %sign3A_890 = arith.cmpi sgt, %jit3A_877, %sign3A_889 : i32
    %sign3A_891 = arith.extui %sign3A_890 : i1 to i32
    %sign3A_892 = arith.constant 0 : i32
    %sign3A_893 = arith.cmpi slt, %jit3A_877, %sign3A_892 : i32
    %sign3A_894 = arith.extui %sign3A_893 : i1 to i32
    %sign3A_895 = arith.subi %sign3A_891, %sign3A_894 : i32
    %ne3A_896 = vector.broadcast %sign3A_895 : i32 to vector<50x1xi32>
    %ne3A_897 = arith.cmpi ne, %sign3A_888, %ne3A_896 : vector<50x1xi32>
    %rem3A_898 = vector.broadcast %jit3A_877 : i32 to vector<50x1xi32>
    %rem3A_899 = arith.remsi %add3A_876, %rem3A_898 : vector<50x1xi32>
    %ne3A_900 = arith.constant 0 : i32
    %ne3A_901 = vector.broadcast %ne3A_900 : i32 to vector<50x1xi32>
    %ne3A_902 = arith.cmpi ne, %rem3A_899, %ne3A_901 : vector<50x1xi32>
    %and3A_903 = arith.andi %ne3A_897, %ne3A_902 : vector<50x1xi1>
    %sub3A_904 = arith.constant 1 : i32
    %sub3A_905 = vector.broadcast %sub3A_904 : i32 to vector<50x1xi32>
    %sub3A_906 = arith.subi %div3A_879, %sub3A_905 : vector<50x1xi32>
    %select_n3A_907 = arith.select %and3A_903, %sub3A_906, %div3A_879 : vector<50x1xi1>, vector<50x1xi32>
    %lt3A_908 = vector.broadcast %select_n3A_907 : vector<50x1xi32> to vector<50x1000xi32>
    %lt3A_909 = arith.cmpi slt, %iota3A, %lt3A_908 : vector<50x1000xi32>
    %and3A_910 = arith.andi %eq3A_429, %lt3A_909 : vector<50x1000xi1>
    %convert_element_type3A_911 = arith.extui %and3A_910 : vector<50x1000xi1> to vector<50x1000xi32>
    %reduce_sum3A_912 = arith.constant dense<0> : vector<50xi32>
    %reduce_sum3A_913 = vector.multi_reduction <add>, %convert_element_type3A_911, %reduce_sum3A_912 [1] : vector<50x1000xi32> to vector<50xi32>
    %broadcast_in_dim3A_914 = vector.shape_cast %reduce_sum3A_913 : vector<50xi32> to vector<50x1xi32>
    %ge3A_915 = arith.cmpi sge, %broadcast_in_dim3A_914, %sub3A_428 : vector<50x1xi32>
    %select_n3A_916 = arith.select %ge3A_915, %select_n3A_907, %select_n3A_871 : vector<50x1xi1>, vector<50x1xi32>
    %lt3A_917 = vector.broadcast %select_n3A_916 : vector<50x1xi32> to vector<50x1000xi32>
    %lt3A_918 = arith.cmpi slt, %iota3A, %lt3A_917 : vector<50x1000xi32>
    %and3A_919 = arith.andi %eq3A_429, %lt3A_918 : vector<50x1000xi1>
    %or3A_920 = arith.ori %gt3A_422, %and3A_919 : vector<50x1000xi1>
    %tanh3A = math.tanh %get3A_1 : vector<50x1000xf32>
    %jit3A_921 = arith.constant 0.000000e+00 : f32
    %broadcast_in_dim3A_922 = vector.broadcast %jit3A_921 : f32 to vector<50x1000xf32>
    %select_n3A_923 = arith.select %or3A_920, %tanh3A, %broadcast_in_dim3A_922 : vector<50x1000xi1>, vector<50x1000xf32>
    %swap3A = arith.constant 0 : index
    %swap3A_924 = arith.constant 0 : index
    %swap3A_925 = vector.load %arg1[%swap3A, %swap3A_924] : memref<50x1000xf32, #tpu.memory_space<vmem>>, vector<50x1000xf32>
    tpu.vector_store %arg1[%swap3A, %swap3A_924], %select_n3A_923 {strides = array<i32>} : memref<50x1000xf32, #tpu.memory_space<vmem>>, vector<50x1000xf32>,
    %convert_element_type3A_926 = arith.extui %or3A_920 : vector<50x1000xi1> to vector<50x1000xi32>
    %convert_element_type3A_927 = arith.sitofp %convert_element_type3A_926 : vector<50x1000xi32> to vector<50x1000xf32>
    %swap3A_928 = arith.constant 0 : index
    %swap3A_929 = arith.constant 0 : index
    %swap3A_930 = vector.load %arg2[%swap3A_928, %swap3A_929] : memref<50x1000xf32, #tpu.memory_space<vmem>>, vector<50x1000xf32>
    tpu.vector_store %arg2[%swap3A_928, %swap3A_929], %convert_element_type3A_927 {strides = array<i32>} : memref<50x1000xf32, #tpu.memory_space<vmem>>, vector<50x1000xf32>,
    return
  }
}

module attributes {stable_mosaic.version = 14 : i64} {
  func.func @_t6_body(%arg0: i32, %arg1: memref<1000x128xf32, #tpu.memory_space<vmem>>, %arg2: memref<1000x1xf32, #tpu.memory_space<vmem>>, %arg3: memref<1000x1xf32, #tpu.memory_space<vmem>>, %arg4: memref<1x1x256xf32, #tpu.memory_space<vmem>>) attributes {dimension_semantics = [#tpu.dimension_semantics<arbitrary>], iteration_bounds = array<i64: 50>, scalar_prefetch = 0 : i64, scratch_operands = 0 : i64, tpu.core_type = #tpu.core_type<tc>, window_params = [{transform_indices = @transform_0, window_bounds = array<i64: 1000, 128>}, {transform_indices = @transform_1, window_bounds = array<i64: 1000, 1>}, {transform_indices = @transform_2, window_bounds = array<i64: 1000, 1>}, {transform_indices = @transform_3, window_bounds = array<i64: 1, 1, 256>}]} {
    %get3A = arith.constant 0 : index
    %get3A_0 = arith.constant 0 : index
    %get3A_1 = vector.load %arg1[%get3A, %get3A_0] : memref<1000x128xf32, #tpu.memory_space<vmem>>, vector<1000x128xf32>
    %get3A_2 = arith.constant 0 : index
    %get3A_3 = arith.constant 0 : index
    %get3A_4 = vector.load %arg2[%get3A_2, %get3A_3] : memref<1000x1xf32, #tpu.memory_space<vmem>>, vector<1000x1xf32>
    %mul3A = vector.broadcast %get3A_4 : vector<1000x1xf32> to vector<1000x128xf32>
    %mul3A_5 = arith.mulf %get3A_1, %mul3A : vector<1000x128xf32>
    %reduce_sum3A = arith.constant dense<0.000000e+00> : vector<128xf32>
    %reduce_sum3A_6 = vector.multi_reduction <add>, %mul3A_5, %reduce_sum3A [0] : vector<1000x128xf32> to vector<128xf32>
    %broadcast_in_dim3A = vector.shape_cast %reduce_sum3A_6 : vector<128xf32> to vector<1x128xf32>
    %mul3A_7 = arith.constant 1.562500e-03 : f32
    %mul3A_8 = vector.broadcast %mul3A_7 : f32 to vector<1x128xf32>
    %mul3A_9 = arith.mulf %broadcast_in_dim3A, %mul3A_8 : vector<1x128xf32>
    %get3A_10 = arith.constant 0 : index
    %get3A_11 = arith.constant 0 : index
    %get3A_12 = vector.load %arg3[%get3A_10, %get3A_11] : memref<1000x1xf32, #tpu.memory_space<vmem>>, vector<1000x1xf32>
    %gt3A = arith.constant 5.000000e-01 : f32
    %gt3A_13 = vector.broadcast %gt3A : f32 to vector<1000x1xf32>
    %gt3A_14 = arith.cmpf ogt, %get3A_12, %gt3A_13 : vector<1000x1xf32>
    %jit3A = arith.constant 0xFF800000 : f32
    %broadcast_in_dim3A_15 = vector.shape_cast %gt3A_14 : vector<1000x1xi1> to vector<1000x1xi1>
    %broadcast_in_dim3A_16 = vector.broadcast %broadcast_in_dim3A_15 : vector<1000x1xi1> to vector<1000x128xi1>
    %broadcast_in_dim3A_17 = vector.broadcast %jit3A : f32 to vector<1000x128xf32>
    %select_n3A = arith.select %broadcast_in_dim3A_16, %mul3A_5, %broadcast_in_dim3A_17 : vector<1000x128xi1>, vector<1000x128xf32>
    %reduce_max3A = arith.constant dense<0xFF800000> : vector<128xf32>
    %reduce_max3A_18 = vector.multi_reduction <maximumf>, %select_n3A, %reduce_max3A [0] : vector<1000x128xf32> to vector<128xf32>
    %broadcast_in_dim3A_19 = vector.shape_cast %reduce_max3A_18 : vector<128xf32> to vector<1x128xf32>
    %concatenate3A = tpu.concatenate %mul3A_9, %broadcast_in_dim3A_19 in 1 : vector<1x128xf32>, vector<1x128xf32> -> vector<1x256xf32>
    %broadcast_in_dim3A_20 = vector.shape_cast %concatenate3A : vector<1x256xf32> to vector<1x1x256xf32>
    %swap3A = arith.constant 0 : index
    %swap3A_21 = arith.constant 0 : index
    %swap3A_22 = arith.constant 0 : index
    %swap3A_23 = vector.load %arg4[%swap3A, %swap3A_21, %swap3A_22] : memref<1x1x256xf32, #tpu.memory_space<vmem>>, vector<1x1x256xf32>
    tpu.vector_store %arg4[%swap3A, %swap3A_21, %swap3A_22], %broadcast_in_dim3A_20 {strides = array<i32>} : memref<1x1x256xf32, #tpu.memory_space<vmem>>, vector<1x1x256xf32>,
    return
  }
  func.func @transform_0(%arg0: i32) -> (i32, i32) {
    %c0_i32 = arith.constant 0 : i32
    %c0_i32_0 = arith.constant 0 : i32
    return %arg0, %c0_i32 : i32, i32
  }
  func.func @transform_1(%arg0: i32) -> (i32, i32) {
    %c0_i32 = arith.constant 0 : i32
    %c0_i32_0 = arith.constant 0 : i32
    return %arg0, %c0_i32 : i32, i32
  }
  func.func @transform_2(%arg0: i32) -> (i32, i32) {
    %c0_i32 = arith.constant 0 : i32
    %c0_i32_0 = arith.constant 0 : i32
    return %arg0, %c0_i32 : i32, i32
  }
  func.func @transform_3(%arg0: i32) -> (i32, i32, i32) {
    %c0_i32 = arith.constant 0 : i32
    %c0_i32_0 = arith.constant 0 : i32
    %c0_i32_1 = arith.constant 0 : i32
    return %arg0, %c0_i32, %c0_i32_0 : i32, i32, i32
  }
}

module attributes {stable_mosaic.version = 14 : i64} {
  func.func @_t7_body(%arg0: memref<50x256xf32, #tpu.memory_space<vmem>>, %arg1: memref<50x256xf32, #tpu.memory_space<vmem>>, %arg2: memref<256x128xf32, #tpu.memory_space<vmem>>, %arg3: memref<1x128xf32, #tpu.memory_space<vmem>>, %arg4: memref<128x32xf32, #tpu.memory_space<vmem>>, %arg5: memref<1x32xf32, #tpu.memory_space<vmem>>, %arg6: memref<32x2xf32, #tpu.memory_space<vmem>>, %arg7: memref<1x2xf32, #tpu.memory_space<vmem>>, %arg8: memref<50x2xf32, #tpu.memory_space<vmem>>) attributes {dimension_semantics = [], scalar_prefetch = 0 : i64, scratch_operands = 0 : i64, tpu.core_type = #tpu.core_type<tc>} {
    %get3A = arith.constant 0 : index
    %get3A_0 = arith.constant 0 : index
    %get3A_1 = vector.load %arg0[%get3A, %get3A_0] : memref<50x256xf32, #tpu.memory_space<vmem>>, vector<50x256xf32>
    %get3A_2 = arith.constant 0 : index
    %get3A_3 = arith.constant 0 : index
    %get3A_4 = vector.load %arg1[%get3A_2, %get3A_3] : memref<50x256xf32, #tpu.memory_space<vmem>>, vector<50x256xf32>
    %add3A = arith.addf %get3A_1, %get3A_4 : vector<50x256xf32>
    %get3A_5 = arith.constant 0 : index
    %get3A_6 = arith.constant 0 : index
    %get3A_7 = vector.load %arg2[%get3A_5, %get3A_6] : memref<256x128xf32, #tpu.memory_space<vmem>>, vector<256x128xf32>
    %dot_general3A = arith.constant dense<0.000000e+00> : vector<50x128xf32>
    %dot_general3A_8 = tpu.matmul %add3A, %get3A_7, %dot_general3A {dimension_numbers = #tpu.dot_dimension_numbers<[1], [0], [0], [1], [0, 0, 1, 1], [], []>, transpose_lhs_hint = false} : vector<50x256xf32>, vector<256x128xf32>, vector<50x128xf32> -> vector<50x128xf32>
    %get3A_9 = arith.constant 0 : index
    %get3A_10 = arith.constant 0 : index
    %get3A_11 = vector.load %arg3[%get3A_9, %get3A_10] : memref<1x128xf32, #tpu.memory_space<vmem>>, vector<1x128xf32>
    %add3A_12 = vector.broadcast %get3A_11 : vector<1x128xf32> to vector<50x128xf32>
    %add3A_13 = arith.addf %dot_general3A_8, %add3A_12 : vector<50x128xf32>
    %max3A = arith.constant 0.000000e+00 : f32
    %max3A_14 = vector.broadcast %max3A : f32 to vector<50x128xf32>
    %max3A_15 = arith.maximumf %add3A_13, %max3A_14 : vector<50x128xf32>
    %get3A_16 = arith.constant 0 : index
    %get3A_17 = arith.constant 0 : index
    %get3A_18 = vector.load %arg4[%get3A_16, %get3A_17] : memref<128x32xf32, #tpu.memory_space<vmem>>, vector<128x32xf32>
    %dot_general3A_19 = arith.constant dense<0.000000e+00> : vector<50x32xf32>
    %dot_general3A_20 = tpu.matmul %max3A_15, %get3A_18, %dot_general3A_19 {dimension_numbers = #tpu.dot_dimension_numbers<[1], [0], [0], [1], [0, 0, 1, 1], [], []>, transpose_lhs_hint = false} : vector<50x128xf32>, vector<128x32xf32>, vector<50x32xf32> -> vector<50x32xf32>
    %get3A_21 = arith.constant 0 : index
    %get3A_22 = arith.constant 0 : index
    %get3A_23 = vector.load %arg5[%get3A_21, %get3A_22] : memref<1x32xf32, #tpu.memory_space<vmem>>, vector<1x32xf32>
    %add3A_24 = vector.broadcast %get3A_23 : vector<1x32xf32> to vector<50x32xf32>
    %add3A_25 = arith.addf %dot_general3A_20, %add3A_24 : vector<50x32xf32>
    %max3A_26 = arith.constant 0.000000e+00 : f32
    %max3A_27 = vector.broadcast %max3A_26 : f32 to vector<50x32xf32>
    %max3A_28 = arith.maximumf %add3A_25, %max3A_27 : vector<50x32xf32>
    %get3A_29 = arith.constant 0 : index
    %get3A_30 = arith.constant 0 : index
    %get3A_31 = vector.load %arg6[%get3A_29, %get3A_30] : memref<32x2xf32, #tpu.memory_space<vmem>>, vector<32x2xf32>
    %dot_general3A_32 = arith.constant dense<0.000000e+00> : vector<50x2xf32>
    %dot_general3A_33 = tpu.matmul %max3A_28, %get3A_31, %dot_general3A_32 {dimension_numbers = #tpu.dot_dimension_numbers<[1], [0], [0], [1], [0, 0, 1, 1], [], []>, transpose_lhs_hint = false} : vector<50x32xf32>, vector<32x2xf32>, vector<50x2xf32> -> vector<50x2xf32>
    %get3A_34 = arith.constant 0 : index
    %get3A_35 = arith.constant 0 : index
    %get3A_36 = vector.load %arg7[%get3A_34, %get3A_35] : memref<1x2xf32, #tpu.memory_space<vmem>>, vector<1x2xf32>
    %add3A_37 = vector.broadcast %get3A_36 : vector<1x2xf32> to vector<50x2xf32>
    %add3A_38 = arith.addf %dot_general3A_33, %add3A_37 : vector<50x2xf32>
    %reduce_max3A = arith.constant dense<0xFF800000> : vector<50xf32>
    %reduce_max3A_39 = vector.multi_reduction <maximumf>, %add3A_38, %reduce_max3A [1] : vector<50x2xf32> to vector<50xf32>
    %broadcast_in_dim3A = vector.shape_cast %reduce_max3A_39 : vector<50xf32> to vector<50x1xf32>
    %sub3A = vector.broadcast %broadcast_in_dim3A : vector<50x1xf32> to vector<50x2xf32>
    %sub3A_40 = arith.subf %add3A_38, %sub3A : vector<50x2xf32>
    %exp3A = math.exp %sub3A_40 : vector<50x2xf32>
    %reduce_sum3A = arith.constant dense<0.000000e+00> : vector<50xf32>
    %reduce_sum3A_41 = vector.multi_reduction <add>, %exp3A, %reduce_sum3A [1] : vector<50x2xf32> to vector<50xf32>
    %broadcast_in_dim3A_42 = vector.shape_cast %reduce_sum3A_41 : vector<50xf32> to vector<50x1xf32>
    %log3A = math.log %broadcast_in_dim3A_42 : vector<50x1xf32>
    %add3A_43 = arith.addf %broadcast_in_dim3A, %log3A : vector<50x1xf32>
    %sub3A_44 = vector.broadcast %add3A_43 : vector<50x1xf32> to vector<50x2xf32>
    %sub3A_45 = arith.subf %add3A_38, %sub3A_44 : vector<50x2xf32>
    %swap3A = arith.constant 0 : index
    %swap3A_46 = arith.constant 0 : index
    %swap3A_47 = vector.load %arg8[%swap3A, %swap3A_46] : memref<50x2xf32, #tpu.memory_space<vmem>>, vector<50x2xf32>
    tpu.vector_store %arg8[%swap3A, %swap3A_46], %sub3A_45 {strides = array<i32>} : memref<50x2xf32, #tpu.memory_space<vmem>>, vector<50x2xf32>,
    return
  }
}

</mosaic_0001>

<sc_bundles>
// kernel: kernel.11.cloned.1.call-start
scs
__scs_entry_jumppad:
0x0: {  	(pc) =	sbr.rel $0x88, $3  }
0x1: {  	(tag) =	ssettag $0x0;
	lr =	simm.s32 $0x1  }
0x2: {  	[smem:$0x3F91] =	sst lr;
	_ =	strace $0xD0000000  }
0x3: {  	_ = 	snop  }
0x4: {  	_ = 	snop  }
0x5: {  	_ = 	snop  }
0x6: {  	_ = 	snop  }
0x7: {  	_ = 	snop  }
__scs_overlays_trampoline_lowered:
0x8: {  	[smem:$0x3FA0] =	sst s0  }
0x9: {  	[smem:$0x3FA1] =	sst s1  }
0xa: {  	[smem:$0x3FA2] =	sst s2  }
0xb: {  	[smem:$0x3FA3] =	sst s3  }
0xc: {  	[smem:$0x3FA4] =	sst s4  }
0xd: {  	[smem:$0x3FA5] =	sst s5  }
0xe: {  	[smem:$0x3FA6] =	sst s6  }
0xf: {  	[smem:$0x3FA7] =	sst s7  }
0x10: {  	[smem:$0x3FA8] =	sst s8  }
0x11: {  	[smem:$0x3FA9] =	sst s9;
	s0 =	simm.s32 @!p0 $0x0  }
0x12: {  	s1 =	sld [smem:$0x3F8F];
	s0 =	simm.s32 @p0 $0x1  }
0x13: {  	[smem:$0x3FAA] =	sst s0;
	s0 =	simm.s32 @!p1 $0x0  }
0x14: {  	s2 =	sld [smem:$0x3F8E];
	s0 =	simm.s32 @p1 $0x1  }
0x15: {  	[smem:$0x3FAB] =	sst s0;
	s0 =	simm.s32 @!p2 $0x0  }
0x16: {  	s3 =	sld [smem:$0x3FDB];
	s0 =	simm.s32 @p2 $0x1  }
0x17: {  	s4 =	simm.s32 $0x1BF5;
	[smem:$0x3FAD] =	sst s0  }
0x18: {  	s0 =	sld [smem:$0x3F90];
	_ =	swait.ge [sflag:s4], $0x0  }
0x19: {  	s7 =	sld [smem:$0x3F91]  }
0x1a: {  	s8 =	sadd.s32 $0xFFFFE003, lr  }
0x1b: {  	s9 =	sadd.s32 $0xFFFFFEF7, lr;
	s5 =	simm.s32 $0xFFFFFFFF;
	p2 =	slt.u32 s8, $0xFFFFF086  }
0x1c: {  	p1 =	slt.u32 s9, $0xF7A;
	s5 =	simm.s32 @!p2 $0x0  }
0x1d: {  	s5 =	simm.s32 @p1 $0x1;
	p0 =	seq.s32 s7, s2  }
0x1e: {  	s7 =	smul.u32 @!p0 $0xF7A, s2;
	p2 =	seq.s32 @!p0 s5, $0x0  }
0x1f: {  	s9 =	smul.u32 $0xF7A, s1;
	s8 =	simm.s32 @!p0 $0x1BF5;
	p2 =	por !p2, p0  }
0x20: {  	[sflag:s8] =	ssyncset.s32 @!p0 $0xFFFFF086;
	s6 =	sadd.s32 @!p0 s3, s7;
	s7 =	simm.s32 @!p0 $0x108  }
0x21: {  	s3 =	sadd.s32 s3, s9;
	s6 =	sadd.s32 @!p0 $0x88, s6;
	s7 =	simm.s32 @p2 $0x1082  }
0x22: {  	[simem:s7], [sflag:s8] =	dma.local @!p0 [hbm:s6], $0xF7A  }
0x23: {  	s9 =	sor.u32 $0xD0000000, s2;
	s6 =	simm.s32 $0x108;
	_ =	swait.ge @!p0 [sflag:s8], $0x0  }
0x24: {  	s3 =	sadd.s32 $0x88, s3;
	s6 =	simm.s32 @!p1 $0x1082;
	[sflag:s4] =	ssyncset.s32 $0xFFFFF086  }
0x25: {  	[simem:s6], [sflag:s4] =	dma.local [hbm:s3], $0xF7A  }
0x26: {  	[smem:$0x3F91] =	sst s1;
	(tag) =	ssettag s2;
	_ =	strace s9  }
0x27: {  	s1 =	sld [smem:$0x3FA1]  }
0x28: {  	s2 =	sld [smem:$0x3FA2]  }
0x29: {  	s4 =	sld [smem:$0x3FA4]  }
0x2a: {  	p0 =	seq.s32 s5, $0x0;
	s5 =	sld [smem:$0x3FA5]  }
0x2b: {  	s6 =	sld [smem:$0x3FA6]  }
0x2c: {  	s7 =	sld [smem:$0x3FA7]  }
0x2d: {  	s3 =	simm.s32 $0x108;
	s8 =	sld [smem:$0x3FA8]  }
0x2e: {  	s3 =	simm.s32 @!p0 $0x1082;
	s9 =	sld [smem:$0x3FA9]  }
0x2f: {  	lr =	sadd.s32 s0, s3;
	s0 =	sld [smem:$0x3FA0]  }
0x30: {  	s3 =	sld [smem:$0x3FA3]  }
0x31: {  	[smem:$0x3FAC] =	sst s10  }
0x32: {  	s10 =	sld [smem:$0x3FAA];
	_ =	sdelay $0x3  }
0x33: {  	p0 =	seq.s32 s10, $0x1;
	s10 =	sld [smem:$0x3FAC];
	_ =	sdelay $0x3  }
0x34: {  	[smem:$0x3FAC] =	sst s10  }
0x35: {  	s10 =	sld [smem:$0x3FAB];
	_ =	sdelay $0x3  }
0x36: {  	p1 =	seq.s32 s10, $0x1;
	s10 =	sld [smem:$0x3FAC];
	_ =	sdelay $0x3  }
0x37: {  	[smem:$0x3FAC] =	sst s10  }
0x38: {  	s10 =	sld [smem:$0x3FAD]  }
0x39: {  	_ = 	snop;
	(pc) =	sbr.ind lr, $3  }
0x3a: {  	_ = 	snop  }
0x3b: {  	_ = 	snop  }
0x3c: {  	p2 =	seq.s32 s10, $0x1;
	s10 =	sld [smem:$0x3FAC]  }
0x3d: {  	_ =	shalt  }
0x3e: {  	_ =	shalt  }
0x3f: {  	_ =	shalt  }
0x40: {  	_ =	shalt  }
0x41: {  	_ =	shalt  }
0x42: {  	_ =	shalt  }
0x43: {  	_ =	shalt  }
0x44: {  	_ =	shalt  }
0x45: {  	_ =	shalt  }
0x46: {  	_ =	shalt  }
0x47: {  	_ =	shalt  }
0x48: {  	_ =	shalt  }
0x49: {  	_ =	shalt  }
0x4a: {  	_ =	shalt  }
0x4b: {  	_ =	shalt  }
0x4c: {  	_ =	shalt  }
0x4d: {  	_ =	shalt  }
0x4e: {  	_ =	shalt  }
0x4f: {  	_ =	shalt  }
0x50: {  	_ =	shalt  }
0x51: {  	_ =	shalt  }
0x52: {  	_ =	shalt  }
0x53: {  	_ =	shalt  }
0x54: {  	_ =	shalt  }
0x55: {  	_ =	shalt  }
0x56: {  	_ =	shalt  }
0x57: {  	_ =	shalt  }
0x58: {  	_ =	shalt  }
0x59: {  	_ =	shalt  }
0x5a: {  	_ =	shalt  }
0x5b: {  	_ =	shalt  }
0x5c: {  	_ =	shalt  }
0x5d: {  	_ =	shalt  }
0x5e: {  	_ =	shalt  }
0x5f: {  	_ =	shalt  }
0x60: {  	_ =	shalt  }
0x61: {  	_ =	shalt  }
0x62: {  	_ =	shalt  }
0x63: {  	_ =	shalt  }
0x64: {  	_ =	shalt  }
0x65: {  	_ =	shalt  }
0x66: {  	_ =	shalt  }
0x67: {  	_ =	shalt  }
0x68: {  	_ =	shalt  }
0x69: {  	_ =	shalt  }
0x6a: {  	_ =	shalt  }
0x6b: {  	_ =	shalt  }
0x6c: {  	_ =	shalt  }
0x6d: {  	_ =	shalt  }
0x6e: {  	_ =	shalt  }
0x6f: {  	_ =	shalt  }
0x70: {  	_ =	shalt  }
0x71: {  	_ =	shalt  }
0x72: {  	_ =	shalt  }
0x73: {  	_ =	shalt  }
0x74: {  	_ =	shalt  }
0x75: {  	_ =	shalt  }
0x76: {  	_ =	shalt  }
0x77: {  	_ =	shalt  }
0x78: {  	_ =	shalt  }
0x79: {  	_ =	shalt  }
0x7a: {  	_ =	shalt  }
0x7b: {  	_ =	shalt  }
0x7c: {  	_ =	shalt  }
0x7d: {  	_ =	shalt  }
0x7e: {  	_ =	shalt  }
0x7f: {  	_ =	shalt  }
0x80: {  	_ =	shalt  }
0x81: {  	_ =	shalt  }
0x82: {  	_ =	shalt  }
0x83: {  	_ =	shalt  }
0x84: {  	_ =	shalt  }
0x85: {  	_ =	shalt  }
0x86: {  	_ =	shalt  }
0x87: {  	_ =	shalt  }
.Lfunc_end0:
.L_simem_size_0:
called_computation_lowered:
.L_overlay_start_0:
0x88: {  	s2 =	sld [smem:$0x3FD9]  }
0x89: {  	s3 =	sld [smem:$0x3FFE];
	_ =	sdelay $0x1  }
0x8a: {  	s1 =	srdreg.scid  }
0x8b: {  	s0 =	sand.u32 $0x1, s1  }
0x8c: {  	s16 =	sshll.u32 s0, $0xA;
	s2 =	sadd.s32 s3, s2  }
0x8d: {  	s2 =	sadd.s32 s2, s16  }
0x8e: {  	[smem:$0x3FB8] =	sst s2  }
0x8f: {  	_ = 	snop  }
0x90: {  	(tm) =	ssettm $0x1  }
0x91: {  	s17 =	sld [smem:$0x3FFB];
	_ =	sdelay $0x3  }
0x92: {  	_ =	strace s17  }
0x93: {  	s2 =	sld [smem:$0x3FFC];
	_ =	sdelay $0x3  }
0x94: {  	_ =	strace s2  }
0x95: {  	s2 =	sld [smem:$0x3FFD];
	_ =	sdelay $0x3  }
0x96: {  	_ =	strace s2  }
0x97: {  	_ =	strace $0x8FFFFFFF  }
0x98: {  	s18 =	sld [smem:$0x3FDB];
	_ =	sdelay $0x1  }
0x99: {  	s19 =	simm.s32 $_scs_section_size  }
0x9a: {  	s4 =	simm.s32 $_size__tile_overlayer_lowered;
	s5 =	simm.s32 $_tile_overlayer_lowered  }
0x9b: {  	s22 =	simm.s32 $0x1BFF;
	s21 =	sshll.u32 s5, $0x1;
	s2 =	sadd.s32 s19, s18  }
0x9c: {  	s6 =	simm.s32 $0x0;
	s20 =	sshll.u32 s4, $0x1;
	s4 =	sadd.s32 s21, s2  }
0x9d: {  	[timem:s6], [sflag:s22] =	dma.local [hbm:s4], s20  }
0x9e: {  	_ =	swait.ge [sflag:s22], s20  }
0x9f: {  	s3 =	ssub.s32 $0x0, s20;
	[sflag:s22] =	ssyncset.done $0x0  }
0xa0: {  	[sflag:s22] =	ssyncadd.s32 s3;
	_ =	sdelay $0x1  }
0xa1: {  	s23 =	simm.s32 $0x1B8B  }
0xa2: {  	_ =	swait.ge [sflag:s23], $0x1  }
0xa3: {  	[sflag:s23] =	ssyncset.done $0x0  }
0xa4: {  	s25 =	simm.s32 $0x1B8E;
	s24 =	sld [smem:$0x3FFE];
	[sflag:s23] =	ssyncadd.s32 $0xFFFFFFFF  }
0xa5: {  	s26 =	simm.s32 $execute0_lowered;
	[smem:$0x3FD2] =	sst s25  }
0xa6: {  	s4 =	sshll.u32 s26, $0x1;
	_ =	strace $0x80000046;
	[dreg:$0x1] =	wrdreg $0xFFFFFFFF  }
0xa7: {  	s28 =	simm.s32 $_size_execute0_lowered;
	s2 =	sadd.s32 s2, s4;
	[dreg:$0x0] =	wrdreg $0x0  }
0xa8: {  	s4 =	sshll.u32 s28, $0x1;
	[dreg:$0x2] =	wrdreg s2  }
0xa9: {  	[dreg:$0x3] =	wrdreg s4  }
0xaa: {  	[dreg:$0x4] =	wrdreg $0xC0  }
0xab: {  	_ =	task [dreg:s6], $0x5FFFF  }
0xac: {  	[dreg:$0x1] =	wrdreg $0xFFFFFFFF  }
0xad: {  	[dreg:$0x0] =	wrdreg $0x60  }
0xae: {  	[dreg:$0x2] =	wrdreg s24  }
0xaf: {  	[dreg:$0x3] =	wrdreg $0xCC800  }
0xb0: {  	[dreg:$0x4] =	wrdreg $0x9  }
0xb1: {  	_ =	task.clear_ibuf [dreg:s6], $0x5FFFF;
	_ =	strace $0x90000046  }
0xb2: {  	s29 =	simm.s32 $0x9;
	_ =	strace $0x80000048  }
0xb3: {  	_ =	swait.ge [sflag:s29], $0x1  }
0xb4: {  	[sflag:s29] =	ssyncadd.s32 $0xFFFFFFFF  }
0xb5: {  	_ =	strace $0x90000048  }
0xb6: {  	_ =	sfence  }
0xb7: {  	s30 =	sld [smem:$0x0];
	_ =	sdelay $0x2  }
0xb8: {  	s31 =	sshll.u32 s1, $0xD;
	s1 =	sshrl.u32 s1, $0x2  }
0xb9: {  	s3 =	sand.u32 $0x4000, s31;
	s1 =	sadd.s32 s1, s30  }
0xba: {  	s0 =	sor.u32 s3, s0;
	s1 =	sshll.u32 s1, $0x11  }
0xbb: {  	s0 =	sor.u32 s1, s0  }
0xbc: {  	s0 =	sadd.s32 $0x8F2B, s0  }
0xbd: {  	[sflag:s0] =	ssyncadd.remote.s32 $0x1  }
0xbe: {  	_ =	sfence.sel $0xFFFF  }
0xbf: {  	[dreg:$0x0] =	wrdreg $0xFFFFFFFF;
	(pc) =	sbr.abs _section_cstart, $3  }
0xc0: {  	[dreg:$0x1] =	wrdreg $0xFFFFFFFF  }
0xc1: {  	_ =	task.clear_ibuf [dreg:s6], $0x2FFFF;
	_ =	strace $0x9FFFFFFF  }
0xc2: {  	(tm) =	ssettm $0x7FFFFFFF  }
0xc3: {  	_ =	shalt  }
tec
execute0_lowered:
.L_overlay_start_1:
0x0: {  	(tag) =	ssettag $0x1  }
0x1: {  	s5 =	rddreg [dreg:$0x0]  }
0x2: {  	s0 =	srdreg.scid;
	s2 =	rddreg [dreg:$0x1]  }
0x3: {  	s1 =	stileid.u32;
	s3 =	simm.s32 $0x0;
	s11 =	simm.s32 $0x900  }
0x4: {  	s12 =	simm.s32 $0x2;
	s13 =	simm.s32 $0x80;
	s14 =	simm.s32 $0x100  }
0x5: {  	s15 =	simm.s32 $0x1;
	s6 =	sand.u32 $0x1, s0;
	s0 =	rddreg [dreg:$0x2]  }
0x6: {  	s18 =	simm.s32 $0x0;
	s8 =	smul.u32 $0xC380, s1;
	[smem:$0x7FF] =	sst s3  }
0x7: {  	s9 =	sshll.u32 s1, $0x7;
	s4 =	sadd.s32 $0xFB800, s5;
	s7 =	smul.u32 $0x61A80, s6  }
0x8: {  	s31 =	ssub.s32 $0xC44, s1;
	s16 =	sshll.u32 s1, $0x6;
	s10 =	smul.u32 $0xC3800, s6  }
0x9: {  	_ =	strace $0x80000047;
	s6 =	ssub.s32 $0x2, s6;
	s16 =	sor.u32 $0x1C02, s16  }
0xa: {  	s30 =	sshrl.u32 s6, $0x1;
	s7 =	sadd.s32 s9, s7;
	s26 =	sadd.s32 s8, s10  }
0xb: {  	s9 =	ssub.s32 s6, s30;
	s7 =	sshrl.u32 s7, $0x3;
	s29 =	sshrl.u32 s26, $0x3  }
0xc: {  	s6 =	sshrl.u32 s31, $0x4;
	s28 =	sadd.s32 s7, s5;
	s7 =	sadd.s32 s29, s5  }
0xd: {  	s5 =	sadd.s32 s8, s2;
	s8 =	smax.u32 s9, $0x1;
	s7 =	sadd.s32 $0x114000, s7  }
0xe: {  	v0 =	vimm.f32 $0.0e+00;
	s9 =	sadd.s32 $0x7200, s28;
	s10 =	sadd.s32 $0x1FA00, s28;
	s17 =	sshrl.u32 s5, $0x3  }
.LBB2_1:
0xf: {  	s19 =	simm.s32 $0x40;
	s20 =	simm.s32 $0x0  }
.LBB2_2:
0x10: {  	p0 =	sne.s32 s19, $0x30DC0;
	[tilespmem:s20+$0x900] =	vst v0;
	s20 =	smov.u32 s19;
	s19 =	sadd.s32 $0x40, s19  }
.Ltmp0:
0x11: {  	(pc) =	sbr.rel @p0 .LBB2_2-.Ltmp0, $2  }
0x12: {  	_ =	sdelay $0x2  }
0x13: {  	s20 =	sshra.s32 s20, $0x2  }
0x14: {  	[tilespmem:s20+$0x900] =	vst v0  }
0x15: {  	[spmem:s5] =	stream.linear.scatter [tilespmem:s11], [sflag:$0x2], $0xC380, $0x38;
	[tilespmem:$0x19000] =	vst v63  }
0x16: {  	_ =	swait.ge [sflag:s12], $0xC380  }
0x17: {  	[sflag:s12] =	ssyncset.done $0x0  }
0x18: {  	[sflag:s12] =	ssyncadd.s32 $0xFFFF3C80  }
0x19: {  	[bflag:$0x0] =	sbarrier.arrive $0xFFFF  }
0x1a: {  	[tilespmem:s3], [sflag:$0x2] =	stream.linear.gather [hbm4b:s10+s3], $0x80, $0x38;
	[tilespmem:$0x19000] =	vst v63  }
0x1b: {  	_ =	swait.ge [sflag:s12], $0x80  }
0x1c: {  	[sflag:s12] =	ssyncset.done $0x0  }
0x1d: {  	[sflag:s12] =	ssyncadd.s32 $0xFFFFFF80  }
0x1e: {  	[tilespmem:s13], [sflag:$0x2] =	stream.linear.gather [hbm4b:s9+s3], $0x80, $0x38;
	[tilespmem:$0x19000] =	vst v63  }
0x1f: {  	_ =	swait.ge [sflag:s12], $0x80  }
0x20: {  	[sflag:s12] =	ssyncset.done $0x0  }
0x21: {  	[sflag:s12] =	ssyncadd.s32 $0xFFFFFF80  }
0x22: {  	[tilespmem:s14], [sflag:$0x1] =	stream.indirect.gather [hbm4b:s4+s13], $0x10, s3, s13, $0xb8;
	[tilespmem:$0x19000] =	vst v63  }
0x23: {  	p0 =	sne.s32 s6, $0x1;
	_ =	swait.ge [sflag:s15], $0x800  }
.Ltmp1:
0x24: {  	[sflag:s15] =	ssyncset.done $0x0;
	(pc) =	sbr.rel @!p0 .LBB2_5-.Ltmp1, $4  }
0x25: {  	[sflag:s15] =	ssyncadd.s32 $0xFFFFF800  }
0x26: {  	[spmem:s2] =	stream.indirect.scatter.add.f32 [tilespmem:s14], [sflag:$0x2], $0x10, s13, s13, $0xb8;
	[tilespmem:$0x19000] =	vst v63  }
0x27: {  	s19 =	sadd.s32 $0xFFFFFFFF, s6;
	_ =	swait.ge [sflag:s12], $0x800  }
0x28: {  	s20 =	smov.u32 s9;
	s21 =	smov.u32 s10;
	[sflag:s12] =	ssyncset.done $0x0  }
.LBB2_4:
0x29: {  	[sflag:s12] =	ssyncadd.s32 $0xFFFFF800;
	s20 =	sadd.s32 $0x100, s20;
	s21 =	sadd.s32 $0x100, s21  }
0x2a: {  	[tilespmem:s3], [sflag:$0x2] =	stream.linear.gather [hbm4b:s21+s3], $0x80, $0x38;
	[tilespmem:$0x19000] =	vst v63  }
0x2b: {  	p0 =	sne.s32 s19, $0x1;
	s19 =	sadd.s32 $0xFFFFFFFF, s19;
	_ =	swait.ge [sflag:s12], $0x80  }
0x2c: {  	[sflag:s12] =	ssyncset.done $0x0  }
0x2d: {  	[sflag:s12] =	ssyncadd.s32 $0xFFFFFF80  }
0x2e: {  	[tilespmem:s13], [sflag:$0x2] =	stream.linear.gather [hbm4b:s20+s3], $0x80, $0x38;
	[tilespmem:$0x19000] =	vst v63  }
0x2f: {  	_ =	swait.ge [sflag:s12], $0x80  }
0x30: {  	[sflag:s12] =	ssyncset.done $0x0  }
0x31: {  	[sflag:s12] =	ssyncadd.s32 $0xFFFFFF80  }
0x32: {  	[tilespmem:s14], [sflag:$0x1] =	stream.indirect.gather [hbm4b:s4+s13], $0x10, s3, s13, $0xb8;
	[tilespmem:$0x19000] =	vst v63  }
0x33: {  	_ =	swait.ge [sflag:s15], $0x800  }
.Ltmp2:
0x34: {  	[sflag:s15] =	ssyncset.done $0x0;
	(pc) =	sbr.rel @p0 .LBB2_4-.Ltmp2, $4  }
0x35: {  	[sflag:s15] =	ssyncadd.s32 $0xFFFFF800  }
0x36: {  	[spmem:s2] =	stream.indirect.scatter.add.f32 [tilespmem:s14], [sflag:$0x2], $0x10, s13, s13, $0xb8;
	[tilespmem:$0x19000] =	vst v63  }
0x37: {  	_ =	swait.ge [sflag:s12], $0x800  }
0x38: {  	[sflag:s12] =	ssyncset.done $0x0  }
.LBB2_5:
0x39: {  	[sflag:s12] =	ssyncadd.s32 $0xFFFFF800;
	s18 =	sadd.s32 $0x1, s18  }
0x3a: {  	[bflag:$0x0] =	sbarrier.arrive $0xFFFF;
	p0 =	sne.s32 s18, s8  }
0x3b: {  	[hbm:s7], [sflag:s16] =	dma.local [spmem:s17], $0x1870  }
.Ltmp3:
0x3c: {  	_ =	swait.ge [sflag:s12], $0x1870;
	(pc) =	sbr.rel @p0 .LBB2_1-.Ltmp3, $3  }
0x3d: {  	[sflag:s12] =	ssyncset.done $0x0  }
0x3e: {  	[sflag:s12] =	ssyncadd.s32 $0xFFFFE790  }
0x3f: {  	[bflag:$0x0] =	sbarrier.arrive $0xFFFF;
	_ =	sdelay $0x1  }
0x40: {  	_ =	sfence.sel $0x180000  }
0x41: {  	[bflag:$0x0] =	sbarrier.arrive $0xFFFF  }
0x42: {  	p0 =	sne.s32 s1, $0x0;
	_ =	strace $0x90000047  }
0x43: {  	s0 =	sadd.s32 @!p0 $0x100000, s0;
	[bflag:$0x2] =	sbarrier.arrive $0xFFFF  }
0x44: {  	[sflag:s0] =	ssyncadd.tile.s32 @!p0 $0x1;
	_ =	shalt  }
.Lfunc_end2:
_tile_overlayer_lowered:
.L_overlay_start_2:
0x45: {  	(tag) =	ssettag $0x2  }
0x46: {  	s0 =	rddreg [dreg:$0x0];
	s2 =	stileid.u32  }
0x47: {  	s1 =	rddreg [dreg:$0x1];
	p0 =	sne.s32 s2, $0x0  }
0x48: {  	s3 =	rddreg [dreg:$0x2];
	[bflag:$0x3] =	sbarrier.arrive $0xFFFF;
	s2 =	simm.s32 @!p0 $0x1C02  }
0x49: {  	[timem:s3], [sflag:s2] =	dma.local @!p0 [hbm:s0], s1  }
0x4a: {  	s0 =	simm.s32 @!p0 $0x2  }
0x4b: {  	_ =	swait.ge @!p0 [sflag:s0], s1  }
0x4c: {  	s1 =	ssub.s32 @!p0 $0x0, s1;
	[sflag:s0] =	ssyncset.done @!p0 $0x0  }
0x4d: {  	[sflag:s0] =	ssyncadd.s32 @!p0 s1  }
0x4e: {  	[bflag:$0x3] =	sbarrier.arrive $0xFFFF  }
0x4f: {  	_ =	shalt  }

// kernel: kernel.14.cloned.1.call-start
scs
__scs_entry_jumppad:
0x0: {  	(pc) =	sbr.rel $0x88, $3  }
0x1: {  	(tag) =	ssettag $0x0;
	lr =	simm.s32 $0x1  }
0x2: {  	[smem:$0x3F91] =	sst lr;
	_ =	strace $0xD0000000  }
0x3: {  	_ = 	snop  }
0x4: {  	_ = 	snop  }
0x5: {  	_ = 	snop  }
0x6: {  	_ = 	snop  }
0x7: {  	_ = 	snop  }
__scs_overlays_trampoline_lowered:
0x8: {  	[smem:$0x3FA0] =	sst s0  }
0x9: {  	[smem:$0x3FA1] =	sst s1  }
0xa: {  	[smem:$0x3FA2] =	sst s2  }
0xb: {  	[smem:$0x3FA3] =	sst s3  }
0xc: {  	[smem:$0x3FA4] =	sst s4  }
0xd: {  	[smem:$0x3FA5] =	sst s5  }
0xe: {  	[smem:$0x3FA6] =	sst s6  }
0xf: {  	[smem:$0x3FA7] =	sst s7  }
0x10: {  	[smem:$0x3FA8] =	sst s8  }
0x11: {  	[smem:$0x3FA9] =	sst s9;
	s0 =	simm.s32 @!p0 $0x0  }
0x12: {  	s1 =	sld [smem:$0x3F8F];
	s0 =	simm.s32 @p0 $0x1  }
0x13: {  	[smem:$0x3FAA] =	sst s0;
	s0 =	simm.s32 @!p1 $0x0  }
0x14: {  	s2 =	sld [smem:$0x3F8E];
	s0 =	simm.s32 @p1 $0x1  }
0x15: {  	[smem:$0x3FAB] =	sst s0;
	s0 =	simm.s32 @!p2 $0x0  }
0x16: {  	s3 =	sld [smem:$0x3FDB];
	s0 =	simm.s32 @p2 $0x1  }
0x17: {  	s4 =	simm.s32 $0x1BF5;
	[smem:$0x3FAD] =	sst s0  }
0x18: {  	s0 =	sld [smem:$0x3F90];
	_ =	swait.ge [sflag:s4], $0x0  }
0x19: {  	s7 =	sld [smem:$0x3F91]  }
0x1a: {  	s8 =	sadd.s32 $0xFFFFE003, lr  }
0x1b: {  	s9 =	sadd.s32 $0xFFFFFEF7, lr;
	s5 =	simm.s32 $0xFFFFFFFF;
	p2 =	slt.u32 s8, $0xFFFFF086  }
0x1c: {  	p1 =	slt.u32 s9, $0xF7A;
	s5 =	simm.s32 @!p2 $0x0  }
0x1d: {  	s5 =	simm.s32 @p1 $0x1;
	p0 =	seq.s32 s7, s2  }
0x1e: {  	s7 =	smul.u32 @!p0 $0xF7A, s2;
	p2 =	seq.s32 @!p0 s5, $0x0  }
0x1f: {  	s9 =	smul.u32 $0xF7A, s1;
	s8 =	simm.s32 @!p0 $0x1BF5;
	p2 =	por !p2, p0  }
0x20: {  	[sflag:s8] =	ssyncset.s32 @!p0 $0xFFFFF086;
	s6 =	sadd.s32 @!p0 s3, s7;
	s7 =	simm.s32 @!p0 $0x108  }
0x21: {  	s3 =	sadd.s32 s3, s9;
	s6 =	sadd.s32 @!p0 $0x88, s6;
	s7 =	simm.s32 @p2 $0x1082  }
0x22: {  	[simem:s7], [sflag:s8] =	dma.local @!p0 [hbm:s6], $0xF7A  }
0x23: {  	s9 =	sor.u32 $0xD0000000, s2;
	s6 =	simm.s32 $0x108;
	_ =	swait.ge @!p0 [sflag:s8], $0x0  }
0x24: {  	s3 =	sadd.s32 $0x88, s3;
	s6 =	simm.s32 @!p1 $0x1082;
	[sflag:s4] =	ssyncset.s32 $0xFFFFF086  }
0x25: {  	[simem:s6], [sflag:s4] =	dma.local [hbm:s3], $0xF7A  }
0x26: {  	[smem:$0x3F91] =	sst s1;
	(tag) =	ssettag s2;
	_ =	strace s9  }
0x27: {  	s1 =	sld [smem:$0x3FA1]  }
0x28: {  	s2 =	sld [smem:$0x3FA2]  }
0x29: {  	s4 =	sld [smem:$0x3FA4]  }
0x2a: {  	p0 =	seq.s32 s5, $0x0;
	s5 =	sld [smem:$0x3FA5]  }
0x2b: {  	s6 =	sld [smem:$0x3FA6]  }
0x2c: {  	s7 =	sld [smem:$0x3FA7]  }
0x2d: {  	s3 =	simm.s32 $0x108;
	s8 =	sld [smem:$0x3FA8]  }
0x2e: {  	s3 =	simm.s32 @!p0 $0x1082;
	s9 =	sld [smem:$0x3FA9]  }
0x2f: {  	lr =	sadd.s32 s0, s3;
	s0 =	sld [smem:$0x3FA0]  }
0x30: {  	s3 =	sld [smem:$0x3FA3]  }
0x31: {  	[smem:$0x3FAC] =	sst s10  }
0x32: {  	s10 =	sld [smem:$0x3FAA];
	_ =	sdelay $0x3  }
0x33: {  	p0 =	seq.s32 s10, $0x1;
	s10 =	sld [smem:$0x3FAC];
	_ =	sdelay $0x3  }
0x34: {  	[smem:$0x3FAC] =	sst s10  }
0x35: {  	s10 =	sld [smem:$0x3FAB];
	_ =	sdelay $0x3  }
0x36: {  	p1 =	seq.s32 s10, $0x1;
	s10 =	sld [smem:$0x3FAC];
	_ =	sdelay $0x3  }
0x37: {  	[smem:$0x3FAC] =	sst s10  }
0x38: {  	s10 =	sld [smem:$0x3FAD]  }
0x39: {  	_ = 	snop;
	(pc) =	sbr.ind lr, $3  }
0x3a: {  	_ = 	snop  }
0x3b: {  	_ = 	snop  }
0x3c: {  	p2 =	seq.s32 s10, $0x1;
	s10 =	sld [smem:$0x3FAC]  }
0x3d: {  	_ =	shalt  }
0x3e: {  	_ =	shalt  }
0x3f: {  	_ =	shalt  }
0x40: {  	_ =	shalt  }
0x41: {  	_ =	shalt  }
0x42: {  	_ =	shalt  }
0x43: {  	_ =	shalt  }
0x44: {  	_ =	shalt  }
0x45: {  	_ =	shalt  }
0x46: {  	_ =	shalt  }
0x47: {  	_ =	shalt  }
0x48: {  	_ =	shalt  }
0x49: {  	_ =	shalt  }
0x4a: {  	_ =	shalt  }
0x4b: {  	_ =	shalt  }
0x4c: {  	_ =	shalt  }
0x4d: {  	_ =	shalt  }
0x4e: {  	_ =	shalt  }
0x4f: {  	_ =	shalt  }
0x50: {  	_ =	shalt  }
0x51: {  	_ =	shalt  }
0x52: {  	_ =	shalt  }
0x53: {  	_ =	shalt  }
0x54: {  	_ =	shalt  }
0x55: {  	_ =	shalt  }
0x56: {  	_ =	shalt  }
0x57: {  	_ =	shalt  }
0x58: {  	_ =	shalt  }
0x59: {  	_ =	shalt  }
0x5a: {  	_ =	shalt  }
0x5b: {  	_ =	shalt  }
0x5c: {  	_ =	shalt  }
0x5d: {  	_ =	shalt  }
0x5e: {  	_ =	shalt  }
0x5f: {  	_ =	shalt  }
0x60: {  	_ =	shalt  }
0x61: {  	_ =	shalt  }
0x62: {  	_ =	shalt  }
0x63: {  	_ =	shalt  }
0x64: {  	_ =	shalt  }
0x65: {  	_ =	shalt  }
0x66: {  	_ =	shalt  }
0x67: {  	_ =	shalt  }
0x68: {  	_ =	shalt  }
0x69: {  	_ =	shalt  }
0x6a: {  	_ =	shalt  }
0x6b: {  	_ =	shalt  }
0x6c: {  	_ =	shalt  }
0x6d: {  	_ =	shalt  }
0x6e: {  	_ =	shalt  }
0x6f: {  	_ =	shalt  }
0x70: {  	_ =	shalt  }
0x71: {  	_ =	shalt  }
0x72: {  	_ =	shalt  }
0x73: {  	_ =	shalt  }
0x74: {  	_ =	shalt  }
0x75: {  	_ =	shalt  }
0x76: {  	_ =	shalt  }
0x77: {  	_ =	shalt  }
0x78: {  	_ =	shalt  }
0x79: {  	_ =	shalt  }
0x7a: {  	_ =	shalt  }
0x7b: {  	_ =	shalt  }
0x7c: {  	_ =	shalt  }
0x7d: {  	_ =	shalt  }
0x7e: {  	_ =	shalt  }
0x7f: {  	_ =	shalt  }
0x80: {  	_ =	shalt  }
0x81: {  	_ =	shalt  }
0x82: {  	_ =	shalt  }
0x83: {  	_ =	shalt  }
0x84: {  	_ =	shalt  }
0x85: {  	_ =	shalt  }
0x86: {  	_ =	shalt  }
0x87: {  	_ =	shalt  }
.Lfunc_end0:
.L_simem_size_0:
called_computation.1_lowered:
.L_overlay_start_0:
0x88: {  	s2 =	sld [smem:$0x3FD9]  }
0x89: {  	s3 =	sld [smem:$0x3FFE];
	_ =	sdelay $0x1  }
0x8a: {  	s1 =	srdreg.scid  }
0x8b: {  	s0 =	sand.u32 $0x1, s1  }
0x8c: {  	s16 =	sshll.u32 s0, $0xA;
	s2 =	sadd.s32 s3, s2  }
0x8d: {  	s2 =	sadd.s32 s2, s16  }
0x8e: {  	[smem:$0x3FB8] =	sst s2  }
0x8f: {  	_ = 	snop  }
0x90: {  	(tm) =	ssettm $0x1  }
0x91: {  	s17 =	sld [smem:$0x3FFB];
	_ =	sdelay $0x3  }
0x92: {  	_ =	strace s17  }
0x93: {  	s2 =	sld [smem:$0x3FFC];
	_ =	sdelay $0x3  }
0x94: {  	_ =	strace s2  }
0x95: {  	s2 =	sld [smem:$0x3FFD];
	_ =	sdelay $0x3  }
0x96: {  	_ =	strace s2  }
0x97: {  	_ =	strace $0x8FFFFFFF  }
0x98: {  	s18 =	sld [smem:$0x3FDB];
	_ =	sdelay $0x1  }
0x99: {  	s19 =	simm.s32 $_scs_section_size  }
0x9a: {  	s4 =	simm.s32 $_size__tile_overlayer_lowered;
	s5 =	simm.s32 $_tile_overlayer_lowered  }
0x9b: {  	s22 =	simm.s32 $0x1BFF;
	s21 =	sshll.u32 s5, $0x1;
	s2 =	sadd.s32 s19, s18  }
0x9c: {  	s6 =	simm.s32 $0x0;
	s20 =	sshll.u32 s4, $0x1;
	s4 =	sadd.s32 s21, s2  }
0x9d: {  	[timem:s6], [sflag:s22] =	dma.local [hbm:s4], s20  }
0x9e: {  	_ =	swait.ge [sflag:s22], s20  }
0x9f: {  	s3 =	ssub.s32 $0x0, s20;
	[sflag:s22] =	ssyncset.done $0x0  }
0xa0: {  	[sflag:s22] =	ssyncadd.s32 s3;
	_ =	sdelay $0x1  }
0xa1: {  	s23 =	simm.s32 $0x1B8B  }
0xa2: {  	_ =	swait.ge [sflag:s23], $0x1  }
0xa3: {  	[sflag:s23] =	ssyncset.done $0x0  }
0xa4: {  	s25 =	simm.s32 $0x1B8E;
	s24 =	sld [smem:$0x3FFE];
	[sflag:s23] =	ssyncadd.s32 $0xFFFFFFFF  }
0xa5: {  	s26 =	simm.s32 $execute0_lowered;
	[smem:$0x3FD2] =	sst s25  }
0xa6: {  	s4 =	sshll.u32 s26, $0x1;
	_ =	strace $0x80000049;
	[dreg:$0x1] =	wrdreg $0xFFFFFFFF  }
0xa7: {  	s28 =	simm.s32 $_size_execute0_lowered;
	s2 =	sadd.s32 s2, s4;
	[dreg:$0x0] =	wrdreg $0x0  }
0xa8: {  	s4 =	sshll.u32 s28, $0x1;
	[dreg:$0x2] =	wrdreg s2  }
0xa9: {  	[dreg:$0x3] =	wrdreg s4  }
0xaa: {  	[dreg:$0x4] =	wrdreg $0xC0  }
0xab: {  	_ =	task [dreg:s6], $0x5FFFF  }
0xac: {  	[dreg:$0x1] =	wrdreg $0xFFFFFFFF  }
0xad: {  	[dreg:$0x0] =	wrdreg $0x60  }
0xae: {  	[dreg:$0x2] =	wrdreg s24  }
0xaf: {  	[dreg:$0x3] =	wrdreg $0xCC800  }
0xb0: {  	[dreg:$0x4] =	wrdreg $0x9  }
0xb1: {  	_ =	task.clear_ibuf [dreg:s6], $0x5FFFF;
	_ =	strace $0x90000049  }
0xb2: {  	s29 =	simm.s32 $0x9;
	_ =	strace $0x8000004B  }
0xb3: {  	_ =	swait.ge [sflag:s29], $0x1  }
0xb4: {  	[sflag:s29] =	ssyncadd.s32 $0xFFFFFFFF  }
0xb5: {  	_ =	strace $0x9000004B  }
0xb6: {  	_ =	sfence  }
0xb7: {  	s30 =	sld [smem:$0x0];
	_ =	sdelay $0x2  }
0xb8: {  	s31 =	sshll.u32 s1, $0xD;
	s1 =	sshrl.u32 s1, $0x2  }
0xb9: {  	s3 =	sand.u32 $0x4000, s31;
	s1 =	sadd.s32 s1, s30  }
0xba: {  	s0 =	sor.u32 s3, s0;
	s1 =	sshll.u32 s1, $0x11  }
0xbb: {  	s0 =	sor.u32 s1, s0  }
0xbc: {  	s0 =	sadd.s32 $0x8F2B, s0  }
0xbd: {  	[sflag:s0] =	ssyncadd.remote.s32 $0x1  }
0xbe: {  	_ =	sfence.sel $0xFFFF  }
0xbf: {  	[dreg:$0x0] =	wrdreg $0xFFFFFFFF;
	(pc) =	sbr.abs _section_cstart, $3  }
0xc0: {  	[dreg:$0x1] =	wrdreg $0xFFFFFFFF  }
0xc1: {  	_ =	task.clear_ibuf [dreg:s6], $0x2FFFF;
	_ =	strace $0x9FFFFFFF  }
0xc2: {  	(tm) =	ssettm $0x7FFFFFFF  }
0xc3: {  	_ =	shalt  }
tec
execute0_lowered:
.L_overlay_start_1:
0x0: {  	(tag) =	ssettag $0x1  }
0x1: {  	s0 =	rddreg [dreg:$0x0]  }
0x2: {  	s1 =	rddreg [dreg:$0x1];
	s2 =	simm.s32 $0x0;
	s3 =	srdreg.scid  }
0x3: {  	s15 =	stileid.u32;
	s28 =	simm.s32 $0x80;
	s29 =	simm.s32 $0x100  }
0x4: {  	s30 =	simm.s32 $0x1;
	s31 =	simm.s32 $0x0;
	[smem:$0x7FF] =	sst s2  }
0x5: {  	s3 =	sand.u32 $0x1, s3;
	s4 =	sadd.s32 $0x345A00, s0;
	s5 =	sadd.s32 $0x18F000, s0  }
0x6: {  	s6 =	sadd.s32 $0x176800, s0;
	s12 =	smul.u32 $0xC380, s15;
	s7 =	sadd.s32 $0x15E000, s0  }
0x7: {  	s11 =	sshll.u32 s15, $0x7;
	s8 =	sadd.s32 $0x145800, s0;
	s10 =	smul.u32 $0x61A80, s3  }
0x8: {  	s9 =	sadd.s32 $0x12D000, s0;
	s23 =	ssub.s32 $0xC44, s15;
	s13 =	smul.u32 $0xC3800, s3  }
0x9: {  	_ =	strace $0x8000004A;
	s3 =	ssub.s32 $0x2, s3;
	s19 =	sshrl.u32 s23, $0x4  }
0xa: {  	s24 =	sshrl.u32 s3, $0x1;
	s11 =	sadd.s32 s11, s10;
	s13 =	sadd.s32 s12, s13  }
0xb: {  	s10 =	sadd.s32 $0x114800, s0;
	s14 =	sshrl.u32 s11, $0x3;
	s13 =	sshrl.u32 s13, $0x3  }
0xc: {  	s11 =	sadd.s32 $0xFC000, s0;
	s14 =	sadd.s32 s14, s0;
	s0 =	sadd.s32 s13, s0  }
0xd: {  	s3 =	ssub.s32 s3, s24;
	s16 =	sadd.s32 $0x948A00, s0;
	s25 =	sadd.s32 $0x917C00, s0  }
0xe: {  	s22 =	smax.u32 s3, $0x1;
	s26 =	sadd.s32 $0x8E6E00, s0;
	s15 =	sadd.s32 $0x421A00, s0  }
0xf: {  	s17 =	sadd.s32 $0x3F0C00, s0;
	s18 =	sadd.s32 $0x3BFE00, s0;
	[dreg:$0x3] =	wrdreg s16  }
0x10: {  	s20 =	sadd.s32 $0x38F000, s0;
	s21 =	sadd.s32 $0x35E200, s0;
	[dreg:$0x4] =	wrdreg s25  }
0x11: {  	s13 =	sadd.s32 $0x7200, s14;
	s14 =	sadd.s32 $0x1FA00, s14;
	[dreg:$0x5] =	wrdreg s26  }
0x12: {  	v0 =	vimm.f32 $0.0e+00;
	s16 =	sadd.s32 s12, s1;
	s25 =	simm.s32 $0x900;
	s26 =	simm.s32 $0x2  }
.LBB2_1:
0x13: {  	s0 =	simm.s32 $0x40;
	s3 =	simm.s32 $0x0  }
.LBB2_2:
0x14: {  	p0 =	sne.s32 s0, $0x30DC0;
	[tilespmem:s3+$0x900] =	vst v0;
	s3 =	smov.u32 s0;
	s0 =	sadd.s32 $0x40, s0  }
.Ltmp0:
0x15: {  	(pc) =	sbr.rel @p0 .LBB2_2-.Ltmp0, $2  }
0x16: {  	_ =	sdelay $0x2  }
0x17: {  	s3 =	sshra.s32 s3, $0x2  }
0x18: {  	[tilespmem:s3+$0x900] =	vst v0  }
0x19: {  	[spmem:s16] =	stream.linear.scatter [tilespmem:s25], [sflag:$0x2], $0xC380, $0x38;
	[tilespmem:$0x19000] =	vst v63  }
0x1a: {  	_ =	swait.ge [sflag:s26], $0xC380  }
0x1b: {  	[sflag:s26] =	ssyncset.done $0x0  }
0x1c: {  	[sflag:s26] =	ssyncadd.s32 $0xFFFF3C80  }
0x1d: {  	[bflag:$0x0] =	sbarrier.arrive $0xFFFF  }
0x1e: {  	[tilespmem:s2], [sflag:$0x2] =	stream.linear.gather [hbm4b:s14+s2], $0x80, $0x38;
	[tilespmem:$0x19000] =	vst v63  }
0x1f: {  	_ =	swait.ge [sflag:s26], $0x80  }
0x20: {  	[sflag:s26] =	ssyncset.done $0x0  }
0x21: {  	[sflag:s26] =	ssyncadd.s32 $0xFFFFFF80  }
0x22: {  	[tilespmem:s28], [sflag:$0x2] =	stream.linear.gather [hbm4b:s13+s2], $0x80, $0x38;
	[tilespmem:$0x19000] =	vst v63  }
0x23: {  	_ =	swait.ge [sflag:s26], $0x80  }
0x24: {  	[sflag:s26] =	ssyncset.done $0x0  }
0x25: {  	[sflag:s26] =	ssyncadd.s32 $0xFFFFFF80  }
0x26: {  	[tilespmem:s29], [sflag:$0x1] =	stream.indirect.gather [hbm4b:s4+s28], $0x10, s2, s28, $0xb8;
	[tilespmem:$0x19000] =	vst v63  }
0x27: {  	p0 =	sne.s32 s19, $0x1;
	_ =	swait.ge [sflag:s30], $0x800  }
.Ltmp1:
0x28: {  	[sflag:s30] =	ssyncset.done $0x0;
	(pc) =	sbr.rel @!p0 .LBB2_5-.Ltmp1, $4  }
0x29: {  	[sflag:s30] =	ssyncadd.s32 $0xFFFFF800  }
0x2a: {  	[spmem:s1] =	stream.indirect.scatter.add.f32 [tilespmem:s29], [sflag:$0x2], $0x10, s28, s28, $0xb8;
	[tilespmem:$0x19000] =	vst v63  }
0x2b: {  	s0 =	sadd.s32 $0xFFFFFFFF, s19;
	_ =	swait.ge [sflag:s26], $0x800  }
0x2c: {  	s3 =	smov.u32 s13;
	s12 =	smov.u32 s14;
	[sflag:s26] =	ssyncset.done $0x0  }
.LBB2_4:
0x2d: {  	[sflag:s26] =	ssyncadd.s32 $0xFFFFF800;
	s3 =	sadd.s32 $0x100, s3;
	s12 =	sadd.s32 $0x100, s12  }
0x2e: {  	[tilespmem:s2], [sflag:$0x2] =	stream.linear.gather [hbm4b:s12+s2], $0x80, $0x38;
	[tilespmem:$0x19000] =	vst v63  }
0x2f: {  	p1 =	sne.s32 s0, $0x1;
	s0 =	sadd.s32 $0xFFFFFFFF, s0;
	_ =	swait.ge [sflag:s26], $0x80  }
0x30: {  	[sflag:s26] =	ssyncset.done $0x0  }
0x31: {  	[sflag:s26] =	ssyncadd.s32 $0xFFFFFF80  }
0x32: {  	[tilespmem:s28], [sflag:$0x2] =	stream.linear.gather [hbm4b:s3+s2], $0x80, $0x38;
	[tilespmem:$0x19000] =	vst v63  }
0x33: {  	_ =	swait.ge [sflag:s26], $0x80  }
0x34: {  	[sflag:s26] =	ssyncset.done $0x0  }
0x35: {  	[sflag:s26] =	ssyncadd.s32 $0xFFFFFF80  }
0x36: {  	[tilespmem:s29], [sflag:$0x1] =	stream.indirect.gather [hbm4b:s4+s28], $0x10, s2, s28, $0xb8;
	[tilespmem:$0x19000] =	vst v63  }
0x37: {  	_ =	swait.ge [sflag:s30], $0x800  }
.Ltmp2:
0x38: {  	[sflag:s30] =	ssyncset.done $0x0;
	(pc) =	sbr.rel @p1 .LBB2_4-.Ltmp2, $4  }
0x39: {  	[sflag:s30] =	ssyncadd.s32 $0xFFFFF800  }
0x3a: {  	[spmem:s1] =	stream.indirect.scatter.add.f32 [tilespmem:s29], [sflag:$0x2], $0x10, s28, s28, $0xb8;
	[tilespmem:$0x19000] =	vst v63  }
0x3b: {  	_ =	swait.ge [sflag:s26], $0x800  }
0x3c: {  	[sflag:s26] =	ssyncset.done $0x0  }
.LBB2_5:
0x3d: {  	[sflag:s26] =	ssyncadd.s32 $0xFFFFF800;
	s0 =	stileid.u32  }
0x3e: {  	s0 =	sshll.u32 s0, $0x6;
	[bflag:$0x0] =	sbarrier.arrive $0xFFFF  }
0x3f: {  	s3 =	sshrl.u32 s16, $0x3;
	s0 =	sor.u32 $0x1C02, s0;
	s12 =	rddreg [dreg:$0x3]  }
0x40: {  	[hbm:s12], [sflag:s0] =	dma.local [spmem:s3], $0x1870  }
0x41: {  	_ =	swait.ge [sflag:s26], $0x1870  }
0x42: {  	[sflag:s26] =	ssyncset.done $0x0  }
0x43: {  	[sflag:s26] =	ssyncadd.s32 $0xFFFFE790  }
0x44: {  	[bflag:$0x0] =	sbarrier.arrive $0xFFFF  }
0x45: {  	[spmem:s16] =	stream.linear.scatter [tilespmem:s25], [sflag:$0x2], $0xC380, $0x38;
	[tilespmem:$0x19000] =	vst v63  }
0x46: {  	_ =	swait.ge [sflag:s26], $0xC380  }
0x47: {  	[sflag:s26] =	ssyncset.done $0x0  }
0x48: {  	[sflag:s26] =	ssyncadd.s32 $0xFFFF3C80  }
0x49: {  	[bflag:$0x0] =	sbarrier.arrive $0xFFFF  }
0x4a: {  	[tilespmem:s2], [sflag:$0x2] =	stream.linear.gather [hbm4b:s14+s2], $0x80, $0x38;
	[tilespmem:$0x19000] =	vst v63  }
0x4b: {  	_ =	swait.ge [sflag:s26], $0x80  }
0x4c: {  	[sflag:s26] =	ssyncset.done $0x0  }
0x4d: {  	[sflag:s26] =	ssyncadd.s32 $0xFFFFFF80  }
0x4e: {  	[tilespmem:s28], [sflag:$0x2] =	stream.linear.gather [hbm4b:s13+s2], $0x80, $0x38;
	[tilespmem:$0x19000] =	vst v63  }
0x4f: {  	_ =	swait.ge [sflag:s26], $0x80  }
0x50: {  	[sflag:s26] =	ssyncset.done $0x0  }
0x51: {  	[sflag:s26] =	ssyncadd.s32 $0xFFFFFF80  }
0x52: {  	[tilespmem:s29], [sflag:$0x1] =	stream.indirect.gather [hbm4b:s5+s28], $0x10, s2, s28, $0xb8;
	[tilespmem:$0x19000] =	vst v63  }
0x53: {  	_ =	swait.ge [sflag:s30], $0x800  }
.Ltmp3:
0x54: {  	[sflag:s30] =	ssyncset.done $0x0;
	(pc) =	sbr.rel @!p0 .LBB2_7-.Ltmp3, $4  }
0x55: {  	[sflag:s30] =	ssyncadd.s32 $0xFFFFF800  }
0x56: {  	[spmem:s1] =	stream.indirect.scatter.add.f32 [tilespmem:s29], [sflag:$0x2], $0x10, s28, s28, $0xb8;
	[tilespmem:$0x19000] =	vst v63  }
0x57: {  	s23 =	smov.u32 s13;
	_ =	swait.ge [sflag:s26], $0x800  }
0x58: {  	s24 =	smov.u32 s14;
	s12 =	sadd.s32 $0xFFFFFFFF, s19;
	[sflag:s26] =	ssyncset.done $0x0  }
.LBB2_6:
0x59: {  	[sflag:s26] =	ssyncadd.s32 $0xFFFFF800;
	s23 =	sadd.s32 $0x100, s23;
	s24 =	sadd.s32 $0x100, s24  }
0x5a: {  	[tilespmem:s2], [sflag:$0x2] =	stream.linear.gather [hbm4b:s24+s2], $0x80, $0x38;
	[tilespmem:$0x19000] =	vst v63  }
0x5b: {  	p1 =	sne.s32 s12, $0x1;
	s12 =	sadd.s32 $0xFFFFFFFF, s12;
	_ =	swait.ge [sflag:s26], $0x80  }
0x5c: {  	[sflag:s26] =	ssyncset.done $0x0  }
0x5d: {  	[sflag:s26] =	ssyncadd.s32 $0xFFFFFF80  }
0x5e: {  	[tilespmem:s28], [sflag:$0x2] =	stream.linear.gather [hbm4b:s23+s2], $0x80, $0x38;
	[tilespmem:$0x19000] =	vst v63  }
0x5f: {  	_ =	swait.ge [sflag:s26], $0x80  }
0x60: {  	[sflag:s26] =	ssyncset.done $0x0  }
0x61: {  	[sflag:s26] =	ssyncadd.s32 $0xFFFFFF80  }
0x62: {  	[tilespmem:s29], [sflag:$0x1] =	stream.indirect.gather [hbm4b:s5+s28], $0x10, s2, s28, $0xb8;
	[tilespmem:$0x19000] =	vst v63  }
0x63: {  	_ =	swait.ge [sflag:s30], $0x800  }
.Ltmp4:
0x64: {  	[sflag:s30] =	ssyncset.done $0x0;
	(pc) =	sbr.rel @p1 .LBB2_6-.Ltmp4, $4  }
0x65: {  	[sflag:s30] =	ssyncadd.s32 $0xFFFFF800  }
0x66: {  	[spmem:s1] =	stream.indirect.scatter.add.f32 [tilespmem:s29], [sflag:$0x2], $0x10, s28, s28, $0xb8;
	[tilespmem:$0x19000] =	vst v63  }
0x67: {  	_ =	swait.ge [sflag:s26], $0x800  }
0x68: {  	[sflag:s26] =	ssyncset.done $0x0  }
.LBB2_7:
0x69: {  	[sflag:s26] =	ssyncadd.s32 $0xFFFFF800  }
0x6a: {  	[bflag:$0x0] =	sbarrier.arrive $0xFFFF  }
0x6b: {  	s12 =	rddreg [dreg:$0x4]  }
0x6c: {  	[hbm:s12], [sflag:s0] =	dma.local [spmem:s3], $0x1870  }
0x6d: {  	_ =	swait.ge [sflag:s26], $0x1870  }
0x6e: {  	[sflag:s26] =	ssyncset.done $0x0  }
0x6f: {  	[sflag:s26] =	ssyncadd.s32 $0xFFFFE790  }
0x70: {  	[bflag:$0x0] =	sbarrier.arrive $0xFFFF  }
0x71: {  	[spmem:s16] =	stream.linear.scatter [tilespmem:s25], [sflag:$0x2], $0xC380, $0x38;
	[tilespmem:$0x19000] =	vst v63  }
0x72: {  	_ =	swait.ge [sflag:s26], $0xC380  }
0x73: {  	[sflag:s26] =	ssyncset.done $0x0  }
0x74: {  	[sflag:s26] =	ssyncadd.s32 $0xFFFF3C80  }
0x75: {  	[bflag:$0x0] =	sbarrier.arrive $0xFFFF  }
0x76: {  	[tilespmem:s2], [sflag:$0x2] =	stream.linear.gather [hbm4b:s14+s2], $0x80, $0x38;
	[tilespmem:$0x19000] =	vst v63  }
0x77: {  	_ =	swait.ge [sflag:s26], $0x80  }
0x78: {  	[sflag:s26] =	ssyncset.done $0x0  }
0x79: {  	[sflag:s26] =	ssyncadd.s32 $0xFFFFFF80  }
0x7a: {  	[tilespmem:s28], [sflag:$0x2] =	stream.linear.gather [hbm4b:s13+s2], $0x80, $0x38;
	[tilespmem:$0x19000] =	vst v63  }
0x7b: {  	_ =	swait.ge [sflag:s26], $0x80  }
0x7c: {  	[sflag:s26] =	ssyncset.done $0x0  }
0x7d: {  	[sflag:s26] =	ssyncadd.s32 $0xFFFFFF80  }
0x7e: {  	[tilespmem:s29], [sflag:$0x1] =	stream.indirect.gather [hbm4b:s6+s28], $0x10, s2, s28, $0xb8;
	[tilespmem:$0x19000] =	vst v63  }
0x7f: {  	_ =	swait.ge [sflag:s30], $0x800  }
.Ltmp5:
0x80: {  	[sflag:s30] =	ssyncset.done $0x0;
	(pc) =	sbr.rel @!p0 .LBB2_9-.Ltmp5, $4  }
0x81: {  	[sflag:s30] =	ssyncadd.s32 $0xFFFFF800  }
0x82: {  	[spmem:s1] =	stream.indirect.scatter.add.f32 [tilespmem:s29], [sflag:$0x2], $0x10, s28, s28, $0xb8;
	[tilespmem:$0x19000] =	vst v63  }
0x83: {  	s23 =	smov.u32 s13;
	_ =	swait.ge [sflag:s26], $0x800  }
0x84: {  	s24 =	smov.u32 s14;
	s12 =	sadd.s32 $0xFFFFFFFF, s19;
	[sflag:s26] =	ssyncset.done $0x0  }
.LBB2_8:
0x85: {  	[sflag:s26] =	ssyncadd.s32 $0xFFFFF800;
	s23 =	sadd.s32 $0x100, s23;
	s24 =	sadd.s32 $0x100, s24  }
0x86: {  	[tilespmem:s2], [sflag:$0x2] =	stream.linear.gather [hbm4b:s24+s2], $0x80, $0x38;
	[tilespmem:$0x19000] =	vst v63  }
0x87: {  	p1 =	sne.s32 s12, $0x1;
	s12 =	sadd.s32 $0xFFFFFFFF, s12;
	_ =	swait.ge [sflag:s26], $0x80  }
0x88: {  	[sflag:s26] =	ssyncset.done $0x0  }
0x89: {  	[sflag:s26] =	ssyncadd.s32 $0xFFFFFF80  }
0x8a: {  	[tilespmem:s28], [sflag:$0x2] =	stream.linear.gather [hbm4b:s23+s2], $0x80, $0x38;
	[tilespmem:$0x19000] =	vst v63  }
0x8b: {  	_ =	swait.ge [sflag:s26], $0x80  }
0x8c: {  	[sflag:s26] =	ssyncset.done $0x0  }
0x8d: {  	[sflag:s26] =	ssyncadd.s32 $0xFFFFFF80  }
0x8e: {  	[tilespmem:s29], [sflag:$0x1] =	stream.indirect.gather [hbm4b:s6+s28], $0x10, s2, s28, $0xb8;
	[tilespmem:$0x19000] =	vst v63  }
0x8f: {  	_ =	swait.ge [sflag:s30], $0x800  }
.Ltmp6:
0x90: {  	[sflag:s30] =	ssyncset.done $0x0;
	(pc) =	sbr.rel @p1 .LBB2_8-.Ltmp6, $4  }
0x91: {  	[sflag:s30] =	ssyncadd.s32 $0xFFFFF800  }
0x92: {  	[spmem:s1] =	stream.indirect.scatter.add.f32 [tilespmem:s29], [sflag:$0x2], $0x10, s28, s28, $0xb8;
	[tilespmem:$0x19000] =	vst v63  }
0x93: {  	_ =	swait.ge [sflag:s26], $0x800  }
0x94: {  	[sflag:s26] =	ssyncset.done $0x0  }
.LBB2_9:
0x95: {  	[sflag:s26] =	ssyncadd.s32 $0xFFFFF800  }
0x96: {  	[bflag:$0x0] =	sbarrier.arrive $0xFFFF  }
0x97: {  	s12 =	rddreg [dreg:$0x5]  }
0x98: {  	[hbm:s12], [sflag:s0] =	dma.local [spmem:s3], $0x1870  }
0x99: {  	_ =	swait.ge [sflag:s26], $0x1870  }
0x9a: {  	[sflag:s26] =	ssyncset.done $0x0  }
0x9b: {  	[sflag:s26] =	ssyncadd.s32 $0xFFFFE790  }
0x9c: {  	[bflag:$0x0] =	sbarrier.arrive $0xFFFF  }
0x9d: {  	[spmem:s16] =	stream.linear.scatter [tilespmem:s25], [sflag:$0x2], $0xC380, $0x38;
	[tilespmem:$0x19000] =	vst v63  }
0x9e: {  	_ =	swait.ge [sflag:s26], $0xC380  }
0x9f: {  	[sflag:s26] =	ssyncset.done $0x0  }
0xa0: {  	[sflag:s26] =	ssyncadd.s32 $0xFFFF3C80  }
0xa1: {  	[bflag:$0x0] =	sbarrier.arrive $0xFFFF  }
0xa2: {  	[tilespmem:s2], [sflag:$0x2] =	stream.linear.gather [hbm4b:s14+s2], $0x80, $0x38;
	[tilespmem:$0x19000] =	vst v63  }
0xa3: {  	_ =	swait.ge [sflag:s26], $0x80  }
0xa4: {  	[sflag:s26] =	ssyncset.done $0x0  }
0xa5: {  	[sflag:s26] =	ssyncadd.s32 $0xFFFFFF80  }
0xa6: {  	[tilespmem:s28], [sflag:$0x2] =	stream.linear.gather [hbm4b:s13+s2], $0x80, $0x38;
	[tilespmem:$0x19000] =	vst v63  }
0xa7: {  	_ =	swait.ge [sflag:s26], $0x80  }
0xa8: {  	[sflag:s26] =	ssyncset.done $0x0  }
0xa9: {  	[sflag:s26] =	ssyncadd.s32 $0xFFFFFF80  }
0xaa: {  	[tilespmem:s29], [sflag:$0x1] =	stream.indirect.gather [hbm4b:s7+s28], $0x10, s2, s28, $0xb8;
	[tilespmem:$0x19000] =	vst v63  }
0xab: {  	_ =	swait.ge [sflag:s30], $0x800  }
.Ltmp7:
0xac: {  	[sflag:s30] =	ssyncset.done $0x0;
	(pc) =	sbr.rel @!p0 .LBB2_11-.Ltmp7, $4  }
0xad: {  	[sflag:s30] =	ssyncadd.s32 $0xFFFFF800  }
0xae: {  	[spmem:s1] =	stream.indirect.scatter.add.f32 [tilespmem:s29], [sflag:$0x2], $0x10, s28, s28, $0xb8;
	[tilespmem:$0x19000] =	vst v63  }
0xaf: {  	s23 =	smov.u32 s13;
	_ =	swait.ge [sflag:s26], $0x800  }
0xb0: {  	s24 =	smov.u32 s14;
	s12 =	sadd.s32 $0xFFFFFFFF, s19;
	[sflag:s26] =	ssyncset.done $0x0  }
.LBB2_10:
0xb1: {  	[sflag:s26] =	ssyncadd.s32 $0xFFFFF800;
	s23 =	sadd.s32 $0x100, s23;
	s24 =	sadd.s32 $0x100, s24  }
0xb2: {  	[tilespmem:s2], [sflag:$0x2] =	stream.linear.gather [hbm4b:s24+s2], $0x80, $0x38;
	[tilespmem:$0x19000] =	vst v63  }
0xb3: {  	p1 =	sne.s32 s12, $0x1;
	s12 =	sadd.s32 $0xFFFFFFFF, s12;
	_ =	swait.ge [sflag:s26], $0x80  }
0xb4: {  	[sflag:s26] =	ssyncset.done $0x0  }
0xb5: {  	[sflag:s26] =	ssyncadd.s32 $0xFFFFFF80  }
0xb6: {  	[tilespmem:s28], [sflag:$0x2] =	stream.linear.gather [hbm4b:s23+s2], $0x80, $0x38;
	[tilespmem:$0x19000] =	vst v63  }
0xb7: {  	_ =	swait.ge [sflag:s26], $0x80  }
0xb8: {  	[sflag:s26] =	ssyncset.done $0x0  }
0xb9: {  	[sflag:s26] =	ssyncadd.s32 $0xFFFFFF80  }
0xba: {  	[tilespmem:s29], [sflag:$0x1] =	stream.indirect.gather [hbm4b:s7+s28], $0x10, s2, s28, $0xb8;
	[tilespmem:$0x19000] =	vst v63  }
0xbb: {  	_ =	swait.ge [sflag:s30], $0x800  }
.Ltmp8:
0xbc: {  	[sflag:s30] =	ssyncset.done $0x0;
	(pc) =	sbr.rel @p1 .LBB2_10-.Ltmp8, $4  }
0xbd: {  	[sflag:s30] =	ssyncadd.s32 $0xFFFFF800  }
0xbe: {  	[spmem:s1] =	stream.indirect.scatter.add.f32 [tilespmem:s29], [sflag:$0x2], $0x10, s28, s28, $0xb8;
	[tilespmem:$0x19000] =	vst v63  }
0xbf: {  	_ =	swait.ge [sflag:s26], $0x800  }
0xc0: {  	[sflag:s26] =	ssyncset.done $0x0  }
.LBB2_11:
0xc1: {  	[sflag:s26] =	ssyncadd.s32 $0xFFFFF800  }
0xc2: {  	[bflag:$0x0] =	sbarrier.arrive $0xFFFF  }
0xc3: {  	[hbm:s15], [sflag:s0] =	dma.local [spmem:s3], $0x1870  }
0xc4: {  	_ =	swait.ge [sflag:s26], $0x1870  }
0xc5: {  	[sflag:s26] =	ssyncset.done $0x0  }
0xc6: {  	[sflag:s26] =	ssyncadd.s32 $0xFFFFE790  }
0xc7: {  	[bflag:$0x0] =	sbarrier.arrive $0xFFFF  }
0xc8: {  	[spmem:s16] =	stream.linear.scatter [tilespmem:s25], [sflag:$0x2], $0xC380, $0x38;
	[tilespmem:$0x19000] =	vst v63  }
0xc9: {  	_ =	swait.ge [sflag:s26], $0xC380  }
0xca: {  	[sflag:s26] =	ssyncset.done $0x0  }
0xcb: {  	[sflag:s26] =	ssyncadd.s32 $0xFFFF3C80  }
0xcc: {  	[bflag:$0x0] =	sbarrier.arrive $0xFFFF  }
0xcd: {  	[tilespmem:s2], [sflag:$0x2] =	stream.linear.gather [hbm4b:s14+s2], $0x80, $0x38;
	[tilespmem:$0x19000] =	vst v63  }
0xce: {  	_ =	swait.ge [sflag:s26], $0x80  }
0xcf: {  	[sflag:s26] =	ssyncset.done $0x0  }
0xd0: {  	[sflag:s26] =	ssyncadd.s32 $0xFFFFFF80  }
0xd1: {  	[tilespmem:s28], [sflag:$0x2] =	stream.linear.gather [hbm4b:s13+s2], $0x80, $0x38;
	[tilespmem:$0x19000] =	vst v63  }
0xd2: {  	_ =	swait.ge [sflag:s26], $0x80  }
0xd3: {  	[sflag:s26] =	ssyncset.done $0x0  }
0xd4: {  	[sflag:s26] =	ssyncadd.s32 $0xFFFFFF80  }
0xd5: {  	[tilespmem:s29], [sflag:$0x1] =	stream.indirect.gather [hbm4b:s8+s28], $0x10, s2, s28, $0xb8;
	[tilespmem:$0x19000] =	vst v63  }
0xd6: {  	_ =	swait.ge [sflag:s30], $0x800  }
.Ltmp9:
0xd7: {  	[sflag:s30] =	ssyncset.done $0x0;
	(pc) =	sbr.rel @!p0 .LBB2_13-.Ltmp9, $4  }
0xd8: {  	[sflag:s30] =	ssyncadd.s32 $0xFFFFF800  }
0xd9: {  	[spmem:s1] =	stream.indirect.scatter.add.f32 [tilespmem:s29], [sflag:$0x2], $0x10, s28, s28, $0xb8;
	[tilespmem:$0x19000] =	vst v63  }
0xda: {  	s12 =	sadd.s32 $0xFFFFFFFF, s19;
	_ =	swait.ge [sflag:s26], $0x800  }
0xdb: {  	s23 =	smov.u32 s13;
	s24 =	smov.u32 s14;
	[sflag:s26] =	ssyncset.done $0x0  }
.LBB2_12:
0xdc: {  	[sflag:s26] =	ssyncadd.s32 $0xFFFFF800;
	s23 =	sadd.s32 $0x100, s23;
	s24 =	sadd.s32 $0x100, s24  }
0xdd: {  	[tilespmem:s2], [sflag:$0x2] =	stream.linear.gather [hbm4b:s24+s2], $0x80, $0x38;
	[tilespmem:$0x19000] =	vst v63  }
0xde: {  	p1 =	sne.s32 s12, $0x1;
	s12 =	sadd.s32 $0xFFFFFFFF, s12;
	_ =	swait.ge [sflag:s26], $0x80  }
0xdf: {  	[sflag:s26] =	ssyncset.done $0x0  }
0xe0: {  	[sflag:s26] =	ssyncadd.s32 $0xFFFFFF80  }
0xe1: {  	[tilespmem:s28], [sflag:$0x2] =	stream.linear.gather [hbm4b:s23+s2], $0x80, $0x38;
	[tilespmem:$0x19000] =	vst v63  }
0xe2: {  	_ =	swait.ge [sflag:s26], $0x80  }
0xe3: {  	[sflag:s26] =	ssyncset.done $0x0  }
0xe4: {  	[sflag:s26] =	ssyncadd.s32 $0xFFFFFF80  }
0xe5: {  	[tilespmem:s29], [sflag:$0x1] =	stream.indirect.gather [hbm4b:s8+s28], $0x10, s2, s28, $0xb8;
	[tilespmem:$0x19000] =	vst v63  }
0xe6: {  	_ =	swait.ge [sflag:s30], $0x800  }
.Ltmp10:
0xe7: {  	[sflag:s30] =	ssyncset.done $0x0;
	(pc) =	sbr.rel @p1 .LBB2_12-.Ltmp10, $4  }
0xe8: {  	[sflag:s30] =	ssyncadd.s32 $0xFFFFF800  }
0xe9: {  	[spmem:s1] =	stream.indirect.scatter.add.f32 [tilespmem:s29], [sflag:$0x2], $0x10, s28, s28, $0xb8;
	[tilespmem:$0x19000] =	vst v63  }
0xea: {  	_ =	swait.ge [sflag:s26], $0x800  }
0xeb: {  	[sflag:s26] =	ssyncset.done $0x0  }
.LBB2_13:
0xec: {  	[sflag:s26] =	ssyncadd.s32 $0xFFFFF800  }
0xed: {  	[bflag:$0x0] =	sbarrier.arrive $0xFFFF  }
0xee: {  	[hbm:s17], [sflag:s0] =	dma.local [spmem:s3], $0x1870  }
0xef: {  	_ =	swait.ge [sflag:s26], $0x1870  }
0xf0: {  	[sflag:s26] =	ssyncset.done $0x0  }
0xf1: {  	[sflag:s26] =	ssyncadd.s32 $0xFFFFE790  }
0xf2: {  	[bflag:$0x0] =	sbarrier.arrive $0xFFFF  }
0xf3: {  	[spmem:s16] =	stream.linear.scatter [tilespmem:s25], [sflag:$0x2], $0xC380, $0x38;
	[tilespmem:$0x19000] =	vst v63  }
0xf4: {  	_ =	swait.ge [sflag:s26], $0xC380  }
0xf5: {  	[sflag:s26] =	ssyncset.done $0x0  }
0xf6: {  	[sflag:s26] =	ssyncadd.s32 $0xFFFF3C80  }
0xf7: {  	[bflag:$0x0] =	sbarrier.arrive $0xFFFF  }
0xf8: {  	[tilespmem:s2], [sflag:$0x2] =	stream.linear.gather [hbm4b:s14+s2], $0x80, $0x38;
	[tilespmem:$0x19000] =	vst v63  }
0xf9: {  	_ =	swait.ge [sflag:s26], $0x80  }
0xfa: {  	[sflag:s26] =	ssyncset.done $0x0  }
0xfb: {  	[sflag:s26] =	ssyncadd.s32 $0xFFFFFF80  }
0xfc: {  	[tilespmem:s28], [sflag:$0x2] =	stream.linear.gather [hbm4b:s13+s2], $0x80, $0x38;
	[tilespmem:$0x19000] =	vst v63  }
0xfd: {  	_ =	swait.ge [sflag:s26], $0x80  }
0xfe: {  	[sflag:s26] =	ssyncset.done $0x0  }
0xff: {  	[sflag:s26] =	ssyncadd.s32 $0xFFFFFF80  }
0x100: {  	[tilespmem:s29], [sflag:$0x1] =	stream.indirect.gather [hbm4b:s9+s28], $0x10, s2, s28, $0xb8;
	[tilespmem:$0x19000] =	vst v63  }
0x101: {  	_ =	swait.ge [sflag:s30], $0x800  }
.Ltmp11:
0x102: {  	[sflag:s30] =	ssyncset.done $0x0;
	(pc) =	sbr.rel @!p0 .LBB2_15-.Ltmp11, $4  }
0x103: {  	[sflag:s30] =	ssyncadd.s32 $0xFFFFF800  }
0x104: {  	[spmem:s1] =	stream.indirect.scatter.add.f32 [tilespmem:s29], [sflag:$0x2], $0x10, s28, s28, $0xb8;
	[tilespmem:$0x19000] =	vst v63  }
0x105: {  	s12 =	sadd.s32 $0xFFFFFFFF, s19;
	_ =	swait.ge [sflag:s26], $0x800  }
0x106: {  	s23 =	smov.u32 s13;
	s24 =	smov.u32 s14;
	[sflag:s26] =	ssyncset.done $0x0  }
.LBB2_14:
0x107: {  	[sflag:s26] =	ssyncadd.s32 $0xFFFFF800;
	s23 =	sadd.s32 $0x100, s23;
	s24 =	sadd.s32 $0x100, s24  }
0x108: {  	[tilespmem:s2], [sflag:$0x2] =	stream.linear.gather [hbm4b:s24+s2], $0x80, $0x38;
	[tilespmem:$0x19000] =	vst v63  }
0x109: {  	p1 =	sne.s32 s12, $0x1;
	s12 =	sadd.s32 $0xFFFFFFFF, s12;
	_ =	swait.ge [sflag:s26], $0x80  }
0x10a: {  	[sflag:s26] =	ssyncset.done $0x0  }
0x10b: {  	[sflag:s26] =	ssyncadd.s32 $0xFFFFFF80  }
0x10c: {  	[tilespmem:s28], [sflag:$0x2] =	stream.linear.gather [hbm4b:s23+s2], $0x80, $0x38;
	[tilespmem:$0x19000] =	vst v63  }
0x10d: {  	_ =	swait.ge [sflag:s26], $0x80  }
0x10e: {  	[sflag:s26] =	ssyncset.done $0x0  }
0x10f: {  	[sflag:s26] =	ssyncadd.s32 $0xFFFFFF80  }
0x110: {  	[tilespmem:s29], [sflag:$0x1] =	stream.indirect.gather [hbm4b:s9+s28], $0x10, s2, s28, $0xb8;
	[tilespmem:$0x19000] =	vst v63  }
0x111: {  	_ =	swait.ge [sflag:s30], $0x800  }
.Ltmp12:
0x112: {  	[sflag:s30] =	ssyncset.done $0x0;
	(pc) =	sbr.rel @p1 .LBB2_14-.Ltmp12, $4  }
0x113: {  	[sflag:s30] =	ssyncadd.s32 $0xFFFFF800  }
0x114: {  	[spmem:s1] =	stream.indirect.scatter.add.f32 [tilespmem:s29], [sflag:$0x2], $0x10, s28, s28, $0xb8;
	[tilespmem:$0x19000] =	vst v63  }
0x115: {  	_ =	swait.ge [sflag:s26], $0x800  }
0x116: {  	[sflag:s26] =	ssyncset.done $0x0  }
.LBB2_15:
0x117: {  	[sflag:s26] =	ssyncadd.s32 $0xFFFFF800  }
0x118: {  	[bflag:$0x0] =	sbarrier.arrive $0xFFFF  }
0x119: {  	[hbm:s18], [sflag:s0] =	dma.local [spmem:s3], $0x1870  }
0x11a: {  	_ =	swait.ge [sflag:s26], $0x1870  }
0x11b: {  	[sflag:s26] =	ssyncset.done $0x0  }
0x11c: {  	[sflag:s26] =	ssyncadd.s32 $0xFFFFE790  }
0x11d: {  	[bflag:$0x0] =	sbarrier.arrive $0xFFFF  }
0x11e: {  	[spmem:s16] =	stream.linear.scatter [tilespmem:s25], [sflag:$0x2], $0xC380, $0x38;
	[tilespmem:$0x19000] =	vst v63  }
0x11f: {  	_ =	swait.ge [sflag:s26], $0xC380  }
0x120: {  	[sflag:s26] =	ssyncset.done $0x0  }
0x121: {  	[sflag:s26] =	ssyncadd.s32 $0xFFFF3C80  }
0x122: {  	[bflag:$0x0] =	sbarrier.arrive $0xFFFF  }
0x123: {  	[tilespmem:s2], [sflag:$0x2] =	stream.linear.gather [hbm4b:s14+s2], $0x80, $0x38;
	[tilespmem:$0x19000] =	vst v63  }
0x124: {  	_ =	swait.ge [sflag:s26], $0x80  }
0x125: {  	[sflag:s26] =	ssyncset.done $0x0  }
0x126: {  	[sflag:s26] =	ssyncadd.s32 $0xFFFFFF80  }
0x127: {  	[tilespmem:s28], [sflag:$0x2] =	stream.linear.gather [hbm4b:s13+s2], $0x80, $0x38;
	[tilespmem:$0x19000] =	vst v63  }
0x128: {  	_ =	swait.ge [sflag:s26], $0x80  }
0x129: {  	[sflag:s26] =	ssyncset.done $0x0  }
0x12a: {  	[sflag:s26] =	ssyncadd.s32 $0xFFFFFF80  }
0x12b: {  	[tilespmem:s29], [sflag:$0x1] =	stream.indirect.gather [hbm4b:s10+s28], $0x10, s2, s28, $0xb8;
	[tilespmem:$0x19000] =	vst v63  }
0x12c: {  	_ =	swait.ge [sflag:s30], $0x800  }
.Ltmp13:
0x12d: {  	[sflag:s30] =	ssyncset.done $0x0;
	(pc) =	sbr.rel @!p0 .LBB2_17-.Ltmp13, $4  }
0x12e: {  	[sflag:s30] =	ssyncadd.s32 $0xFFFFF800  }
0x12f: {  	[spmem:s1] =	stream.indirect.scatter.add.f32 [tilespmem:s29], [sflag:$0x2], $0x10, s28, s28, $0xb8;
	[tilespmem:$0x19000] =	vst v63  }
0x130: {  	s12 =	sadd.s32 $0xFFFFFFFF, s19;
	_ =	swait.ge [sflag:s26], $0x800  }
0x131: {  	s23 =	smov.u32 s13;
	s24 =	smov.u32 s14;
	[sflag:s26] =	ssyncset.done $0x0  }
.LBB2_16:
0x132: {  	[sflag:s26] =	ssyncadd.s32 $0xFFFFF800;
	s23 =	sadd.s32 $0x100, s23;
	s24 =	sadd.s32 $0x100, s24  }
0x133: {  	[tilespmem:s2], [sflag:$0x2] =	stream.linear.gather [hbm4b:s24+s2], $0x80, $0x38;
	[tilespmem:$0x19000] =	vst v63  }
0x134: {  	p1 =	sne.s32 s12, $0x1;
	s12 =	sadd.s32 $0xFFFFFFFF, s12;
	_ =	swait.ge [sflag:s26], $0x80  }
0x135: {  	[sflag:s26] =	ssyncset.done $0x0  }
0x136: {  	[sflag:s26] =	ssyncadd.s32 $0xFFFFFF80  }
0x137: {  	[tilespmem:s28], [sflag:$0x2] =	stream.linear.gather [hbm4b:s23+s2], $0x80, $0x38;
	[tilespmem:$0x19000] =	vst v63  }
0x138: {  	_ =	swait.ge [sflag:s26], $0x80  }
0x139: {  	[sflag:s26] =	ssyncset.done $0x0  }
0x13a: {  	[sflag:s26] =	ssyncadd.s32 $0xFFFFFF80  }
0x13b: {  	[tilespmem:s29], [sflag:$0x1] =	stream.indirect.gather [hbm4b:s10+s28], $0x10, s2, s28, $0xb8;
	[tilespmem:$0x19000] =	vst v63  }
0x13c: {  	_ =	swait.ge [sflag:s30], $0x800  }
.Ltmp14:
0x13d: {  	[sflag:s30] =	ssyncset.done $0x0;
	(pc) =	sbr.rel @p1 .LBB2_16-.Ltmp14, $4  }
0x13e: {  	[sflag:s30] =	ssyncadd.s32 $0xFFFFF800  }
0x13f: {  	[spmem:s1] =	stream.indirect.scatter.add.f32 [tilespmem:s29], [sflag:$0x2], $0x10, s28, s28, $0xb8;
	[tilespmem:$0x19000] =	vst v63  }
0x140: {  	_ =	swait.ge [sflag:s26], $0x800  }
0x141: {  	[sflag:s26] =	ssyncset.done $0x0  }
.LBB2_17:
0x142: {  	[sflag:s26] =	ssyncadd.s32 $0xFFFFF800  }
0x143: {  	[bflag:$0x0] =	sbarrier.arrive $0xFFFF  }
0x144: {  	[hbm:s20], [sflag:s0] =	dma.local [spmem:s3], $0x1870  }
0x145: {  	_ =	swait.ge [sflag:s26], $0x1870  }
0x146: {  	[sflag:s26] =	ssyncset.done $0x0  }
0x147: {  	[sflag:s26] =	ssyncadd.s32 $0xFFFFE790  }
0x148: {  	[bflag:$0x0] =	sbarrier.arrive $0xFFFF  }
0x149: {  	[spmem:s16] =	stream.linear.scatter [tilespmem:s25], [sflag:$0x2], $0xC380, $0x38;
	[tilespmem:$0x19000] =	vst v63  }
0x14a: {  	_ =	swait.ge [sflag:s26], $0xC380  }
0x14b: {  	[sflag:s26] =	ssyncset.done $0x0  }
0x14c: {  	[sflag:s26] =	ssyncadd.s32 $0xFFFF3C80  }
0x14d: {  	[bflag:$0x0] =	sbarrier.arrive $0xFFFF  }
0x14e: {  	[tilespmem:s2], [sflag:$0x2] =	stream.linear.gather [hbm4b:s14+s2], $0x80, $0x38;
	[tilespmem:$0x19000] =	vst v63  }
0x14f: {  	_ =	swait.ge [sflag:s26], $0x80  }
0x150: {  	[sflag:s26] =	ssyncset.done $0x0  }
0x151: {  	[sflag:s26] =	ssyncadd.s32 $0xFFFFFF80  }
0x152: {  	[tilespmem:s28], [sflag:$0x2] =	stream.linear.gather [hbm4b:s13+s2], $0x80, $0x38;
	[tilespmem:$0x19000] =	vst v63  }
0x153: {  	_ =	swait.ge [sflag:s26], $0x80  }
0x154: {  	[sflag:s26] =	ssyncset.done $0x0  }
0x155: {  	[sflag:s26] =	ssyncadd.s32 $0xFFFFFF80  }
0x156: {  	[tilespmem:s29], [sflag:$0x1] =	stream.indirect.gather [hbm4b:s11+s28], $0x10, s2, s28, $0xb8;
	[tilespmem:$0x19000] =	vst v63  }
0x157: {  	_ =	swait.ge [sflag:s30], $0x800  }
.Ltmp15:
0x158: {  	[sflag:s30] =	ssyncset.done $0x0;
	(pc) =	sbr.rel @!p0 .LBB2_19-.Ltmp15, $4  }
0x159: {  	[sflag:s30] =	ssyncadd.s32 $0xFFFFF800  }
0x15a: {  	[spmem:s1] =	stream.indirect.scatter.add.f32 [tilespmem:s29], [sflag:$0x2], $0x10, s28, s28, $0xb8;
	[tilespmem:$0x19000] =	vst v63  }
0x15b: {  	s12 =	sadd.s32 $0xFFFFFFFF, s19;
	_ =	swait.ge [sflag:s26], $0x800  }
0x15c: {  	s23 =	smov.u32 s13;
	s24 =	smov.u32 s14;
	[sflag:s26] =	ssyncset.done $0x0  }
.LBB2_18:
0x15d: {  	[sflag:s26] =	ssyncadd.s32 $0xFFFFF800;
	s23 =	sadd.s32 $0x100, s23;
	s24 =	sadd.s32 $0x100, s24  }
0x15e: {  	[tilespmem:s2], [sflag:$0x2] =	stream.linear.gather [hbm4b:s24+s2], $0x80, $0x38;
	[tilespmem:$0x19000] =	vst v63  }
0x15f: {  	p0 =	sne.s32 s12, $0x1;
	s12 =	sadd.s32 $0xFFFFFFFF, s12;
	_ =	swait.ge [sflag:s26], $0x80  }
0x160: {  	[sflag:s26] =	ssyncset.done $0x0  }
0x161: {  	[sflag:s26] =	ssyncadd.s32 $0xFFFFFF80  }
0x162: {  	[tilespmem:s28], [sflag:$0x2] =	stream.linear.gather [hbm4b:s23+s2], $0x80, $0x38;
	[tilespmem:$0x19000] =	vst v63  }
0x163: {  	_ =	swait.ge [sflag:s26], $0x80  }
0x164: {  	[sflag:s26] =	ssyncset.done $0x0  }
0x165: {  	[sflag:s26] =	ssyncadd.s32 $0xFFFFFF80  }
0x166: {  	[tilespmem:s29], [sflag:$0x1] =	stream.indirect.gather [hbm4b:s11+s28], $0x10, s2, s28, $0xb8;
	[tilespmem:$0x19000] =	vst v63  }
0x167: {  	_ =	swait.ge [sflag:s30], $0x800  }
.Ltmp16:
0x168: {  	[sflag:s30] =	ssyncset.done $0x0;
	(pc) =	sbr.rel @p0 .LBB2_18-.Ltmp16, $4  }
0x169: {  	[sflag:s30] =	ssyncadd.s32 $0xFFFFF800  }
0x16a: {  	[spmem:s1] =	stream.indirect.scatter.add.f32 [tilespmem:s29], [sflag:$0x2], $0x10, s28, s28, $0xb8;
	[tilespmem:$0x19000] =	vst v63  }
0x16b: {  	_ =	swait.ge [sflag:s26], $0x800  }
0x16c: {  	[sflag:s26] =	ssyncset.done $0x0  }
.LBB2_19:
0x16d: {  	[sflag:s26] =	ssyncadd.s32 $0xFFFFF800;
	s31 =	sadd.s32 $0x1, s31  }
0x16e: {  	[bflag:$0x0] =	sbarrier.arrive $0xFFFF;
	p0 =	sne.s32 s31, s22  }
0x16f: {  	[hbm:s21], [sflag:s0] =	dma.local [spmem:s3], $0x1870  }
.Ltmp17:
0x170: {  	_ =	swait.ge [sflag:s26], $0x1870;
	(pc) =	sbr.rel @p0 .LBB2_1-.Ltmp17, $3  }
0x171: {  	[sflag:s26] =	ssyncset.done $0x0  }
0x172: {  	[sflag:s26] =	ssyncadd.s32 $0xFFFFE790  }
0x173: {  	[bflag:$0x0] =	sbarrier.arrive $0xFFFF;
	_ =	sdelay $0x1  }
0x174: {  	_ =	sfence.sel $0x180000  }
0x175: {  	[bflag:$0x0] =	sbarrier.arrive $0xFFFF  }
0x176: {  	_ =	strace $0x9000004A  }
0x177: {  	s0 =	stileid.u32;
	[bflag:$0x2] =	sbarrier.arrive $0xFFFF  }
0x178: {  	p0 =	sne.s32 s0, $0x0;
	s0 =	rddreg [dreg:$0x2]  }
0x179: {  	s0 =	sadd.s32 @!p0 $0x100000, s0  }
0x17a: {  	[sflag:s0] =	ssyncadd.tile.s32 @!p0 $0x1;
	_ =	shalt  }
.Lfunc_end2:
_tile_overlayer_lowered:
.L_overlay_start_2:
0x17b: {  	(tag) =	ssettag $0x2  }
0x17c: {  	s0 =	rddreg [dreg:$0x0];
	s2 =	stileid.u32  }
0x17d: {  	s1 =	rddreg [dreg:$0x1];
	p0 =	sne.s32 s2, $0x0  }
0x17e: {  	s3 =	rddreg [dreg:$0x2];
	[bflag:$0x3] =	sbarrier.arrive $0xFFFF;
	s2 =	simm.s32 @!p0 $0x1C02  }
0x17f: {  	[timem:s3], [sflag:s2] =	dma.local @!p0 [hbm:s0], s1  }
0x180: {  	s0 =	simm.s32 @!p0 $0x2  }
0x181: {  	_ =	swait.ge @!p0 [sflag:s0], s1  }
0x182: {  	s1 =	ssub.s32 @!p0 $0x0, s1;
	[sflag:s0] =	ssyncset.done @!p0 $0x0  }
0x183: {  	[sflag:s0] =	ssyncadd.s32 @!p0 s1  }
0x184: {  	[bflag:$0x3] =	sbarrier.arrive $0xFFFF  }
0x185: {  	_ =	shalt  }

</sc_bundles>
